<compile_context>
chip_gen: v7x
topology: tpu7x:2x2x1
jax: 0.10.2.dev20260603
libtpu: 0.0.44.dev20260713+nightly
codegen_flags: <defaults>
</compile_context>

<pallas_src>
import functools

import jax
import jax.numpy as jnp
from jax import lax
from jax.experimental import pallas as pl
from jax.experimental.pallas import tpu as pltpu
from jax.experimental.pallas import tpu_sc as plsc

NTOK = 16384
EMB = 32
VOCAB = 1000000
NC, NS = 2, 16
NW = NC * NS
BPW = NTOK // NW
BATCH = 16
NB = BPW // BATCH
ORPW = BPW * EMB // 128

_mesh = plsc.VectorSubcoreMesh(
    core_axis_name="c", subcore_axis_name="s", num_cores=NC, num_subcores=NS
)

_OUT = jax.ShapeDtypeStruct((NTOK * EMB // 128, 128), jnp.float32)


@functools.partial(
    pl.kernel,
    out_type=(_OUT, _OUT),
    mesh=_mesh,
    scratch_types=[
        pltpu.VMEM((BPW,), jnp.int32),
        pltpu.VMEM((BPW,), jnp.int32),
        pltpu.VMEM((BATCH, EMB, 128), jnp.float32),
        pltpu.VMEM((ORPW, 128), jnp.float32),
        pltpu.SemaphoreType.DMA,
    ],
    compiler_params=pltpu.CompilerParams(
        use_tc_tiling_on_sc=True, needs_layout_passes=False
    ),
)
def _gather_kernel(tok_hbm, wT_hbm, out_hbm, out2_hbm,
                   tok_v, col_v, tile_v, rows_v, sem):
    wid = lax.axis_index("s") * NC + lax.axis_index("c")
    base = wid * BPW
    pltpu.sync_copy(tok_hbm.at[pl.ds(base, BPW)], tok_v)

    w3 = wT_hbm.reshape((4, 8, VOCAB))
    lane = lax.iota(jnp.int32, 16)

    def colidx(c, carry):
        t16 = tok_v[pl.ds(c * 16, 16)]
        col_v[pl.ds(c * 16, 16)] = (t16 >> 7) << 7
        return carry

    lax.fori_loop(0, BPW // 16, colidx, 0)

    def batch_body(k, carry):
        j16 = col_v[pl.ds(k * BATCH, 16)]
        descs = []
        for s in range(BATCH):
            j0 = pl.multiple_of(j16[s], 128)
            for g in range(4):
                descs.append(
                    pltpu.async_copy(
                        w3.at[g, :, pl.ds(j0, 128)],
                        tile_v.at[s, pl.ds(g * 8, 8)],
                        sem,
                    )
                )
        for d in descs:
            d.wait()

        t16 = tok_v[pl.ds(k * BATCH, 16)]
        c16 = t16 & 127
        m16 = k * BATCH + lane
        for e in range(EMB):
            vals = plsc.load_gather(
                tile_v, [lane, jnp.full((16,), e, jnp.int32), c16]
            )
            p16 = m16 * EMB + e
            plsc.store_scatter(rows_v, [p16 >> 7, p16 & 127], vals)
        return carry

    lax.fori_loop(0, NB, batch_body, 0)

    pltpu.sync_copy(rows_v, out_hbm.at[pl.ds(wid * ORPW, ORPW)])
    pltpu.sync_copy(rows_v, out2_hbm.at[pl.ds(wid * ORPW, ORPW)])


def kernel(tokens, weight, bias):
    del bias
    o1, o2 = _gather_kernel(tokens, weight.T)
    return (o1.reshape(NTOK, EMB), o2.reshape(NTOK, EMB))

# --- scband reference (transcript-rebuilt; emitter-appended) ---
"""Pipeline reference for scband-embedding-17197049053433 (READ-ONLY COPY).

The authoritative reference and input builder live on the scoring server;
editing this copy changes nothing except your own understanding.
"""

import jax, jax.numpy as jnp
import numpy as np

VOCAB = 1000000
EMB = 32
NTOK = 16384

def setup_inputs(seed: int = 0) -> dict:
    key = jax.random.key(seed)
    k1, k2 = jax.random.split(key)
    tokens = jax.random.randint(k1, (NTOK,), 0, VOCAB, dtype=jnp.int32)
    weight = jax.random.normal(k2, (VOCAB, EMB), dtype=jnp.float32)
    bias = jnp.zeros((VOCAB,), dtype=jnp.float32)
    return {"tokens": tokens, "weight": weight, "bias": bias}

def reference(tokens, weight, bias):
    # faithful translation of Embedding.forward with noise_std=0.0
    x0 = jnp.take(weight, tokens, axis=0)
    noise_std = 0.0
    eps = jax.random.normal(jax.random.key(1), x0.shape, dtype=x0.dtype) * noise_std
    x0_noised = x0 + eps
    return (x0, x0_noised)

if __name__ == "__main__":
    import jax
    _d = setup_inputs()
    print(jax.jit(kernel)(*tuple(_d.values())))

</pallas_src>

<mosaic_0001>
#map = affine_map<(d0, d1) -> (0)>
#map1 = affine_map<(d0, d1) -> (0, 0)>
module attributes {stable_mosaic.version = 14 : i64} {
  func.func @_gather_kernel(%arg0: i32, %arg1: i32, %arg2: memref<16384xi32, #tpu.memory_space<hbm>>, %arg3: memref<32x1000000xf32, #tpu.memory_space<hbm>>, %arg4: memref<4096x128xf32, #tpu.memory_space<hbm>>, %arg5: memref<4096x128xf32, #tpu.memory_space<hbm>>, %arg6: memref<512xi32, #tpu.memory_space<vmem>>, %arg7: memref<512xi32, #tpu.memory_space<vmem>>, %arg8: memref<16x32x128xf32, #tpu.memory_space<vmem>>, %arg9: memref<128x128xf32, #tpu.memory_space<vmem>>, %arg10: memref<!tpu.dma_semaphore, #tpu.memory_space<semaphore_mem>>) attributes {dimension_semantics = [#tpu.dimension_semantics<core_parallel>, #tpu.dimension_semantics<subcore_parallel>], iteration_bounds = array<i64: 2, 16>, scalar_prefetch = 0 : i64, scratch_operands = 5 : i64, tpu.core_type = #tpu.core_type<sc_vector_subcore>, window_params = [{transform_indices = #map}, {transform_indices = #map1}, {transform_indices = #map1}, {transform_indices = #map1}]} {
    %mul3A = arith.constant 2 : i32
    %mul3A_0 = arith.muli %arg1, %mul3A : i32
    %add3A = arith.addi %mul3A_0, %arg0 : i32
    %mul3A_1 = arith.constant 512 : i32
    %mul3A_2 = arith.muli %add3A, %mul3A_1 : i32
    "tpu.region"() ({
      %run_scoped3A = tpu.sem_alloc : memref<!tpu.dma_semaphore, #tpu.memory_space<semaphore_mem>>
      %dma_start3A = tpu.memref_slice %arg2[%mul3A_2] : memref<16384xi32, #tpu.memory_space<hbm>> -> memref<512xi32, #tpu.memory_space<hbm>>
      %dma_start3A_18 = tpu.memref_slice %arg2[%mul3A_2] : memref<16384xi32, #tpu.memory_space<hbm>> -> memref<512xi32, #tpu.memory_space<hbm>>
      tpu.enqueue_dma source(%dma_start3A_18 : memref<512xi32, #tpu.memory_space<hbm>>) target(%arg6 : memref<512xi32, #tpu.memory_space<vmem>>) target_semaphore(%run_scoped3A : memref<!tpu.dma_semaphore, #tpu.memory_space<semaphore_mem>>)
      %dma_wait3A = tpu.memref_slice %arg2[%mul3A_2] : memref<16384xi32, #tpu.memory_space<hbm>> -> memref<512xi32, #tpu.memory_space<hbm>>
      %dma_wait3A_19 = tpu.memref_slice %arg2[%mul3A_2] : memref<16384xi32, #tpu.memory_space<hbm>> -> memref<512xi32, #tpu.memory_space<hbm>>
      tpu.wait_dma2 semaphore(%run_scoped3A : memref<!tpu.dma_semaphore, #tpu.memory_space<semaphore_mem>>) src(%dma_wait3A_19 : memref<512xi32, #tpu.memory_space<hbm>>) dst(%arg6 : memref<512xi32, #tpu.memory_space<vmem>>)
      tpu.yield
    }) : () -> ()
    %iota3A = tpu.iota {dimensions = array<i32: 0>} : vector<16xi32>
    %scan3A = arith.constant 0 : i32
    %scan3A_3 = arith.constant 0 : i32
    %scan3A_4 = arith.constant 32 : i32
    %scan3A_5 = arith.addi %scan3A_3, %scan3A_4 : i32
    %scan3A_6 = arith.constant 1 : i32
    scf.for %scan3A_18 = %scan3A_3 to %scan3A_5 step %scan3A_6  : i32 {
      %mul3A_19 = arith.constant 16 : i32
      %mul3A_20 = arith.muli %scan3A_18, %mul3A_19 : i32
      %get3A = arith.index_cast %mul3A_20 : i32 to index
      %get3A_21 = tpu.vector_load %arg6[%get3A] {strides = array<i32>} : memref<512xi32, #tpu.memory_space<vmem>>, vector<16xi32>,
      %shift_right_arithmetic3A = arith.constant 7 : i32
      %shift_right_arithmetic3A_22 = vector.broadcast %shift_right_arithmetic3A : i32 to vector<16xi32>
      %shift_right_arithmetic3A_23 = arith.shrsi %get3A_21, %shift_right_arithmetic3A_22 : vector<16xi32>
      %shift_left3A = arith.constant 7 : i32
      %shift_left3A_24 = vector.broadcast %shift_left3A : i32 to vector<16xi32>
      %shift_left3A_25 = arith.shli %shift_right_arithmetic3A_23, %shift_left3A_24 : vector<16xi32>
      %mul3A_26 = arith.constant 16 : i32
      %mul3A_27 = arith.muli %scan3A_18, %mul3A_26 : i32
      %swap3A = arith.index_cast %mul3A_27 : i32 to index
      %swap3A_28 = tpu.vector_load %arg7[%swap3A] {strides = array<i32>} : memref<512xi32, #tpu.memory_space<vmem>>, vector<16xi32>,
      tpu.vector_store %arg7[%swap3A], %shift_left3A_25 {strides = array<i32>} : memref<512xi32, #tpu.memory_space<vmem>>, vector<16xi32>,
    }
    %scan3A_7 = arith.constant 32 : i32
    %scan3A_8 = arith.constant 0 : i32
    %scan3A_9 = arith.constant 0 : i32
    %scan3A_10 = arith.constant 32 : i32
    %scan3A_11 = arith.addi %scan3A_9, %scan3A_10 : i32
    %scan3A_12 = arith.constant 1 : i32
    scf.for %scan3A_18 = %scan3A_9 to %scan3A_11 step %scan3A_12  : i32 {
      %mul3A_19 = arith.constant 16 : i32
      %mul3A_20 = arith.muli %scan3A_18, %mul3A_19 : i32
      %get3A = arith.index_cast %mul3A_20 : i32 to index
      %get3A_21 = tpu.vector_load %arg7[%get3A] {strides = array<i32>} : memref<512xi32, #tpu.memory_space<vmem>>, vector<16xi32>,
      %slice3A = vector.extract_strided_slice %get3A_21 {offsets = [0], sizes = [1], strides = [1]} : vector<16xi32> to vector<1xi32>
      %squeeze3A = vector.extract %slice3A[0] : i32 from vector<1xi32>
      %multiple_of3A = tpu.assume_multiple %squeeze3A, 128 : i32
      %dma_start3A = arith.constant 0 : i32
      %dma_start3A_22 = arith.constant 0 : i32
      %dma_start3A_23 = arith.constant 0 : i32
      %dma_start3A_24 = arith.constant 0 : i32
      %dma_start3A_25 = tpu.memref_slice %arg8[%dma_start3A_22, %dma_start3A_23, %dma_start3A_24] : memref<16x32x128xf32, #tpu.memory_space<vmem>> -> memref<1x8x128xf32, #tpu.memory_space<vmem>>
      %dma_start3A_26 = tpu.memref_squeeze %dma_start3A_25 : memref<1x8x128xf32, #tpu.memory_space<vmem>> -> memref<8x128xf32, #tpu.memory_space<vmem>>
      %dma_start3A_27 = tpu.memref_reshape %arg3 : memref<32x1000000xf32, #tpu.memory_space<hbm>> -> memref<4x8x1000000xf32, #tpu.memory_space<hbm>>
      %dma_start3A_28 = arith.constant 0 : i32
      %dma_start3A_29 = tpu.memref_slice %dma_start3A_27[%dma_start3A, %dma_start3A_28, %multiple_of3A] : memref<4x8x1000000xf32, #tpu.memory_space<hbm>> -> memref<1x8x128xf32, #tpu.memory_space<hbm>>
      %dma_start3A_30 = tpu.memref_squeeze %dma_start3A_29 : memref<1x8x128xf32, #tpu.memory_space<hbm>> -> memref<8x128xf32, #tpu.memory_space<hbm>>
      %dma_start3A_31 = arith.constant 0 : i32
      %dma_start3A_32 = arith.constant 0 : i32
      %dma_start3A_33 = tpu.memref_slice %arg8[%dma_start3A_22, %dma_start3A_31, %dma_start3A_32] : memref<16x32x128xf32, #tpu.memory_space<vmem>> -> memref<1x8x128xf32, #tpu.memory_space<vmem>>
      %dma_start3A_34 = tpu.memref_squeeze %dma_start3A_33 : memref<1x8x128xf32, #tpu.memory_space<vmem>> -> memref<8x128xf32, #tpu.memory_space<vmem>>
      %dma_start3A_35 = tpu.memref_reshape %arg3 : memref<32x1000000xf32, #tpu.memory_space<hbm>> -> memref<4x8x1000000xf32, #tpu.memory_space<hbm>>
      %dma_start3A_36 = arith.constant 0 : i32
      %dma_start3A_37 = tpu.memref_slice %dma_start3A_35[%dma_start3A, %dma_start3A_36, %multiple_of3A] : memref<4x8x1000000xf32, #tpu.memory_space<hbm>> -> memref<1x8x128xf32, #tpu.memory_space<hbm>>
      %dma_start3A_38 = tpu.memref_squeeze %dma_start3A_37 : memref<1x8x128xf32, #tpu.memory_space<hbm>> -> memref<8x128xf32, #tpu.memory_space<hbm>>
      tpu.enqueue_dma source(%dma_start3A_38 : memref<8x128xf32, #tpu.memory_space<hbm>>) target(%dma_start3A_34 : memref<8x128xf32, #tpu.memory_space<vmem>>) target_semaphore(%arg10 : memref<!tpu.dma_semaphore, #tpu.memory_space<semaphore_mem>>)
      %dma_start3A_39 = arith.constant 1 : i32
      %dma_start3A_40 = arith.constant 0 : i32
      %dma_start3A_41 = arith.constant 8 : i32
      %dma_start3A_42 = arith.constant 0 : i32
      %dma_start3A_43 = tpu.memref_slice %arg8[%dma_start3A_40, %dma_start3A_41, %dma_start3A_42] : memref<16x32x128xf32, #tpu.memory_space<vmem>> -> memref<1x8x128xf32, #tpu.memory_space<vmem>>
      %dma_start3A_44 = tpu.memref_squeeze %dma_start3A_43 : memref<1x8x128xf32, #tpu.memory_space<vmem>> -> memref<8x128xf32, #tpu.memory_space<vmem>>
      %dma_start3A_45 = tpu.memref_reshape %arg3 : memref<32x1000000xf32, #tpu.memory_space<hbm>> -> memref<4x8x1000000xf32, #tpu.memory_space<hbm>>
      %dma_start3A_46 = arith.constant 0 : i32
      %dma_start3A_47 = tpu.memref_slice %dma_start3A_45[%dma_start3A_39, %dma_start3A_46, %multiple_of3A] : memref<4x8x1000000xf32, #tpu.memory_space<hbm>> -> memref<1x8x128xf32, #tpu.memory_space<hbm>>
      %dma_start3A_48 = tpu.memref_squeeze %dma_start3A_47 : memref<1x8x128xf32, #tpu.memory_space<hbm>> -> memref<8x128xf32, #tpu.memory_space<hbm>>
      %dma_start3A_49 = arith.constant 8 : i32
      %dma_start3A_50 = arith.constant 0 : i32
      %dma_start3A_51 = tpu.memref_slice %arg8[%dma_start3A_40, %dma_start3A_49, %dma_start3A_50] : memref<16x32x128xf32, #tpu.memory_space<vmem>> -> memref<1x8x128xf32, #tpu.memory_space<vmem>>
      %dma_start3A_52 = tpu.memref_squeeze %dma_start3A_51 : memref<1x8x128xf32, #tpu.memory_space<vmem>> -> memref<8x128xf32, #tpu.memory_space<vmem>>
      %dma_start3A_53 = tpu.memref_reshape %arg3 : memref<32x1000000xf32, #tpu.memory_space<hbm>> -> memref<4x8x1000000xf32, #tpu.memory_space<hbm>>
      %dma_start3A_54 = arith.constant 0 : i32
      %dma_start3A_55 = tpu.memref_slice %dma_start3A_53[%dma_start3A_39, %dma_start3A_54, %multiple_of3A] : memref<4x8x1000000xf32, #tpu.memory_space<hbm>> -> memref<1x8x128xf32, #tpu.memory_space<hbm>>
      %dma_start3A_56 = tpu.memref_squeeze %dma_start3A_55 : memref<1x8x128xf32, #tpu.memory_space<hbm>> -> memref<8x128xf32, #tpu.memory_space<hbm>>
      tpu.enqueue_dma source(%dma_start3A_56 : memref<8x128xf32, #tpu.memory_space<hbm>>) target(%dma_start3A_52 : memref<8x128xf32, #tpu.memory_space<vmem>>) target_semaphore(%arg10 : memref<!tpu.dma_semaphore, #tpu.memory_space<semaphore_mem>>)
      %dma_start3A_57 = arith.constant 2 : i32
      %dma_start3A_58 = arith.constant 0 : i32
      %dma_start3A_59 = arith.constant 16 : i32
      %dma_start3A_60 = arith.constant 0 : i32
      %dma_start3A_61 = tpu.memref_slice %arg8[%dma_start3A_58, %dma_start3A_59, %dma_start3A_60] : memref<16x32x128xf32, #tpu.memory_space<vmem>> -> memref<1x8x128xf32, #tpu.memory_space<vmem>>
      %dma_start3A_62 = tpu.memref_squeeze %dma_start3A_61 : memref<1x8x128xf32, #tpu.memory_space<vmem>> -> memref<8x128xf32, #tpu.memory_space<vmem>>
      %dma_start3A_63 = tpu.memref_reshape %arg3 : memref<32x1000000xf32, #tpu.memory_space<hbm>> -> memref<4x8x1000000xf32, #tpu.memory_space<hbm>>
      %dma_start3A_64 = arith.constant 0 : i32
      %dma_start3A_65 = tpu.memref_slice %dma_start3A_63[%dma_start3A_57, %dma_start3A_64, %multiple_of3A] : memref<4x8x1000000xf32, #tpu.memory_space<hbm>> -> memref<1x8x128xf32, #tpu.memory_space<hbm>>
      %dma_start3A_66 = tpu.memref_squeeze %dma_start3A_65 : memref<1x8x128xf32, #tpu.memory_space<hbm>> -> memref<8x128xf32, #tpu.memory_space<hbm>>
      %dma_start3A_67 = arith.constant 16 : i32
      %dma_start3A_68 = arith.constant 0 : i32
      %dma_start3A_69 = tpu.memref_slice %arg8[%dma_start3A_58, %dma_start3A_67, %dma_start3A_68] : memref<16x32x128xf32, #tpu.memory_space<vmem>> -> memref<1x8x128xf32, #tpu.memory_space<vmem>>
      %dma_start3A_70 = tpu.memref_squeeze %dma_start3A_69 : memref<1x8x128xf32, #tpu.memory_space<vmem>> -> memref<8x128xf32, #tpu.memory_space<vmem>>
      %dma_start3A_71 = tpu.memref_reshape %arg3 : memref<32x1000000xf32, #tpu.memory_space<hbm>> -> memref<4x8x1000000xf32, #tpu.memory_space<hbm>>
      %dma_start3A_72 = arith.constant 0 : i32
      %dma_start3A_73 = tpu.memref_slice %dma_start3A_71[%dma_start3A_57, %dma_start3A_72, %multiple_of3A] : memref<4x8x1000000xf32, #tpu.memory_space<hbm>> -> memref<1x8x128xf32, #tpu.memory_space<hbm>>
      %dma_start3A_74 = tpu.memref_squeeze %dma_start3A_73 : memref<1x8x128xf32, #tpu.memory_space<hbm>> -> memref<8x128xf32, #tpu.memory_space<hbm>>
      tpu.enqueue_dma source(%dma_start3A_74 : memref<8x128xf32, #tpu.memory_space<hbm>>) target(%dma_start3A_70 : memref<8x128xf32, #tpu.memory_space<vmem>>) target_semaphore(%arg10 : memref<!tpu.dma_semaphore, #tpu.memory_space<semaphore_mem>>)
      %dma_start3A_75 = arith.constant 3 : i32
      %dma_start3A_76 = arith.constant 0 : i32
      %dma_start3A_77 = arith.constant 24 : i32
      %dma_start3A_78 = arith.constant 0 : i32
      %dma_start3A_79 = tpu.memref_slice %arg8[%dma_start3A_76, %dma_start3A_77, %dma_start3A_78] : memref<16x32x128xf32, #tpu.memory_space<vmem>> -> memref<1x8x128xf32, #tpu.memory_space<vmem>>
      %dma_start3A_80 = tpu.memref_squeeze %dma_start3A_79 : memref<1x8x128xf32, #tpu.memory_space<vmem>> -> memref<8x128xf32, #tpu.memory_space<vmem>>
      %dma_start3A_81 = tpu.memref_reshape %arg3 : memref<32x1000000xf32, #tpu.memory_space<hbm>> -> memref<4x8x1000000xf32, #tpu.memory_space<hbm>>
      %dma_start3A_82 = arith.constant 0 : i32
      %dma_start3A_83 = tpu.memref_slice %dma_start3A_81[%dma_start3A_75, %dma_start3A_82, %multiple_of3A] : memref<4x8x1000000xf32, #tpu.memory_space<hbm>> -> memref<1x8x128xf32, #tpu.memory_space<hbm>>
      %dma_start3A_84 = tpu.memref_squeeze %dma_start3A_83 : memref<1x8x128xf32, #tpu.memory_space<hbm>> -> memref<8x128xf32, #tpu.memory_space<hbm>>
      %dma_start3A_85 = arith.constant 24 : i32
      %dma_start3A_86 = arith.constant 0 : i32
      %dma_start3A_87 = tpu.memref_slice %arg8[%dma_start3A_76, %dma_start3A_85, %dma_start3A_86] : memref<16x32x128xf32, #tpu.memory_space<vmem>> -> memref<1x8x128xf32, #tpu.memory_space<vmem>>
      %dma_start3A_88 = tpu.memref_squeeze %dma_start3A_87 : memref<1x8x128xf32, #tpu.memory_space<vmem>> -> memref<8x128xf32, #tpu.memory_space<vmem>>
      %dma_start3A_89 = tpu.memref_reshape %arg3 : memref<32x1000000xf32, #tpu.memory_space<hbm>> -> memref<4x8x1000000xf32, #tpu.memory_space<hbm>>
      %dma_start3A_90 = arith.constant 0 : i32
      %dma_start3A_91 = tpu.memref_slice %dma_start3A_89[%dma_start3A_75, %dma_start3A_90, %multiple_of3A] : memref<4x8x1000000xf32, #tpu.memory_space<hbm>> -> memref<1x8x128xf32, #tpu.memory_space<hbm>>
      %dma_start3A_92 = tpu.memref_squeeze %dma_start3A_91 : memref<1x8x128xf32, #tpu.memory_space<hbm>> -> memref<8x128xf32, #tpu.memory_space<hbm>>
      tpu.enqueue_dma source(%dma_start3A_92 : memref<8x128xf32, #tpu.memory_space<hbm>>) target(%dma_start3A_88 : memref<8x128xf32, #tpu.memory_space<vmem>>) target_semaphore(%arg10 : memref<!tpu.dma_semaphore, #tpu.memory_space<semaphore_mem>>)
      %slice3A_93 = vector.extract_strided_slice %get3A_21 {offsets = [1], sizes = [1], strides = [1]} : vector<16xi32> to vector<1xi32>
      %squeeze3A_94 = vector.extract %slice3A_93[0] : i32 from vector<1xi32>
      %multiple_of3A_95 = tpu.assume_multiple %squeeze3A_94, 128 : i32
      %dma_start3A_96 = arith.constant 0 : i32
      %dma_start3A_97 = arith.constant 1 : i32
      %dma_start3A_98 = arith.constant 0 : i32
      %dma_start3A_99 = arith.constant 0 : i32
      %dma_start3A_100 = tpu.memref_slice %arg8[%dma_start3A_97, %dma_start3A_98, %dma_start3A_99] : memref<16x32x128xf32, #tpu.memory_space<vmem>> -> memref<1x8x128xf32, #tpu.memory_space<vmem>>
      %dma_start3A_101 = tpu.memref_squeeze %dma_start3A_100 : memref<1x8x128xf32, #tpu.memory_space<vmem>> -> memref<8x128xf32, #tpu.memory_space<vmem>>
      %dma_start3A_102 = tpu.memref_reshape %arg3 : memref<32x1000000xf32, #tpu.memory_space<hbm>> -> memref<4x8x1000000xf32, #tpu.memory_space<hbm>>
      %dma_start3A_103 = arith.constant 0 : i32
      %dma_start3A_104 = tpu.memref_slice %dma_start3A_102[%dma_start3A_96, %dma_start3A_103, %multiple_of3A_95] : memref<4x8x1000000xf32, #tpu.memory_space<hbm>> -> memref<1x8x128xf32, #tpu.memory_space<hbm>>
      %dma_start3A_105 = tpu.memref_squeeze %dma_start3A_104 : memref<1x8x128xf32, #tpu.memory_space<hbm>> -> memref<8x128xf32, #tpu.memory_space<hbm>>
      %dma_start3A_106 = arith.constant 0 : i32
      %dma_start3A_107 = arith.constant 0 : i32
      %dma_start3A_108 = tpu.memref_slice %arg8[%dma_start3A_97, %dma_start3A_106, %dma_start3A_107] : memref<16x32x128xf32, #tpu.memory_space<vmem>> -> memref<1x8x128xf32, #tpu.memory_space<vmem>>
      %dma_start3A_109 = tpu.memref_squeeze %dma_start3A_108 : memref<1x8x128xf32, #tpu.memory_space<vmem>> -> memref<8x128xf32, #tpu.memory_space<vmem>>
      %dma_start3A_110 = tpu.memref_reshape %arg3 : memref<32x1000000xf32, #tpu.memory_space<hbm>> -> memref<4x8x1000000xf32, #tpu.memory_space<hbm>>
      %dma_start3A_111 = arith.constant 0 : i32
      %dma_start3A_112 = tpu.memref_slice %dma_start3A_110[%dma_start3A_96, %dma_start3A_111, %multiple_of3A_95] : memref<4x8x1000000xf32, #tpu.memory_space<hbm>> -> memref<1x8x128xf32, #tpu.memory_space<hbm>>
      %dma_start3A_113 = tpu.memref_squeeze %dma_start3A_112 : memref<1x8x128xf32, #tpu.memory_space<hbm>> -> memref<8x128xf32, #tpu.memory_space<hbm>>
      tpu.enqueue_dma source(%dma_start3A_113 : memref<8x128xf32, #tpu.memory_space<hbm>>) target(%dma_start3A_109 : memref<8x128xf32, #tpu.memory_space<vmem>>) target_semaphore(%arg10 : memref<!tpu.dma_semaphore, #tpu.memory_space<semaphore_mem>>)
      %dma_start3A_114 = arith.constant 1 : i32
      %dma_start3A_115 = arith.constant 1 : i32
      %dma_start3A_116 = arith.constant 8 : i32
      %dma_start3A_117 = arith.constant 0 : i32
      %dma_start3A_118 = tpu.memref_slice %arg8[%dma_start3A_115, %dma_start3A_116, %dma_start3A_117] : memref<16x32x128xf32, #tpu.memory_space<vmem>> -> memref<1x8x128xf32, #tpu.memory_space<vmem>>
      %dma_start3A_119 = tpu.memref_squeeze %dma_start3A_118 : memref<1x8x128xf32, #tpu.memory_space<vmem>> -> memref<8x128xf32, #tpu.memory_space<vmem>>
      %dma_start3A_120 = tpu.memref_reshape %arg3 : memref<32x1000000xf32, #tpu.memory_space<hbm>> -> memref<4x8x1000000xf32, #tpu.memory_space<hbm>>
      %dma_start3A_121 = arith.constant 0 : i32
      %dma_start3A_122 = tpu.memref_slice %dma_start3A_120[%dma_start3A_114, %dma_start3A_121, %multiple_of3A_95] : memref<4x8x1000000xf32, #tpu.memory_space<hbm>> -> memref<1x8x128xf32, #tpu.memory_space<hbm>>
      %dma_start3A_123 = tpu.memref_squeeze %dma_start3A_122 : memref<1x8x128xf32, #tpu.memory_space<hbm>> -> memref<8x128xf32, #tpu.memory_space<hbm>>
      %dma_start3A_124 = arith.constant 8 : i32
      %dma_start3A_125 = arith.constant 0 : i32
      %dma_start3A_126 = tpu.memref_slice %arg8[%dma_start3A_115, %dma_start3A_124, %dma_start3A_125] : memref<16x32x128xf32, #tpu.memory_space<vmem>> -> memref<1x8x128xf32, #tpu.memory_space<vmem>>
      %dma_start3A_127 = tpu.memref_squeeze %dma_start3A_126 : memref<1x8x128xf32, #tpu.memory_space<vmem>> -> memref<8x128xf32, #tpu.memory_space<vmem>>
      %dma_start3A_128 = tpu.memref_reshape %arg3 : memref<32x1000000xf32, #tpu.memory_space<hbm>> -> memref<4x8x1000000xf32, #tpu.memory_space<hbm>>
      %dma_start3A_129 = arith.constant 0 : i32
      %dma_start3A_130 = tpu.memref_slice %dma_start3A_128[%dma_start3A_114, %dma_start3A_129, %multiple_of3A_95] : memref<4x8x1000000xf32, #tpu.memory_space<hbm>> -> memref<1x8x128xf32, #tpu.memory_space<hbm>>
      %dma_start3A_131 = tpu.memref_squeeze %dma_start3A_130 : memref<1x8x128xf32, #tpu.memory_space<hbm>> -> memref<8x128xf32, #tpu.memory_space<hbm>>
      tpu.enqueue_dma source(%dma_start3A_131 : memref<8x128xf32, #tpu.memory_space<hbm>>) target(%dma_start3A_127 : memref<8x128xf32, #tpu.memory_space<vmem>>) target_semaphore(%arg10 : memref<!tpu.dma_semaphore, #tpu.memory_space<semaphore_mem>>)
      %dma_start3A_132 = arith.constant 2 : i32
      %dma_start3A_133 = arith.constant 1 : i32
      %dma_start3A_134 = arith.constant 16 : i32
      %dma_start3A_135 = arith.constant 0 : i32
      %dma_start3A_136 = tpu.memref_slice %arg8[%dma_start3A_133, %dma_start3A_134, %dma_start3A_135] : memref<16x32x128xf32, #tpu.memory_space<vmem>> -> memref<1x8x128xf32, #tpu.memory_space<vmem>>
      %dma_start3A_137 = tpu.memref_squeeze %dma_start3A_136 : memref<1x8x128xf32, #tpu.memory_space<vmem>> -> memref<8x128xf32, #tpu.memory_space<vmem>>
      %dma_start3A_138 = tpu.memref_reshape %arg3 : memref<32x1000000xf32, #tpu.memory_space<hbm>> -> memref<4x8x1000000xf32, #tpu.memory_space<hbm>>
      %dma_start3A_139 = arith.constant 0 : i32
      %dma_start3A_140 = tpu.memref_slice %dma_start3A_138[%dma_start3A_132, %dma_start3A_139, %multiple_of3A_95] : memref<4x8x1000000xf32, #tpu.memory_space<hbm>> -> memref<1x8x128xf32, #tpu.memory_space<hbm>>
      %dma_start3A_141 = tpu.memref_squeeze %dma_start3A_140 : memref<1x8x128xf32, #tpu.memory_space<hbm>> -> memref<8x128xf32, #tpu.memory_space<hbm>>
      %dma_start3A_142 = arith.constant 16 : i32
      %dma_start3A_143 = arith.constant 0 : i32
      %dma_start3A_144 = tpu.memref_slice %arg8[%dma_start3A_133, %dma_start3A_142, %dma_start3A_143] : memref<16x32x128xf32, #tpu.memory_space<vmem>> -> memref<1x8x128xf32, #tpu.memory_space<vmem>>
      %dma_start3A_145 = tpu.memref_squeeze %dma_start3A_144 : memref<1x8x128xf32, #tpu.memory_space<vmem>> -> memref<8x128xf32, #tpu.memory_space<vmem>>
      %dma_start3A_146 = tpu.memref_reshape %arg3 : memref<32x1000000xf32, #tpu.memory_space<hbm>> -> memref<4x8x1000000xf32, #tpu.memory_space<hbm>>
      %dma_start3A_147 = arith.constant 0 : i32
      %dma_start3A_148 = tpu.memref_slice %dma_start3A_146[%dma_start3A_132, %dma_start3A_147, %multiple_of3A_95] : memref<4x8x1000000xf32, #tpu.memory_space<hbm>> -> memref<1x8x128xf32, #tpu.memory_space<hbm>>
      %dma_start3A_149 = tpu.memref_squeeze %dma_start3A_148 : memref<1x8x128xf32, #tpu.memory_space<hbm>> -> memref<8x128xf32, #tpu.memory_space<hbm>>
      tpu.enqueue_dma source(%dma_start3A_149 : memref<8x128xf32, #tpu.memory_space<hbm>>) target(%dma_start3A_145 : memref<8x128xf32, #tpu.memory_space<vmem>>) target_semaphore(%arg10 : memref<!tpu.dma_semaphore, #tpu.memory_space<semaphore_mem>>)
      %dma_start3A_150 = arith.constant 3 : i32
      %dma_start3A_151 = arith.constant 1 : i32
      %dma_start3A_152 = arith.constant 24 : i32
      %dma_start3A_153 = arith.constant 0 : i32
      %dma_start3A_154 = tpu.memref_slice %arg8[%dma_start3A_151, %dma_start3A_152, %dma_start3A_153] : memref<16x32x128xf32, #tpu.memory_space<vmem>> -> memref<1x8x128xf32, #tpu.memory_space<vmem>>
      %dma_start3A_155 = tpu.memref_squeeze %dma_start3A_154 : memref<1x8x128xf32, #tpu.memory_space<vmem>> -> memref<8x128xf32, #tpu.memory_space<vmem>>
      %dma_start3A_156 = tpu.memref_reshape %arg3 : memref<32x1000000xf32, #tpu.memory_space<hbm>> -> memref<4x8x1000000xf32, #tpu.memory_space<hbm>>
      %dma_start3A_157 = arith.constant 0 : i32
      %dma_start3A_158 = tpu.memref_slice %dma_start3A_156[%dma_start3A_150, %dma_start3A_157, %multiple_of3A_95] : memref<4x8x1000000xf32, #tpu.memory_space<hbm>> -> memref<1x8x128xf32, #tpu.memory_space<hbm>>
      %dma_start3A_159 = tpu.memref_squeeze %dma_start3A_158 : memref<1x8x128xf32, #tpu.memory_space<hbm>> -> memref<8x128xf32, #tpu.memory_space<hbm>>
      %dma_start3A_160 = arith.constant 24 : i32
      %dma_start3A_161 = arith.constant 0 : i32
      %dma_start3A_162 = tpu.memref_slice %arg8[%dma_start3A_151, %dma_start3A_160, %dma_start3A_161] : memref<16x32x128xf32, #tpu.memory_space<vmem>> -> memref<1x8x128xf32, #tpu.memory_space<vmem>>
      %dma_start3A_163 = tpu.memref_squeeze %dma_start3A_162 : memref<1x8x128xf32, #tpu.memory_space<vmem>> -> memref<8x128xf32, #tpu.memory_space<vmem>>
      %dma_start3A_164 = tpu.memref_reshape %arg3 : memref<32x1000000xf32, #tpu.memory_space<hbm>> -> memref<4x8x1000000xf32, #tpu.memory_space<hbm>>
      %dma_start3A_165 = arith.constant 0 : i32
      %dma_start3A_166 = tpu.memref_slice %dma_start3A_164[%dma_start3A_150, %dma_start3A_165, %multiple_of3A_95] : memref<4x8x1000000xf32, #tpu.memory_space<hbm>> -> memref<1x8x128xf32, #tpu.memory_space<hbm>>
      %dma_start3A_167 = tpu.memref_squeeze %dma_start3A_166 : memref<1x8x128xf32, #tpu.memory_space<hbm>> -> memref<8x128xf32, #tpu.memory_space<hbm>>
      tpu.enqueue_dma source(%dma_start3A_167 : memref<8x128xf32, #tpu.memory_space<hbm>>) target(%dma_start3A_163 : memref<8x128xf32, #tpu.memory_space<vmem>>) target_semaphore(%arg10 : memref<!tpu.dma_semaphore, #tpu.memory_space<semaphore_mem>>)
      %slice3A_168 = vector.extract_strided_slice %get3A_21 {offsets = [2], sizes = [1], strides = [1]} : vector<16xi32> to vector<1xi32>
      %squeeze3A_169 = vector.extract %slice3A_168[0] : i32 from vector<1xi32>
      %multiple_of3A_170 = tpu.assume_multiple %squeeze3A_169, 128 : i32
      %dma_start3A_171 = arith.constant 0 : i32
      %dma_start3A_172 = arith.constant 2 : i32
      %dma_start3A_173 = arith.constant 0 : i32
      %dma_start3A_174 = arith.constant 0 : i32
      %dma_start3A_175 = tpu.memref_slice %arg8[%dma_start3A_172, %dma_start3A_173, %dma_start3A_174] : memref<16x32x128xf32, #tpu.memory_space<vmem>> -> memref<1x8x128xf32, #tpu.memory_space<vmem>>
      %dma_start3A_176 = tpu.memref_squeeze %dma_start3A_175 : memref<1x8x128xf32, #tpu.memory_space<vmem>> -> memref<8x128xf32, #tpu.memory_space<vmem>>
      %dma_start3A_177 = tpu.memref_reshape %arg3 : memref<32x1000000xf32, #tpu.memory_space<hbm>> -> memref<4x8x1000000xf32, #tpu.memory_space<hbm>>
      %dma_start3A_178 = arith.constant 0 : i32
      %dma_start3A_179 = tpu.memref_slice %dma_start3A_177[%dma_start3A_171, %dma_start3A_178, %multiple_of3A_170] : memref<4x8x1000000xf32, #tpu.memory_space<hbm>> -> memref<1x8x128xf32, #tpu.memory_space<hbm>>
      %dma_start3A_180 = tpu.memref_squeeze %dma_start3A_179 : memref<1x8x128xf32, #tpu.memory_space<hbm>> -> memref<8x128xf32, #tpu.memory_space<hbm>>
      %dma_start3A_181 = arith.constant 0 : i32
      %dma_start3A_182 = arith.constant 0 : i32
      %dma_start3A_183 = tpu.memref_slice %arg8[%dma_start3A_172, %dma_start3A_181, %dma_start3A_182] : memref<16x32x128xf32, #tpu.memory_space<vmem>> -> memref<1x8x128xf32, #tpu.memory_space<vmem>>
      %dma_start3A_184 = tpu.memref_squeeze %dma_start3A_183 : memref<1x8x128xf32, #tpu.memory_space<vmem>> -> memref<8x128xf32, #tpu.memory_space<vmem>>
      %dma_start3A_185 = tpu.memref_reshape %arg3 : memref<32x1000000xf32, #tpu.memory_space<hbm>> -> memref<4x8x1000000xf32, #tpu.memory_space<hbm>>
      %dma_start3A_186 = arith.constant 0 : i32
      %dma_start3A_187 = tpu.memref_slice %dma_start3A_185[%dma_start3A_171, %dma_start3A_186, %multiple_of3A_170] : memref<4x8x1000000xf32, #tpu.memory_space<hbm>> -> memref<1x8x128xf32, #tpu.memory_space<hbm>>
      %dma_start3A_188 = tpu.memref_squeeze %dma_start3A_187 : memref<1x8x128xf32, #tpu.memory_space<hbm>> -> memref<8x128xf32, #tpu.memory_space<hbm>>
      tpu.enqueue_dma source(%dma_start3A_188 : memref<8x128xf32, #tpu.memory_space<hbm>>) target(%dma_start3A_184 : memref<8x128xf32, #tpu.memory_space<vmem>>) target_semaphore(%arg10 : memref<!tpu.dma_semaphore, #tpu.memory_space<semaphore_mem>>)
      %dma_start3A_189 = arith.constant 1 : i32
      %dma_start3A_190 = arith.constant 2 : i32
      %dma_start3A_191 = arith.constant 8 : i32
      %dma_start3A_192 = arith.constant 0 : i32
      %dma_start3A_193 = tpu.memref_slice %arg8[%dma_start3A_190, %dma_start3A_191, %dma_start3A_192] : memref<16x32x128xf32, #tpu.memory_space<vmem>> -> memref<1x8x128xf32, #tpu.memory_space<vmem>>
      %dma_start3A_194 = tpu.memref_squeeze %dma_start3A_193 : memref<1x8x128xf32, #tpu.memory_space<vmem>> -> memref<8x128xf32, #tpu.memory_space<vmem>>
      %dma_start3A_195 = tpu.memref_reshape %arg3 : memref<32x1000000xf32, #tpu.memory_space<hbm>> -> memref<4x8x1000000xf32, #tpu.memory_space<hbm>>
      %dma_start3A_196 = arith.constant 0 : i32
      %dma_start3A_197 = tpu.memref_slice %dma_start3A_195[%dma_start3A_189, %dma_start3A_196, %multiple_of3A_170] : memref<4x8x1000000xf32, #tpu.memory_space<hbm>> -> memref<1x8x128xf32, #tpu.memory_space<hbm>>
      %dma_start3A_198 = tpu.memref_squeeze %dma_start3A_197 : memref<1x8x128xf32, #tpu.memory_space<hbm>> -> memref<8x128xf32, #tpu.memory_space<hbm>>
      %dma_start3A_199 = arith.constant 8 : i32
      %dma_start3A_200 = arith.constant 0 : i32
      %dma_start3A_201 = tpu.memref_slice %arg8[%dma_start3A_190, %dma_start3A_199, %dma_start3A_200] : memref<16x32x128xf32, #tpu.memory_space<vmem>> -> memref<1x8x128xf32, #tpu.memory_space<vmem>>
      %dma_start3A_202 = tpu.memref_squeeze %dma_start3A_201 : memref<1x8x128xf32, #tpu.memory_space<vmem>> -> memref<8x128xf32, #tpu.memory_space<vmem>>
      %dma_start3A_203 = tpu.memref_reshape %arg3 : memref<32x1000000xf32, #tpu.memory_space<hbm>> -> memref<4x8x1000000xf32, #tpu.memory_space<hbm>>
      %dma_start3A_204 = arith.constant 0 : i32
      %dma_start3A_205 = tpu.memref_slice %dma_start3A_203[%dma_start3A_189, %dma_start3A_204, %multiple_of3A_170] : memref<4x8x1000000xf32, #tpu.memory_space<hbm>> -> memref<1x8x128xf32, #tpu.memory_space<hbm>>
      %dma_start3A_206 = tpu.memref_squeeze %dma_start3A_205 : memref<1x8x128xf32, #tpu.memory_space<hbm>> -> memref<8x128xf32, #tpu.memory_space<hbm>>
      tpu.enqueue_dma source(%dma_start3A_206 : memref<8x128xf32, #tpu.memory_space<hbm>>) target(%dma_start3A_202 : memref<8x128xf32, #tpu.memory_space<vmem>>) target_semaphore(%arg10 : memref<!tpu.dma_semaphore, #tpu.memory_space<semaphore_mem>>)
      %dma_start3A_207 = arith.constant 2 : i32
      %dma_start3A_208 = arith.constant 2 : i32
      %dma_start3A_209 = arith.constant 16 : i32
      %dma_start3A_210 = arith.constant 0 : i32
      %dma_start3A_211 = tpu.memref_slice %arg8[%dma_start3A_208, %dma_start3A_209, %dma_start3A_210] : memref<16x32x128xf32, #tpu.memory_space<vmem>> -> memref<1x8x128xf32, #tpu.memory_space<vmem>>
      %dma_start3A_212 = tpu.memref_squeeze %dma_start3A_211 : memref<1x8x128xf32, #tpu.memory_space<vmem>> -> memref<8x128xf32, #tpu.memory_space<vmem>>
      %dma_start3A_213 = tpu.memref_reshape %arg3 : memref<32x1000000xf32, #tpu.memory_space<hbm>> -> memref<4x8x1000000xf32, #tpu.memory_space<hbm>>
      %dma_start3A_214 = arith.constant 0 : i32
      %dma_start3A_215 = tpu.memref_slice %dma_start3A_213[%dma_start3A_207, %dma_start3A_214, %multiple_of3A_170] : memref<4x8x1000000xf32, #tpu.memory_space<hbm>> -> memref<1x8x128xf32, #tpu.memory_space<hbm>>
      %dma_start3A_216 = tpu.memref_squeeze %dma_start3A_215 : memref<1x8x128xf32, #tpu.memory_space<hbm>> -> memref<8x128xf32, #tpu.memory_space<hbm>>
      %dma_start3A_217 = arith.constant 16 : i32
      %dma_start3A_218 = arith.constant 0 : i32
      %dma_start3A_219 = tpu.memref_slice %arg8[%dma_start3A_208, %dma_start3A_217, %dma_start3A_218] : memref<16x32x128xf32, #tpu.memory_space<vmem>> -> memref<1x8x128xf32, #tpu.memory_space<vmem>>
      %dma_start3A_220 = tpu.memref_squeeze %dma_start3A_219 : memref<1x8x128xf32, #tpu.memory_space<vmem>> -> memref<8x128xf32, #tpu.memory_space<vmem>>
      %dma_start3A_221 = tpu.memref_reshape %arg3 : memref<32x1000000xf32, #tpu.memory_space<hbm>> -> memref<4x8x1000000xf32, #tpu.memory_space<hbm>>
      %dma_start3A_222 = arith.constant 0 : i32
      %dma_start3A_223 = tpu.memref_slice %dma_start3A_221[%dma_start3A_207, %dma_start3A_222, %multiple_of3A_170] : memref<4x8x1000000xf32, #tpu.memory_space<hbm>> -> memref<1x8x128xf32, #tpu.memory_space<hbm>>
      %dma_start3A_224 = tpu.memref_squeeze %dma_start3A_223 : memref<1x8x128xf32, #tpu.memory_space<hbm>> -> memref<8x128xf32, #tpu.memory_space<hbm>>
      tpu.enqueue_dma source(%dma_start3A_224 : memref<8x128xf32, #tpu.memory_space<hbm>>) target(%dma_start3A_220 : memref<8x128xf32, #tpu.memory_space<vmem>>) target_semaphore(%arg10 : memref<!tpu.dma_semaphore, #tpu.memory_space<semaphore_mem>>)
      %dma_start3A_225 = arith.constant 3 : i32
      %dma_start3A_226 = arith.constant 2 : i32
      %dma_start3A_227 = arith.constant 24 : i32
      %dma_start3A_228 = arith.constant 0 : i32
      %dma_start3A_229 = tpu.memref_slice %arg8[%dma_start3A_226, %dma_start3A_227, %dma_start3A_228] : memref<16x32x128xf32, #tpu.memory_space<vmem>> -> memref<1x8x128xf32, #tpu.memory_space<vmem>>
      %dma_start3A_230 = tpu.memref_squeeze %dma_start3A_229 : memref<1x8x128xf32, #tpu.memory_space<vmem>> -> memref<8x128xf32, #tpu.memory_space<vmem>>
      %dma_start3A_231 = tpu.memref_reshape %arg3 : memref<32x1000000xf32, #tpu.memory_space<hbm>> -> memref<4x8x1000000xf32, #tpu.memory_space<hbm>>
      %dma_start3A_232 = arith.constant 0 : i32
      %dma_start3A_233 = tpu.memref_slice %dma_start3A_231[%dma_start3A_225, %dma_start3A_232, %multiple_of3A_170] : memref<4x8x1000000xf32, #tpu.memory_space<hbm>> -> memref<1x8x128xf32, #tpu.memory_space<hbm>>
      %dma_start3A_234 = tpu.memref_squeeze %dma_start3A_233 : memref<1x8x128xf32, #tpu.memory_space<hbm>> -> memref<8x128xf32, #tpu.memory_space<hbm>>
      %dma_start3A_235 = arith.constant 24 : i32
      %dma_start3A_236 = arith.constant 0 : i32
      %dma_start3A_237 = tpu.memref_slice %arg8[%dma_start3A_226, %dma_start3A_235, %dma_start3A_236] : memref<16x32x128xf32, #tpu.memory_space<vmem>> -> memref<1x8x128xf32, #tpu.memory_space<vmem>>
      %dma_start3A_238 = tpu.memref_squeeze %dma_start3A_237 : memref<1x8x128xf32, #tpu.memory_space<vmem>> -> memref<8x128xf32, #tpu.memory_space<vmem>>
      %dma_start3A_239 = tpu.memref_reshape %arg3 : memref<32x1000000xf32, #tpu.memory_space<hbm>> -> memref<4x8x1000000xf32, #tpu.memory_space<hbm>>
      %dma_start3A_240 = arith.constant 0 : i32
      %dma_start3A_241 = tpu.memref_slice %dma_start3A_239[%dma_start3A_225, %dma_start3A_240, %multiple_of3A_170] : memref<4x8x1000000xf32, #tpu.memory_space<hbm>> -> memref<1x8x128xf32, #tpu.memory_space<hbm>>
      %dma_start3A_242 = tpu.memref_squeeze %dma_start3A_241 : memref<1x8x128xf32, #tpu.memory_space<hbm>> -> memref<8x128xf32, #tpu.memory_space<hbm>>
      tpu.enqueue_dma source(%dma_start3A_242 : memref<8x128xf32, #tpu.memory_space<hbm>>) target(%dma_start3A_238 : memref<8x128xf32, #tpu.memory_space<vmem>>) target_semaphore(%arg10 : memref<!tpu.dma_semaphore, #tpu.memory_space<semaphore_mem>>)
      %slice3A_243 = vector.extract_strided_slice %get3A_21 {offsets = [3], sizes = [1], strides = [1]} : vector<16xi32> to vector<1xi32>
      %squeeze3A_244 = vector.extract %slice3A_243[0] : i32 from vector<1xi32>
      %multiple_of3A_245 = tpu.assume_multiple %squeeze3A_244, 128 : i32
      %dma_start3A_246 = arith.constant 0 : i32
      %dma_start3A_247 = arith.constant 3 : i32
      %dma_start3A_248 = arith.constant 0 : i32
      %dma_start3A_249 = arith.constant 0 : i32
      %dma_start3A_250 = tpu.memref_slice %arg8[%dma_start3A_247, %dma_start3A_248, %dma_start3A_249] : memref<16x32x128xf32, #tpu.memory_space<vmem>> -> memref<1x8x128xf32, #tpu.memory_space<vmem>>
      %dma_start3A_251 = tpu.memref_squeeze %dma_start3A_250 : memref<1x8x128xf32, #tpu.memory_space<vmem>> -> memref<8x128xf32, #tpu.memory_space<vmem>>
      %dma_start3A_252 = tpu.memref_reshape %arg3 : memref<32x1000000xf32, #tpu.memory_space<hbm>> -> memref<4x8x1000000xf32, #tpu.memory_space<hbm>>
      %dma_start3A_253 = arith.constant 0 : i32
      %dma_start3A_254 = tpu.memref_slice %dma_start3A_252[%dma_start3A_246, %dma_start3A_253, %multiple_of3A_245] : memref<4x8x1000000xf32, #tpu.memory_space<hbm>> -> memref<1x8x128xf32, #tpu.memory_space<hbm>>
      %dma_start3A_255 = tpu.memref_squeeze %dma_start3A_254 : memref<1x8x128xf32, #tpu.memory_space<hbm>> -> memref<8x128xf32, #tpu.memory_space<hbm>>
      %dma_start3A_256 = arith.constant 0 : i32
      %dma_start3A_257 = arith.constant 0 : i32
      %dma_start3A_258 = tpu.memref_slice %arg8[%dma_start3A_247, %dma_start3A_256, %dma_start3A_257] : memref<16x32x128xf32, #tpu.memory_space<vmem>> -> memref<1x8x128xf32, #tpu.memory_space<vmem>>
      %dma_start3A_259 = tpu.memref_squeeze %dma_start3A_258 : memref<1x8x128xf32, #tpu.memory_space<vmem>> -> memref<8x128xf32, #tpu.memory_space<vmem>>
      %dma_start3A_260 = tpu.memref_reshape %arg3 : memref<32x1000000xf32, #tpu.memory_space<hbm>> -> memref<4x8x1000000xf32, #tpu.memory_space<hbm>>
      %dma_start3A_261 = arith.constant 0 : i32
      %dma_start3A_262 = tpu.memref_slice %dma_start3A_260[%dma_start3A_246, %dma_start3A_261, %multiple_of3A_245] : memref<4x8x1000000xf32, #tpu.memory_space<hbm>> -> memref<1x8x128xf32, #tpu.memory_space<hbm>>
      %dma_start3A_263 = tpu.memref_squeeze %dma_start3A_262 : memref<1x8x128xf32, #tpu.memory_space<hbm>> -> memref<8x128xf32, #tpu.memory_space<hbm>>
      tpu.enqueue_dma source(%dma_start3A_263 : memref<8x128xf32, #tpu.memory_space<hbm>>) target(%dma_start3A_259 : memref<8x128xf32, #tpu.memory_space<vmem>>) target_semaphore(%arg10 : memref<!tpu.dma_semaphore, #tpu.memory_space<semaphore_mem>>)
      %dma_start3A_264 = arith.constant 1 : i32
      %dma_start3A_265 = arith.constant 3 : i32
      %dma_start3A_266 = arith.constant 8 : i32
      %dma_start3A_267 = arith.constant 0 : i32
      %dma_start3A_268 = tpu.memref_slice %arg8[%dma_start3A_265, %dma_start3A_266, %dma_start3A_267] : memref<16x32x128xf32, #tpu.memory_space<vmem>> -> memref<1x8x128xf32, #tpu.memory_space<vmem>>
      %dma_start3A_269 = tpu.memref_squeeze %dma_start3A_268 : memref<1x8x128xf32, #tpu.memory_space<vmem>> -> memref<8x128xf32, #tpu.memory_space<vmem>>
      %dma_start3A_270 = tpu.memref_reshape %arg3 : memref<32x1000000xf32, #tpu.memory_space<hbm>> -> memref<4x8x1000000xf32, #tpu.memory_space<hbm>>
      %dma_start3A_271 = arith.constant 0 : i32
      %dma_start3A_272 = tpu.memref_slice %dma_start3A_270[%dma_start3A_264, %dma_start3A_271, %multiple_of3A_245] : memref<4x8x1000000xf32, #tpu.memory_space<hbm>> -> memref<1x8x128xf32, #tpu.memory_space<hbm>>
      %dma_start3A_273 = tpu.memref_squeeze %dma_start3A_272 : memref<1x8x128xf32, #tpu.memory_space<hbm>> -> memref<8x128xf32, #tpu.memory_space<hbm>>
      %dma_start3A_274 = arith.constant 8 : i32
      %dma_start3A_275 = arith.constant 0 : i32
      %dma_start3A_276 = tpu.memref_slice %arg8[%dma_start3A_265, %dma_start3A_274, %dma_start3A_275] : memref<16x32x128xf32, #tpu.memory_space<vmem>> -> memref<1x8x128xf32, #tpu.memory_space<vmem>>
      %dma_start3A_277 = tpu.memref_squeeze %dma_start3A_276 : memref<1x8x128xf32, #tpu.memory_space<vmem>> -> memref<8x128xf32, #tpu.memory_space<vmem>>
      %dma_start3A_278 = tpu.memref_reshape %arg3 : memref<32x1000000xf32, #tpu.memory_space<hbm>> -> memref<4x8x1000000xf32, #tpu.memory_space<hbm>>
      %dma_start3A_279 = arith.constant 0 : i32
      %dma_start3A_280 = tpu.memref_slice %dma_start3A_278[%dma_start3A_264, %dma_start3A_279, %multiple_of3A_245] : memref<4x8x1000000xf32, #tpu.memory_space<hbm>> -> memref<1x8x128xf32, #tpu.memory_space<hbm>>
      %dma_start3A_281 = tpu.memref_squeeze %dma_start3A_280 : memref<1x8x128xf32, #tpu.memory_space<hbm>> -> memref<8x128xf32, #tpu.memory_space<hbm>>
      tpu.enqueue_dma source(%dma_start3A_281 : memref<8x128xf32, #tpu.memory_space<hbm>>) target(%dma_start3A_277 : memref<8x128xf32, #tpu.memory_space<vmem>>) target_semaphore(%arg10 : memref<!tpu.dma_semaphore, #tpu.memory_space<semaphore_mem>>)
      %dma_start3A_282 = arith.constant 2 : i32
      %dma_start3A_283 = arith.constant 3 : i32
      %dma_start3A_284 = arith.constant 16 : i32
      %dma_start3A_285 = arith.constant 0 : i32
      %dma_start3A_286 = tpu.memref_slice %arg8[%dma_start3A_283, %dma_start3A_284, %dma_start3A_285] : memref<16x32x128xf32, #tpu.memory_space<vmem>> -> memref<1x8x128xf32, #tpu.memory_space<vmem>>
      %dma_start3A_287 = tpu.memref_squeeze %dma_start3A_286 : memref<1x8x128xf32, #tpu.memory_space<vmem>> -> memref<8x128xf32, #tpu.memory_space<vmem>>
      %dma_start3A_288 = tpu.memref_reshape %arg3 : memref<32x1000000xf32, #tpu.memory_space<hbm>> -> memref<4x8x1000000xf32, #tpu.memory_space<hbm>>
      %dma_start3A_289 = arith.constant 0 : i32
      %dma_start3A_290 = tpu.memref_slice %dma_start3A_288[%dma_start3A_282, %dma_start3A_289, %multiple_of3A_245] : memref<4x8x1000000xf32, #tpu.memory_space<hbm>> -> memref<1x8x128xf32, #tpu.memory_space<hbm>>
      %dma_start3A_291 = tpu.memref_squeeze %dma_start3A_290 : memref<1x8x128xf32, #tpu.memory_space<hbm>> -> memref<8x128xf32, #tpu.memory_space<hbm>>
      %dma_start3A_292 = arith.constant 16 : i32
      %dma_start3A_293 = arith.constant 0 : i32
      %dma_start3A_294 = tpu.memref_slice %arg8[%dma_start3A_283, %dma_start3A_292, %dma_start3A_293] : memref<16x32x128xf32, #tpu.memory_space<vmem>> -> memref<1x8x128xf32, #tpu.memory_space<vmem>>
      %dma_start3A_295 = tpu.memref_squeeze %dma_start3A_294 : memref<1x8x128xf32, #tpu.memory_space<vmem>> -> memref<8x128xf32, #tpu.memory_space<vmem>>
      %dma_start3A_296 = tpu.memref_reshape %arg3 : memref<32x1000000xf32, #tpu.memory_space<hbm>> -> memref<4x8x1000000xf32, #tpu.memory_space<hbm>>
      %dma_start3A_297 = arith.constant 0 : i32
      %dma_start3A_298 = tpu.memref_slice %dma_start3A_296[%dma_start3A_282, %dma_start3A_297, %multiple_of3A_245] : memref<4x8x1000000xf32, #tpu.memory_space<hbm>> -> memref<1x8x128xf32, #tpu.memory_space<hbm>>
      %dma_start3A_299 = tpu.memref_squeeze %dma_start3A_298 : memref<1x8x128xf32, #tpu.memory_space<hbm>> -> memref<8x128xf32, #tpu.memory_space<hbm>>
      tpu.enqueue_dma source(%dma_start3A_299 : memref<8x128xf32, #tpu.memory_space<hbm>>) target(%dma_start3A_295 : memref<8x128xf32, #tpu.memory_space<vmem>>) target_semaphore(%arg10 : memref<!tpu.dma_semaphore, #tpu.memory_space<semaphore_mem>>)
      %dma_start3A_300 = arith.constant 3 : i32
      %dma_start3A_301 = arith.constant 3 : i32
      %dma_start3A_302 = arith.constant 24 : i32
      %dma_start3A_303 = arith.constant 0 : i32
      %dma_start3A_304 = tpu.memref_slice %arg8[%dma_start3A_301, %dma_start3A_302, %dma_start3A_303] : memref<16x32x128xf32, #tpu.memory_space<vmem>> -> memref<1x8x128xf32, #tpu.memory_space<vmem>>
      %dma_start3A_305 = tpu.memref_squeeze %dma_start3A_304 : memref<1x8x128xf32, #tpu.memory_space<vmem>> -> memref<8x128xf32, #tpu.memory_space<vmem>>
      %dma_start3A_306 = tpu.memref_reshape %arg3 : memref<32x1000000xf32, #tpu.memory_space<hbm>> -> memref<4x8x1000000xf32, #tpu.memory_space<hbm>>
      %dma_start3A_307 = arith.constant 0 : i32
      %dma_start3A_308 = tpu.memref_slice %dma_start3A_306[%dma_start3A_300, %dma_start3A_307, %multiple_of3A_245] : memref<4x8x1000000xf32, #tpu.memory_space<hbm>> -> memref<1x8x128xf32, #tpu.memory_space<hbm>>
      %dma_start3A_309 = tpu.memref_squeeze %dma_start3A_308 : memref<1x8x128xf32, #tpu.memory_space<hbm>> -> memref<8x128xf32, #tpu.memory_space<hbm>>
      %dma_start3A_310 = arith.constant 24 : i32
      %dma_start3A_311 = arith.constant 0 : i32
      %dma_start3A_312 = tpu.memref_slice %arg8[%dma_start3A_301, %dma_start3A_310, %dma_start3A_311] : memref<16x32x128xf32, #tpu.memory_space<vmem>> -> memref<1x8x128xf32, #tpu.memory_space<vmem>>
      %dma_start3A_313 = tpu.memref_squeeze %dma_start3A_312 : memref<1x8x128xf32, #tpu.memory_space<vmem>> -> memref<8x128xf32, #tpu.memory_space<vmem>>
      %dma_start3A_314 = tpu.memref_reshape %arg3 : memref<32x1000000xf32, #tpu.memory_space<hbm>> -> memref<4x8x1000000xf32, #tpu.memory_space<hbm>>
      %dma_start3A_315 = arith.constant 0 : i32
      %dma_start3A_316 = tpu.memref_slice %dma_start3A_314[%dma_start3A_300, %dma_start3A_315, %multiple_of3A_245] : memref<4x8x1000000xf32, #tpu.memory_space<hbm>> -> memref<1x8x128xf32, #tpu.memory_space<hbm>>
      %dma_start3A_317 = tpu.memref_squeeze %dma_start3A_316 : memref<1x8x128xf32, #tpu.memory_space<hbm>> -> memref<8x128xf32, #tpu.memory_space<hbm>>
      tpu.enqueue_dma source(%dma_start3A_317 : memref<8x128xf32, #tpu.memory_space<hbm>>) target(%dma_start3A_313 : memref<8x128xf32, #tpu.memory_space<vmem>>) target_semaphore(%arg10 : memref<!tpu.dma_semaphore, #tpu.memory_space<semaphore_mem>>)
      %slice3A_318 = vector.extract_strided_slice %get3A_21 {offsets = [4], sizes = [1], strides = [1]} : vector<16xi32> to vector<1xi32>
      %squeeze3A_319 = vector.extract %slice3A_318[0] : i32 from vector<1xi32>
      %multiple_of3A_320 = tpu.assume_multiple %squeeze3A_319, 128 : i32
      %dma_start3A_321 = arith.constant 0 : i32
      %dma_start3A_322 = arith.constant 4 : i32
      %dma_start3A_323 = arith.constant 0 : i32
      %dma_start3A_324 = arith.constant 0 : i32
      %dma_start3A_325 = tpu.memref_slice %arg8[%dma_start3A_322, %dma_start3A_323, %dma_start3A_324] : memref<16x32x128xf32, #tpu.memory_space<vmem>> -> memref<1x8x128xf32, #tpu.memory_space<vmem>>
      %dma_start3A_326 = tpu.memref_squeeze %dma_start3A_325 : memref<1x8x128xf32, #tpu.memory_space<vmem>> -> memref<8x128xf32, #tpu.memory_space<vmem>>
      %dma_start3A_327 = tpu.memref_reshape %arg3 : memref<32x1000000xf32, #tpu.memory_space<hbm>> -> memref<4x8x1000000xf32, #tpu.memory_space<hbm>>
      %dma_start3A_328 = arith.constant 0 : i32
      %dma_start3A_329 = tpu.memref_slice %dma_start3A_327[%dma_start3A_321, %dma_start3A_328, %multiple_of3A_320] : memref<4x8x1000000xf32, #tpu.memory_space<hbm>> -> memref<1x8x128xf32, #tpu.memory_space<hbm>>
      %dma_start3A_330 = tpu.memref_squeeze %dma_start3A_329 : memref<1x8x128xf32, #tpu.memory_space<hbm>> -> memref<8x128xf32, #tpu.memory_space<hbm>>
      %dma_start3A_331 = arith.constant 0 : i32
      %dma_start3A_332 = arith.constant 0 : i32
      %dma_start3A_333 = tpu.memref_slice %arg8[%dma_start3A_322, %dma_start3A_331, %dma_start3A_332] : memref<16x32x128xf32, #tpu.memory_space<vmem>> -> memref<1x8x128xf32, #tpu.memory_space<vmem>>
      %dma_start3A_334 = tpu.memref_squeeze %dma_start3A_333 : memref<1x8x128xf32, #tpu.memory_space<vmem>> -> memref<8x128xf32, #tpu.memory_space<vmem>>
      %dma_start3A_335 = tpu.memref_reshape %arg3 : memref<32x1000000xf32, #tpu.memory_space<hbm>> -> memref<4x8x1000000xf32, #tpu.memory_space<hbm>>
      %dma_start3A_336 = arith.constant 0 : i32
      %dma_start3A_337 = tpu.memref_slice %dma_start3A_335[%dma_start3A_321, %dma_start3A_336, %multiple_of3A_320] : memref<4x8x1000000xf32, #tpu.memory_space<hbm>> -> memref<1x8x128xf32, #tpu.memory_space<hbm>>
      %dma_start3A_338 = tpu.memref_squeeze %dma_start3A_337 : memref<1x8x128xf32, #tpu.memory_space<hbm>> -> memref<8x128xf32, #tpu.memory_space<hbm>>
      tpu.enqueue_dma source(%dma_start3A_338 : memref<8x128xf32, #tpu.memory_space<hbm>>) target(%dma_start3A_334 : memref<8x128xf32, #tpu.memory_space<vmem>>) target_semaphore(%arg10 : memref<!tpu.dma_semaphore, #tpu.memory_space<semaphore_mem>>)
      %dma_start3A_339 = arith.constant 1 : i32
      %dma_start3A_340 = arith.constant 4 : i32
      %dma_start3A_341 = arith.constant 8 : i32
      %dma_start3A_342 = arith.constant 0 : i32
      %dma_start3A_343 = tpu.memref_slice %arg8[%dma_start3A_340, %dma_start3A_341, %dma_start3A_342] : memref<16x32x128xf32, #tpu.memory_space<vmem>> -> memref<1x8x128xf32, #tpu.memory_space<vmem>>
      %dma_start3A_344 = tpu.memref_squeeze %dma_start3A_343 : memref<1x8x128xf32, #tpu.memory_space<vmem>> -> memref<8x128xf32, #tpu.memory_space<vmem>>
      %dma_start3A_345 = tpu.memref_reshape %arg3 : memref<32x1000000xf32, #tpu.memory_space<hbm>> -> memref<4x8x1000000xf32, #tpu.memory_space<hbm>>
      %dma_start3A_346 = arith.constant 0 : i32
      %dma_start3A_347 = tpu.memref_slice %dma_start3A_345[%dma_start3A_339, %dma_start3A_346, %multiple_of3A_320] : memref<4x8x1000000xf32, #tpu.memory_space<hbm>> -> memref<1x8x128xf32, #tpu.memory_space<hbm>>
      %dma_start3A_348 = tpu.memref_squeeze %dma_start3A_347 : memref<1x8x128xf32, #tpu.memory_space<hbm>> -> memref<8x128xf32, #tpu.memory_space<hbm>>
      %dma_start3A_349 = arith.constant 8 : i32
      %dma_start3A_350 = arith.constant 0 : i32
      %dma_start3A_351 = tpu.memref_slice %arg8[%dma_start3A_340, %dma_start3A_349, %dma_start3A_350] : memref<16x32x128xf32, #tpu.memory_space<vmem>> -> memref<1x8x128xf32, #tpu.memory_space<vmem>>
      %dma_start3A_352 = tpu.memref_squeeze %dma_start3A_351 : memref<1x8x128xf32, #tpu.memory_space<vmem>> -> memref<8x128xf32, #tpu.memory_space<vmem>>
      %dma_start3A_353 = tpu.memref_reshape %arg3 : memref<32x1000000xf32, #tpu.memory_space<hbm>> -> memref<4x8x1000000xf32, #tpu.memory_space<hbm>>
      %dma_start3A_354 = arith.constant 0 : i32
      %dma_start3A_355 = tpu.memref_slice %dma_start3A_353[%dma_start3A_339, %dma_start3A_354, %multiple_of3A_320] : memref<4x8x1000000xf32, #tpu.memory_space<hbm>> -> memref<1x8x128xf32, #tpu.memory_space<hbm>>
      %dma_start3A_356 = tpu.memref_squeeze %dma_start3A_355 : memref<1x8x128xf32, #tpu.memory_space<hbm>> -> memref<8x128xf32, #tpu.memory_space<hbm>>
      tpu.enqueue_dma source(%dma_start3A_356 : memref<8x128xf32, #tpu.memory_space<hbm>>) target(%dma_start3A_352 : memref<8x128xf32, #tpu.memory_space<vmem>>) target_semaphore(%arg10 : memref<!tpu.dma_semaphore, #tpu.memory_space<semaphore_mem>>)
      %dma_start3A_357 = arith.constant 2 : i32
      %dma_start3A_358 = arith.constant 4 : i32
      %dma_start3A_359 = arith.constant 16 : i32
      %dma_start3A_360 = arith.constant 0 : i32
      %dma_start3A_361 = tpu.memref_slice %arg8[%dma_start3A_358, %dma_start3A_359, %dma_start3A_360] : memref<16x32x128xf32, #tpu.memory_space<vmem>> -> memref<1x8x128xf32, #tpu.memory_space<vmem>>
      %dma_start3A_362 = tpu.memref_squeeze %dma_start3A_361 : memref<1x8x128xf32, #tpu.memory_space<vmem>> -> memref<8x128xf32, #tpu.memory_space<vmem>>
      %dma_start3A_363 = tpu.memref_reshape %arg3 : memref<32x1000000xf32, #tpu.memory_space<hbm>> -> memref<4x8x1000000xf32, #tpu.memory_space<hbm>>
      %dma_start3A_364 = arith.constant 0 : i32
      %dma_start3A_365 = tpu.memref_slice %dma_start3A_363[%dma_start3A_357, %dma_start3A_364, %multiple_of3A_320] : memref<4x8x1000000xf32, #tpu.memory_space<hbm>> -> memref<1x8x128xf32, #tpu.memory_space<hbm>>
      %dma_start3A_366 = tpu.memref_squeeze %dma_start3A_365 : memref<1x8x128xf32, #tpu.memory_space<hbm>> -> memref<8x128xf32, #tpu.memory_space<hbm>>
      %dma_start3A_367 = arith.constant 16 : i32
      %dma_start3A_368 = arith.constant 0 : i32
      %dma_start3A_369 = tpu.memref_slice %arg8[%dma_start3A_358, %dma_start3A_367, %dma_start3A_368] : memref<16x32x128xf32, #tpu.memory_space<vmem>> -> memref<1x8x128xf32, #tpu.memory_space<vmem>>
      %dma_start3A_370 = tpu.memref_squeeze %dma_start3A_369 : memref<1x8x128xf32, #tpu.memory_space<vmem>> -> memref<8x128xf32, #tpu.memory_space<vmem>>
      %dma_start3A_371 = tpu.memref_reshape %arg3 : memref<32x1000000xf32, #tpu.memory_space<hbm>> -> memref<4x8x1000000xf32, #tpu.memory_space<hbm>>
      %dma_start3A_372 = arith.constant 0 : i32
      %dma_start3A_373 = tpu.memref_slice %dma_start3A_371[%dma_start3A_357, %dma_start3A_372, %multiple_of3A_320] : memref<4x8x1000000xf32, #tpu.memory_space<hbm>> -> memref<1x8x128xf32, #tpu.memory_space<hbm>>
      %dma_start3A_374 = tpu.memref_squeeze %dma_start3A_373 : memref<1x8x128xf32, #tpu.memory_space<hbm>> -> memref<8x128xf32, #tpu.memory_space<hbm>>
      tpu.enqueue_dma source(%dma_start3A_374 : memref<8x128xf32, #tpu.memory_space<hbm>>) target(%dma_start3A_370 : memref<8x128xf32, #tpu.memory_space<vmem>>) target_semaphore(%arg10 : memref<!tpu.dma_semaphore, #tpu.memory_space<semaphore_mem>>)
      %dma_start3A_375 = arith.constant 3 : i32
      %dma_start3A_376 = arith.constant 4 : i32
      %dma_start3A_377 = arith.constant 24 : i32
      %dma_start3A_378 = arith.constant 0 : i32
      %dma_start3A_379 = tpu.memref_slice %arg8[%dma_start3A_376, %dma_start3A_377, %dma_start3A_378] : memref<16x32x128xf32, #tpu.memory_space<vmem>> -> memref<1x8x128xf32, #tpu.memory_space<vmem>>
      %dma_start3A_380 = tpu.memref_squeeze %dma_start3A_379 : memref<1x8x128xf32, #tpu.memory_space<vmem>> -> memref<8x128xf32, #tpu.memory_space<vmem>>
      %dma_start3A_381 = tpu.memref_reshape %arg3 : memref<32x1000000xf32, #tpu.memory_space<hbm>> -> memref<4x8x1000000xf32, #tpu.memory_space<hbm>>
      %dma_start3A_382 = arith.constant 0 : i32
      %dma_start3A_383 = tpu.memref_slice %dma_start3A_381[%dma_start3A_375, %dma_start3A_382, %multiple_of3A_320] : memref<4x8x1000000xf32, #tpu.memory_space<hbm>> -> memref<1x8x128xf32, #tpu.memory_space<hbm>>
      %dma_start3A_384 = tpu.memref_squeeze %dma_start3A_383 : memref<1x8x128xf32, #tpu.memory_space<hbm>> -> memref<8x128xf32, #tpu.memory_space<hbm>>
      %dma_start3A_385 = arith.constant 24 : i32
      %dma_start3A_386 = arith.constant 0 : i32
      %dma_start3A_387 = tpu.memref_slice %arg8[%dma_start3A_376, %dma_start3A_385, %dma_start3A_386] : memref<16x32x128xf32, #tpu.memory_space<vmem>> -> memref<1x8x128xf32, #tpu.memory_space<vmem>>
      %dma_start3A_388 = tpu.memref_squeeze %dma_start3A_387 : memref<1x8x128xf32, #tpu.memory_space<vmem>> -> memref<8x128xf32, #tpu.memory_space<vmem>>
      %dma_start3A_389 = tpu.memref_reshape %arg3 : memref<32x1000000xf32, #tpu.memory_space<hbm>> -> memref<4x8x1000000xf32, #tpu.memory_space<hbm>>
      %dma_start3A_390 = arith.constant 0 : i32
      %dma_start3A_391 = tpu.memref_slice %dma_start3A_389[%dma_start3A_375, %dma_start3A_390, %multiple_of3A_320] : memref<4x8x1000000xf32, #tpu.memory_space<hbm>> -> memref<1x8x128xf32, #tpu.memory_space<hbm>>
      %dma_start3A_392 = tpu.memref_squeeze %dma_start3A_391 : memref<1x8x128xf32, #tpu.memory_space<hbm>> -> memref<8x128xf32, #tpu.memory_space<hbm>>
      tpu.enqueue_dma source(%dma_start3A_392 : memref<8x128xf32, #tpu.memory_space<hbm>>) target(%dma_start3A_388 : memref<8x128xf32, #tpu.memory_space<vmem>>) target_semaphore(%arg10 : memref<!tpu.dma_semaphore, #tpu.memory_space<semaphore_mem>>)
      %slice3A_393 = vector.extract_strided_slice %get3A_21 {offsets = [5], sizes = [1], strides = [1]} : vector<16xi32> to vector<1xi32>
      %squeeze3A_394 = vector.extract %slice3A_393[0] : i32 from vector<1xi32>
      %multiple_of3A_395 = tpu.assume_multiple %squeeze3A_394, 128 : i32
      %dma_start3A_396 = arith.constant 0 : i32
      %dma_start3A_397 = arith.constant 5 : i32
      %dma_start3A_398 = arith.constant 0 : i32
      %dma_start3A_399 = arith.constant 0 : i32
      %dma_start3A_400 = tpu.memref_slice %arg8[%dma_start3A_397, %dma_start3A_398, %dma_start3A_399] : memref<16x32x128xf32, #tpu.memory_space<vmem>> -> memref<1x8x128xf32, #tpu.memory_space<vmem>>
      %dma_start3A_401 = tpu.memref_squeeze %dma_start3A_400 : memref<1x8x128xf32, #tpu.memory_space<vmem>> -> memref<8x128xf32, #tpu.memory_space<vmem>>
      %dma_start3A_402 = tpu.memref_reshape %arg3 : memref<32x1000000xf32, #tpu.memory_space<hbm>> -> memref<4x8x1000000xf32, #tpu.memory_space<hbm>>
      %dma_start3A_403 = arith.constant 0 : i32
      %dma_start3A_404 = tpu.memref_slice %dma_start3A_402[%dma_start3A_396, %dma_start3A_403, %multiple_of3A_395] : memref<4x8x1000000xf32, #tpu.memory_space<hbm>> -> memref<1x8x128xf32, #tpu.memory_space<hbm>>
      %dma_start3A_405 = tpu.memref_squeeze %dma_start3A_404 : memref<1x8x128xf32, #tpu.memory_space<hbm>> -> memref<8x128xf32, #tpu.memory_space<hbm>>
      %dma_start3A_406 = arith.constant 0 : i32
      %dma_start3A_407 = arith.constant 0 : i32
      %dma_start3A_408 = tpu.memref_slice %arg8[%dma_start3A_397, %dma_start3A_406, %dma_start3A_407] : memref<16x32x128xf32, #tpu.memory_space<vmem>> -> memref<1x8x128xf32, #tpu.memory_space<vmem>>
      %dma_start3A_409 = tpu.memref_squeeze %dma_start3A_408 : memref<1x8x128xf32, #tpu.memory_space<vmem>> -> memref<8x128xf32, #tpu.memory_space<vmem>>
      %dma_start3A_410 = tpu.memref_reshape %arg3 : memref<32x1000000xf32, #tpu.memory_space<hbm>> -> memref<4x8x1000000xf32, #tpu.memory_space<hbm>>
      %dma_start3A_411 = arith.constant 0 : i32
      %dma_start3A_412 = tpu.memref_slice %dma_start3A_410[%dma_start3A_396, %dma_start3A_411, %multiple_of3A_395] : memref<4x8x1000000xf32, #tpu.memory_space<hbm>> -> memref<1x8x128xf32, #tpu.memory_space<hbm>>
      %dma_start3A_413 = tpu.memref_squeeze %dma_start3A_412 : memref<1x8x128xf32, #tpu.memory_space<hbm>> -> memref<8x128xf32, #tpu.memory_space<hbm>>
      tpu.enqueue_dma source(%dma_start3A_413 : memref<8x128xf32, #tpu.memory_space<hbm>>) target(%dma_start3A_409 : memref<8x128xf32, #tpu.memory_space<vmem>>) target_semaphore(%arg10 : memref<!tpu.dma_semaphore, #tpu.memory_space<semaphore_mem>>)
      %dma_start3A_414 = arith.constant 1 : i32
      %dma_start3A_415 = arith.constant 5 : i32
      %dma_start3A_416 = arith.constant 8 : i32
      %dma_start3A_417 = arith.constant 0 : i32
      %dma_start3A_418 = tpu.memref_slice %arg8[%dma_start3A_415, %dma_start3A_416, %dma_start3A_417] : memref<16x32x128xf32, #tpu.memory_space<vmem>> -> memref<1x8x128xf32, #tpu.memory_space<vmem>>
      %dma_start3A_419 = tpu.memref_squeeze %dma_start3A_418 : memref<1x8x128xf32, #tpu.memory_space<vmem>> -> memref<8x128xf32, #tpu.memory_space<vmem>>
      %dma_start3A_420 = tpu.memref_reshape %arg3 : memref<32x1000000xf32, #tpu.memory_space<hbm>> -> memref<4x8x1000000xf32, #tpu.memory_space<hbm>>
      %dma_start3A_421 = arith.constant 0 : i32
      %dma_start3A_422 = tpu.memref_slice %dma_start3A_420[%dma_start3A_414, %dma_start3A_421, %multiple_of3A_395] : memref<4x8x1000000xf32, #tpu.memory_space<hbm>> -> memref<1x8x128xf32, #tpu.memory_space<hbm>>
      %dma_start3A_423 = tpu.memref_squeeze %dma_start3A_422 : memref<1x8x128xf32, #tpu.memory_space<hbm>> -> memref<8x128xf32, #tpu.memory_space<hbm>>
      %dma_start3A_424 = arith.constant 8 : i32
      %dma_start3A_425 = arith.constant 0 : i32
      %dma_start3A_426 = tpu.memref_slice %arg8[%dma_start3A_415, %dma_start3A_424, %dma_start3A_425] : memref<16x32x128xf32, #tpu.memory_space<vmem>> -> memref<1x8x128xf32, #tpu.memory_space<vmem>>
      %dma_start3A_427 = tpu.memref_squeeze %dma_start3A_426 : memref<1x8x128xf32, #tpu.memory_space<vmem>> -> memref<8x128xf32, #tpu.memory_space<vmem>>
      %dma_start3A_428 = tpu.memref_reshape %arg3 : memref<32x1000000xf32, #tpu.memory_space<hbm>> -> memref<4x8x1000000xf32, #tpu.memory_space<hbm>>
      %dma_start3A_429 = arith.constant 0 : i32
      %dma_start3A_430 = tpu.memref_slice %dma_start3A_428[%dma_start3A_414, %dma_start3A_429, %multiple_of3A_395] : memref<4x8x1000000xf32, #tpu.memory_space<hbm>> -> memref<1x8x128xf32, #tpu.memory_space<hbm>>
      %dma_start3A_431 = tpu.memref_squeeze %dma_start3A_430 : memref<1x8x128xf32, #tpu.memory_space<hbm>> -> memref<8x128xf32, #tpu.memory_space<hbm>>
      tpu.enqueue_dma source(%dma_start3A_431 : memref<8x128xf32, #tpu.memory_space<hbm>>) target(%dma_start3A_427 : memref<8x128xf32, #tpu.memory_space<vmem>>) target_semaphore(%arg10 : memref<!tpu.dma_semaphore, #tpu.memory_space<semaphore_mem>>)
      %dma_start3A_432 = arith.constant 2 : i32
      %dma_start3A_433 = arith.constant 5 : i32
      %dma_start3A_434 = arith.constant 16 : i32
      %dma_start3A_435 = arith.constant 0 : i32
      %dma_start3A_436 = tpu.memref_slice %arg8[%dma_start3A_433, %dma_start3A_434, %dma_start3A_435] : memref<16x32x128xf32, #tpu.memory_space<vmem>> -> memref<1x8x128xf32, #tpu.memory_space<vmem>>
      %dma_start3A_437 = tpu.memref_squeeze %dma_start3A_436 : memref<1x8x128xf32, #tpu.memory_space<vmem>> -> memref<8x128xf32, #tpu.memory_space<vmem>>
      %dma_start3A_438 = tpu.memref_reshape %arg3 : memref<32x1000000xf32, #tpu.memory_space<hbm>> -> memref<4x8x1000000xf32, #tpu.memory_space<hbm>>
      %dma_start3A_439 = arith.constant 0 : i32
      %dma_start3A_440 = tpu.memref_slice %dma_start3A_438[%dma_start3A_432, %dma_start3A_439, %multiple_of3A_395] : memref<4x8x1000000xf32, #tpu.memory_space<hbm>> -> memref<1x8x128xf32, #tpu.memory_space<hbm>>
      %dma_start3A_441 = tpu.memref_squeeze %dma_start3A_440 : memref<1x8x128xf32, #tpu.memory_space<hbm>> -> memref<8x128xf32, #tpu.memory_space<hbm>>
      %dma_start3A_442 = arith.constant 16 : i32
      %dma_start3A_443 = arith.constant 0 : i32
      %dma_start3A_444 = tpu.memref_slice %arg8[%dma_start3A_433, %dma_start3A_442, %dma_start3A_443] : memref<16x32x128xf32, #tpu.memory_space<vmem>> -> memref<1x8x128xf32, #tpu.memory_space<vmem>>
      %dma_start3A_445 = tpu.memref_squeeze %dma_start3A_444 : memref<1x8x128xf32, #tpu.memory_space<vmem>> -> memref<8x128xf32, #tpu.memory_space<vmem>>
      %dma_start3A_446 = tpu.memref_reshape %arg3 : memref<32x1000000xf32, #tpu.memory_space<hbm>> -> memref<4x8x1000000xf32, #tpu.memory_space<hbm>>
      %dma_start3A_447 = arith.constant 0 : i32
      %dma_start3A_448 = tpu.memref_slice %dma_start3A_446[%dma_start3A_432, %dma_start3A_447, %multiple_of3A_395] : memref<4x8x1000000xf32, #tpu.memory_space<hbm>> -> memref<1x8x128xf32, #tpu.memory_space<hbm>>
      %dma_start3A_449 = tpu.memref_squeeze %dma_start3A_448 : memref<1x8x128xf32, #tpu.memory_space<hbm>> -> memref<8x128xf32, #tpu.memory_space<hbm>>
      tpu.enqueue_dma source(%dma_start3A_449 : memref<8x128xf32, #tpu.memory_space<hbm>>) target(%dma_start3A_445 : memref<8x128xf32, #tpu.memory_space<vmem>>) target_semaphore(%arg10 : memref<!tpu.dma_semaphore, #tpu.memory_space<semaphore_mem>>)
      %dma_start3A_450 = arith.constant 3 : i32
      %dma_start3A_451 = arith.constant 5 : i32
      %dma_start3A_452 = arith.constant 24 : i32
      %dma_start3A_453 = arith.constant 0 : i32
      %dma_start3A_454 = tpu.memref_slice %arg8[%dma_start3A_451, %dma_start3A_452, %dma_start3A_453] : memref<16x32x128xf32, #tpu.memory_space<vmem>> -> memref<1x8x128xf32, #tpu.memory_space<vmem>>
      %dma_start3A_455 = tpu.memref_squeeze %dma_start3A_454 : memref<1x8x128xf32, #tpu.memory_space<vmem>> -> memref<8x128xf32, #tpu.memory_space<vmem>>
      %dma_start3A_456 = tpu.memref_reshape %arg3 : memref<32x1000000xf32, #tpu.memory_space<hbm>> -> memref<4x8x1000000xf32, #tpu.memory_space<hbm>>
      %dma_start3A_457 = arith.constant 0 : i32
      %dma_start3A_458 = tpu.memref_slice %dma_start3A_456[%dma_start3A_450, %dma_start3A_457, %multiple_of3A_395] : memref<4x8x1000000xf32, #tpu.memory_space<hbm>> -> memref<1x8x128xf32, #tpu.memory_space<hbm>>
      %dma_start3A_459 = tpu.memref_squeeze %dma_start3A_458 : memref<1x8x128xf32, #tpu.memory_space<hbm>> -> memref<8x128xf32, #tpu.memory_space<hbm>>
      %dma_start3A_460 = arith.constant 24 : i32
      %dma_start3A_461 = arith.constant 0 : i32
      %dma_start3A_462 = tpu.memref_slice %arg8[%dma_start3A_451, %dma_start3A_460, %dma_start3A_461] : memref<16x32x128xf32, #tpu.memory_space<vmem>> -> memref<1x8x128xf32, #tpu.memory_space<vmem>>
      %dma_start3A_463 = tpu.memref_squeeze %dma_start3A_462 : memref<1x8x128xf32, #tpu.memory_space<vmem>> -> memref<8x128xf32, #tpu.memory_space<vmem>>
      %dma_start3A_464 = tpu.memref_reshape %arg3 : memref<32x1000000xf32, #tpu.memory_space<hbm>> -> memref<4x8x1000000xf32, #tpu.memory_space<hbm>>
      %dma_start3A_465 = arith.constant 0 : i32
      %dma_start3A_466 = tpu.memref_slice %dma_start3A_464[%dma_start3A_450, %dma_start3A_465, %multiple_of3A_395] : memref<4x8x1000000xf32, #tpu.memory_space<hbm>> -> memref<1x8x128xf32, #tpu.memory_space<hbm>>
      %dma_start3A_467 = tpu.memref_squeeze %dma_start3A_466 : memref<1x8x128xf32, #tpu.memory_space<hbm>> -> memref<8x128xf32, #tpu.memory_space<hbm>>
      tpu.enqueue_dma source(%dma_start3A_467 : memref<8x128xf32, #tpu.memory_space<hbm>>) target(%dma_start3A_463 : memref<8x128xf32, #tpu.memory_space<vmem>>) target_semaphore(%arg10 : memref<!tpu.dma_semaphore, #tpu.memory_space<semaphore_mem>>)
      %slice3A_468 = vector.extract_strided_slice %get3A_21 {offsets = [6], sizes = [1], strides = [1]} : vector<16xi32> to vector<1xi32>
      %squeeze3A_469 = vector.extract %slice3A_468[0] : i32 from vector<1xi32>
      %multiple_of3A_470 = tpu.assume_multiple %squeeze3A_469, 128 : i32
      %dma_start3A_471 = arith.constant 0 : i32
      %dma_start3A_472 = arith.constant 6 : i32
      %dma_start3A_473 = arith.constant 0 : i32
      %dma_start3A_474 = arith.constant 0 : i32
      %dma_start3A_475 = tpu.memref_slice %arg8[%dma_start3A_472, %dma_start3A_473, %dma_start3A_474] : memref<16x32x128xf32, #tpu.memory_space<vmem>> -> memref<1x8x128xf32, #tpu.memory_space<vmem>>
      %dma_start3A_476 = tpu.memref_squeeze %dma_start3A_475 : memref<1x8x128xf32, #tpu.memory_space<vmem>> -> memref<8x128xf32, #tpu.memory_space<vmem>>
      %dma_start3A_477 = tpu.memref_reshape %arg3 : memref<32x1000000xf32, #tpu.memory_space<hbm>> -> memref<4x8x1000000xf32, #tpu.memory_space<hbm>>
      %dma_start3A_478 = arith.constant 0 : i32
      %dma_start3A_479 = tpu.memref_slice %dma_start3A_477[%dma_start3A_471, %dma_start3A_478, %multiple_of3A_470] : memref<4x8x1000000xf32, #tpu.memory_space<hbm>> -> memref<1x8x128xf32, #tpu.memory_space<hbm>>
      %dma_start3A_480 = tpu.memref_squeeze %dma_start3A_479 : memref<1x8x128xf32, #tpu.memory_space<hbm>> -> memref<8x128xf32, #tpu.memory_space<hbm>>
      %dma_start3A_481 = arith.constant 0 : i32
      %dma_start3A_482 = arith.constant 0 : i32
      %dma_start3A_483 = tpu.memref_slice %arg8[%dma_start3A_472, %dma_start3A_481, %dma_start3A_482] : memref<16x32x128xf32, #tpu.memory_space<vmem>> -> memref<1x8x128xf32, #tpu.memory_space<vmem>>
      %dma_start3A_484 = tpu.memref_squeeze %dma_start3A_483 : memref<1x8x128xf32, #tpu.memory_space<vmem>> -> memref<8x128xf32, #tpu.memory_space<vmem>>
      %dma_start3A_485 = tpu.memref_reshape %arg3 : memref<32x1000000xf32, #tpu.memory_space<hbm>> -> memref<4x8x1000000xf32, #tpu.memory_space<hbm>>
      %dma_start3A_486 = arith.constant 0 : i32
      %dma_start3A_487 = tpu.memref_slice %dma_start3A_485[%dma_start3A_471, %dma_start3A_486, %multiple_of3A_470] : memref<4x8x1000000xf32, #tpu.memory_space<hbm>> -> memref<1x8x128xf32, #tpu.memory_space<hbm>>
      %dma_start3A_488 = tpu.memref_squeeze %dma_start3A_487 : memref<1x8x128xf32, #tpu.memory_space<hbm>> -> memref<8x128xf32, #tpu.memory_space<hbm>>
      tpu.enqueue_dma source(%dma_start3A_488 : memref<8x128xf32, #tpu.memory_space<hbm>>) target(%dma_start3A_484 : memref<8x128xf32, #tpu.memory_space<vmem>>) target_semaphore(%arg10 : memref<!tpu.dma_semaphore, #tpu.memory_space<semaphore_mem>>)
      %dma_start3A_489 = arith.constant 1 : i32
      %dma_start3A_490 = arith.constant 6 : i32
      %dma_start3A_491 = arith.constant 8 : i32
      %dma_start3A_492 = arith.constant 0 : i32
      %dma_start3A_493 = tpu.memref_slice %arg8[%dma_start3A_490, %dma_start3A_491, %dma_start3A_492] : memref<16x32x128xf32, #tpu.memory_space<vmem>> -> memref<1x8x128xf32, #tpu.memory_space<vmem>>
      %dma_start3A_494 = tpu.memref_squeeze %dma_start3A_493 : memref<1x8x128xf32, #tpu.memory_space<vmem>> -> memref<8x128xf32, #tpu.memory_space<vmem>>
      %dma_start3A_495 = tpu.memref_reshape %arg3 : memref<32x1000000xf32, #tpu.memory_space<hbm>> -> memref<4x8x1000000xf32, #tpu.memory_space<hbm>>
      %dma_start3A_496 = arith.constant 0 : i32
      %dma_start3A_497 = tpu.memref_slice %dma_start3A_495[%dma_start3A_489, %dma_start3A_496, %multiple_of3A_470] : memref<4x8x1000000xf32, #tpu.memory_space<hbm>> -> memref<1x8x128xf32, #tpu.memory_space<hbm>>
      %dma_start3A_498 = tpu.memref_squeeze %dma_start3A_497 : memref<1x8x128xf32, #tpu.memory_space<hbm>> -> memref<8x128xf32, #tpu.memory_space<hbm>>
      %dma_start3A_499 = arith.constant 8 : i32
      %dma_start3A_500 = arith.constant 0 : i32
      %dma_start3A_501 = tpu.memref_slice %arg8[%dma_start3A_490, %dma_start3A_499, %dma_start3A_500] : memref<16x32x128xf32, #tpu.memory_space<vmem>> -> memref<1x8x128xf32, #tpu.memory_space<vmem>>
      %dma_start3A_502 = tpu.memref_squeeze %dma_start3A_501 : memref<1x8x128xf32, #tpu.memory_space<vmem>> -> memref<8x128xf32, #tpu.memory_space<vmem>>
      %dma_start3A_503 = tpu.memref_reshape %arg3 : memref<32x1000000xf32, #tpu.memory_space<hbm>> -> memref<4x8x1000000xf32, #tpu.memory_space<hbm>>
      %dma_start3A_504 = arith.constant 0 : i32
      %dma_start3A_505 = tpu.memref_slice %dma_start3A_503[%dma_start3A_489, %dma_start3A_504, %multiple_of3A_470] : memref<4x8x1000000xf32, #tpu.memory_space<hbm>> -> memref<1x8x128xf32, #tpu.memory_space<hbm>>
      %dma_start3A_506 = tpu.memref_squeeze %dma_start3A_505 : memref<1x8x128xf32, #tpu.memory_space<hbm>> -> memref<8x128xf32, #tpu.memory_space<hbm>>
      tpu.enqueue_dma source(%dma_start3A_506 : memref<8x128xf32, #tpu.memory_space<hbm>>) target(%dma_start3A_502 : memref<8x128xf32, #tpu.memory_space<vmem>>) target_semaphore(%arg10 : memref<!tpu.dma_semaphore, #tpu.memory_space<semaphore_mem>>)
      %dma_start3A_507 = arith.constant 2 : i32
      %dma_start3A_508 = arith.constant 6 : i32
      %dma_start3A_509 = arith.constant 16 : i32
      %dma_start3A_510 = arith.constant 0 : i32
      %dma_start3A_511 = tpu.memref_slice %arg8[%dma_start3A_508, %dma_start3A_509, %dma_start3A_510] : memref<16x32x128xf32, #tpu.memory_space<vmem>> -> memref<1x8x128xf32, #tpu.memory_space<vmem>>
      %dma_start3A_512 = tpu.memref_squeeze %dma_start3A_511 : memref<1x8x128xf32, #tpu.memory_space<vmem>> -> memref<8x128xf32, #tpu.memory_space<vmem>>
      %dma_start3A_513 = tpu.memref_reshape %arg3 : memref<32x1000000xf32, #tpu.memory_space<hbm>> -> memref<4x8x1000000xf32, #tpu.memory_space<hbm>>
      %dma_start3A_514 = arith.constant 0 : i32
      %dma_start3A_515 = tpu.memref_slice %dma_start3A_513[%dma_start3A_507, %dma_start3A_514, %multiple_of3A_470] : memref<4x8x1000000xf32, #tpu.memory_space<hbm>> -> memref<1x8x128xf32, #tpu.memory_space<hbm>>
      %dma_start3A_516 = tpu.memref_squeeze %dma_start3A_515 : memref<1x8x128xf32, #tpu.memory_space<hbm>> -> memref<8x128xf32, #tpu.memory_space<hbm>>
      %dma_start3A_517 = arith.constant 16 : i32
      %dma_start3A_518 = arith.constant 0 : i32
      %dma_start3A_519 = tpu.memref_slice %arg8[%dma_start3A_508, %dma_start3A_517, %dma_start3A_518] : memref<16x32x128xf32, #tpu.memory_space<vmem>> -> memref<1x8x128xf32, #tpu.memory_space<vmem>>
      %dma_start3A_520 = tpu.memref_squeeze %dma_start3A_519 : memref<1x8x128xf32, #tpu.memory_space<vmem>> -> memref<8x128xf32, #tpu.memory_space<vmem>>
      %dma_start3A_521 = tpu.memref_reshape %arg3 : memref<32x1000000xf32, #tpu.memory_space<hbm>> -> memref<4x8x1000000xf32, #tpu.memory_space<hbm>>
      %dma_start3A_522 = arith.constant 0 : i32
      %dma_start3A_523 = tpu.memref_slice %dma_start3A_521[%dma_start3A_507, %dma_start3A_522, %multiple_of3A_470] : memref<4x8x1000000xf32, #tpu.memory_space<hbm>> -> memref<1x8x128xf32, #tpu.memory_space<hbm>>
      %dma_start3A_524 = tpu.memref_squeeze %dma_start3A_523 : memref<1x8x128xf32, #tpu.memory_space<hbm>> -> memref<8x128xf32, #tpu.memory_space<hbm>>
      tpu.enqueue_dma source(%dma_start3A_524 : memref<8x128xf32, #tpu.memory_space<hbm>>) target(%dma_start3A_520 : memref<8x128xf32, #tpu.memory_space<vmem>>) target_semaphore(%arg10 : memref<!tpu.dma_semaphore, #tpu.memory_space<semaphore_mem>>)
      %dma_start3A_525 = arith.constant 3 : i32
      %dma_start3A_526 = arith.constant 6 : i32
      %dma_start3A_527 = arith.constant 24 : i32
      %dma_start3A_528 = arith.constant 0 : i32
      %dma_start3A_529 = tpu.memref_slice %arg8[%dma_start3A_526, %dma_start3A_527, %dma_start3A_528] : memref<16x32x128xf32, #tpu.memory_space<vmem>> -> memref<1x8x128xf32, #tpu.memory_space<vmem>>
      %dma_start3A_530 = tpu.memref_squeeze %dma_start3A_529 : memref<1x8x128xf32, #tpu.memory_space<vmem>> -> memref<8x128xf32, #tpu.memory_space<vmem>>
      %dma_start3A_531 = tpu.memref_reshape %arg3 : memref<32x1000000xf32, #tpu.memory_space<hbm>> -> memref<4x8x1000000xf32, #tpu.memory_space<hbm>>
      %dma_start3A_532 = arith.constant 0 : i32
      %dma_start3A_533 = tpu.memref_slice %dma_start3A_531[%dma_start3A_525, %dma_start3A_532, %multiple_of3A_470] : memref<4x8x1000000xf32, #tpu.memory_space<hbm>> -> memref<1x8x128xf32, #tpu.memory_space<hbm>>
      %dma_start3A_534 = tpu.memref_squeeze %dma_start3A_533 : memref<1x8x128xf32, #tpu.memory_space<hbm>> -> memref<8x128xf32, #tpu.memory_space<hbm>>
      %dma_start3A_535 = arith.constant 24 : i32
      %dma_start3A_536 = arith.constant 0 : i32
      %dma_start3A_537 = tpu.memref_slice %arg8[%dma_start3A_526, %dma_start3A_535, %dma_start3A_536] : memref<16x32x128xf32, #tpu.memory_space<vmem>> -> memref<1x8x128xf32, #tpu.memory_space<vmem>>
      %dma_start3A_538 = tpu.memref_squeeze %dma_start3A_537 : memref<1x8x128xf32, #tpu.memory_space<vmem>> -> memref<8x128xf32, #tpu.memory_space<vmem>>
      %dma_start3A_539 = tpu.memref_reshape %arg3 : memref<32x1000000xf32, #tpu.memory_space<hbm>> -> memref<4x8x1000000xf32, #tpu.memory_space<hbm>>
      %dma_start3A_540 = arith.constant 0 : i32
      %dma_start3A_541 = tpu.memref_slice %dma_start3A_539[%dma_start3A_525, %dma_start3A_540, %multiple_of3A_470] : memref<4x8x1000000xf32, #tpu.memory_space<hbm>> -> memref<1x8x128xf32, #tpu.memory_space<hbm>>
      %dma_start3A_542 = tpu.memref_squeeze %dma_start3A_541 : memref<1x8x128xf32, #tpu.memory_space<hbm>> -> memref<8x128xf32, #tpu.memory_space<hbm>>
      tpu.enqueue_dma source(%dma_start3A_542 : memref<8x128xf32, #tpu.memory_space<hbm>>) target(%dma_start3A_538 : memref<8x128xf32, #tpu.memory_space<vmem>>) target_semaphore(%arg10 : memref<!tpu.dma_semaphore, #tpu.memory_space<semaphore_mem>>)
      %slice3A_543 = vector.extract_strided_slice %get3A_21 {offsets = [7], sizes = [1], strides = [1]} : vector<16xi32> to vector<1xi32>
      %squeeze3A_544 = vector.extract %slice3A_543[0] : i32 from vector<1xi32>
      %multiple_of3A_545 = tpu.assume_multiple %squeeze3A_544, 128 : i32
      %dma_start3A_546 = arith.constant 0 : i32
      %dma_start3A_547 = arith.constant 7 : i32
      %dma_start3A_548 = arith.constant 0 : i32
      %dma_start3A_549 = arith.constant 0 : i32
      %dma_start3A_550 = tpu.memref_slice %arg8[%dma_start3A_547, %dma_start3A_548, %dma_start3A_549] : memref<16x32x128xf32, #tpu.memory_space<vmem>> -> memref<1x8x128xf32, #tpu.memory_space<vmem>>
      %dma_start3A_551 = tpu.memref_squeeze %dma_start3A_550 : memref<1x8x128xf32, #tpu.memory_space<vmem>> -> memref<8x128xf32, #tpu.memory_space<vmem>>
      %dma_start3A_552 = tpu.memref_reshape %arg3 : memref<32x1000000xf32, #tpu.memory_space<hbm>> -> memref<4x8x1000000xf32, #tpu.memory_space<hbm>>
      %dma_start3A_553 = arith.constant 0 : i32
      %dma_start3A_554 = tpu.memref_slice %dma_start3A_552[%dma_start3A_546, %dma_start3A_553, %multiple_of3A_545] : memref<4x8x1000000xf32, #tpu.memory_space<hbm>> -> memref<1x8x128xf32, #tpu.memory_space<hbm>>
      %dma_start3A_555 = tpu.memref_squeeze %dma_start3A_554 : memref<1x8x128xf32, #tpu.memory_space<hbm>> -> memref<8x128xf32, #tpu.memory_space<hbm>>
      %dma_start3A_556 = arith.constant 0 : i32
      %dma_start3A_557 = arith.constant 0 : i32
      %dma_start3A_558 = tpu.memref_slice %arg8[%dma_start3A_547, %dma_start3A_556, %dma_start3A_557] : memref<16x32x128xf32, #tpu.memory_space<vmem>> -> memref<1x8x128xf32, #tpu.memory_space<vmem>>
      %dma_start3A_559 = tpu.memref_squeeze %dma_start3A_558 : memref<1x8x128xf32, #tpu.memory_space<vmem>> -> memref<8x128xf32, #tpu.memory_space<vmem>>
      %dma_start3A_560 = tpu.memref_reshape %arg3 : memref<32x1000000xf32, #tpu.memory_space<hbm>> -> memref<4x8x1000000xf32, #tpu.memory_space<hbm>>
      %dma_start3A_561 = arith.constant 0 : i32
      %dma_start3A_562 = tpu.memref_slice %dma_start3A_560[%dma_start3A_546, %dma_start3A_561, %multiple_of3A_545] : memref<4x8x1000000xf32, #tpu.memory_space<hbm>> -> memref<1x8x128xf32, #tpu.memory_space<hbm>>
      %dma_start3A_563 = tpu.memref_squeeze %dma_start3A_562 : memref<1x8x128xf32, #tpu.memory_space<hbm>> -> memref<8x128xf32, #tpu.memory_space<hbm>>
      tpu.enqueue_dma source(%dma_start3A_563 : memref<8x128xf32, #tpu.memory_space<hbm>>) target(%dma_start3A_559 : memref<8x128xf32, #tpu.memory_space<vmem>>) target_semaphore(%arg10 : memref<!tpu.dma_semaphore, #tpu.memory_space<semaphore_mem>>)
      %dma_start3A_564 = arith.constant 1 : i32
      %dma_start3A_565 = arith.constant 7 : i32
      %dma_start3A_566 = arith.constant 8 : i32
      %dma_start3A_567 = arith.constant 0 : i32
      %dma_start3A_568 = tpu.memref_slice %arg8[%dma_start3A_565, %dma_start3A_566, %dma_start3A_567] : memref<16x32x128xf32, #tpu.memory_space<vmem>> -> memref<1x8x128xf32, #tpu.memory_space<vmem>>
      %dma_start3A_569 = tpu.memref_squeeze %dma_start3A_568 : memref<1x8x128xf32, #tpu.memory_space<vmem>> -> memref<8x128xf32, #tpu.memory_space<vmem>>
      %dma_start3A_570 = tpu.memref_reshape %arg3 : memref<32x1000000xf32, #tpu.memory_space<hbm>> -> memref<4x8x1000000xf32, #tpu.memory_space<hbm>>
      %dma_start3A_571 = arith.constant 0 : i32
      %dma_start3A_572 = tpu.memref_slice %dma_start3A_570[%dma_start3A_564, %dma_start3A_571, %multiple_of3A_545] : memref<4x8x1000000xf32, #tpu.memory_space<hbm>> -> memref<1x8x128xf32, #tpu.memory_space<hbm>>
      %dma_start3A_573 = tpu.memref_squeeze %dma_start3A_572 : memref<1x8x128xf32, #tpu.memory_space<hbm>> -> memref<8x128xf32, #tpu.memory_space<hbm>>
      %dma_start3A_574 = arith.constant 8 : i32
      %dma_start3A_575 = arith.constant 0 : i32
      %dma_start3A_576 = tpu.memref_slice %arg8[%dma_start3A_565, %dma_start3A_574, %dma_start3A_575] : memref<16x32x128xf32, #tpu.memory_space<vmem>> -> memref<1x8x128xf32, #tpu.memory_space<vmem>>
      %dma_start3A_577 = tpu.memref_squeeze %dma_start3A_576 : memref<1x8x128xf32, #tpu.memory_space<vmem>> -> memref<8x128xf32, #tpu.memory_space<vmem>>
      %dma_start3A_578 = tpu.memref_reshape %arg3 : memref<32x1000000xf32, #tpu.memory_space<hbm>> -> memref<4x8x1000000xf32, #tpu.memory_space<hbm>>
      %dma_start3A_579 = arith.constant 0 : i32
      %dma_start3A_580 = tpu.memref_slice %dma_start3A_578[%dma_start3A_564, %dma_start3A_579, %multiple_of3A_545] : memref<4x8x1000000xf32, #tpu.memory_space<hbm>> -> memref<1x8x128xf32, #tpu.memory_space<hbm>>
      %dma_start3A_581 = tpu.memref_squeeze %dma_start3A_580 : memref<1x8x128xf32, #tpu.memory_space<hbm>> -> memref<8x128xf32, #tpu.memory_space<hbm>>
      tpu.enqueue_dma source(%dma_start3A_581 : memref<8x128xf32, #tpu.memory_space<hbm>>) target(%dma_start3A_577 : memref<8x128xf32, #tpu.memory_space<vmem>>) target_semaphore(%arg10 : memref<!tpu.dma_semaphore, #tpu.memory_space<semaphore_mem>>)
      %dma_start3A_582 = arith.constant 2 : i32
      %dma_start3A_583 = arith.constant 7 : i32
      %dma_start3A_584 = arith.constant 16 : i32
      %dma_start3A_585 = arith.constant 0 : i32
      %dma_start3A_586 = tpu.memref_slice %arg8[%dma_start3A_583, %dma_start3A_584, %dma_start3A_585] : memref<16x32x128xf32, #tpu.memory_space<vmem>> -> memref<1x8x128xf32, #tpu.memory_space<vmem>>
      %dma_start3A_587 = tpu.memref_squeeze %dma_start3A_586 : memref<1x8x128xf32, #tpu.memory_space<vmem>> -> memref<8x128xf32, #tpu.memory_space<vmem>>
      %dma_start3A_588 = tpu.memref_reshape %arg3 : memref<32x1000000xf32, #tpu.memory_space<hbm>> -> memref<4x8x1000000xf32, #tpu.memory_space<hbm>>
      %dma_start3A_589 = arith.constant 0 : i32
      %dma_start3A_590 = tpu.memref_slice %dma_start3A_588[%dma_start3A_582, %dma_start3A_589, %multiple_of3A_545] : memref<4x8x1000000xf32, #tpu.memory_space<hbm>> -> memref<1x8x128xf32, #tpu.memory_space<hbm>>
      %dma_start3A_591 = tpu.memref_squeeze %dma_start3A_590 : memref<1x8x128xf32, #tpu.memory_space<hbm>> -> memref<8x128xf32, #tpu.memory_space<hbm>>
      %dma_start3A_592 = arith.constant 16 : i32
      %dma_start3A_593 = arith.constant 0 : i32
      %dma_start3A_594 = tpu.memref_slice %arg8[%dma_start3A_583, %dma_start3A_592, %dma_start3A_593] : memref<16x32x128xf32, #tpu.memory_space<vmem>> -> memref<1x8x128xf32, #tpu.memory_space<vmem>>
      %dma_start3A_595 = tpu.memref_squeeze %dma_start3A_594 : memref<1x8x128xf32, #tpu.memory_space<vmem>> -> memref<8x128xf32, #tpu.memory_space<vmem>>
      %dma_start3A_596 = tpu.memref_reshape %arg3 : memref<32x1000000xf32, #tpu.memory_space<hbm>> -> memref<4x8x1000000xf32, #tpu.memory_space<hbm>>
      %dma_start3A_597 = arith.constant 0 : i32
      %dma_start3A_598 = tpu.memref_slice %dma_start3A_596[%dma_start3A_582, %dma_start3A_597, %multiple_of3A_545] : memref<4x8x1000000xf32, #tpu.memory_space<hbm>> -> memref<1x8x128xf32, #tpu.memory_space<hbm>>
      %dma_start3A_599 = tpu.memref_squeeze %dma_start3A_598 : memref<1x8x128xf32, #tpu.memory_space<hbm>> -> memref<8x128xf32, #tpu.memory_space<hbm>>
      tpu.enqueue_dma source(%dma_start3A_599 : memref<8x128xf32, #tpu.memory_space<hbm>>) target(%dma_start3A_595 : memref<8x128xf32, #tpu.memory_space<vmem>>) target_semaphore(%arg10 : memref<!tpu.dma_semaphore, #tpu.memory_space<semaphore_mem>>)
      %dma_start3A_600 = arith.constant 3 : i32
      %dma_start3A_601 = arith.constant 7 : i32
      %dma_start3A_602 = arith.constant 24 : i32
      %dma_start3A_603 = arith.constant 0 : i32
      %dma_start3A_604 = tpu.memref_slice %arg8[%dma_start3A_601, %dma_start3A_602, %dma_start3A_603] : memref<16x32x128xf32, #tpu.memory_space<vmem>> -> memref<1x8x128xf32, #tpu.memory_space<vmem>>
      %dma_start3A_605 = tpu.memref_squeeze %dma_start3A_604 : memref<1x8x128xf32, #tpu.memory_space<vmem>> -> memref<8x128xf32, #tpu.memory_space<vmem>>
      %dma_start3A_606 = tpu.memref_reshape %arg3 : memref<32x1000000xf32, #tpu.memory_space<hbm>> -> memref<4x8x1000000xf32, #tpu.memory_space<hbm>>
      %dma_start3A_607 = arith.constant 0 : i32
      %dma_start3A_608 = tpu.memref_slice %dma_start3A_606[%dma_start3A_600, %dma_start3A_607, %multiple_of3A_545] : memref<4x8x1000000xf32, #tpu.memory_space<hbm>> -> memref<1x8x128xf32, #tpu.memory_space<hbm>>
      %dma_start3A_609 = tpu.memref_squeeze %dma_start3A_608 : memref<1x8x128xf32, #tpu.memory_space<hbm>> -> memref<8x128xf32, #tpu.memory_space<hbm>>
      %dma_start3A_610 = arith.constant 24 : i32
      %dma_start3A_611 = arith.constant 0 : i32
      %dma_start3A_612 = tpu.memref_slice %arg8[%dma_start3A_601, %dma_start3A_610, %dma_start3A_611] : memref<16x32x128xf32, #tpu.memory_space<vmem>> -> memref<1x8x128xf32, #tpu.memory_space<vmem>>
      %dma_start3A_613 = tpu.memref_squeeze %dma_start3A_612 : memref<1x8x128xf32, #tpu.memory_space<vmem>> -> memref<8x128xf32, #tpu.memory_space<vmem>>
      %dma_start3A_614 = tpu.memref_reshape %arg3 : memref<32x1000000xf32, #tpu.memory_space<hbm>> -> memref<4x8x1000000xf32, #tpu.memory_space<hbm>>
      %dma_start3A_615 = arith.constant 0 : i32
      %dma_start3A_616 = tpu.memref_slice %dma_start3A_614[%dma_start3A_600, %dma_start3A_615, %multiple_of3A_545] : memref<4x8x1000000xf32, #tpu.memory_space<hbm>> -> memref<1x8x128xf32, #tpu.memory_space<hbm>>
      %dma_start3A_617 = tpu.memref_squeeze %dma_start3A_616 : memref<1x8x128xf32, #tpu.memory_space<hbm>> -> memref<8x128xf32, #tpu.memory_space<hbm>>
      tpu.enqueue_dma source(%dma_start3A_617 : memref<8x128xf32, #tpu.memory_space<hbm>>) target(%dma_start3A_613 : memref<8x128xf32, #tpu.memory_space<vmem>>) target_semaphore(%arg10 : memref<!tpu.dma_semaphore, #tpu.memory_space<semaphore_mem>>)
      %slice3A_618 = vector.extract_strided_slice %get3A_21 {offsets = [8], sizes = [1], strides = [1]} : vector<16xi32> to vector<1xi32>
      %squeeze3A_619 = vector.extract %slice3A_618[0] : i32 from vector<1xi32>
      %multiple_of3A_620 = tpu.assume_multiple %squeeze3A_619, 128 : i32
      %dma_start3A_621 = arith.constant 0 : i32
      %dma_start3A_622 = arith.constant 8 : i32
      %dma_start3A_623 = arith.constant 0 : i32
      %dma_start3A_624 = arith.constant 0 : i32
      %dma_start3A_625 = tpu.memref_slice %arg8[%dma_start3A_622, %dma_start3A_623, %dma_start3A_624] : memref<16x32x128xf32, #tpu.memory_space<vmem>> -> memref<1x8x128xf32, #tpu.memory_space<vmem>>
      %dma_start3A_626 = tpu.memref_squeeze %dma_start3A_625 : memref<1x8x128xf32, #tpu.memory_space<vmem>> -> memref<8x128xf32, #tpu.memory_space<vmem>>
      %dma_start3A_627 = tpu.memref_reshape %arg3 : memref<32x1000000xf32, #tpu.memory_space<hbm>> -> memref<4x8x1000000xf32, #tpu.memory_space<hbm>>
      %dma_start3A_628 = arith.constant 0 : i32
      %dma_start3A_629 = tpu.memref_slice %dma_start3A_627[%dma_start3A_621, %dma_start3A_628, %multiple_of3A_620] : memref<4x8x1000000xf32, #tpu.memory_space<hbm>> -> memref<1x8x128xf32, #tpu.memory_space<hbm>>
      %dma_start3A_630 = tpu.memref_squeeze %dma_start3A_629 : memref<1x8x128xf32, #tpu.memory_space<hbm>> -> memref<8x128xf32, #tpu.memory_space<hbm>>
      %dma_start3A_631 = arith.constant 0 : i32
      %dma_start3A_632 = arith.constant 0 : i32
      %dma_start3A_633 = tpu.memref_slice %arg8[%dma_start3A_622, %dma_start3A_631, %dma_start3A_632] : memref<16x32x128xf32, #tpu.memory_space<vmem>> -> memref<1x8x128xf32, #tpu.memory_space<vmem>>
      %dma_start3A_634 = tpu.memref_squeeze %dma_start3A_633 : memref<1x8x128xf32, #tpu.memory_space<vmem>> -> memref<8x128xf32, #tpu.memory_space<vmem>>
      %dma_start3A_635 = tpu.memref_reshape %arg3 : memref<32x1000000xf32, #tpu.memory_space<hbm>> -> memref<4x8x1000000xf32, #tpu.memory_space<hbm>>
      %dma_start3A_636 = arith.constant 0 : i32
      %dma_start3A_637 = tpu.memref_slice %dma_start3A_635[%dma_start3A_621, %dma_start3A_636, %multiple_of3A_620] : memref<4x8x1000000xf32, #tpu.memory_space<hbm>> -> memref<1x8x128xf32, #tpu.memory_space<hbm>>
      %dma_start3A_638 = tpu.memref_squeeze %dma_start3A_637 : memref<1x8x128xf32, #tpu.memory_space<hbm>> -> memref<8x128xf32, #tpu.memory_space<hbm>>
      tpu.enqueue_dma source(%dma_start3A_638 : memref<8x128xf32, #tpu.memory_space<hbm>>) target(%dma_start3A_634 : memref<8x128xf32, #tpu.memory_space<vmem>>) target_semaphore(%arg10 : memref<!tpu.dma_semaphore, #tpu.memory_space<semaphore_mem>>)
      %dma_start3A_639 = arith.constant 1 : i32
      %dma_start3A_640 = arith.constant 8 : i32
      %dma_start3A_641 = arith.constant 8 : i32
      %dma_start3A_642 = arith.constant 0 : i32
      %dma_start3A_643 = tpu.memref_slice %arg8[%dma_start3A_640, %dma_start3A_641, %dma_start3A_642] : memref<16x32x128xf32, #tpu.memory_space<vmem>> -> memref<1x8x128xf32, #tpu.memory_space<vmem>>
      %dma_start3A_644 = tpu.memref_squeeze %dma_start3A_643 : memref<1x8x128xf32, #tpu.memory_space<vmem>> -> memref<8x128xf32, #tpu.memory_space<vmem>>
      %dma_start3A_645 = tpu.memref_reshape %arg3 : memref<32x1000000xf32, #tpu.memory_space<hbm>> -> memref<4x8x1000000xf32, #tpu.memory_space<hbm>>
      %dma_start3A_646 = arith.constant 0 : i32
      %dma_start3A_647 = tpu.memref_slice %dma_start3A_645[%dma_start3A_639, %dma_start3A_646, %multiple_of3A_620] : memref<4x8x1000000xf32, #tpu.memory_space<hbm>> -> memref<1x8x128xf32, #tpu.memory_space<hbm>>
      %dma_start3A_648 = tpu.memref_squeeze %dma_start3A_647 : memref<1x8x128xf32, #tpu.memory_space<hbm>> -> memref<8x128xf32, #tpu.memory_space<hbm>>
      %dma_start3A_649 = arith.constant 8 : i32
      %dma_start3A_650 = arith.constant 0 : i32
      %dma_start3A_651 = tpu.memref_slice %arg8[%dma_start3A_640, %dma_start3A_649, %dma_start3A_650] : memref<16x32x128xf32, #tpu.memory_space<vmem>> -> memref<1x8x128xf32, #tpu.memory_space<vmem>>
      %dma_start3A_652 = tpu.memref_squeeze %dma_start3A_651 : memref<1x8x128xf32, #tpu.memory_space<vmem>> -> memref<8x128xf32, #tpu.memory_space<vmem>>
      %dma_start3A_653 = tpu.memref_reshape %arg3 : memref<32x1000000xf32, #tpu.memory_space<hbm>> -> memref<4x8x1000000xf32, #tpu.memory_space<hbm>>
      %dma_start3A_654 = arith.constant 0 : i32
      %dma_start3A_655 = tpu.memref_slice %dma_start3A_653[%dma_start3A_639, %dma_start3A_654, %multiple_of3A_620] : memref<4x8x1000000xf32, #tpu.memory_space<hbm>> -> memref<1x8x128xf32, #tpu.memory_space<hbm>>
      %dma_start3A_656 = tpu.memref_squeeze %dma_start3A_655 : memref<1x8x128xf32, #tpu.memory_space<hbm>> -> memref<8x128xf32, #tpu.memory_space<hbm>>
      tpu.enqueue_dma source(%dma_start3A_656 : memref<8x128xf32, #tpu.memory_space<hbm>>) target(%dma_start3A_652 : memref<8x128xf32, #tpu.memory_space<vmem>>) target_semaphore(%arg10 : memref<!tpu.dma_semaphore, #tpu.memory_space<semaphore_mem>>)
      %dma_start3A_657 = arith.constant 2 : i32
      %dma_start3A_658 = arith.constant 8 : i32
      %dma_start3A_659 = arith.constant 16 : i32
      %dma_start3A_660 = arith.constant 0 : i32
      %dma_start3A_661 = tpu.memref_slice %arg8[%dma_start3A_658, %dma_start3A_659, %dma_start3A_660] : memref<16x32x128xf32, #tpu.memory_space<vmem>> -> memref<1x8x128xf32, #tpu.memory_space<vmem>>
      %dma_start3A_662 = tpu.memref_squeeze %dma_start3A_661 : memref<1x8x128xf32, #tpu.memory_space<vmem>> -> memref<8x128xf32, #tpu.memory_space<vmem>>
      %dma_start3A_663 = tpu.memref_reshape %arg3 : memref<32x1000000xf32, #tpu.memory_space<hbm>> -> memref<4x8x1000000xf32, #tpu.memory_space<hbm>>
      %dma_start3A_664 = arith.constant 0 : i32
      %dma_start3A_665 = tpu.memref_slice %dma_start3A_663[%dma_start3A_657, %dma_start3A_664, %multiple_of3A_620] : memref<4x8x1000000xf32, #tpu.memory_space<hbm>> -> memref<1x8x128xf32, #tpu.memory_space<hbm>>
      %dma_start3A_666 = tpu.memref_squeeze %dma_start3A_665 : memref<1x8x128xf32, #tpu.memory_space<hbm>> -> memref<8x128xf32, #tpu.memory_space<hbm>>
      %dma_start3A_667 = arith.constant 16 : i32
      %dma_start3A_668 = arith.constant 0 : i32
      %dma_start3A_669 = tpu.memref_slice %arg8[%dma_start3A_658, %dma_start3A_667, %dma_start3A_668] : memref<16x32x128xf32, #tpu.memory_space<vmem>> -> memref<1x8x128xf32, #tpu.memory_space<vmem>>
      %dma_start3A_670 = tpu.memref_squeeze %dma_start3A_669 : memref<1x8x128xf32, #tpu.memory_space<vmem>> -> memref<8x128xf32, #tpu.memory_space<vmem>>
      %dma_start3A_671 = tpu.memref_reshape %arg3 : memref<32x1000000xf32, #tpu.memory_space<hbm>> -> memref<4x8x1000000xf32, #tpu.memory_space<hbm>>
      %dma_start3A_672 = arith.constant 0 : i32
      %dma_start3A_673 = tpu.memref_slice %dma_start3A_671[%dma_start3A_657, %dma_start3A_672, %multiple_of3A_620] : memref<4x8x1000000xf32, #tpu.memory_space<hbm>> -> memref<1x8x128xf32, #tpu.memory_space<hbm>>
      %dma_start3A_674 = tpu.memref_squeeze %dma_start3A_673 : memref<1x8x128xf32, #tpu.memory_space<hbm>> -> memref<8x128xf32, #tpu.memory_space<hbm>>
      tpu.enqueue_dma source(%dma_start3A_674 : memref<8x128xf32, #tpu.memory_space<hbm>>) target(%dma_start3A_670 : memref<8x128xf32, #tpu.memory_space<vmem>>) target_semaphore(%arg10 : memref<!tpu.dma_semaphore, #tpu.memory_space<semaphore_mem>>)
      %dma_start3A_675 = arith.constant 3 : i32
      %dma_start3A_676 = arith.constant 8 : i32
      %dma_start3A_677 = arith.constant 24 : i32
      %dma_start3A_678 = arith.constant 0 : i32
      %dma_start3A_679 = tpu.memref_slice %arg8[%dma_start3A_676, %dma_start3A_677, %dma_start3A_678] : memref<16x32x128xf32, #tpu.memory_space<vmem>> -> memref<1x8x128xf32, #tpu.memory_space<vmem>>
      %dma_start3A_680 = tpu.memref_squeeze %dma_start3A_679 : memref<1x8x128xf32, #tpu.memory_space<vmem>> -> memref<8x128xf32, #tpu.memory_space<vmem>>
      %dma_start3A_681 = tpu.memref_reshape %arg3 : memref<32x1000000xf32, #tpu.memory_space<hbm>> -> memref<4x8x1000000xf32, #tpu.memory_space<hbm>>
      %dma_start3A_682 = arith.constant 0 : i32
      %dma_start3A_683 = tpu.memref_slice %dma_start3A_681[%dma_start3A_675, %dma_start3A_682, %multiple_of3A_620] : memref<4x8x1000000xf32, #tpu.memory_space<hbm>> -> memref<1x8x128xf32, #tpu.memory_space<hbm>>
      %dma_start3A_684 = tpu.memref_squeeze %dma_start3A_683 : memref<1x8x128xf32, #tpu.memory_space<hbm>> -> memref<8x128xf32, #tpu.memory_space<hbm>>
      %dma_start3A_685 = arith.constant 24 : i32
      %dma_start3A_686 = arith.constant 0 : i32
      %dma_start3A_687 = tpu.memref_slice %arg8[%dma_start3A_676, %dma_start3A_685, %dma_start3A_686] : memref<16x32x128xf32, #tpu.memory_space<vmem>> -> memref<1x8x128xf32, #tpu.memory_space<vmem>>
      %dma_start3A_688 = tpu.memref_squeeze %dma_start3A_687 : memref<1x8x128xf32, #tpu.memory_space<vmem>> -> memref<8x128xf32, #tpu.memory_space<vmem>>
      %dma_start3A_689 = tpu.memref_reshape %arg3 : memref<32x1000000xf32, #tpu.memory_space<hbm>> -> memref<4x8x1000000xf32, #tpu.memory_space<hbm>>
      %dma_start3A_690 = arith.constant 0 : i32
      %dma_start3A_691 = tpu.memref_slice %dma_start3A_689[%dma_start3A_675, %dma_start3A_690, %multiple_of3A_620] : memref<4x8x1000000xf32, #tpu.memory_space<hbm>> -> memref<1x8x128xf32, #tpu.memory_space<hbm>>
      %dma_start3A_692 = tpu.memref_squeeze %dma_start3A_691 : memref<1x8x128xf32, #tpu.memory_space<hbm>> -> memref<8x128xf32, #tpu.memory_space<hbm>>
      tpu.enqueue_dma source(%dma_start3A_692 : memref<8x128xf32, #tpu.memory_space<hbm>>) target(%dma_start3A_688 : memref<8x128xf32, #tpu.memory_space<vmem>>) target_semaphore(%arg10 : memref<!tpu.dma_semaphore, #tpu.memory_space<semaphore_mem>>)
      %slice3A_693 = vector.extract_strided_slice %get3A_21 {offsets = [9], sizes = [1], strides = [1]} : vector<16xi32> to vector<1xi32>
      %squeeze3A_694 = vector.extract %slice3A_693[0] : i32 from vector<1xi32>
      %multiple_of3A_695 = tpu.assume_multiple %squeeze3A_694, 128 : i32
      %dma_start3A_696 = arith.constant 0 : i32
      %dma_start3A_697 = arith.constant 9 : i32
      %dma_start3A_698 = arith.constant 0 : i32
      %dma_start3A_699 = arith.constant 0 : i32
      %dma_start3A_700 = tpu.memref_slice %arg8[%dma_start3A_697, %dma_start3A_698, %dma_start3A_699] : memref<16x32x128xf32, #tpu.memory_space<vmem>> -> memref<1x8x128xf32, #tpu.memory_space<vmem>>
      %dma_start3A_701 = tpu.memref_squeeze %dma_start3A_700 : memref<1x8x128xf32, #tpu.memory_space<vmem>> -> memref<8x128xf32, #tpu.memory_space<vmem>>
      %dma_start3A_702 = tpu.memref_reshape %arg3 : memref<32x1000000xf32, #tpu.memory_space<hbm>> -> memref<4x8x1000000xf32, #tpu.memory_space<hbm>>
      %dma_start3A_703 = arith.constant 0 : i32
      %dma_start3A_704 = tpu.memref_slice %dma_start3A_702[%dma_start3A_696, %dma_start3A_703, %multiple_of3A_695] : memref<4x8x1000000xf32, #tpu.memory_space<hbm>> -> memref<1x8x128xf32, #tpu.memory_space<hbm>>
      %dma_start3A_705 = tpu.memref_squeeze %dma_start3A_704 : memref<1x8x128xf32, #tpu.memory_space<hbm>> -> memref<8x128xf32, #tpu.memory_space<hbm>>
      %dma_start3A_706 = arith.constant 0 : i32
      %dma_start3A_707 = arith.constant 0 : i32
      %dma_start3A_708 = tpu.memref_slice %arg8[%dma_start3A_697, %dma_start3A_706, %dma_start3A_707] : memref<16x32x128xf32, #tpu.memory_space<vmem>> -> memref<1x8x128xf32, #tpu.memory_space<vmem>>
      %dma_start3A_709 = tpu.memref_squeeze %dma_start3A_708 : memref<1x8x128xf32, #tpu.memory_space<vmem>> -> memref<8x128xf32, #tpu.memory_space<vmem>>
      %dma_start3A_710 = tpu.memref_reshape %arg3 : memref<32x1000000xf32, #tpu.memory_space<hbm>> -> memref<4x8x1000000xf32, #tpu.memory_space<hbm>>
      %dma_start3A_711 = arith.constant 0 : i32
      %dma_start3A_712 = tpu.memref_slice %dma_start3A_710[%dma_start3A_696, %dma_start3A_711, %multiple_of3A_695] : memref<4x8x1000000xf32, #tpu.memory_space<hbm>> -> memref<1x8x128xf32, #tpu.memory_space<hbm>>
      %dma_start3A_713 = tpu.memref_squeeze %dma_start3A_712 : memref<1x8x128xf32, #tpu.memory_space<hbm>> -> memref<8x128xf32, #tpu.memory_space<hbm>>
      tpu.enqueue_dma source(%dma_start3A_713 : memref<8x128xf32, #tpu.memory_space<hbm>>) target(%dma_start3A_709 : memref<8x128xf32, #tpu.memory_space<vmem>>) target_semaphore(%arg10 : memref<!tpu.dma_semaphore, #tpu.memory_space<semaphore_mem>>)
      %dma_start3A_714 = arith.constant 1 : i32
      %dma_start3A_715 = arith.constant 9 : i32
      %dma_start3A_716 = arith.constant 8 : i32
      %dma_start3A_717 = arith.constant 0 : i32
      %dma_start3A_718 = tpu.memref_slice %arg8[%dma_start3A_715, %dma_start3A_716, %dma_start3A_717] : memref<16x32x128xf32, #tpu.memory_space<vmem>> -> memref<1x8x128xf32, #tpu.memory_space<vmem>>
      %dma_start3A_719 = tpu.memref_squeeze %dma_start3A_718 : memref<1x8x128xf32, #tpu.memory_space<vmem>> -> memref<8x128xf32, #tpu.memory_space<vmem>>
      %dma_start3A_720 = tpu.memref_reshape %arg3 : memref<32x1000000xf32, #tpu.memory_space<hbm>> -> memref<4x8x1000000xf32, #tpu.memory_space<hbm>>
      %dma_start3A_721 = arith.constant 0 : i32
      %dma_start3A_722 = tpu.memref_slice %dma_start3A_720[%dma_start3A_714, %dma_start3A_721, %multiple_of3A_695] : memref<4x8x1000000xf32, #tpu.memory_space<hbm>> -> memref<1x8x128xf32, #tpu.memory_space<hbm>>
      %dma_start3A_723 = tpu.memref_squeeze %dma_start3A_722 : memref<1x8x128xf32, #tpu.memory_space<hbm>> -> memref<8x128xf32, #tpu.memory_space<hbm>>
      %dma_start3A_724 = arith.constant 8 : i32
      %dma_start3A_725 = arith.constant 0 : i32
      %dma_start3A_726 = tpu.memref_slice %arg8[%dma_start3A_715, %dma_start3A_724, %dma_start3A_725] : memref<16x32x128xf32, #tpu.memory_space<vmem>> -> memref<1x8x128xf32, #tpu.memory_space<vmem>>
      %dma_start3A_727 = tpu.memref_squeeze %dma_start3A_726 : memref<1x8x128xf32, #tpu.memory_space<vmem>> -> memref<8x128xf32, #tpu.memory_space<vmem>>
      %dma_start3A_728 = tpu.memref_reshape %arg3 : memref<32x1000000xf32, #tpu.memory_space<hbm>> -> memref<4x8x1000000xf32, #tpu.memory_space<hbm>>
      %dma_start3A_729 = arith.constant 0 : i32
      %dma_start3A_730 = tpu.memref_slice %dma_start3A_728[%dma_start3A_714, %dma_start3A_729, %multiple_of3A_695] : memref<4x8x1000000xf32, #tpu.memory_space<hbm>> -> memref<1x8x128xf32, #tpu.memory_space<hbm>>
      %dma_start3A_731 = tpu.memref_squeeze %dma_start3A_730 : memref<1x8x128xf32, #tpu.memory_space<hbm>> -> memref<8x128xf32, #tpu.memory_space<hbm>>
      tpu.enqueue_dma source(%dma_start3A_731 : memref<8x128xf32, #tpu.memory_space<hbm>>) target(%dma_start3A_727 : memref<8x128xf32, #tpu.memory_space<vmem>>) target_semaphore(%arg10 : memref<!tpu.dma_semaphore, #tpu.memory_space<semaphore_mem>>)
      %dma_start3A_732 = arith.constant 2 : i32
      %dma_start3A_733 = arith.constant 9 : i32
      %dma_start3A_734 = arith.constant 16 : i32
      %dma_start3A_735 = arith.constant 0 : i32
      %dma_start3A_736 = tpu.memref_slice %arg8[%dma_start3A_733, %dma_start3A_734, %dma_start3A_735] : memref<16x32x128xf32, #tpu.memory_space<vmem>> -> memref<1x8x128xf32, #tpu.memory_space<vmem>>
      %dma_start3A_737 = tpu.memref_squeeze %dma_start3A_736 : memref<1x8x128xf32, #tpu.memory_space<vmem>> -> memref<8x128xf32, #tpu.memory_space<vmem>>
      %dma_start3A_738 = tpu.memref_reshape %arg3 : memref<32x1000000xf32, #tpu.memory_space<hbm>> -> memref<4x8x1000000xf32, #tpu.memory_space<hbm>>
      %dma_start3A_739 = arith.constant 0 : i32
      %dma_start3A_740 = tpu.memref_slice %dma_start3A_738[%dma_start3A_732, %dma_start3A_739, %multiple_of3A_695] : memref<4x8x1000000xf32, #tpu.memory_space<hbm>> -> memref<1x8x128xf32, #tpu.memory_space<hbm>>
      %dma_start3A_741 = tpu.memref_squeeze %dma_start3A_740 : memref<1x8x128xf32, #tpu.memory_space<hbm>> -> memref<8x128xf32, #tpu.memory_space<hbm>>
      %dma_start3A_742 = arith.constant 16 : i32
      %dma_start3A_743 = arith.constant 0 : i32
      %dma_start3A_744 = tpu.memref_slice %arg8[%dma_start3A_733, %dma_start3A_742, %dma_start3A_743] : memref<16x32x128xf32, #tpu.memory_space<vmem>> -> memref<1x8x128xf32, #tpu.memory_space<vmem>>
      %dma_start3A_745 = tpu.memref_squeeze %dma_start3A_744 : memref<1x8x128xf32, #tpu.memory_space<vmem>> -> memref<8x128xf32, #tpu.memory_space<vmem>>
      %dma_start3A_746 = tpu.memref_reshape %arg3 : memref<32x1000000xf32, #tpu.memory_space<hbm>> -> memref<4x8x1000000xf32, #tpu.memory_space<hbm>>
      %dma_start3A_747 = arith.constant 0 : i32
      %dma_start3A_748 = tpu.memref_slice %dma_start3A_746[%dma_start3A_732, %dma_start3A_747, %multiple_of3A_695] : memref<4x8x1000000xf32, #tpu.memory_space<hbm>> -> memref<1x8x128xf32, #tpu.memory_space<hbm>>
      %dma_start3A_749 = tpu.memref_squeeze %dma_start3A_748 : memref<1x8x128xf32, #tpu.memory_space<hbm>> -> memref<8x128xf32, #tpu.memory_space<hbm>>
      tpu.enqueue_dma source(%dma_start3A_749 : memref<8x128xf32, #tpu.memory_space<hbm>>) target(%dma_start3A_745 : memref<8x128xf32, #tpu.memory_space<vmem>>) target_semaphore(%arg10 : memref<!tpu.dma_semaphore, #tpu.memory_space<semaphore_mem>>)
      %dma_start3A_750 = arith.constant 3 : i32
      %dma_start3A_751 = arith.constant 9 : i32
      %dma_start3A_752 = arith.constant 24 : i32
      %dma_start3A_753 = arith.constant 0 : i32
      %dma_start3A_754 = tpu.memref_slice %arg8[%dma_start3A_751, %dma_start3A_752, %dma_start3A_753] : memref<16x32x128xf32, #tpu.memory_space<vmem>> -> memref<1x8x128xf32, #tpu.memory_space<vmem>>
      %dma_start3A_755 = tpu.memref_squeeze %dma_start3A_754 : memref<1x8x128xf32, #tpu.memory_space<vmem>> -> memref<8x128xf32, #tpu.memory_space<vmem>>
      %dma_start3A_756 = tpu.memref_reshape %arg3 : memref<32x1000000xf32, #tpu.memory_space<hbm>> -> memref<4x8x1000000xf32, #tpu.memory_space<hbm>>
      %dma_start3A_757 = arith.constant 0 : i32
      %dma_start3A_758 = tpu.memref_slice %dma_start3A_756[%dma_start3A_750, %dma_start3A_757, %multiple_of3A_695] : memref<4x8x1000000xf32, #tpu.memory_space<hbm>> -> memref<1x8x128xf32, #tpu.memory_space<hbm>>
      %dma_start3A_759 = tpu.memref_squeeze %dma_start3A_758 : memref<1x8x128xf32, #tpu.memory_space<hbm>> -> memref<8x128xf32, #tpu.memory_space<hbm>>
      %dma_start3A_760 = arith.constant 24 : i32
      %dma_start3A_761 = arith.constant 0 : i32
      %dma_start3A_762 = tpu.memref_slice %arg8[%dma_start3A_751, %dma_start3A_760, %dma_start3A_761] : memref<16x32x128xf32, #tpu.memory_space<vmem>> -> memref<1x8x128xf32, #tpu.memory_space<vmem>>
      %dma_start3A_763 = tpu.memref_squeeze %dma_start3A_762 : memref<1x8x128xf32, #tpu.memory_space<vmem>> -> memref<8x128xf32, #tpu.memory_space<vmem>>
      %dma_start3A_764 = tpu.memref_reshape %arg3 : memref<32x1000000xf32, #tpu.memory_space<hbm>> -> memref<4x8x1000000xf32, #tpu.memory_space<hbm>>
      %dma_start3A_765 = arith.constant 0 : i32
      %dma_start3A_766 = tpu.memref_slice %dma_start3A_764[%dma_start3A_750, %dma_start3A_765, %multiple_of3A_695] : memref<4x8x1000000xf32, #tpu.memory_space<hbm>> -> memref<1x8x128xf32, #tpu.memory_space<hbm>>
      %dma_start3A_767 = tpu.memref_squeeze %dma_start3A_766 : memref<1x8x128xf32, #tpu.memory_space<hbm>> -> memref<8x128xf32, #tpu.memory_space<hbm>>
      tpu.enqueue_dma source(%dma_start3A_767 : memref<8x128xf32, #tpu.memory_space<hbm>>) target(%dma_start3A_763 : memref<8x128xf32, #tpu.memory_space<vmem>>) target_semaphore(%arg10 : memref<!tpu.dma_semaphore, #tpu.memory_space<semaphore_mem>>)
      %slice3A_768 = vector.extract_strided_slice %get3A_21 {offsets = [10], sizes = [1], strides = [1]} : vector<16xi32> to vector<1xi32>
      %squeeze3A_769 = vector.extract %slice3A_768[0] : i32 from vector<1xi32>
      %multiple_of3A_770 = tpu.assume_multiple %squeeze3A_769, 128 : i32
      %dma_start3A_771 = arith.constant 0 : i32
      %dma_start3A_772 = arith.constant 10 : i32
      %dma_start3A_773 = arith.constant 0 : i32
      %dma_start3A_774 = arith.constant 0 : i32
      %dma_start3A_775 = tpu.memref_slice %arg8[%dma_start3A_772, %dma_start3A_773, %dma_start3A_774] : memref<16x32x128xf32, #tpu.memory_space<vmem>> -> memref<1x8x128xf32, #tpu.memory_space<vmem>>
      %dma_start3A_776 = tpu.memref_squeeze %dma_start3A_775 : memref<1x8x128xf32, #tpu.memory_space<vmem>> -> memref<8x128xf32, #tpu.memory_space<vmem>>
      %dma_start3A_777 = tpu.memref_reshape %arg3 : memref<32x1000000xf32, #tpu.memory_space<hbm>> -> memref<4x8x1000000xf32, #tpu.memory_space<hbm>>
      %dma_start3A_778 = arith.constant 0 : i32
      %dma_start3A_779 = tpu.memref_slice %dma_start3A_777[%dma_start3A_771, %dma_start3A_778, %multiple_of3A_770] : memref<4x8x1000000xf32, #tpu.memory_space<hbm>> -> memref<1x8x128xf32, #tpu.memory_space<hbm>>
      %dma_start3A_780 = tpu.memref_squeeze %dma_start3A_779 : memref<1x8x128xf32, #tpu.memory_space<hbm>> -> memref<8x128xf32, #tpu.memory_space<hbm>>
      %dma_start3A_781 = arith.constant 0 : i32
      %dma_start3A_782 = arith.constant 0 : i32
      %dma_start3A_783 = tpu.memref_slice %arg8[%dma_start3A_772, %dma_start3A_781, %dma_start3A_782] : memref<16x32x128xf32, #tpu.memory_space<vmem>> -> memref<1x8x128xf32, #tpu.memory_space<vmem>>
      %dma_start3A_784 = tpu.memref_squeeze %dma_start3A_783 : memref<1x8x128xf32, #tpu.memory_space<vmem>> -> memref<8x128xf32, #tpu.memory_space<vmem>>
      %dma_start3A_785 = tpu.memref_reshape %arg3 : memref<32x1000000xf32, #tpu.memory_space<hbm>> -> memref<4x8x1000000xf32, #tpu.memory_space<hbm>>
      %dma_start3A_786 = arith.constant 0 : i32
      %dma_start3A_787 = tpu.memref_slice %dma_start3A_785[%dma_start3A_771, %dma_start3A_786, %multiple_of3A_770] : memref<4x8x1000000xf32, #tpu.memory_space<hbm>> -> memref<1x8x128xf32, #tpu.memory_space<hbm>>
      %dma_start3A_788 = tpu.memref_squeeze %dma_start3A_787 : memref<1x8x128xf32, #tpu.memory_space<hbm>> -> memref<8x128xf32, #tpu.memory_space<hbm>>
      tpu.enqueue_dma source(%dma_start3A_788 : memref<8x128xf32, #tpu.memory_space<hbm>>) target(%dma_start3A_784 : memref<8x128xf32, #tpu.memory_space<vmem>>) target_semaphore(%arg10 : memref<!tpu.dma_semaphore, #tpu.memory_space<semaphore_mem>>)
      %dma_start3A_789 = arith.constant 1 : i32
      %dma_start3A_790 = arith.constant 10 : i32
      %dma_start3A_791 = arith.constant 8 : i32
      %dma_start3A_792 = arith.constant 0 : i32
      %dma_start3A_793 = tpu.memref_slice %arg8[%dma_start3A_790, %dma_start3A_791, %dma_start3A_792] : memref<16x32x128xf32, #tpu.memory_space<vmem>> -> memref<1x8x128xf32, #tpu.memory_space<vmem>>
      %dma_start3A_794 = tpu.memref_squeeze %dma_start3A_793 : memref<1x8x128xf32, #tpu.memory_space<vmem>> -> memref<8x128xf32, #tpu.memory_space<vmem>>
      %dma_start3A_795 = tpu.memref_reshape %arg3 : memref<32x1000000xf32, #tpu.memory_space<hbm>> -> memref<4x8x1000000xf32, #tpu.memory_space<hbm>>
      %dma_start3A_796 = arith.constant 0 : i32
      %dma_start3A_797 = tpu.memref_slice %dma_start3A_795[%dma_start3A_789, %dma_start3A_796, %multiple_of3A_770] : memref<4x8x1000000xf32, #tpu.memory_space<hbm>> -> memref<1x8x128xf32, #tpu.memory_space<hbm>>
      %dma_start3A_798 = tpu.memref_squeeze %dma_start3A_797 : memref<1x8x128xf32, #tpu.memory_space<hbm>> -> memref<8x128xf32, #tpu.memory_space<hbm>>
      %dma_start3A_799 = arith.constant 8 : i32
      %dma_start3A_800 = arith.constant 0 : i32
      %dma_start3A_801 = tpu.memref_slice %arg8[%dma_start3A_790, %dma_start3A_799, %dma_start3A_800] : memref<16x32x128xf32, #tpu.memory_space<vmem>> -> memref<1x8x128xf32, #tpu.memory_space<vmem>>
      %dma_start3A_802 = tpu.memref_squeeze %dma_start3A_801 : memref<1x8x128xf32, #tpu.memory_space<vmem>> -> memref<8x128xf32, #tpu.memory_space<vmem>>
      %dma_start3A_803 = tpu.memref_reshape %arg3 : memref<32x1000000xf32, #tpu.memory_space<hbm>> -> memref<4x8x1000000xf32, #tpu.memory_space<hbm>>
      %dma_start3A_804 = arith.constant 0 : i32
      %dma_start3A_805 = tpu.memref_slice %dma_start3A_803[%dma_start3A_789, %dma_start3A_804, %multiple_of3A_770] : memref<4x8x1000000xf32, #tpu.memory_space<hbm>> -> memref<1x8x128xf32, #tpu.memory_space<hbm>>
      %dma_start3A_806 = tpu.memref_squeeze %dma_start3A_805 : memref<1x8x128xf32, #tpu.memory_space<hbm>> -> memref<8x128xf32, #tpu.memory_space<hbm>>
      tpu.enqueue_dma source(%dma_start3A_806 : memref<8x128xf32, #tpu.memory_space<hbm>>) target(%dma_start3A_802 : memref<8x128xf32, #tpu.memory_space<vmem>>) target_semaphore(%arg10 : memref<!tpu.dma_semaphore, #tpu.memory_space<semaphore_mem>>)
      %dma_start3A_807 = arith.constant 2 : i32
      %dma_start3A_808 = arith.constant 10 : i32
      %dma_start3A_809 = arith.constant 16 : i32
      %dma_start3A_810 = arith.constant 0 : i32
      %dma_start3A_811 = tpu.memref_slice %arg8[%dma_start3A_808, %dma_start3A_809, %dma_start3A_810] : memref<16x32x128xf32, #tpu.memory_space<vmem>> -> memref<1x8x128xf32, #tpu.memory_space<vmem>>
      %dma_start3A_812 = tpu.memref_squeeze %dma_start3A_811 : memref<1x8x128xf32, #tpu.memory_space<vmem>> -> memref<8x128xf32, #tpu.memory_space<vmem>>
      %dma_start3A_813 = tpu.memref_reshape %arg3 : memref<32x1000000xf32, #tpu.memory_space<hbm>> -> memref<4x8x1000000xf32, #tpu.memory_space<hbm>>
      %dma_start3A_814 = arith.constant 0 : i32
      %dma_start3A_815 = tpu.memref_slice %dma_start3A_813[%dma_start3A_807, %dma_start3A_814, %multiple_of3A_770] : memref<4x8x1000000xf32, #tpu.memory_space<hbm>> -> memref<1x8x128xf32, #tpu.memory_space<hbm>>
      %dma_start3A_816 = tpu.memref_squeeze %dma_start3A_815 : memref<1x8x128xf32, #tpu.memory_space<hbm>> -> memref<8x128xf32, #tpu.memory_space<hbm>>
      %dma_start3A_817 = arith.constant 16 : i32
      %dma_start3A_818 = arith.constant 0 : i32
      %dma_start3A_819 = tpu.memref_slice %arg8[%dma_start3A_808, %dma_start3A_817, %dma_start3A_818] : memref<16x32x128xf32, #tpu.memory_space<vmem>> -> memref<1x8x128xf32, #tpu.memory_space<vmem>>
      %dma_start3A_820 = tpu.memref_squeeze %dma_start3A_819 : memref<1x8x128xf32, #tpu.memory_space<vmem>> -> memref<8x128xf32, #tpu.memory_space<vmem>>
      %dma_start3A_821 = tpu.memref_reshape %arg3 : memref<32x1000000xf32, #tpu.memory_space<hbm>> -> memref<4x8x1000000xf32, #tpu.memory_space<hbm>>
      %dma_start3A_822 = arith.constant 0 : i32
      %dma_start3A_823 = tpu.memref_slice %dma_start3A_821[%dma_start3A_807, %dma_start3A_822, %multiple_of3A_770] : memref<4x8x1000000xf32, #tpu.memory_space<hbm>> -> memref<1x8x128xf32, #tpu.memory_space<hbm>>
      %dma_start3A_824 = tpu.memref_squeeze %dma_start3A_823 : memref<1x8x128xf32, #tpu.memory_space<hbm>> -> memref<8x128xf32, #tpu.memory_space<hbm>>
      tpu.enqueue_dma source(%dma_start3A_824 : memref<8x128xf32, #tpu.memory_space<hbm>>) target(%dma_start3A_820 : memref<8x128xf32, #tpu.memory_space<vmem>>) target_semaphore(%arg10 : memref<!tpu.dma_semaphore, #tpu.memory_space<semaphore_mem>>)
      %dma_start3A_825 = arith.constant 3 : i32
      %dma_start3A_826 = arith.constant 10 : i32
      %dma_start3A_827 = arith.constant 24 : i32
      %dma_start3A_828 = arith.constant 0 : i32
      %dma_start3A_829 = tpu.memref_slice %arg8[%dma_start3A_826, %dma_start3A_827, %dma_start3A_828] : memref<16x32x128xf32, #tpu.memory_space<vmem>> -> memref<1x8x128xf32, #tpu.memory_space<vmem>>
      %dma_start3A_830 = tpu.memref_squeeze %dma_start3A_829 : memref<1x8x128xf32, #tpu.memory_space<vmem>> -> memref<8x128xf32, #tpu.memory_space<vmem>>
      %dma_start3A_831 = tpu.memref_reshape %arg3 : memref<32x1000000xf32, #tpu.memory_space<hbm>> -> memref<4x8x1000000xf32, #tpu.memory_space<hbm>>
      %dma_start3A_832 = arith.constant 0 : i32
      %dma_start3A_833 = tpu.memref_slice %dma_start3A_831[%dma_start3A_825, %dma_start3A_832, %multiple_of3A_770] : memref<4x8x1000000xf32, #tpu.memory_space<hbm>> -> memref<1x8x128xf32, #tpu.memory_space<hbm>>
      %dma_start3A_834 = tpu.memref_squeeze %dma_start3A_833 : memref<1x8x128xf32, #tpu.memory_space<hbm>> -> memref<8x128xf32, #tpu.memory_space<hbm>>
      %dma_start3A_835 = arith.constant 24 : i32
      %dma_start3A_836 = arith.constant 0 : i32
      %dma_start3A_837 = tpu.memref_slice %arg8[%dma_start3A_826, %dma_start3A_835, %dma_start3A_836] : memref<16x32x128xf32, #tpu.memory_space<vmem>> -> memref<1x8x128xf32, #tpu.memory_space<vmem>>
      %dma_start3A_838 = tpu.memref_squeeze %dma_start3A_837 : memref<1x8x128xf32, #tpu.memory_space<vmem>> -> memref<8x128xf32, #tpu.memory_space<vmem>>
      %dma_start3A_839 = tpu.memref_reshape %arg3 : memref<32x1000000xf32, #tpu.memory_space<hbm>> -> memref<4x8x1000000xf32, #tpu.memory_space<hbm>>
      %dma_start3A_840 = arith.constant 0 : i32
      %dma_start3A_841 = tpu.memref_slice %dma_start3A_839[%dma_start3A_825, %dma_start3A_840, %multiple_of3A_770] : memref<4x8x1000000xf32, #tpu.memory_space<hbm>> -> memref<1x8x128xf32, #tpu.memory_space<hbm>>
      %dma_start3A_842 = tpu.memref_squeeze %dma_start3A_841 : memref<1x8x128xf32, #tpu.memory_space<hbm>> -> memref<8x128xf32, #tpu.memory_space<hbm>>
      tpu.enqueue_dma source(%dma_start3A_842 : memref<8x128xf32, #tpu.memory_space<hbm>>) target(%dma_start3A_838 : memref<8x128xf32, #tpu.memory_space<vmem>>) target_semaphore(%arg10 : memref<!tpu.dma_semaphore, #tpu.memory_space<semaphore_mem>>)
      %slice3A_843 = vector.extract_strided_slice %get3A_21 {offsets = [11], sizes = [1], strides = [1]} : vector<16xi32> to vector<1xi32>
      %squeeze3A_844 = vector.extract %slice3A_843[0] : i32 from vector<1xi32>
      %multiple_of3A_845 = tpu.assume_multiple %squeeze3A_844, 128 : i32
      %dma_start3A_846 = arith.constant 0 : i32
      %dma_start3A_847 = arith.constant 11 : i32
      %dma_start3A_848 = arith.constant 0 : i32
      %dma_start3A_849 = arith.constant 0 : i32
      %dma_start3A_850 = tpu.memref_slice %arg8[%dma_start3A_847, %dma_start3A_848, %dma_start3A_849] : memref<16x32x128xf32, #tpu.memory_space<vmem>> -> memref<1x8x128xf32, #tpu.memory_space<vmem>>
      %dma_start3A_851 = tpu.memref_squeeze %dma_start3A_850 : memref<1x8x128xf32, #tpu.memory_space<vmem>> -> memref<8x128xf32, #tpu.memory_space<vmem>>
      %dma_start3A_852 = tpu.memref_reshape %arg3 : memref<32x1000000xf32, #tpu.memory_space<hbm>> -> memref<4x8x1000000xf32, #tpu.memory_space<hbm>>
      %dma_start3A_853 = arith.constant 0 : i32
      %dma_start3A_854 = tpu.memref_slice %dma_start3A_852[%dma_start3A_846, %dma_start3A_853, %multiple_of3A_845] : memref<4x8x1000000xf32, #tpu.memory_space<hbm>> -> memref<1x8x128xf32, #tpu.memory_space<hbm>>
      %dma_start3A_855 = tpu.memref_squeeze %dma_start3A_854 : memref<1x8x128xf32, #tpu.memory_space<hbm>> -> memref<8x128xf32, #tpu.memory_space<hbm>>
      %dma_start3A_856 = arith.constant 0 : i32
      %dma_start3A_857 = arith.constant 0 : i32
      %dma_start3A_858 = tpu.memref_slice %arg8[%dma_start3A_847, %dma_start3A_856, %dma_start3A_857] : memref<16x32x128xf32, #tpu.memory_space<vmem>> -> memref<1x8x128xf32, #tpu.memory_space<vmem>>
      %dma_start3A_859 = tpu.memref_squeeze %dma_start3A_858 : memref<1x8x128xf32, #tpu.memory_space<vmem>> -> memref<8x128xf32, #tpu.memory_space<vmem>>
      %dma_start3A_860 = tpu.memref_reshape %arg3 : memref<32x1000000xf32, #tpu.memory_space<hbm>> -> memref<4x8x1000000xf32, #tpu.memory_space<hbm>>
      %dma_start3A_861 = arith.constant 0 : i32
      %dma_start3A_862 = tpu.memref_slice %dma_start3A_860[%dma_start3A_846, %dma_start3A_861, %multiple_of3A_845] : memref<4x8x1000000xf32, #tpu.memory_space<hbm>> -> memref<1x8x128xf32, #tpu.memory_space<hbm>>
      %dma_start3A_863 = tpu.memref_squeeze %dma_start3A_862 : memref<1x8x128xf32, #tpu.memory_space<hbm>> -> memref<8x128xf32, #tpu.memory_space<hbm>>
      tpu.enqueue_dma source(%dma_start3A_863 : memref<8x128xf32, #tpu.memory_space<hbm>>) target(%dma_start3A_859 : memref<8x128xf32, #tpu.memory_space<vmem>>) target_semaphore(%arg10 : memref<!tpu.dma_semaphore, #tpu.memory_space<semaphore_mem>>)
      %dma_start3A_864 = arith.constant 1 : i32
      %dma_start3A_865 = arith.constant 11 : i32
      %dma_start3A_866 = arith.constant 8 : i32
      %dma_start3A_867 = arith.constant 0 : i32
      %dma_start3A_868 = tpu.memref_slice %arg8[%dma_start3A_865, %dma_start3A_866, %dma_start3A_867] : memref<16x32x128xf32, #tpu.memory_space<vmem>> -> memref<1x8x128xf32, #tpu.memory_space<vmem>>
      %dma_start3A_869 = tpu.memref_squeeze %dma_start3A_868 : memref<1x8x128xf32, #tpu.memory_space<vmem>> -> memref<8x128xf32, #tpu.memory_space<vmem>>
      %dma_start3A_870 = tpu.memref_reshape %arg3 : memref<32x1000000xf32, #tpu.memory_space<hbm>> -> memref<4x8x1000000xf32, #tpu.memory_space<hbm>>
      %dma_start3A_871 = arith.constant 0 : i32
      %dma_start3A_872 = tpu.memref_slice %dma_start3A_870[%dma_start3A_864, %dma_start3A_871, %multiple_of3A_845] : memref<4x8x1000000xf32, #tpu.memory_space<hbm>> -> memref<1x8x128xf32, #tpu.memory_space<hbm>>
      %dma_start3A_873 = tpu.memref_squeeze %dma_start3A_872 : memref<1x8x128xf32, #tpu.memory_space<hbm>> -> memref<8x128xf32, #tpu.memory_space<hbm>>
      %dma_start3A_874 = arith.constant 8 : i32
      %dma_start3A_875 = arith.constant 0 : i32
      %dma_start3A_876 = tpu.memref_slice %arg8[%dma_start3A_865, %dma_start3A_874, %dma_start3A_875] : memref<16x32x128xf32, #tpu.memory_space<vmem>> -> memref<1x8x128xf32, #tpu.memory_space<vmem>>
      %dma_start3A_877 = tpu.memref_squeeze %dma_start3A_876 : memref<1x8x128xf32, #tpu.memory_space<vmem>> -> memref<8x128xf32, #tpu.memory_space<vmem>>
      %dma_start3A_878 = tpu.memref_reshape %arg3 : memref<32x1000000xf32, #tpu.memory_space<hbm>> -> memref<4x8x1000000xf32, #tpu.memory_space<hbm>>
      %dma_start3A_879 = arith.constant 0 : i32
      %dma_start3A_880 = tpu.memref_slice %dma_start3A_878[%dma_start3A_864, %dma_start3A_879, %multiple_of3A_845] : memref<4x8x1000000xf32, #tpu.memory_space<hbm>> -> memref<1x8x128xf32, #tpu.memory_space<hbm>>
      %dma_start3A_881 = tpu.memref_squeeze %dma_start3A_880 : memref<1x8x128xf32, #tpu.memory_space<hbm>> -> memref<8x128xf32, #tpu.memory_space<hbm>>
      tpu.enqueue_dma source(%dma_start3A_881 : memref<8x128xf32, #tpu.memory_space<hbm>>) target(%dma_start3A_877 : memref<8x128xf32, #tpu.memory_space<vmem>>) target_semaphore(%arg10 : memref<!tpu.dma_semaphore, #tpu.memory_space<semaphore_mem>>)
      %dma_start3A_882 = arith.constant 2 : i32
      %dma_start3A_883 = arith.constant 11 : i32
      %dma_start3A_884 = arith.constant 16 : i32
      %dma_start3A_885 = arith.constant 0 : i32
      %dma_start3A_886 = tpu.memref_slice %arg8[%dma_start3A_883, %dma_start3A_884, %dma_start3A_885] : memref<16x32x128xf32, #tpu.memory_space<vmem>> -> memref<1x8x128xf32, #tpu.memory_space<vmem>>
      %dma_start3A_887 = tpu.memref_squeeze %dma_start3A_886 : memref<1x8x128xf32, #tpu.memory_space<vmem>> -> memref<8x128xf32, #tpu.memory_space<vmem>>
      %dma_start3A_888 = tpu.memref_reshape %arg3 : memref<32x1000000xf32, #tpu.memory_space<hbm>> -> memref<4x8x1000000xf32, #tpu.memory_space<hbm>>
      %dma_start3A_889 = arith.constant 0 : i32
      %dma_start3A_890 = tpu.memref_slice %dma_start3A_888[%dma_start3A_882, %dma_start3A_889, %multiple_of3A_845] : memref<4x8x1000000xf32, #tpu.memory_space<hbm>> -> memref<1x8x128xf32, #tpu.memory_space<hbm>>
      %dma_start3A_891 = tpu.memref_squeeze %dma_start3A_890 : memref<1x8x128xf32, #tpu.memory_space<hbm>> -> memref<8x128xf32, #tpu.memory_space<hbm>>
      %dma_start3A_892 = arith.constant 16 : i32
      %dma_start3A_893 = arith.constant 0 : i32
      %dma_start3A_894 = tpu.memref_slice %arg8[%dma_start3A_883, %dma_start3A_892, %dma_start3A_893] : memref<16x32x128xf32, #tpu.memory_space<vmem>> -> memref<1x8x128xf32, #tpu.memory_space<vmem>>
      %dma_start3A_895 = tpu.memref_squeeze %dma_start3A_894 : memref<1x8x128xf32, #tpu.memory_space<vmem>> -> memref<8x128xf32, #tpu.memory_space<vmem>>
      %dma_start3A_896 = tpu.memref_reshape %arg3 : memref<32x1000000xf32, #tpu.memory_space<hbm>> -> memref<4x8x1000000xf32, #tpu.memory_space<hbm>>
      %dma_start3A_897 = arith.constant 0 : i32
      %dma_start3A_898 = tpu.memref_slice %dma_start3A_896[%dma_start3A_882, %dma_start3A_897, %multiple_of3A_845] : memref<4x8x1000000xf32, #tpu.memory_space<hbm>> -> memref<1x8x128xf32, #tpu.memory_space<hbm>>
      %dma_start3A_899 = tpu.memref_squeeze %dma_start3A_898 : memref<1x8x128xf32, #tpu.memory_space<hbm>> -> memref<8x128xf32, #tpu.memory_space<hbm>>
      tpu.enqueue_dma source(%dma_start3A_899 : memref<8x128xf32, #tpu.memory_space<hbm>>) target(%dma_start3A_895 : memref<8x128xf32, #tpu.memory_space<vmem>>) target_semaphore(%arg10 : memref<!tpu.dma_semaphore, #tpu.memory_space<semaphore_mem>>)
      %dma_start3A_900 = arith.constant 3 : i32
      %dma_start3A_901 = arith.constant 11 : i32
      %dma_start3A_902 = arith.constant 24 : i32
      %dma_start3A_903 = arith.constant 0 : i32
      %dma_start3A_904 = tpu.memref_slice %arg8[%dma_start3A_901, %dma_start3A_902, %dma_start3A_903] : memref<16x32x128xf32, #tpu.memory_space<vmem>> -> memref<1x8x128xf32, #tpu.memory_space<vmem>>
      %dma_start3A_905 = tpu.memref_squeeze %dma_start3A_904 : memref<1x8x128xf32, #tpu.memory_space<vmem>> -> memref<8x128xf32, #tpu.memory_space<vmem>>
      %dma_start3A_906 = tpu.memref_reshape %arg3 : memref<32x1000000xf32, #tpu.memory_space<hbm>> -> memref<4x8x1000000xf32, #tpu.memory_space<hbm>>
      %dma_start3A_907 = arith.constant 0 : i32
      %dma_start3A_908 = tpu.memref_slice %dma_start3A_906[%dma_start3A_900, %dma_start3A_907, %multiple_of3A_845] : memref<4x8x1000000xf32, #tpu.memory_space<hbm>> -> memref<1x8x128xf32, #tpu.memory_space<hbm>>
      %dma_start3A_909 = tpu.memref_squeeze %dma_start3A_908 : memref<1x8x128xf32, #tpu.memory_space<hbm>> -> memref<8x128xf32, #tpu.memory_space<hbm>>
      %dma_start3A_910 = arith.constant 24 : i32
      %dma_start3A_911 = arith.constant 0 : i32
      %dma_start3A_912 = tpu.memref_slice %arg8[%dma_start3A_901, %dma_start3A_910, %dma_start3A_911] : memref<16x32x128xf32, #tpu.memory_space<vmem>> -> memref<1x8x128xf32, #tpu.memory_space<vmem>>
      %dma_start3A_913 = tpu.memref_squeeze %dma_start3A_912 : memref<1x8x128xf32, #tpu.memory_space<vmem>> -> memref<8x128xf32, #tpu.memory_space<vmem>>
      %dma_start3A_914 = tpu.memref_reshape %arg3 : memref<32x1000000xf32, #tpu.memory_space<hbm>> -> memref<4x8x1000000xf32, #tpu.memory_space<hbm>>
      %dma_start3A_915 = arith.constant 0 : i32
      %dma_start3A_916 = tpu.memref_slice %dma_start3A_914[%dma_start3A_900, %dma_start3A_915, %multiple_of3A_845] : memref<4x8x1000000xf32, #tpu.memory_space<hbm>> -> memref<1x8x128xf32, #tpu.memory_space<hbm>>
      %dma_start3A_917 = tpu.memref_squeeze %dma_start3A_916 : memref<1x8x128xf32, #tpu.memory_space<hbm>> -> memref<8x128xf32, #tpu.memory_space<hbm>>
      tpu.enqueue_dma source(%dma_start3A_917 : memref<8x128xf32, #tpu.memory_space<hbm>>) target(%dma_start3A_913 : memref<8x128xf32, #tpu.memory_space<vmem>>) target_semaphore(%arg10 : memref<!tpu.dma_semaphore, #tpu.memory_space<semaphore_mem>>)
      %slice3A_918 = vector.extract_strided_slice %get3A_21 {offsets = [12], sizes = [1], strides = [1]} : vector<16xi32> to vector<1xi32>
      %squeeze3A_919 = vector.extract %slice3A_918[0] : i32 from vector<1xi32>
      %multiple_of3A_920 = tpu.assume_multiple %squeeze3A_919, 128 : i32
      %dma_start3A_921 = arith.constant 0 : i32
      %dma_start3A_922 = arith.constant 12 : i32
      %dma_start3A_923 = arith.constant 0 : i32
      %dma_start3A_924 = arith.constant 0 : i32
      %dma_start3A_925 = tpu.memref_slice %arg8[%dma_start3A_922, %dma_start3A_923, %dma_start3A_924] : memref<16x32x128xf32, #tpu.memory_space<vmem>> -> memref<1x8x128xf32, #tpu.memory_space<vmem>>
      %dma_start3A_926 = tpu.memref_squeeze %dma_start3A_925 : memref<1x8x128xf32, #tpu.memory_space<vmem>> -> memref<8x128xf32, #tpu.memory_space<vmem>>
      %dma_start3A_927 = tpu.memref_reshape %arg3 : memref<32x1000000xf32, #tpu.memory_space<hbm>> -> memref<4x8x1000000xf32, #tpu.memory_space<hbm>>
      %dma_start3A_928 = arith.constant 0 : i32
      %dma_start3A_929 = tpu.memref_slice %dma_start3A_927[%dma_start3A_921, %dma_start3A_928, %multiple_of3A_920] : memref<4x8x1000000xf32, #tpu.memory_space<hbm>> -> memref<1x8x128xf32, #tpu.memory_space<hbm>>
      %dma_start3A_930 = tpu.memref_squeeze %dma_start3A_929 : memref<1x8x128xf32, #tpu.memory_space<hbm>> -> memref<8x128xf32, #tpu.memory_space<hbm>>
      %dma_start3A_931 = arith.constant 0 : i32
      %dma_start3A_932 = arith.constant 0 : i32
      %dma_start3A_933 = tpu.memref_slice %arg8[%dma_start3A_922, %dma_start3A_931, %dma_start3A_932] : memref<16x32x128xf32, #tpu.memory_space<vmem>> -> memref<1x8x128xf32, #tpu.memory_space<vmem>>
      %dma_start3A_934 = tpu.memref_squeeze %dma_start3A_933 : memref<1x8x128xf32, #tpu.memory_space<vmem>> -> memref<8x128xf32, #tpu.memory_space<vmem>>
      %dma_start3A_935 = tpu.memref_reshape %arg3 : memref<32x1000000xf32, #tpu.memory_space<hbm>> -> memref<4x8x1000000xf32, #tpu.memory_space<hbm>>
      %dma_start3A_936 = arith.constant 0 : i32
      %dma_start3A_937 = tpu.memref_slice %dma_start3A_935[%dma_start3A_921, %dma_start3A_936, %multiple_of3A_920] : memref<4x8x1000000xf32, #tpu.memory_space<hbm>> -> memref<1x8x128xf32, #tpu.memory_space<hbm>>
      %dma_start3A_938 = tpu.memref_squeeze %dma_start3A_937 : memref<1x8x128xf32, #tpu.memory_space<hbm>> -> memref<8x128xf32, #tpu.memory_space<hbm>>
      tpu.enqueue_dma source(%dma_start3A_938 : memref<8x128xf32, #tpu.memory_space<hbm>>) target(%dma_start3A_934 : memref<8x128xf32, #tpu.memory_space<vmem>>) target_semaphore(%arg10 : memref<!tpu.dma_semaphore, #tpu.memory_space<semaphore_mem>>)
      %dma_start3A_939 = arith.constant 1 : i32
      %dma_start3A_940 = arith.constant 12 : i32
      %dma_start3A_941 = arith.constant 8 : i32
      %dma_start3A_942 = arith.constant 0 : i32
      %dma_start3A_943 = tpu.memref_slice %arg8[%dma_start3A_940, %dma_start3A_941, %dma_start3A_942] : memref<16x32x128xf32, #tpu.memory_space<vmem>> -> memref<1x8x128xf32, #tpu.memory_space<vmem>>
      %dma_start3A_944 = tpu.memref_squeeze %dma_start3A_943 : memref<1x8x128xf32, #tpu.memory_space<vmem>> -> memref<8x128xf32, #tpu.memory_space<vmem>>
      %dma_start3A_945 = tpu.memref_reshape %arg3 : memref<32x1000000xf32, #tpu.memory_space<hbm>> -> memref<4x8x1000000xf32, #tpu.memory_space<hbm>>
      %dma_start3A_946 = arith.constant 0 : i32
      %dma_start3A_947 = tpu.memref_slice %dma_start3A_945[%dma_start3A_939, %dma_start3A_946, %multiple_of3A_920] : memref<4x8x1000000xf32, #tpu.memory_space<hbm>> -> memref<1x8x128xf32, #tpu.memory_space<hbm>>
      %dma_start3A_948 = tpu.memref_squeeze %dma_start3A_947 : memref<1x8x128xf32, #tpu.memory_space<hbm>> -> memref<8x128xf32, #tpu.memory_space<hbm>>
      %dma_start3A_949 = arith.constant 8 : i32
      %dma_start3A_950 = arith.constant 0 : i32
      %dma_start3A_951 = tpu.memref_slice %arg8[%dma_start3A_940, %dma_start3A_949, %dma_start3A_950] : memref<16x32x128xf32, #tpu.memory_space<vmem>> -> memref<1x8x128xf32, #tpu.memory_space<vmem>>
      %dma_start3A_952 = tpu.memref_squeeze %dma_start3A_951 : memref<1x8x128xf32, #tpu.memory_space<vmem>> -> memref<8x128xf32, #tpu.memory_space<vmem>>
      %dma_start3A_953 = tpu.memref_reshape %arg3 : memref<32x1000000xf32, #tpu.memory_space<hbm>> -> memref<4x8x1000000xf32, #tpu.memory_space<hbm>>
      %dma_start3A_954 = arith.constant 0 : i32
      %dma_start3A_955 = tpu.memref_slice %dma_start3A_953[%dma_start3A_939, %dma_start3A_954, %multiple_of3A_920] : memref<4x8x1000000xf32, #tpu.memory_space<hbm>> -> memref<1x8x128xf32, #tpu.memory_space<hbm>>
      %dma_start3A_956 = tpu.memref_squeeze %dma_start3A_955 : memref<1x8x128xf32, #tpu.memory_space<hbm>> -> memref<8x128xf32, #tpu.memory_space<hbm>>
      tpu.enqueue_dma source(%dma_start3A_956 : memref<8x128xf32, #tpu.memory_space<hbm>>) target(%dma_start3A_952 : memref<8x128xf32, #tpu.memory_space<vmem>>) target_semaphore(%arg10 : memref<!tpu.dma_semaphore, #tpu.memory_space<semaphore_mem>>)
      %dma_start3A_957 = arith.constant 2 : i32
      %dma_start3A_958 = arith.constant 12 : i32
      %dma_start3A_959 = arith.constant 16 : i32
      %dma_start3A_960 = arith.constant 0 : i32
      %dma_start3A_961 = tpu.memref_slice %arg8[%dma_start3A_958, %dma_start3A_959, %dma_start3A_960] : memref<16x32x128xf32, #tpu.memory_space<vmem>> -> memref<1x8x128xf32, #tpu.memory_space<vmem>>
      %dma_start3A_962 = tpu.memref_squeeze %dma_start3A_961 : memref<1x8x128xf32, #tpu.memory_space<vmem>> -> memref<8x128xf32, #tpu.memory_space<vmem>>
      %dma_start3A_963 = tpu.memref_reshape %arg3 : memref<32x1000000xf32, #tpu.memory_space<hbm>> -> memref<4x8x1000000xf32, #tpu.memory_space<hbm>>
      %dma_start3A_964 = arith.constant 0 : i32
      %dma_start3A_965 = tpu.memref_slice %dma_start3A_963[%dma_start3A_957, %dma_start3A_964, %multiple_of3A_920] : memref<4x8x1000000xf32, #tpu.memory_space<hbm>> -> memref<1x8x128xf32, #tpu.memory_space<hbm>>
      %dma_start3A_966 = tpu.memref_squeeze %dma_start3A_965 : memref<1x8x128xf32, #tpu.memory_space<hbm>> -> memref<8x128xf32, #tpu.memory_space<hbm>>
      %dma_start3A_967 = arith.constant 16 : i32
      %dma_start3A_968 = arith.constant 0 : i32
      %dma_start3A_969 = tpu.memref_slice %arg8[%dma_start3A_958, %dma_start3A_967, %dma_start3A_968] : memref<16x32x128xf32, #tpu.memory_space<vmem>> -> memref<1x8x128xf32, #tpu.memory_space<vmem>>
      %dma_start3A_970 = tpu.memref_squeeze %dma_start3A_969 : memref<1x8x128xf32, #tpu.memory_space<vmem>> -> memref<8x128xf32, #tpu.memory_space<vmem>>
      %dma_start3A_971 = tpu.memref_reshape %arg3 : memref<32x1000000xf32, #tpu.memory_space<hbm>> -> memref<4x8x1000000xf32, #tpu.memory_space<hbm>>
      %dma_start3A_972 = arith.constant 0 : i32
      %dma_start3A_973 = tpu.memref_slice %dma_start3A_971[%dma_start3A_957, %dma_start3A_972, %multiple_of3A_920] : memref<4x8x1000000xf32, #tpu.memory_space<hbm>> -> memref<1x8x128xf32, #tpu.memory_space<hbm>>
      %dma_start3A_974 = tpu.memref_squeeze %dma_start3A_973 : memref<1x8x128xf32, #tpu.memory_space<hbm>> -> memref<8x128xf32, #tpu.memory_space<hbm>>
      tpu.enqueue_dma source(%dma_start3A_974 : memref<8x128xf32, #tpu.memory_space<hbm>>) target(%dma_start3A_970 : memref<8x128xf32, #tpu.memory_space<vmem>>) target_semaphore(%arg10 : memref<!tpu.dma_semaphore, #tpu.memory_space<semaphore_mem>>)
      %dma_start3A_975 = arith.constant 3 : i32
      %dma_start3A_976 = arith.constant 12 : i32
      %dma_start3A_977 = arith.constant 24 : i32
      %dma_start3A_978 = arith.constant 0 : i32
      %dma_start3A_979 = tpu.memref_slice %arg8[%dma_start3A_976, %dma_start3A_977, %dma_start3A_978] : memref<16x32x128xf32, #tpu.memory_space<vmem>> -> memref<1x8x128xf32, #tpu.memory_space<vmem>>
      %dma_start3A_980 = tpu.memref_squeeze %dma_start3A_979 : memref<1x8x128xf32, #tpu.memory_space<vmem>> -> memref<8x128xf32, #tpu.memory_space<vmem>>
      %dma_start3A_981 = tpu.memref_reshape %arg3 : memref<32x1000000xf32, #tpu.memory_space<hbm>> -> memref<4x8x1000000xf32, #tpu.memory_space<hbm>>
      %dma_start3A_982 = arith.constant 0 : i32
      %dma_start3A_983 = tpu.memref_slice %dma_start3A_981[%dma_start3A_975, %dma_start3A_982, %multiple_of3A_920] : memref<4x8x1000000xf32, #tpu.memory_space<hbm>> -> memref<1x8x128xf32, #tpu.memory_space<hbm>>
      %dma_start3A_984 = tpu.memref_squeeze %dma_start3A_983 : memref<1x8x128xf32, #tpu.memory_space<hbm>> -> memref<8x128xf32, #tpu.memory_space<hbm>>
      %dma_start3A_985 = arith.constant 24 : i32
      %dma_start3A_986 = arith.constant 0 : i32
      %dma_start3A_987 = tpu.memref_slice %arg8[%dma_start3A_976, %dma_start3A_985, %dma_start3A_986] : memref<16x32x128xf32, #tpu.memory_space<vmem>> -> memref<1x8x128xf32, #tpu.memory_space<vmem>>
      %dma_start3A_988 = tpu.memref_squeeze %dma_start3A_987 : memref<1x8x128xf32, #tpu.memory_space<vmem>> -> memref<8x128xf32, #tpu.memory_space<vmem>>
      %dma_start3A_989 = tpu.memref_reshape %arg3 : memref<32x1000000xf32, #tpu.memory_space<hbm>> -> memref<4x8x1000000xf32, #tpu.memory_space<hbm>>
      %dma_start3A_990 = arith.constant 0 : i32
      %dma_start3A_991 = tpu.memref_slice %dma_start3A_989[%dma_start3A_975, %dma_start3A_990, %multiple_of3A_920] : memref<4x8x1000000xf32, #tpu.memory_space<hbm>> -> memref<1x8x128xf32, #tpu.memory_space<hbm>>
      %dma_start3A_992 = tpu.memref_squeeze %dma_start3A_991 : memref<1x8x128xf32, #tpu.memory_space<hbm>> -> memref<8x128xf32, #tpu.memory_space<hbm>>
      tpu.enqueue_dma source(%dma_start3A_992 : memref<8x128xf32, #tpu.memory_space<hbm>>) target(%dma_start3A_988 : memref<8x128xf32, #tpu.memory_space<vmem>>) target_semaphore(%arg10 : memref<!tpu.dma_semaphore, #tpu.memory_space<semaphore_mem>>)
      %slice3A_993 = vector.extract_strided_slice %get3A_21 {offsets = [13], sizes = [1], strides = [1]} : vector<16xi32> to vector<1xi32>
      %squeeze3A_994 = vector.extract %slice3A_993[0] : i32 from vector<1xi32>
      %multiple_of3A_995 = tpu.assume_multiple %squeeze3A_994, 128 : i32
      %dma_start3A_996 = arith.constant 0 : i32
      %dma_start3A_997 = arith.constant 13 : i32
      %dma_start3A_998 = arith.constant 0 : i32
      %dma_start3A_999 = arith.constant 0 : i32
      %dma_start3A_1000 = tpu.memref_slice %arg8[%dma_start3A_997, %dma_start3A_998, %dma_start3A_999] : memref<16x32x128xf32, #tpu.memory_space<vmem>> -> memref<1x8x128xf32, #tpu.memory_space<vmem>>
      %dma_start3A_1001 = tpu.memref_squeeze %dma_start3A_1000 : memref<1x8x128xf32, #tpu.memory_space<vmem>> -> memref<8x128xf32, #tpu.memory_space<vmem>>
      %dma_start3A_1002 = tpu.memref_reshape %arg3 : memref<32x1000000xf32, #tpu.memory_space<hbm>> -> memref<4x8x1000000xf32, #tpu.memory_space<hbm>>
      %dma_start3A_1003 = arith.constant 0 : i32
      %dma_start3A_1004 = tpu.memref_slice %dma_start3A_1002[%dma_start3A_996, %dma_start3A_1003, %multiple_of3A_995] : memref<4x8x1000000xf32, #tpu.memory_space<hbm>> -> memref<1x8x128xf32, #tpu.memory_space<hbm>>
      %dma_start3A_1005 = tpu.memref_squeeze %dma_start3A_1004 : memref<1x8x128xf32, #tpu.memory_space<hbm>> -> memref<8x128xf32, #tpu.memory_space<hbm>>
      %dma_start3A_1006 = arith.constant 0 : i32
      %dma_start3A_1007 = arith.constant 0 : i32
      %dma_start3A_1008 = tpu.memref_slice %arg8[%dma_start3A_997, %dma_start3A_1006, %dma_start3A_1007] : memref<16x32x128xf32, #tpu.memory_space<vmem>> -> memref<1x8x128xf32, #tpu.memory_space<vmem>>
      %dma_start3A_1009 = tpu.memref_squeeze %dma_start3A_1008 : memref<1x8x128xf32, #tpu.memory_space<vmem>> -> memref<8x128xf32, #tpu.memory_space<vmem>>
      %dma_start3A_1010 = tpu.memref_reshape %arg3 : memref<32x1000000xf32, #tpu.memory_space<hbm>> -> memref<4x8x1000000xf32, #tpu.memory_space<hbm>>
      %dma_start3A_1011 = arith.constant 0 : i32
      %dma_start3A_1012 = tpu.memref_slice %dma_start3A_1010[%dma_start3A_996, %dma_start3A_1011, %multiple_of3A_995] : memref<4x8x1000000xf32, #tpu.memory_space<hbm>> -> memref<1x8x128xf32, #tpu.memory_space<hbm>>
      %dma_start3A_1013 = tpu.memref_squeeze %dma_start3A_1012 : memref<1x8x128xf32, #tpu.memory_space<hbm>> -> memref<8x128xf32, #tpu.memory_space<hbm>>
      tpu.enqueue_dma source(%dma_start3A_1013 : memref<8x128xf32, #tpu.memory_space<hbm>>) target(%dma_start3A_1009 : memref<8x128xf32, #tpu.memory_space<vmem>>) target_semaphore(%arg10 : memref<!tpu.dma_semaphore, #tpu.memory_space<semaphore_mem>>)
      %dma_start3A_1014 = arith.constant 1 : i32
      %dma_start3A_1015 = arith.constant 13 : i32
      %dma_start3A_1016 = arith.constant 8 : i32
      %dma_start3A_1017 = arith.constant 0 : i32
      %dma_start3A_1018 = tpu.memref_slice %arg8[%dma_start3A_1015, %dma_start3A_1016, %dma_start3A_1017] : memref<16x32x128xf32, #tpu.memory_space<vmem>> -> memref<1x8x128xf32, #tpu.memory_space<vmem>>
      %dma_start3A_1019 = tpu.memref_squeeze %dma_start3A_1018 : memref<1x8x128xf32, #tpu.memory_space<vmem>> -> memref<8x128xf32, #tpu.memory_space<vmem>>
      %dma_start3A_1020 = tpu.memref_reshape %arg3 : memref<32x1000000xf32, #tpu.memory_space<hbm>> -> memref<4x8x1000000xf32, #tpu.memory_space<hbm>>
      %dma_start3A_1021 = arith.constant 0 : i32
      %dma_start3A_1022 = tpu.memref_slice %dma_start3A_1020[%dma_start3A_1014, %dma_start3A_1021, %multiple_of3A_995] : memref<4x8x1000000xf32, #tpu.memory_space<hbm>> -> memref<1x8x128xf32, #tpu.memory_space<hbm>>
      %dma_start3A_1023 = tpu.memref_squeeze %dma_start3A_1022 : memref<1x8x128xf32, #tpu.memory_space<hbm>> -> memref<8x128xf32, #tpu.memory_space<hbm>>
      %dma_start3A_1024 = arith.constant 8 : i32
      %dma_start3A_1025 = arith.constant 0 : i32
      %dma_start3A_1026 = tpu.memref_slice %arg8[%dma_start3A_1015, %dma_start3A_1024, %dma_start3A_1025] : memref<16x32x128xf32, #tpu.memory_space<vmem>> -> memref<1x8x128xf32, #tpu.memory_space<vmem>>
      %dma_start3A_1027 = tpu.memref_squeeze %dma_start3A_1026 : memref<1x8x128xf32, #tpu.memory_space<vmem>> -> memref<8x128xf32, #tpu.memory_space<vmem>>
      %dma_start3A_1028 = tpu.memref_reshape %arg3 : memref<32x1000000xf32, #tpu.memory_space<hbm>> -> memref<4x8x1000000xf32, #tpu.memory_space<hbm>>
      %dma_start3A_1029 = arith.constant 0 : i32
      %dma_start3A_1030 = tpu.memref_slice %dma_start3A_1028[%dma_start3A_1014, %dma_start3A_1029, %multiple_of3A_995] : memref<4x8x1000000xf32, #tpu.memory_space<hbm>> -> memref<1x8x128xf32, #tpu.memory_space<hbm>>
      %dma_start3A_1031 = tpu.memref_squeeze %dma_start3A_1030 : memref<1x8x128xf32, #tpu.memory_space<hbm>> -> memref<8x128xf32, #tpu.memory_space<hbm>>
      tpu.enqueue_dma source(%dma_start3A_1031 : memref<8x128xf32, #tpu.memory_space<hbm>>) target(%dma_start3A_1027 : memref<8x128xf32, #tpu.memory_space<vmem>>) target_semaphore(%arg10 : memref<!tpu.dma_semaphore, #tpu.memory_space<semaphore_mem>>)
      %dma_start3A_1032 = arith.constant 2 : i32
      %dma_start3A_1033 = arith.constant 13 : i32
      %dma_start3A_1034 = arith.constant 16 : i32
      %dma_start3A_1035 = arith.constant 0 : i32
      %dma_start3A_1036 = tpu.memref_slice %arg8[%dma_start3A_1033, %dma_start3A_1034, %dma_start3A_1035] : memref<16x32x128xf32, #tpu.memory_space<vmem>> -> memref<1x8x128xf32, #tpu.memory_space<vmem>>
      %dma_start3A_1037 = tpu.memref_squeeze %dma_start3A_1036 : memref<1x8x128xf32, #tpu.memory_space<vmem>> -> memref<8x128xf32, #tpu.memory_space<vmem>>
      %dma_start3A_1038 = tpu.memref_reshape %arg3 : memref<32x1000000xf32, #tpu.memory_space<hbm>> -> memref<4x8x1000000xf32, #tpu.memory_space<hbm>>
      %dma_start3A_1039 = arith.constant 0 : i32
      %dma_start3A_1040 = tpu.memref_slice %dma_start3A_1038[%dma_start3A_1032, %dma_start3A_1039, %multiple_of3A_995] : memref<4x8x1000000xf32, #tpu.memory_space<hbm>> -> memref<1x8x128xf32, #tpu.memory_space<hbm>>
      %dma_start3A_1041 = tpu.memref_squeeze %dma_start3A_1040 : memref<1x8x128xf32, #tpu.memory_space<hbm>> -> memref<8x128xf32, #tpu.memory_space<hbm>>
      %dma_start3A_1042 = arith.constant 16 : i32
      %dma_start3A_1043 = arith.constant 0 : i32
      %dma_start3A_1044 = tpu.memref_slice %arg8[%dma_start3A_1033, %dma_start3A_1042, %dma_start3A_1043] : memref<16x32x128xf32, #tpu.memory_space<vmem>> -> memref<1x8x128xf32, #tpu.memory_space<vmem>>
      %dma_start3A_1045 = tpu.memref_squeeze %dma_start3A_1044 : memref<1x8x128xf32, #tpu.memory_space<vmem>> -> memref<8x128xf32, #tpu.memory_space<vmem>>
      %dma_start3A_1046 = tpu.memref_reshape %arg3 : memref<32x1000000xf32, #tpu.memory_space<hbm>> -> memref<4x8x1000000xf32, #tpu.memory_space<hbm>>
      %dma_start3A_1047 = arith.constant 0 : i32
      %dma_start3A_1048 = tpu.memref_slice %dma_start3A_1046[%dma_start3A_1032, %dma_start3A_1047, %multiple_of3A_995] : memref<4x8x1000000xf32, #tpu.memory_space<hbm>> -> memref<1x8x128xf32, #tpu.memory_space<hbm>>
      %dma_start3A_1049 = tpu.memref_squeeze %dma_start3A_1048 : memref<1x8x128xf32, #tpu.memory_space<hbm>> -> memref<8x128xf32, #tpu.memory_space<hbm>>
      tpu.enqueue_dma source(%dma_start3A_1049 : memref<8x128xf32, #tpu.memory_space<hbm>>) target(%dma_start3A_1045 : memref<8x128xf32, #tpu.memory_space<vmem>>) target_semaphore(%arg10 : memref<!tpu.dma_semaphore, #tpu.memory_space<semaphore_mem>>)
      %dma_start3A_1050 = arith.constant 3 : i32
      %dma_start3A_1051 = arith.constant 13 : i32
      %dma_start3A_1052 = arith.constant 24 : i32
      %dma_start3A_1053 = arith.constant 0 : i32
      %dma_start3A_1054 = tpu.memref_slice %arg8[%dma_start3A_1051, %dma_start3A_1052, %dma_start3A_1053] : memref<16x32x128xf32, #tpu.memory_space<vmem>> -> memref<1x8x128xf32, #tpu.memory_space<vmem>>
      %dma_start3A_1055 = tpu.memref_squeeze %dma_start3A_1054 : memref<1x8x128xf32, #tpu.memory_space<vmem>> -> memref<8x128xf32, #tpu.memory_space<vmem>>
      %dma_start3A_1056 = tpu.memref_reshape %arg3 : memref<32x1000000xf32, #tpu.memory_space<hbm>> -> memref<4x8x1000000xf32, #tpu.memory_space<hbm>>
      %dma_start3A_1057 = arith.constant 0 : i32
      %dma_start3A_1058 = tpu.memref_slice %dma_start3A_1056[%dma_start3A_1050, %dma_start3A_1057, %multiple_of3A_995] : memref<4x8x1000000xf32, #tpu.memory_space<hbm>> -> memref<1x8x128xf32, #tpu.memory_space<hbm>>
      %dma_start3A_1059 = tpu.memref_squeeze %dma_start3A_1058 : memref<1x8x128xf32, #tpu.memory_space<hbm>> -> memref<8x128xf32, #tpu.memory_space<hbm>>
      %dma_start3A_1060 = arith.constant 24 : i32
      %dma_start3A_1061 = arith.constant 0 : i32
      %dma_start3A_1062 = tpu.memref_slice %arg8[%dma_start3A_1051, %dma_start3A_1060, %dma_start3A_1061] : memref<16x32x128xf32, #tpu.memory_space<vmem>> -> memref<1x8x128xf32, #tpu.memory_space<vmem>>
      %dma_start3A_1063 = tpu.memref_squeeze %dma_start3A_1062 : memref<1x8x128xf32, #tpu.memory_space<vmem>> -> memref<8x128xf32, #tpu.memory_space<vmem>>
      %dma_start3A_1064 = tpu.memref_reshape %arg3 : memref<32x1000000xf32, #tpu.memory_space<hbm>> -> memref<4x8x1000000xf32, #tpu.memory_space<hbm>>
      %dma_start3A_1065 = arith.constant 0 : i32
      %dma_start3A_1066 = tpu.memref_slice %dma_start3A_1064[%dma_start3A_1050, %dma_start3A_1065, %multiple_of3A_995] : memref<4x8x1000000xf32, #tpu.memory_space<hbm>> -> memref<1x8x128xf32, #tpu.memory_space<hbm>>
      %dma_start3A_1067 = tpu.memref_squeeze %dma_start3A_1066 : memref<1x8x128xf32, #tpu.memory_space<hbm>> -> memref<8x128xf32, #tpu.memory_space<hbm>>
      tpu.enqueue_dma source(%dma_start3A_1067 : memref<8x128xf32, #tpu.memory_space<hbm>>) target(%dma_start3A_1063 : memref<8x128xf32, #tpu.memory_space<vmem>>) target_semaphore(%arg10 : memref<!tpu.dma_semaphore, #tpu.memory_space<semaphore_mem>>)
      %slice3A_1068 = vector.extract_strided_slice %get3A_21 {offsets = [14], sizes = [1], strides = [1]} : vector<16xi32> to vector<1xi32>
      %squeeze3A_1069 = vector.extract %slice3A_1068[0] : i32 from vector<1xi32>
      %multiple_of3A_1070 = tpu.assume_multiple %squeeze3A_1069, 128 : i32
      %dma_start3A_1071 = arith.constant 0 : i32
      %dma_start3A_1072 = arith.constant 14 : i32
      %dma_start3A_1073 = arith.constant 0 : i32
      %dma_start3A_1074 = arith.constant 0 : i32
      %dma_start3A_1075 = tpu.memref_slice %arg8[%dma_start3A_1072, %dma_start3A_1073, %dma_start3A_1074] : memref<16x32x128xf32, #tpu.memory_space<vmem>> -> memref<1x8x128xf32, #tpu.memory_space<vmem>>
      %dma_start3A_1076 = tpu.memref_squeeze %dma_start3A_1075 : memref<1x8x128xf32, #tpu.memory_space<vmem>> -> memref<8x128xf32, #tpu.memory_space<vmem>>
      %dma_start3A_1077 = tpu.memref_reshape %arg3 : memref<32x1000000xf32, #tpu.memory_space<hbm>> -> memref<4x8x1000000xf32, #tpu.memory_space<hbm>>
      %dma_start3A_1078 = arith.constant 0 : i32
      %dma_start3A_1079 = tpu.memref_slice %dma_start3A_1077[%dma_start3A_1071, %dma_start3A_1078, %multiple_of3A_1070] : memref<4x8x1000000xf32, #tpu.memory_space<hbm>> -> memref<1x8x128xf32, #tpu.memory_space<hbm>>
      %dma_start3A_1080 = tpu.memref_squeeze %dma_start3A_1079 : memref<1x8x128xf32, #tpu.memory_space<hbm>> -> memref<8x128xf32, #tpu.memory_space<hbm>>
      %dma_start3A_1081 = arith.constant 0 : i32
      %dma_start3A_1082 = arith.constant 0 : i32
      %dma_start3A_1083 = tpu.memref_slice %arg8[%dma_start3A_1072, %dma_start3A_1081, %dma_start3A_1082] : memref<16x32x128xf32, #tpu.memory_space<vmem>> -> memref<1x8x128xf32, #tpu.memory_space<vmem>>
      %dma_start3A_1084 = tpu.memref_squeeze %dma_start3A_1083 : memref<1x8x128xf32, #tpu.memory_space<vmem>> -> memref<8x128xf32, #tpu.memory_space<vmem>>
      %dma_start3A_1085 = tpu.memref_reshape %arg3 : memref<32x1000000xf32, #tpu.memory_space<hbm>> -> memref<4x8x1000000xf32, #tpu.memory_space<hbm>>
      %dma_start3A_1086 = arith.constant 0 : i32
      %dma_start3A_1087 = tpu.memref_slice %dma_start3A_1085[%dma_start3A_1071, %dma_start3A_1086, %multiple_of3A_1070] : memref<4x8x1000000xf32, #tpu.memory_space<hbm>> -> memref<1x8x128xf32, #tpu.memory_space<hbm>>
      %dma_start3A_1088 = tpu.memref_squeeze %dma_start3A_1087 : memref<1x8x128xf32, #tpu.memory_space<hbm>> -> memref<8x128xf32, #tpu.memory_space<hbm>>
      tpu.enqueue_dma source(%dma_start3A_1088 : memref<8x128xf32, #tpu.memory_space<hbm>>) target(%dma_start3A_1084 : memref<8x128xf32, #tpu.memory_space<vmem>>) target_semaphore(%arg10 : memref<!tpu.dma_semaphore, #tpu.memory_space<semaphore_mem>>)
      %dma_start3A_1089 = arith.constant 1 : i32
      %dma_start3A_1090 = arith.constant 14 : i32
      %dma_start3A_1091 = arith.constant 8 : i32
      %dma_start3A_1092 = arith.constant 0 : i32
      %dma_start3A_1093 = tpu.memref_slice %arg8[%dma_start3A_1090, %dma_start3A_1091, %dma_start3A_1092] : memref<16x32x128xf32, #tpu.memory_space<vmem>> -> memref<1x8x128xf32, #tpu.memory_space<vmem>>
      %dma_start3A_1094 = tpu.memref_squeeze %dma_start3A_1093 : memref<1x8x128xf32, #tpu.memory_space<vmem>> -> memref<8x128xf32, #tpu.memory_space<vmem>>
      %dma_start3A_1095 = tpu.memref_reshape %arg3 : memref<32x1000000xf32, #tpu.memory_space<hbm>> -> memref<4x8x1000000xf32, #tpu.memory_space<hbm>>
      %dma_start3A_1096 = arith.constant 0 : i32
      %dma_start3A_1097 = tpu.memref_slice %dma_start3A_1095[%dma_start3A_1089, %dma_start3A_1096, %multiple_of3A_1070] : memref<4x8x1000000xf32, #tpu.memory_space<hbm>> -> memref<1x8x128xf32, #tpu.memory_space<hbm>>
      %dma_start3A_1098 = tpu.memref_squeeze %dma_start3A_1097 : memref<1x8x128xf32, #tpu.memory_space<hbm>> -> memref<8x128xf32, #tpu.memory_space<hbm>>
      %dma_start3A_1099 = arith.constant 8 : i32
      %dma_start3A_1100 = arith.constant 0 : i32
      %dma_start3A_1101 = tpu.memref_slice %arg8[%dma_start3A_1090, %dma_start3A_1099, %dma_start3A_1100] : memref<16x32x128xf32, #tpu.memory_space<vmem>> -> memref<1x8x128xf32, #tpu.memory_space<vmem>>
      %dma_start3A_1102 = tpu.memref_squeeze %dma_start3A_1101 : memref<1x8x128xf32, #tpu.memory_space<vmem>> -> memref<8x128xf32, #tpu.memory_space<vmem>>
      %dma_start3A_1103 = tpu.memref_reshape %arg3 : memref<32x1000000xf32, #tpu.memory_space<hbm>> -> memref<4x8x1000000xf32, #tpu.memory_space<hbm>>
      %dma_start3A_1104 = arith.constant 0 : i32
      %dma_start3A_1105 = tpu.memref_slice %dma_start3A_1103[%dma_start3A_1089, %dma_start3A_1104, %multiple_of3A_1070] : memref<4x8x1000000xf32, #tpu.memory_space<hbm>> -> memref<1x8x128xf32, #tpu.memory_space<hbm>>
      %dma_start3A_1106 = tpu.memref_squeeze %dma_start3A_1105 : memref<1x8x128xf32, #tpu.memory_space<hbm>> -> memref<8x128xf32, #tpu.memory_space<hbm>>
      tpu.enqueue_dma source(%dma_start3A_1106 : memref<8x128xf32, #tpu.memory_space<hbm>>) target(%dma_start3A_1102 : memref<8x128xf32, #tpu.memory_space<vmem>>) target_semaphore(%arg10 : memref<!tpu.dma_semaphore, #tpu.memory_space<semaphore_mem>>)
      %dma_start3A_1107 = arith.constant 2 : i32
      %dma_start3A_1108 = arith.constant 14 : i32
      %dma_start3A_1109 = arith.constant 16 : i32
      %dma_start3A_1110 = arith.constant 0 : i32
      %dma_start3A_1111 = tpu.memref_slice %arg8[%dma_start3A_1108, %dma_start3A_1109, %dma_start3A_1110] : memref<16x32x128xf32, #tpu.memory_space<vmem>> -> memref<1x8x128xf32, #tpu.memory_space<vmem>>
      %dma_start3A_1112 = tpu.memref_squeeze %dma_start3A_1111 : memref<1x8x128xf32, #tpu.memory_space<vmem>> -> memref<8x128xf32, #tpu.memory_space<vmem>>
      %dma_start3A_1113 = tpu.memref_reshape %arg3 : memref<32x1000000xf32, #tpu.memory_space<hbm>> -> memref<4x8x1000000xf32, #tpu.memory_space<hbm>>
      %dma_start3A_1114 = arith.constant 0 : i32
      %dma_start3A_1115 = tpu.memref_slice %dma_start3A_1113[%dma_start3A_1107, %dma_start3A_1114, %multiple_of3A_1070] : memref<4x8x1000000xf32, #tpu.memory_space<hbm>> -> memref<1x8x128xf32, #tpu.memory_space<hbm>>
      %dma_start3A_1116 = tpu.memref_squeeze %dma_start3A_1115 : memref<1x8x128xf32, #tpu.memory_space<hbm>> -> memref<8x128xf32, #tpu.memory_space<hbm>>
      %dma_start3A_1117 = arith.constant 16 : i32
      %dma_start3A_1118 = arith.constant 0 : i32
      %dma_start3A_1119 = tpu.memref_slice %arg8[%dma_start3A_1108, %dma_start3A_1117, %dma_start3A_1118] : memref<16x32x128xf32, #tpu.memory_space<vmem>> -> memref<1x8x128xf32, #tpu.memory_space<vmem>>
      %dma_start3A_1120 = tpu.memref_squeeze %dma_start3A_1119 : memref<1x8x128xf32, #tpu.memory_space<vmem>> -> memref<8x128xf32, #tpu.memory_space<vmem>>
      %dma_start3A_1121 = tpu.memref_reshape %arg3 : memref<32x1000000xf32, #tpu.memory_space<hbm>> -> memref<4x8x1000000xf32, #tpu.memory_space<hbm>>
      %dma_start3A_1122 = arith.constant 0 : i32
      %dma_start3A_1123 = tpu.memref_slice %dma_start3A_1121[%dma_start3A_1107, %dma_start3A_1122, %multiple_of3A_1070] : memref<4x8x1000000xf32, #tpu.memory_space<hbm>> -> memref<1x8x128xf32, #tpu.memory_space<hbm>>
      %dma_start3A_1124 = tpu.memref_squeeze %dma_start3A_1123 : memref<1x8x128xf32, #tpu.memory_space<hbm>> -> memref<8x128xf32, #tpu.memory_space<hbm>>
      tpu.enqueue_dma source(%dma_start3A_1124 : memref<8x128xf32, #tpu.memory_space<hbm>>) target(%dma_start3A_1120 : memref<8x128xf32, #tpu.memory_space<vmem>>) target_semaphore(%arg10 : memref<!tpu.dma_semaphore, #tpu.memory_space<semaphore_mem>>)
      %dma_start3A_1125 = arith.constant 3 : i32
      %dma_start3A_1126 = arith.constant 14 : i32
      %dma_start3A_1127 = arith.constant 24 : i32
      %dma_start3A_1128 = arith.constant 0 : i32
      %dma_start3A_1129 = tpu.memref_slice %arg8[%dma_start3A_1126, %dma_start3A_1127, %dma_start3A_1128] : memref<16x32x128xf32, #tpu.memory_space<vmem>> -> memref<1x8x128xf32, #tpu.memory_space<vmem>>
      %dma_start3A_1130 = tpu.memref_squeeze %dma_start3A_1129 : memref<1x8x128xf32, #tpu.memory_space<vmem>> -> memref<8x128xf32, #tpu.memory_space<vmem>>
      %dma_start3A_1131 = tpu.memref_reshape %arg3 : memref<32x1000000xf32, #tpu.memory_space<hbm>> -> memref<4x8x1000000xf32, #tpu.memory_space<hbm>>
      %dma_start3A_1132 = arith.constant 0 : i32
      %dma_start3A_1133 = tpu.memref_slice %dma_start3A_1131[%dma_start3A_1125, %dma_start3A_1132, %multiple_of3A_1070] : memref<4x8x1000000xf32, #tpu.memory_space<hbm>> -> memref<1x8x128xf32, #tpu.memory_space<hbm>>
      %dma_start3A_1134 = tpu.memref_squeeze %dma_start3A_1133 : memref<1x8x128xf32, #tpu.memory_space<hbm>> -> memref<8x128xf32, #tpu.memory_space<hbm>>
      %dma_start3A_1135 = arith.constant 24 : i32
      %dma_start3A_1136 = arith.constant 0 : i32
      %dma_start3A_1137 = tpu.memref_slice %arg8[%dma_start3A_1126, %dma_start3A_1135, %dma_start3A_1136] : memref<16x32x128xf32, #tpu.memory_space<vmem>> -> memref<1x8x128xf32, #tpu.memory_space<vmem>>
      %dma_start3A_1138 = tpu.memref_squeeze %dma_start3A_1137 : memref<1x8x128xf32, #tpu.memory_space<vmem>> -> memref<8x128xf32, #tpu.memory_space<vmem>>
      %dma_start3A_1139 = tpu.memref_reshape %arg3 : memref<32x1000000xf32, #tpu.memory_space<hbm>> -> memref<4x8x1000000xf32, #tpu.memory_space<hbm>>
      %dma_start3A_1140 = arith.constant 0 : i32
      %dma_start3A_1141 = tpu.memref_slice %dma_start3A_1139[%dma_start3A_1125, %dma_start3A_1140, %multiple_of3A_1070] : memref<4x8x1000000xf32, #tpu.memory_space<hbm>> -> memref<1x8x128xf32, #tpu.memory_space<hbm>>
      %dma_start3A_1142 = tpu.memref_squeeze %dma_start3A_1141 : memref<1x8x128xf32, #tpu.memory_space<hbm>> -> memref<8x128xf32, #tpu.memory_space<hbm>>
      tpu.enqueue_dma source(%dma_start3A_1142 : memref<8x128xf32, #tpu.memory_space<hbm>>) target(%dma_start3A_1138 : memref<8x128xf32, #tpu.memory_space<vmem>>) target_semaphore(%arg10 : memref<!tpu.dma_semaphore, #tpu.memory_space<semaphore_mem>>)
      %slice3A_1143 = vector.extract_strided_slice %get3A_21 {offsets = [15], sizes = [1], strides = [1]} : vector<16xi32> to vector<1xi32>
      %squeeze3A_1144 = vector.extract %slice3A_1143[0] : i32 from vector<1xi32>
      %multiple_of3A_1145 = tpu.assume_multiple %squeeze3A_1144, 128 : i32
      %dma_start3A_1146 = arith.constant 0 : i32
      %dma_start3A_1147 = arith.constant 15 : i32
      %dma_start3A_1148 = arith.constant 0 : i32
      %dma_start3A_1149 = arith.constant 0 : i32
      %dma_start3A_1150 = tpu.memref_slice %arg8[%dma_start3A_1147, %dma_start3A_1148, %dma_start3A_1149] : memref<16x32x128xf32, #tpu.memory_space<vmem>> -> memref<1x8x128xf32, #tpu.memory_space<vmem>>
      %dma_start3A_1151 = tpu.memref_squeeze %dma_start3A_1150 : memref<1x8x128xf32, #tpu.memory_space<vmem>> -> memref<8x128xf32, #tpu.memory_space<vmem>>
      %dma_start3A_1152 = tpu.memref_reshape %arg3 : memref<32x1000000xf32, #tpu.memory_space<hbm>> -> memref<4x8x1000000xf32, #tpu.memory_space<hbm>>
      %dma_start3A_1153 = arith.constant 0 : i32
      %dma_start3A_1154 = tpu.memref_slice %dma_start3A_1152[%dma_start3A_1146, %dma_start3A_1153, %multiple_of3A_1145] : memref<4x8x1000000xf32, #tpu.memory_space<hbm>> -> memref<1x8x128xf32, #tpu.memory_space<hbm>>
      %dma_start3A_1155 = tpu.memref_squeeze %dma_start3A_1154 : memref<1x8x128xf32, #tpu.memory_space<hbm>> -> memref<8x128xf32, #tpu.memory_space<hbm>>
      %dma_start3A_1156 = arith.constant 0 : i32
      %dma_start3A_1157 = arith.constant 0 : i32
      %dma_start3A_1158 = tpu.memref_slice %arg8[%dma_start3A_1147, %dma_start3A_1156, %dma_start3A_1157] : memref<16x32x128xf32, #tpu.memory_space<vmem>> -> memref<1x8x128xf32, #tpu.memory_space<vmem>>
      %dma_start3A_1159 = tpu.memref_squeeze %dma_start3A_1158 : memref<1x8x128xf32, #tpu.memory_space<vmem>> -> memref<8x128xf32, #tpu.memory_space<vmem>>
      %dma_start3A_1160 = tpu.memref_reshape %arg3 : memref<32x1000000xf32, #tpu.memory_space<hbm>> -> memref<4x8x1000000xf32, #tpu.memory_space<hbm>>
      %dma_start3A_1161 = arith.constant 0 : i32
      %dma_start3A_1162 = tpu.memref_slice %dma_start3A_1160[%dma_start3A_1146, %dma_start3A_1161, %multiple_of3A_1145] : memref<4x8x1000000xf32, #tpu.memory_space<hbm>> -> memref<1x8x128xf32, #tpu.memory_space<hbm>>
      %dma_start3A_1163 = tpu.memref_squeeze %dma_start3A_1162 : memref<1x8x128xf32, #tpu.memory_space<hbm>> -> memref<8x128xf32, #tpu.memory_space<hbm>>
      tpu.enqueue_dma source(%dma_start3A_1163 : memref<8x128xf32, #tpu.memory_space<hbm>>) target(%dma_start3A_1159 : memref<8x128xf32, #tpu.memory_space<vmem>>) target_semaphore(%arg10 : memref<!tpu.dma_semaphore, #tpu.memory_space<semaphore_mem>>)
      %dma_start3A_1164 = arith.constant 1 : i32
      %dma_start3A_1165 = arith.constant 15 : i32
      %dma_start3A_1166 = arith.constant 8 : i32
      %dma_start3A_1167 = arith.constant 0 : i32
      %dma_start3A_1168 = tpu.memref_slice %arg8[%dma_start3A_1165, %dma_start3A_1166, %dma_start3A_1167] : memref<16x32x128xf32, #tpu.memory_space<vmem>> -> memref<1x8x128xf32, #tpu.memory_space<vmem>>
      %dma_start3A_1169 = tpu.memref_squeeze %dma_start3A_1168 : memref<1x8x128xf32, #tpu.memory_space<vmem>> -> memref<8x128xf32, #tpu.memory_space<vmem>>
      %dma_start3A_1170 = tpu.memref_reshape %arg3 : memref<32x1000000xf32, #tpu.memory_space<hbm>> -> memref<4x8x1000000xf32, #tpu.memory_space<hbm>>
      %dma_start3A_1171 = arith.constant 0 : i32
      %dma_start3A_1172 = tpu.memref_slice %dma_start3A_1170[%dma_start3A_1164, %dma_start3A_1171, %multiple_of3A_1145] : memref<4x8x1000000xf32, #tpu.memory_space<hbm>> -> memref<1x8x128xf32, #tpu.memory_space<hbm>>
      %dma_start3A_1173 = tpu.memref_squeeze %dma_start3A_1172 : memref<1x8x128xf32, #tpu.memory_space<hbm>> -> memref<8x128xf32, #tpu.memory_space<hbm>>
      %dma_start3A_1174 = arith.constant 8 : i32
      %dma_start3A_1175 = arith.constant 0 : i32
      %dma_start3A_1176 = tpu.memref_slice %arg8[%dma_start3A_1165, %dma_start3A_1174, %dma_start3A_1175] : memref<16x32x128xf32, #tpu.memory_space<vmem>> -> memref<1x8x128xf32, #tpu.memory_space<vmem>>
      %dma_start3A_1177 = tpu.memref_squeeze %dma_start3A_1176 : memref<1x8x128xf32, #tpu.memory_space<vmem>> -> memref<8x128xf32, #tpu.memory_space<vmem>>
      %dma_start3A_1178 = tpu.memref_reshape %arg3 : memref<32x1000000xf32, #tpu.memory_space<hbm>> -> memref<4x8x1000000xf32, #tpu.memory_space<hbm>>
      %dma_start3A_1179 = arith.constant 0 : i32
      %dma_start3A_1180 = tpu.memref_slice %dma_start3A_1178[%dma_start3A_1164, %dma_start3A_1179, %multiple_of3A_1145] : memref<4x8x1000000xf32, #tpu.memory_space<hbm>> -> memref<1x8x128xf32, #tpu.memory_space<hbm>>
      %dma_start3A_1181 = tpu.memref_squeeze %dma_start3A_1180 : memref<1x8x128xf32, #tpu.memory_space<hbm>> -> memref<8x128xf32, #tpu.memory_space<hbm>>
      tpu.enqueue_dma source(%dma_start3A_1181 : memref<8x128xf32, #tpu.memory_space<hbm>>) target(%dma_start3A_1177 : memref<8x128xf32, #tpu.memory_space<vmem>>) target_semaphore(%arg10 : memref<!tpu.dma_semaphore, #tpu.memory_space<semaphore_mem>>)
      %dma_start3A_1182 = arith.constant 2 : i32
      %dma_start3A_1183 = arith.constant 15 : i32
      %dma_start3A_1184 = arith.constant 16 : i32
      %dma_start3A_1185 = arith.constant 0 : i32
      %dma_start3A_1186 = tpu.memref_slice %arg8[%dma_start3A_1183, %dma_start3A_1184, %dma_start3A_1185] : memref<16x32x128xf32, #tpu.memory_space<vmem>> -> memref<1x8x128xf32, #tpu.memory_space<vmem>>
      %dma_start3A_1187 = tpu.memref_squeeze %dma_start3A_1186 : memref<1x8x128xf32, #tpu.memory_space<vmem>> -> memref<8x128xf32, #tpu.memory_space<vmem>>
      %dma_start3A_1188 = tpu.memref_reshape %arg3 : memref<32x1000000xf32, #tpu.memory_space<hbm>> -> memref<4x8x1000000xf32, #tpu.memory_space<hbm>>
      %dma_start3A_1189 = arith.constant 0 : i32
      %dma_start3A_1190 = tpu.memref_slice %dma_start3A_1188[%dma_start3A_1182, %dma_start3A_1189, %multiple_of3A_1145] : memref<4x8x1000000xf32, #tpu.memory_space<hbm>> -> memref<1x8x128xf32, #tpu.memory_space<hbm>>
      %dma_start3A_1191 = tpu.memref_squeeze %dma_start3A_1190 : memref<1x8x128xf32, #tpu.memory_space<hbm>> -> memref<8x128xf32, #tpu.memory_space<hbm>>
      %dma_start3A_1192 = arith.constant 16 : i32
      %dma_start3A_1193 = arith.constant 0 : i32
      %dma_start3A_1194 = tpu.memref_slice %arg8[%dma_start3A_1183, %dma_start3A_1192, %dma_start3A_1193] : memref<16x32x128xf32, #tpu.memory_space<vmem>> -> memref<1x8x128xf32, #tpu.memory_space<vmem>>
      %dma_start3A_1195 = tpu.memref_squeeze %dma_start3A_1194 : memref<1x8x128xf32, #tpu.memory_space<vmem>> -> memref<8x128xf32, #tpu.memory_space<vmem>>
      %dma_start3A_1196 = tpu.memref_reshape %arg3 : memref<32x1000000xf32, #tpu.memory_space<hbm>> -> memref<4x8x1000000xf32, #tpu.memory_space<hbm>>
      %dma_start3A_1197 = arith.constant 0 : i32
      %dma_start3A_1198 = tpu.memref_slice %dma_start3A_1196[%dma_start3A_1182, %dma_start3A_1197, %multiple_of3A_1145] : memref<4x8x1000000xf32, #tpu.memory_space<hbm>> -> memref<1x8x128xf32, #tpu.memory_space<hbm>>
      %dma_start3A_1199 = tpu.memref_squeeze %dma_start3A_1198 : memref<1x8x128xf32, #tpu.memory_space<hbm>> -> memref<8x128xf32, #tpu.memory_space<hbm>>
      tpu.enqueue_dma source(%dma_start3A_1199 : memref<8x128xf32, #tpu.memory_space<hbm>>) target(%dma_start3A_1195 : memref<8x128xf32, #tpu.memory_space<vmem>>) target_semaphore(%arg10 : memref<!tpu.dma_semaphore, #tpu.memory_space<semaphore_mem>>)
      %dma_start3A_1200 = arith.constant 3 : i32
      %dma_start3A_1201 = arith.constant 15 : i32
      %dma_start3A_1202 = arith.constant 24 : i32
      %dma_start3A_1203 = arith.constant 0 : i32
      %dma_start3A_1204 = tpu.memref_slice %arg8[%dma_start3A_1201, %dma_start3A_1202, %dma_start3A_1203] : memref<16x32x128xf32, #tpu.memory_space<vmem>> -> memref<1x8x128xf32, #tpu.memory_space<vmem>>
      %dma_start3A_1205 = tpu.memref_squeeze %dma_start3A_1204 : memref<1x8x128xf32, #tpu.memory_space<vmem>> -> memref<8x128xf32, #tpu.memory_space<vmem>>
      %dma_start3A_1206 = tpu.memref_reshape %arg3 : memref<32x1000000xf32, #tpu.memory_space<hbm>> -> memref<4x8x1000000xf32, #tpu.memory_space<hbm>>
      %dma_start3A_1207 = arith.constant 0 : i32
      %dma_start3A_1208 = tpu.memref_slice %dma_start3A_1206[%dma_start3A_1200, %dma_start3A_1207, %multiple_of3A_1145] : memref<4x8x1000000xf32, #tpu.memory_space<hbm>> -> memref<1x8x128xf32, #tpu.memory_space<hbm>>
      %dma_start3A_1209 = tpu.memref_squeeze %dma_start3A_1208 : memref<1x8x128xf32, #tpu.memory_space<hbm>> -> memref<8x128xf32, #tpu.memory_space<hbm>>
      %dma_start3A_1210 = arith.constant 24 : i32
      %dma_start3A_1211 = arith.constant 0 : i32
      %dma_start3A_1212 = tpu.memref_slice %arg8[%dma_start3A_1201, %dma_start3A_1210, %dma_start3A_1211] : memref<16x32x128xf32, #tpu.memory_space<vmem>> -> memref<1x8x128xf32, #tpu.memory_space<vmem>>
      %dma_start3A_1213 = tpu.memref_squeeze %dma_start3A_1212 : memref<1x8x128xf32, #tpu.memory_space<vmem>> -> memref<8x128xf32, #tpu.memory_space<vmem>>
      %dma_start3A_1214 = tpu.memref_reshape %arg3 : memref<32x1000000xf32, #tpu.memory_space<hbm>> -> memref<4x8x1000000xf32, #tpu.memory_space<hbm>>
      %dma_start3A_1215 = arith.constant 0 : i32
      %dma_start3A_1216 = tpu.memref_slice %dma_start3A_1214[%dma_start3A_1200, %dma_start3A_1215, %multiple_of3A_1145] : memref<4x8x1000000xf32, #tpu.memory_space<hbm>> -> memref<1x8x128xf32, #tpu.memory_space<hbm>>
      %dma_start3A_1217 = tpu.memref_squeeze %dma_start3A_1216 : memref<1x8x128xf32, #tpu.memory_space<hbm>> -> memref<8x128xf32, #tpu.memory_space<hbm>>
      tpu.enqueue_dma source(%dma_start3A_1217 : memref<8x128xf32, #tpu.memory_space<hbm>>) target(%dma_start3A_1213 : memref<8x128xf32, #tpu.memory_space<vmem>>) target_semaphore(%arg10 : memref<!tpu.dma_semaphore, #tpu.memory_space<semaphore_mem>>)
      %dma_wait3A = arith.constant 0 : i32
      %dma_wait3A_1218 = arith.constant 0 : i32
      %dma_wait3A_1219 = arith.constant 0 : i32
      %dma_wait3A_1220 = arith.constant 0 : i32
      %dma_wait3A_1221 = tpu.memref_slice %arg8[%dma_wait3A_1218, %dma_wait3A_1219, %dma_wait3A_1220] : memref<16x32x128xf32, #tpu.memory_space<vmem>> -> memref<1x8x128xf32, #tpu.memory_space<vmem>>
      %dma_wait3A_1222 = tpu.memref_squeeze %dma_wait3A_1221 : memref<1x8x128xf32, #tpu.memory_space<vmem>> -> memref<8x128xf32, #tpu.memory_space<vmem>>
      %dma_wait3A_1223 = tpu.memref_reshape %arg3 : memref<32x1000000xf32, #tpu.memory_space<hbm>> -> memref<4x8x1000000xf32, #tpu.memory_space<hbm>>
      %dma_wait3A_1224 = arith.constant 0 : i32
      %dma_wait3A_1225 = tpu.memref_slice %dma_wait3A_1223[%dma_wait3A, %dma_wait3A_1224, %multiple_of3A] : memref<4x8x1000000xf32, #tpu.memory_space<hbm>> -> memref<1x8x128xf32, #tpu.memory_space<hbm>>
      %dma_wait3A_1226 = tpu.memref_squeeze %dma_wait3A_1225 : memref<1x8x128xf32, #tpu.memory_space<hbm>> -> memref<8x128xf32, #tpu.memory_space<hbm>>
      %dma_wait3A_1227 = arith.constant 0 : i32
      %dma_wait3A_1228 = arith.constant 0 : i32
      %dma_wait3A_1229 = tpu.memref_slice %arg8[%dma_wait3A_1218, %dma_wait3A_1227, %dma_wait3A_1228] : memref<16x32x128xf32, #tpu.memory_space<vmem>> -> memref<1x8x128xf32, #tpu.memory_space<vmem>>
      %dma_wait3A_1230 = tpu.memref_squeeze %dma_wait3A_1229 : memref<1x8x128xf32, #tpu.memory_space<vmem>> -> memref<8x128xf32, #tpu.memory_space<vmem>>
      %dma_wait3A_1231 = tpu.memref_reshape %arg3 : memref<32x1000000xf32, #tpu.memory_space<hbm>> -> memref<4x8x1000000xf32, #tpu.memory_space<hbm>>
      %dma_wait3A_1232 = arith.constant 0 : i32
      %dma_wait3A_1233 = tpu.memref_slice %dma_wait3A_1231[%dma_wait3A, %dma_wait3A_1232, %multiple_of3A] : memref<4x8x1000000xf32, #tpu.memory_space<hbm>> -> memref<1x8x128xf32, #tpu.memory_space<hbm>>
      %dma_wait3A_1234 = tpu.memref_squeeze %dma_wait3A_1233 : memref<1x8x128xf32, #tpu.memory_space<hbm>> -> memref<8x128xf32, #tpu.memory_space<hbm>>
      tpu.wait_dma2 semaphore(%arg10 : memref<!tpu.dma_semaphore, #tpu.memory_space<semaphore_mem>>) src(%dma_wait3A_1234 : memref<8x128xf32, #tpu.memory_space<hbm>>) dst(%dma_wait3A_1230 : memref<8x128xf32, #tpu.memory_space<vmem>>)
      %dma_wait3A_1235 = arith.constant 1 : i32
      %dma_wait3A_1236 = arith.constant 0 : i32
      %dma_wait3A_1237 = arith.constant 8 : i32
      %dma_wait3A_1238 = arith.constant 0 : i32
      %dma_wait3A_1239 = tpu.memref_slice %arg8[%dma_wait3A_1236, %dma_wait3A_1237, %dma_wait3A_1238] : memref<16x32x128xf32, #tpu.memory_space<vmem>> -> memref<1x8x128xf32, #tpu.memory_space<vmem>>
      %dma_wait3A_1240 = tpu.memref_squeeze %dma_wait3A_1239 : memref<1x8x128xf32, #tpu.memory_space<vmem>> -> memref<8x128xf32, #tpu.memory_space<vmem>>
      %dma_wait3A_1241 = tpu.memref_reshape %arg3 : memref<32x1000000xf32, #tpu.memory_space<hbm>> -> memref<4x8x1000000xf32, #tpu.memory_space<hbm>>
      %dma_wait3A_1242 = arith.constant 0 : i32
      %dma_wait3A_1243 = tpu.memref_slice %dma_wait3A_1241[%dma_wait3A_1235, %dma_wait3A_1242, %multiple_of3A] : memref<4x8x1000000xf32, #tpu.memory_space<hbm>> -> memref<1x8x128xf32, #tpu.memory_space<hbm>>
      %dma_wait3A_1244 = tpu.memref_squeeze %dma_wait3A_1243 : memref<1x8x128xf32, #tpu.memory_space<hbm>> -> memref<8x128xf32, #tpu.memory_space<hbm>>
      %dma_wait3A_1245 = arith.constant 8 : i32
      %dma_wait3A_1246 = arith.constant 0 : i32
      %dma_wait3A_1247 = tpu.memref_slice %arg8[%dma_wait3A_1236, %dma_wait3A_1245, %dma_wait3A_1246] : memref<16x32x128xf32, #tpu.memory_space<vmem>> -> memref<1x8x128xf32, #tpu.memory_space<vmem>>
      %dma_wait3A_1248 = tpu.memref_squeeze %dma_wait3A_1247 : memref<1x8x128xf32, #tpu.memory_space<vmem>> -> memref<8x128xf32, #tpu.memory_space<vmem>>
      %dma_wait3A_1249 = tpu.memref_reshape %arg3 : memref<32x1000000xf32, #tpu.memory_space<hbm>> -> memref<4x8x1000000xf32, #tpu.memory_space<hbm>>
      %dma_wait3A_1250 = arith.constant 0 : i32
      %dma_wait3A_1251 = tpu.memref_slice %dma_wait3A_1249[%dma_wait3A_1235, %dma_wait3A_1250, %multiple_of3A] : memref<4x8x1000000xf32, #tpu.memory_space<hbm>> -> memref<1x8x128xf32, #tpu.memory_space<hbm>>
      %dma_wait3A_1252 = tpu.memref_squeeze %dma_wait3A_1251 : memref<1x8x128xf32, #tpu.memory_space<hbm>> -> memref<8x128xf32, #tpu.memory_space<hbm>>
      tpu.wait_dma2 semaphore(%arg10 : memref<!tpu.dma_semaphore, #tpu.memory_space<semaphore_mem>>) src(%dma_wait3A_1252 : memref<8x128xf32, #tpu.memory_space<hbm>>) dst(%dma_wait3A_1248 : memref<8x128xf32, #tpu.memory_space<vmem>>)
      %dma_wait3A_1253 = arith.constant 2 : i32
      %dma_wait3A_1254 = arith.constant 0 : i32
      %dma_wait3A_1255 = arith.constant 16 : i32
      %dma_wait3A_1256 = arith.constant 0 : i32
      %dma_wait3A_1257 = tpu.memref_slice %arg8[%dma_wait3A_1254, %dma_wait3A_1255, %dma_wait3A_1256] : memref<16x32x128xf32, #tpu.memory_space<vmem>> -> memref<1x8x128xf32, #tpu.memory_space<vmem>>
      %dma_wait3A_1258 = tpu.memref_squeeze %dma_wait3A_1257 : memref<1x8x128xf32, #tpu.memory_space<vmem>> -> memref<8x128xf32, #tpu.memory_space<vmem>>
      %dma_wait3A_1259 = tpu.memref_reshape %arg3 : memref<32x1000000xf32, #tpu.memory_space<hbm>> -> memref<4x8x1000000xf32, #tpu.memory_space<hbm>>
      %dma_wait3A_1260 = arith.constant 0 : i32
      %dma_wait3A_1261 = tpu.memref_slice %dma_wait3A_1259[%dma_wait3A_1253, %dma_wait3A_1260, %multiple_of3A] : memref<4x8x1000000xf32, #tpu.memory_space<hbm>> -> memref<1x8x128xf32, #tpu.memory_space<hbm>>
      %dma_wait3A_1262 = tpu.memref_squeeze %dma_wait3A_1261 : memref<1x8x128xf32, #tpu.memory_space<hbm>> -> memref<8x128xf32, #tpu.memory_space<hbm>>
      %dma_wait3A_1263 = arith.constant 16 : i32
      %dma_wait3A_1264 = arith.constant 0 : i32
      %dma_wait3A_1265 = tpu.memref_slice %arg8[%dma_wait3A_1254, %dma_wait3A_1263, %dma_wait3A_1264] : memref<16x32x128xf32, #tpu.memory_space<vmem>> -> memref<1x8x128xf32, #tpu.memory_space<vmem>>
      %dma_wait3A_1266 = tpu.memref_squeeze %dma_wait3A_1265 : memref<1x8x128xf32, #tpu.memory_space<vmem>> -> memref<8x128xf32, #tpu.memory_space<vmem>>
      %dma_wait3A_1267 = tpu.memref_reshape %arg3 : memref<32x1000000xf32, #tpu.memory_space<hbm>> -> memref<4x8x1000000xf32, #tpu.memory_space<hbm>>
      %dma_wait3A_1268 = arith.constant 0 : i32
      %dma_wait3A_1269 = tpu.memref_slice %dma_wait3A_1267[%dma_wait3A_1253, %dma_wait3A_1268, %multiple_of3A] : memref<4x8x1000000xf32, #tpu.memory_space<hbm>> -> memref<1x8x128xf32, #tpu.memory_space<hbm>>
      %dma_wait3A_1270 = tpu.memref_squeeze %dma_wait3A_1269 : memref<1x8x128xf32, #tpu.memory_space<hbm>> -> memref<8x128xf32, #tpu.memory_space<hbm>>
      tpu.wait_dma2 semaphore(%arg10 : memref<!tpu.dma_semaphore, #tpu.memory_space<semaphore_mem>>) src(%dma_wait3A_1270 : memref<8x128xf32, #tpu.memory_space<hbm>>) dst(%dma_wait3A_1266 : memref<8x128xf32, #tpu.memory_space<vmem>>)
      %dma_wait3A_1271 = arith.constant 3 : i32
      %dma_wait3A_1272 = arith.constant 0 : i32
      %dma_wait3A_1273 = arith.constant 24 : i32
      %dma_wait3A_1274 = arith.constant 0 : i32
      %dma_wait3A_1275 = tpu.memref_slice %arg8[%dma_wait3A_1272, %dma_wait3A_1273, %dma_wait3A_1274] : memref<16x32x128xf32, #tpu.memory_space<vmem>> -> memref<1x8x128xf32, #tpu.memory_space<vmem>>
      %dma_wait3A_1276 = tpu.memref_squeeze %dma_wait3A_1275 : memref<1x8x128xf32, #tpu.memory_space<vmem>> -> memref<8x128xf32, #tpu.memory_space<vmem>>
      %dma_wait3A_1277 = tpu.memref_reshape %arg3 : memref<32x1000000xf32, #tpu.memory_space<hbm>> -> memref<4x8x1000000xf32, #tpu.memory_space<hbm>>
      %dma_wait3A_1278 = arith.constant 0 : i32
      %dma_wait3A_1279 = tpu.memref_slice %dma_wait3A_1277[%dma_wait3A_1271, %dma_wait3A_1278, %multiple_of3A] : memref<4x8x1000000xf32, #tpu.memory_space<hbm>> -> memref<1x8x128xf32, #tpu.memory_space<hbm>>
      %dma_wait3A_1280 = tpu.memref_squeeze %dma_wait3A_1279 : memref<1x8x128xf32, #tpu.memory_space<hbm>> -> memref<8x128xf32, #tpu.memory_space<hbm>>
      %dma_wait3A_1281 = arith.constant 24 : i32
      %dma_wait3A_1282 = arith.constant 0 : i32
      %dma_wait3A_1283 = tpu.memref_slice %arg8[%dma_wait3A_1272, %dma_wait3A_1281, %dma_wait3A_1282] : memref<16x32x128xf32, #tpu.memory_space<vmem>> -> memref<1x8x128xf32, #tpu.memory_space<vmem>>
      %dma_wait3A_1284 = tpu.memref_squeeze %dma_wait3A_1283 : memref<1x8x128xf32, #tpu.memory_space<vmem>> -> memref<8x128xf32, #tpu.memory_space<vmem>>
      %dma_wait3A_1285 = tpu.memref_reshape %arg3 : memref<32x1000000xf32, #tpu.memory_space<hbm>> -> memref<4x8x1000000xf32, #tpu.memory_space<hbm>>
      %dma_wait3A_1286 = arith.constant 0 : i32
      %dma_wait3A_1287 = tpu.memref_slice %dma_wait3A_1285[%dma_wait3A_1271, %dma_wait3A_1286, %multiple_of3A] : memref<4x8x1000000xf32, #tpu.memory_space<hbm>> -> memref<1x8x128xf32, #tpu.memory_space<hbm>>
      %dma_wait3A_1288 = tpu.memref_squeeze %dma_wait3A_1287 : memref<1x8x128xf32, #tpu.memory_space<hbm>> -> memref<8x128xf32, #tpu.memory_space<hbm>>
      tpu.wait_dma2 semaphore(%arg10 : memref<!tpu.dma_semaphore, #tpu.memory_space<semaphore_mem>>) src(%dma_wait3A_1288 : memref<8x128xf32, #tpu.memory_space<hbm>>) dst(%dma_wait3A_1284 : memref<8x128xf32, #tpu.memory_space<vmem>>)
      %dma_wait3A_1289 = arith.constant 0 : i32
      %dma_wait3A_1290 = arith.constant 1 : i32
      %dma_wait3A_1291 = arith.constant 0 : i32
      %dma_wait3A_1292 = arith.constant 0 : i32
      %dma_wait3A_1293 = tpu.memref_slice %arg8[%dma_wait3A_1290, %dma_wait3A_1291, %dma_wait3A_1292] : memref<16x32x128xf32, #tpu.memory_space<vmem>> -> memref<1x8x128xf32, #tpu.memory_space<vmem>>
      %dma_wait3A_1294 = tpu.memref_squeeze %dma_wait3A_1293 : memref<1x8x128xf32, #tpu.memory_space<vmem>> -> memref<8x128xf32, #tpu.memory_space<vmem>>
      %dma_wait3A_1295 = tpu.memref_reshape %arg3 : memref<32x1000000xf32, #tpu.memory_space<hbm>> -> memref<4x8x1000000xf32, #tpu.memory_space<hbm>>
      %dma_wait3A_1296 = arith.constant 0 : i32
      %dma_wait3A_1297 = tpu.memref_slice %dma_wait3A_1295[%dma_wait3A_1289, %dma_wait3A_1296, %multiple_of3A_95] : memref<4x8x1000000xf32, #tpu.memory_space<hbm>> -> memref<1x8x128xf32, #tpu.memory_space<hbm>>
      %dma_wait3A_1298 = tpu.memref_squeeze %dma_wait3A_1297 : memref<1x8x128xf32, #tpu.memory_space<hbm>> -> memref<8x128xf32, #tpu.memory_space<hbm>>
      %dma_wait3A_1299 = arith.constant 0 : i32
      %dma_wait3A_1300 = arith.constant 0 : i32
      %dma_wait3A_1301 = tpu.memref_slice %arg8[%dma_wait3A_1290, %dma_wait3A_1299, %dma_wait3A_1300] : memref<16x32x128xf32, #tpu.memory_space<vmem>> -> memref<1x8x128xf32, #tpu.memory_space<vmem>>
      %dma_wait3A_1302 = tpu.memref_squeeze %dma_wait3A_1301 : memref<1x8x128xf32, #tpu.memory_space<vmem>> -> memref<8x128xf32, #tpu.memory_space<vmem>>
      %dma_wait3A_1303 = tpu.memref_reshape %arg3 : memref<32x1000000xf32, #tpu.memory_space<hbm>> -> memref<4x8x1000000xf32, #tpu.memory_space<hbm>>
      %dma_wait3A_1304 = arith.constant 0 : i32
      %dma_wait3A_1305 = tpu.memref_slice %dma_wait3A_1303[%dma_wait3A_1289, %dma_wait3A_1304, %multiple_of3A_95] : memref<4x8x1000000xf32, #tpu.memory_space<hbm>> -> memref<1x8x128xf32, #tpu.memory_space<hbm>>
      %dma_wait3A_1306 = tpu.memref_squeeze %dma_wait3A_1305 : memref<1x8x128xf32, #tpu.memory_space<hbm>> -> memref<8x128xf32, #tpu.memory_space<hbm>>
      tpu.wait_dma2 semaphore(%arg10 : memref<!tpu.dma_semaphore, #tpu.memory_space<semaphore_mem>>) src(%dma_wait3A_1306 : memref<8x128xf32, #tpu.memory_space<hbm>>) dst(%dma_wait3A_1302 : memref<8x128xf32, #tpu.memory_space<vmem>>)
      %dma_wait3A_1307 = arith.constant 1 : i32
      %dma_wait3A_1308 = arith.constant 1 : i32
      %dma_wait3A_1309 = arith.constant 8 : i32
      %dma_wait3A_1310 = arith.constant 0 : i32
      %dma_wait3A_1311 = tpu.memref_slice %arg8[%dma_wait3A_1308, %dma_wait3A_1309, %dma_wait3A_1310] : memref<16x32x128xf32, #tpu.memory_space<vmem>> -> memref<1x8x128xf32, #tpu.memory_space<vmem>>
      %dma_wait3A_1312 = tpu.memref_squeeze %dma_wait3A_1311 : memref<1x8x128xf32, #tpu.memory_space<vmem>> -> memref<8x128xf32, #tpu.memory_space<vmem>>
      %dma_wait3A_1313 = tpu.memref_reshape %arg3 : memref<32x1000000xf32, #tpu.memory_space<hbm>> -> memref<4x8x1000000xf32, #tpu.memory_space<hbm>>
      %dma_wait3A_1314 = arith.constant 0 : i32
      %dma_wait3A_1315 = tpu.memref_slice %dma_wait3A_1313[%dma_wait3A_1307, %dma_wait3A_1314, %multiple_of3A_95] : memref<4x8x1000000xf32, #tpu.memory_space<hbm>> -> memref<1x8x128xf32, #tpu.memory_space<hbm>>
      %dma_wait3A_1316 = tpu.memref_squeeze %dma_wait3A_1315 : memref<1x8x128xf32, #tpu.memory_space<hbm>> -> memref<8x128xf32, #tpu.memory_space<hbm>>
      %dma_wait3A_1317 = arith.constant 8 : i32
      %dma_wait3A_1318 = arith.constant 0 : i32
      %dma_wait3A_1319 = tpu.memref_slice %arg8[%dma_wait3A_1308, %dma_wait3A_1317, %dma_wait3A_1318] : memref<16x32x128xf32, #tpu.memory_space<vmem>> -> memref<1x8x128xf32, #tpu.memory_space<vmem>>
      %dma_wait3A_1320 = tpu.memref_squeeze %dma_wait3A_1319 : memref<1x8x128xf32, #tpu.memory_space<vmem>> -> memref<8x128xf32, #tpu.memory_space<vmem>>
      %dma_wait3A_1321 = tpu.memref_reshape %arg3 : memref<32x1000000xf32, #tpu.memory_space<hbm>> -> memref<4x8x1000000xf32, #tpu.memory_space<hbm>>
      %dma_wait3A_1322 = arith.constant 0 : i32
      %dma_wait3A_1323 = tpu.memref_slice %dma_wait3A_1321[%dma_wait3A_1307, %dma_wait3A_1322, %multiple_of3A_95] : memref<4x8x1000000xf32, #tpu.memory_space<hbm>> -> memref<1x8x128xf32, #tpu.memory_space<hbm>>
      %dma_wait3A_1324 = tpu.memref_squeeze %dma_wait3A_1323 : memref<1x8x128xf32, #tpu.memory_space<hbm>> -> memref<8x128xf32, #tpu.memory_space<hbm>>
      tpu.wait_dma2 semaphore(%arg10 : memref<!tpu.dma_semaphore, #tpu.memory_space<semaphore_mem>>) src(%dma_wait3A_1324 : memref<8x128xf32, #tpu.memory_space<hbm>>) dst(%dma_wait3A_1320 : memref<8x128xf32, #tpu.memory_space<vmem>>)
      %dma_wait3A_1325 = arith.constant 2 : i32
      %dma_wait3A_1326 = arith.constant 1 : i32
      %dma_wait3A_1327 = arith.constant 16 : i32
      %dma_wait3A_1328 = arith.constant 0 : i32
      %dma_wait3A_1329 = tpu.memref_slice %arg8[%dma_wait3A_1326, %dma_wait3A_1327, %dma_wait3A_1328] : memref<16x32x128xf32, #tpu.memory_space<vmem>> -> memref<1x8x128xf32, #tpu.memory_space<vmem>>
      %dma_wait3A_1330 = tpu.memref_squeeze %dma_wait3A_1329 : memref<1x8x128xf32, #tpu.memory_space<vmem>> -> memref<8x128xf32, #tpu.memory_space<vmem>>
      %dma_wait3A_1331 = tpu.memref_reshape %arg3 : memref<32x1000000xf32, #tpu.memory_space<hbm>> -> memref<4x8x1000000xf32, #tpu.memory_space<hbm>>
      %dma_wait3A_1332 = arith.constant 0 : i32
      %dma_wait3A_1333 = tpu.memref_slice %dma_wait3A_1331[%dma_wait3A_1325, %dma_wait3A_1332, %multiple_of3A_95] : memref<4x8x1000000xf32, #tpu.memory_space<hbm>> -> memref<1x8x128xf32, #tpu.memory_space<hbm>>
      %dma_wait3A_1334 = tpu.memref_squeeze %dma_wait3A_1333 : memref<1x8x128xf32, #tpu.memory_space<hbm>> -> memref<8x128xf32, #tpu.memory_space<hbm>>
      %dma_wait3A_1335 = arith.constant 16 : i32
      %dma_wait3A_1336 = arith.constant 0 : i32
      %dma_wait3A_1337 = tpu.memref_slice %arg8[%dma_wait3A_1326, %dma_wait3A_1335, %dma_wait3A_1336] : memref<16x32x128xf32, #tpu.memory_space<vmem>> -> memref<1x8x128xf32, #tpu.memory_space<vmem>>
      %dma_wait3A_1338 = tpu.memref_squeeze %dma_wait3A_1337 : memref<1x8x128xf32, #tpu.memory_space<vmem>> -> memref<8x128xf32, #tpu.memory_space<vmem>>
      %dma_wait3A_1339 = tpu.memref_reshape %arg3 : memref<32x1000000xf32, #tpu.memory_space<hbm>> -> memref<4x8x1000000xf32, #tpu.memory_space<hbm>>
      %dma_wait3A_1340 = arith.constant 0 : i32
      %dma_wait3A_1341 = tpu.memref_slice %dma_wait3A_1339[%dma_wait3A_1325, %dma_wait3A_1340, %multiple_of3A_95] : memref<4x8x1000000xf32, #tpu.memory_space<hbm>> -> memref<1x8x128xf32, #tpu.memory_space<hbm>>
      %dma_wait3A_1342 = tpu.memref_squeeze %dma_wait3A_1341 : memref<1x8x128xf32, #tpu.memory_space<hbm>> -> memref<8x128xf32, #tpu.memory_space<hbm>>
      tpu.wait_dma2 semaphore(%arg10 : memref<!tpu.dma_semaphore, #tpu.memory_space<semaphore_mem>>) src(%dma_wait3A_1342 : memref<8x128xf32, #tpu.memory_space<hbm>>) dst(%dma_wait3A_1338 : memref<8x128xf32, #tpu.memory_space<vmem>>)
      %dma_wait3A_1343 = arith.constant 3 : i32
      %dma_wait3A_1344 = arith.constant 1 : i32
      %dma_wait3A_1345 = arith.constant 24 : i32
      %dma_wait3A_1346 = arith.constant 0 : i32
      %dma_wait3A_1347 = tpu.memref_slice %arg8[%dma_wait3A_1344, %dma_wait3A_1345, %dma_wait3A_1346] : memref<16x32x128xf32, #tpu.memory_space<vmem>> -> memref<1x8x128xf32, #tpu.memory_space<vmem>>
      %dma_wait3A_1348 = tpu.memref_squeeze %dma_wait3A_1347 : memref<1x8x128xf32, #tpu.memory_space<vmem>> -> memref<8x128xf32, #tpu.memory_space<vmem>>
      %dma_wait3A_1349 = tpu.memref_reshape %arg3 : memref<32x1000000xf32, #tpu.memory_space<hbm>> -> memref<4x8x1000000xf32, #tpu.memory_space<hbm>>
      %dma_wait3A_1350 = arith.constant 0 : i32
      %dma_wait3A_1351 = tpu.memref_slice %dma_wait3A_1349[%dma_wait3A_1343, %dma_wait3A_1350, %multiple_of3A_95] : memref<4x8x1000000xf32, #tpu.memory_space<hbm>> -> memref<1x8x128xf32, #tpu.memory_space<hbm>>
      %dma_wait3A_1352 = tpu.memref_squeeze %dma_wait3A_1351 : memref<1x8x128xf32, #tpu.memory_space<hbm>> -> memref<8x128xf32, #tpu.memory_space<hbm>>
      %dma_wait3A_1353 = arith.constant 24 : i32
      %dma_wait3A_1354 = arith.constant 0 : i32
      %dma_wait3A_1355 = tpu.memref_slice %arg8[%dma_wait3A_1344, %dma_wait3A_1353, %dma_wait3A_1354] : memref<16x32x128xf32, #tpu.memory_space<vmem>> -> memref<1x8x128xf32, #tpu.memory_space<vmem>>
      %dma_wait3A_1356 = tpu.memref_squeeze %dma_wait3A_1355 : memref<1x8x128xf32, #tpu.memory_space<vmem>> -> memref<8x128xf32, #tpu.memory_space<vmem>>
      %dma_wait3A_1357 = tpu.memref_reshape %arg3 : memref<32x1000000xf32, #tpu.memory_space<hbm>> -> memref<4x8x1000000xf32, #tpu.memory_space<hbm>>
      %dma_wait3A_1358 = arith.constant 0 : i32
      %dma_wait3A_1359 = tpu.memref_slice %dma_wait3A_1357[%dma_wait3A_1343, %dma_wait3A_1358, %multiple_of3A_95] : memref<4x8x1000000xf32, #tpu.memory_space<hbm>> -> memref<1x8x128xf32, #tpu.memory_space<hbm>>
      %dma_wait3A_1360 = tpu.memref_squeeze %dma_wait3A_1359 : memref<1x8x128xf32, #tpu.memory_space<hbm>> -> memref<8x128xf32, #tpu.memory_space<hbm>>
      tpu.wait_dma2 semaphore(%arg10 : memref<!tpu.dma_semaphore, #tpu.memory_space<semaphore_mem>>) src(%dma_wait3A_1360 : memref<8x128xf32, #tpu.memory_space<hbm>>) dst(%dma_wait3A_1356 : memref<8x128xf32, #tpu.memory_space<vmem>>)
      %dma_wait3A_1361 = arith.constant 0 : i32
      %dma_wait3A_1362 = arith.constant 2 : i32
      %dma_wait3A_1363 = arith.constant 0 : i32
      %dma_wait3A_1364 = arith.constant 0 : i32
      %dma_wait3A_1365 = tpu.memref_slice %arg8[%dma_wait3A_1362, %dma_wait3A_1363, %dma_wait3A_1364] : memref<16x32x128xf32, #tpu.memory_space<vmem>> -> memref<1x8x128xf32, #tpu.memory_space<vmem>>
      %dma_wait3A_1366 = tpu.memref_squeeze %dma_wait3A_1365 : memref<1x8x128xf32, #tpu.memory_space<vmem>> -> memref<8x128xf32, #tpu.memory_space<vmem>>
      %dma_wait3A_1367 = tpu.memref_reshape %arg3 : memref<32x1000000xf32, #tpu.memory_space<hbm>> -> memref<4x8x1000000xf32, #tpu.memory_space<hbm>>
      %dma_wait3A_1368 = arith.constant 0 : i32
      %dma_wait3A_1369 = tpu.memref_slice %dma_wait3A_1367[%dma_wait3A_1361, %dma_wait3A_1368, %multiple_of3A_170] : memref<4x8x1000000xf32, #tpu.memory_space<hbm>> -> memref<1x8x128xf32, #tpu.memory_space<hbm>>
      %dma_wait3A_1370 = tpu.memref_squeeze %dma_wait3A_1369 : memref<1x8x128xf32, #tpu.memory_space<hbm>> -> memref<8x128xf32, #tpu.memory_space<hbm>>
      %dma_wait3A_1371 = arith.constant 0 : i32
      %dma_wait3A_1372 = arith.constant 0 : i32
      %dma_wait3A_1373 = tpu.memref_slice %arg8[%dma_wait3A_1362, %dma_wait3A_1371, %dma_wait3A_1372] : memref<16x32x128xf32, #tpu.memory_space<vmem>> -> memref<1x8x128xf32, #tpu.memory_space<vmem>>
      %dma_wait3A_1374 = tpu.memref_squeeze %dma_wait3A_1373 : memref<1x8x128xf32, #tpu.memory_space<vmem>> -> memref<8x128xf32, #tpu.memory_space<vmem>>
      %dma_wait3A_1375 = tpu.memref_reshape %arg3 : memref<32x1000000xf32, #tpu.memory_space<hbm>> -> memref<4x8x1000000xf32, #tpu.memory_space<hbm>>
      %dma_wait3A_1376 = arith.constant 0 : i32
      %dma_wait3A_1377 = tpu.memref_slice %dma_wait3A_1375[%dma_wait3A_1361, %dma_wait3A_1376, %multiple_of3A_170] : memref<4x8x1000000xf32, #tpu.memory_space<hbm>> -> memref<1x8x128xf32, #tpu.memory_space<hbm>>
      %dma_wait3A_1378 = tpu.memref_squeeze %dma_wait3A_1377 : memref<1x8x128xf32, #tpu.memory_space<hbm>> -> memref<8x128xf32, #tpu.memory_space<hbm>>
      tpu.wait_dma2 semaphore(%arg10 : memref<!tpu.dma_semaphore, #tpu.memory_space<semaphore_mem>>) src(%dma_wait3A_1378 : memref<8x128xf32, #tpu.memory_space<hbm>>) dst(%dma_wait3A_1374 : memref<8x128xf32, #tpu.memory_space<vmem>>)
      %dma_wait3A_1379 = arith.constant 1 : i32
      %dma_wait3A_1380 = arith.constant 2 : i32
      %dma_wait3A_1381 = arith.constant 8 : i32
      %dma_wait3A_1382 = arith.constant 0 : i32
      %dma_wait3A_1383 = tpu.memref_slice %arg8[%dma_wait3A_1380, %dma_wait3A_1381, %dma_wait3A_1382] : memref<16x32x128xf32, #tpu.memory_space<vmem>> -> memref<1x8x128xf32, #tpu.memory_space<vmem>>
      %dma_wait3A_1384 = tpu.memref_squeeze %dma_wait3A_1383 : memref<1x8x128xf32, #tpu.memory_space<vmem>> -> memref<8x128xf32, #tpu.memory_space<vmem>>
      %dma_wait3A_1385 = tpu.memref_reshape %arg3 : memref<32x1000000xf32, #tpu.memory_space<hbm>> -> memref<4x8x1000000xf32, #tpu.memory_space<hbm>>
      %dma_wait3A_1386 = arith.constant 0 : i32
      %dma_wait3A_1387 = tpu.memref_slice %dma_wait3A_1385[%dma_wait3A_1379, %dma_wait3A_1386, %multiple_of3A_170] : memref<4x8x1000000xf32, #tpu.memory_space<hbm>> -> memref<1x8x128xf32, #tpu.memory_space<hbm>>
      %dma_wait3A_1388 = tpu.memref_squeeze %dma_wait3A_1387 : memref<1x8x128xf32, #tpu.memory_space<hbm>> -> memref<8x128xf32, #tpu.memory_space<hbm>>
      %dma_wait3A_1389 = arith.constant 8 : i32
      %dma_wait3A_1390 = arith.constant 0 : i32
      %dma_wait3A_1391 = tpu.memref_slice %arg8[%dma_wait3A_1380, %dma_wait3A_1389, %dma_wait3A_1390] : memref<16x32x128xf32, #tpu.memory_space<vmem>> -> memref<1x8x128xf32, #tpu.memory_space<vmem>>
      %dma_wait3A_1392 = tpu.memref_squeeze %dma_wait3A_1391 : memref<1x8x128xf32, #tpu.memory_space<vmem>> -> memref<8x128xf32, #tpu.memory_space<vmem>>
      %dma_wait3A_1393 = tpu.memref_reshape %arg3 : memref<32x1000000xf32, #tpu.memory_space<hbm>> -> memref<4x8x1000000xf32, #tpu.memory_space<hbm>>
      %dma_wait3A_1394 = arith.constant 0 : i32
      %dma_wait3A_1395 = tpu.memref_slice %dma_wait3A_1393[%dma_wait3A_1379, %dma_wait3A_1394, %multiple_of3A_170] : memref<4x8x1000000xf32, #tpu.memory_space<hbm>> -> memref<1x8x128xf32, #tpu.memory_space<hbm>>
      %dma_wait3A_1396 = tpu.memref_squeeze %dma_wait3A_1395 : memref<1x8x128xf32, #tpu.memory_space<hbm>> -> memref<8x128xf32, #tpu.memory_space<hbm>>
      tpu.wait_dma2 semaphore(%arg10 : memref<!tpu.dma_semaphore, #tpu.memory_space<semaphore_mem>>) src(%dma_wait3A_1396 : memref<8x128xf32, #tpu.memory_space<hbm>>) dst(%dma_wait3A_1392 : memref<8x128xf32, #tpu.memory_space<vmem>>)
      %dma_wait3A_1397 = arith.constant 2 : i32
      %dma_wait3A_1398 = arith.constant 2 : i32
      %dma_wait3A_1399 = arith.constant 16 : i32
      %dma_wait3A_1400 = arith.constant 0 : i32
      %dma_wait3A_1401 = tpu.memref_slice %arg8[%dma_wait3A_1398, %dma_wait3A_1399, %dma_wait3A_1400] : memref<16x32x128xf32, #tpu.memory_space<vmem>> -> memref<1x8x128xf32, #tpu.memory_space<vmem>>
      %dma_wait3A_1402 = tpu.memref_squeeze %dma_wait3A_1401 : memref<1x8x128xf32, #tpu.memory_space<vmem>> -> memref<8x128xf32, #tpu.memory_space<vmem>>
      %dma_wait3A_1403 = tpu.memref_reshape %arg3 : memref<32x1000000xf32, #tpu.memory_space<hbm>> -> memref<4x8x1000000xf32, #tpu.memory_space<hbm>>
      %dma_wait3A_1404 = arith.constant 0 : i32
      %dma_wait3A_1405 = tpu.memref_slice %dma_wait3A_1403[%dma_wait3A_1397, %dma_wait3A_1404, %multiple_of3A_170] : memref<4x8x1000000xf32, #tpu.memory_space<hbm>> -> memref<1x8x128xf32, #tpu.memory_space<hbm>>
      %dma_wait3A_1406 = tpu.memref_squeeze %dma_wait3A_1405 : memref<1x8x128xf32, #tpu.memory_space<hbm>> -> memref<8x128xf32, #tpu.memory_space<hbm>>
      %dma_wait3A_1407 = arith.constant 16 : i32
      %dma_wait3A_1408 = arith.constant 0 : i32
      %dma_wait3A_1409 = tpu.memref_slice %arg8[%dma_wait3A_1398, %dma_wait3A_1407, %dma_wait3A_1408] : memref<16x32x128xf32, #tpu.memory_space<vmem>> -> memref<1x8x128xf32, #tpu.memory_space<vmem>>
      %dma_wait3A_1410 = tpu.memref_squeeze %dma_wait3A_1409 : memref<1x8x128xf32, #tpu.memory_space<vmem>> -> memref<8x128xf32, #tpu.memory_space<vmem>>
      %dma_wait3A_1411 = tpu.memref_reshape %arg3 : memref<32x1000000xf32, #tpu.memory_space<hbm>> -> memref<4x8x1000000xf32, #tpu.memory_space<hbm>>
      %dma_wait3A_1412 = arith.constant 0 : i32
      %dma_wait3A_1413 = tpu.memref_slice %dma_wait3A_1411[%dma_wait3A_1397, %dma_wait3A_1412, %multiple_of3A_170] : memref<4x8x1000000xf32, #tpu.memory_space<hbm>> -> memref<1x8x128xf32, #tpu.memory_space<hbm>>
      %dma_wait3A_1414 = tpu.memref_squeeze %dma_wait3A_1413 : memref<1x8x128xf32, #tpu.memory_space<hbm>> -> memref<8x128xf32, #tpu.memory_space<hbm>>
      tpu.wait_dma2 semaphore(%arg10 : memref<!tpu.dma_semaphore, #tpu.memory_space<semaphore_mem>>) src(%dma_wait3A_1414 : memref<8x128xf32, #tpu.memory_space<hbm>>) dst(%dma_wait3A_1410 : memref<8x128xf32, #tpu.memory_space<vmem>>)
      %dma_wait3A_1415 = arith.constant 3 : i32
      %dma_wait3A_1416 = arith.constant 2 : i32
      %dma_wait3A_1417 = arith.constant 24 : i32
      %dma_wait3A_1418 = arith.constant 0 : i32
      %dma_wait3A_1419 = tpu.memref_slice %arg8[%dma_wait3A_1416, %dma_wait3A_1417, %dma_wait3A_1418] : memref<16x32x128xf32, #tpu.memory_space<vmem>> -> memref<1x8x128xf32, #tpu.memory_space<vmem>>
      %dma_wait3A_1420 = tpu.memref_squeeze %dma_wait3A_1419 : memref<1x8x128xf32, #tpu.memory_space<vmem>> -> memref<8x128xf32, #tpu.memory_space<vmem>>
      %dma_wait3A_1421 = tpu.memref_reshape %arg3 : memref<32x1000000xf32, #tpu.memory_space<hbm>> -> memref<4x8x1000000xf32, #tpu.memory_space<hbm>>
      %dma_wait3A_1422 = arith.constant 0 : i32
      %dma_wait3A_1423 = tpu.memref_slice %dma_wait3A_1421[%dma_wait3A_1415, %dma_wait3A_1422, %multiple_of3A_170] : memref<4x8x1000000xf32, #tpu.memory_space<hbm>> -> memref<1x8x128xf32, #tpu.memory_space<hbm>>
      %dma_wait3A_1424 = tpu.memref_squeeze %dma_wait3A_1423 : memref<1x8x128xf32, #tpu.memory_space<hbm>> -> memref<8x128xf32, #tpu.memory_space<hbm>>
      %dma_wait3A_1425 = arith.constant 24 : i32
      %dma_wait3A_1426 = arith.constant 0 : i32
      %dma_wait3A_1427 = tpu.memref_slice %arg8[%dma_wait3A_1416, %dma_wait3A_1425, %dma_wait3A_1426] : memref<16x32x128xf32, #tpu.memory_space<vmem>> -> memref<1x8x128xf32, #tpu.memory_space<vmem>>
      %dma_wait3A_1428 = tpu.memref_squeeze %dma_wait3A_1427 : memref<1x8x128xf32, #tpu.memory_space<vmem>> -> memref<8x128xf32, #tpu.memory_space<vmem>>
      %dma_wait3A_1429 = tpu.memref_reshape %arg3 : memref<32x1000000xf32, #tpu.memory_space<hbm>> -> memref<4x8x1000000xf32, #tpu.memory_space<hbm>>
      %dma_wait3A_1430 = arith.constant 0 : i32
      %dma_wait3A_1431 = tpu.memref_slice %dma_wait3A_1429[%dma_wait3A_1415, %dma_wait3A_1430, %multiple_of3A_170] : memref<4x8x1000000xf32, #tpu.memory_space<hbm>> -> memref<1x8x128xf32, #tpu.memory_space<hbm>>
      %dma_wait3A_1432 = tpu.memref_squeeze %dma_wait3A_1431 : memref<1x8x128xf32, #tpu.memory_space<hbm>> -> memref<8x128xf32, #tpu.memory_space<hbm>>
      tpu.wait_dma2 semaphore(%arg10 : memref<!tpu.dma_semaphore, #tpu.memory_space<semaphore_mem>>) src(%dma_wait3A_1432 : memref<8x128xf32, #tpu.memory_space<hbm>>) dst(%dma_wait3A_1428 : memref<8x128xf32, #tpu.memory_space<vmem>>)
      %dma_wait3A_1433 = arith.constant 0 : i32
      %dma_wait3A_1434 = arith.constant 3 : i32
      %dma_wait3A_1435 = arith.constant 0 : i32
      %dma_wait3A_1436 = arith.constant 0 : i32
      %dma_wait3A_1437 = tpu.memref_slice %arg8[%dma_wait3A_1434, %dma_wait3A_1435, %dma_wait3A_1436] : memref<16x32x128xf32, #tpu.memory_space<vmem>> -> memref<1x8x128xf32, #tpu.memory_space<vmem>>
      %dma_wait3A_1438 = tpu.memref_squeeze %dma_wait3A_1437 : memref<1x8x128xf32, #tpu.memory_space<vmem>> -> memref<8x128xf32, #tpu.memory_space<vmem>>
      %dma_wait3A_1439 = tpu.memref_reshape %arg3 : memref<32x1000000xf32, #tpu.memory_space<hbm>> -> memref<4x8x1000000xf32, #tpu.memory_space<hbm>>
      %dma_wait3A_1440 = arith.constant 0 : i32
      %dma_wait3A_1441 = tpu.memref_slice %dma_wait3A_1439[%dma_wait3A_1433, %dma_wait3A_1440, %multiple_of3A_245] : memref<4x8x1000000xf32, #tpu.memory_space<hbm>> -> memref<1x8x128xf32, #tpu.memory_space<hbm>>
      %dma_wait3A_1442 = tpu.memref_squeeze %dma_wait3A_1441 : memref<1x8x128xf32, #tpu.memory_space<hbm>> -> memref<8x128xf32, #tpu.memory_space<hbm>>
      %dma_wait3A_1443 = arith.constant 0 : i32
      %dma_wait3A_1444 = arith.constant 0 : i32
      %dma_wait3A_1445 = tpu.memref_slice %arg8[%dma_wait3A_1434, %dma_wait3A_1443, %dma_wait3A_1444] : memref<16x32x128xf32, #tpu.memory_space<vmem>> -> memref<1x8x128xf32, #tpu.memory_space<vmem>>
      %dma_wait3A_1446 = tpu.memref_squeeze %dma_wait3A_1445 : memref<1x8x128xf32, #tpu.memory_space<vmem>> -> memref<8x128xf32, #tpu.memory_space<vmem>>
      %dma_wait3A_1447 = tpu.memref_reshape %arg3 : memref<32x1000000xf32, #tpu.memory_space<hbm>> -> memref<4x8x1000000xf32, #tpu.memory_space<hbm>>
      %dma_wait3A_1448 = arith.constant 0 : i32
      %dma_wait3A_1449 = tpu.memref_slice %dma_wait3A_1447[%dma_wait3A_1433, %dma_wait3A_1448, %multiple_of3A_245] : memref<4x8x1000000xf32, #tpu.memory_space<hbm>> -> memref<1x8x128xf32, #tpu.memory_space<hbm>>
      %dma_wait3A_1450 = tpu.memref_squeeze %dma_wait3A_1449 : memref<1x8x128xf32, #tpu.memory_space<hbm>> -> memref<8x128xf32, #tpu.memory_space<hbm>>
      tpu.wait_dma2 semaphore(%arg10 : memref<!tpu.dma_semaphore, #tpu.memory_space<semaphore_mem>>) src(%dma_wait3A_1450 : memref<8x128xf32, #tpu.memory_space<hbm>>) dst(%dma_wait3A_1446 : memref<8x128xf32, #tpu.memory_space<vmem>>)
      %dma_wait3A_1451 = arith.constant 1 : i32
      %dma_wait3A_1452 = arith.constant 3 : i32
      %dma_wait3A_1453 = arith.constant 8 : i32
      %dma_wait3A_1454 = arith.constant 0 : i32
      %dma_wait3A_1455 = tpu.memref_slice %arg8[%dma_wait3A_1452, %dma_wait3A_1453, %dma_wait3A_1454] : memref<16x32x128xf32, #tpu.memory_space<vmem>> -> memref<1x8x128xf32, #tpu.memory_space<vmem>>
      %dma_wait3A_1456 = tpu.memref_squeeze %dma_wait3A_1455 : memref<1x8x128xf32, #tpu.memory_space<vmem>> -> memref<8x128xf32, #tpu.memory_space<vmem>>
      %dma_wait3A_1457 = tpu.memref_reshape %arg3 : memref<32x1000000xf32, #tpu.memory_space<hbm>> -> memref<4x8x1000000xf32, #tpu.memory_space<hbm>>
      %dma_wait3A_1458 = arith.constant 0 : i32
      %dma_wait3A_1459 = tpu.memref_slice %dma_wait3A_1457[%dma_wait3A_1451, %dma_wait3A_1458, %multiple_of3A_245] : memref<4x8x1000000xf32, #tpu.memory_space<hbm>> -> memref<1x8x128xf32, #tpu.memory_space<hbm>>
      %dma_wait3A_1460 = tpu.memref_squeeze %dma_wait3A_1459 : memref<1x8x128xf32, #tpu.memory_space<hbm>> -> memref<8x128xf32, #tpu.memory_space<hbm>>
      %dma_wait3A_1461 = arith.constant 8 : i32
      %dma_wait3A_1462 = arith.constant 0 : i32
      %dma_wait3A_1463 = tpu.memref_slice %arg8[%dma_wait3A_1452, %dma_wait3A_1461, %dma_wait3A_1462] : memref<16x32x128xf32, #tpu.memory_space<vmem>> -> memref<1x8x128xf32, #tpu.memory_space<vmem>>
      %dma_wait3A_1464 = tpu.memref_squeeze %dma_wait3A_1463 : memref<1x8x128xf32, #tpu.memory_space<vmem>> -> memref<8x128xf32, #tpu.memory_space<vmem>>
      %dma_wait3A_1465 = tpu.memref_reshape %arg3 : memref<32x1000000xf32, #tpu.memory_space<hbm>> -> memref<4x8x1000000xf32, #tpu.memory_space<hbm>>
      %dma_wait3A_1466 = arith.constant 0 : i32
      %dma_wait3A_1467 = tpu.memref_slice %dma_wait3A_1465[%dma_wait3A_1451, %dma_wait3A_1466, %multiple_of3A_245] : memref<4x8x1000000xf32, #tpu.memory_space<hbm>> -> memref<1x8x128xf32, #tpu.memory_space<hbm>>
      %dma_wait3A_1468 = tpu.memref_squeeze %dma_wait3A_1467 : memref<1x8x128xf32, #tpu.memory_space<hbm>> -> memref<8x128xf32, #tpu.memory_space<hbm>>
      tpu.wait_dma2 semaphore(%arg10 : memref<!tpu.dma_semaphore, #tpu.memory_space<semaphore_mem>>) src(%dma_wait3A_1468 : memref<8x128xf32, #tpu.memory_space<hbm>>) dst(%dma_wait3A_1464 : memref<8x128xf32, #tpu.memory_space<vmem>>)
      %dma_wait3A_1469 = arith.constant 2 : i32
      %dma_wait3A_1470 = arith.constant 3 : i32
      %dma_wait3A_1471 = arith.constant 16 : i32
      %dma_wait3A_1472 = arith.constant 0 : i32
      %dma_wait3A_1473 = tpu.memref_slice %arg8[%dma_wait3A_1470, %dma_wait3A_1471, %dma_wait3A_1472] : memref<16x32x128xf32, #tpu.memory_space<vmem>> -> memref<1x8x128xf32, #tpu.memory_space<vmem>>
      %dma_wait3A_1474 = tpu.memref_squeeze %dma_wait3A_1473 : memref<1x8x128xf32, #tpu.memory_space<vmem>> -> memref<8x128xf32, #tpu.memory_space<vmem>>
      %dma_wait3A_1475 = tpu.memref_reshape %arg3 : memref<32x1000000xf32, #tpu.memory_space<hbm>> -> memref<4x8x1000000xf32, #tpu.memory_space<hbm>>
      %dma_wait3A_1476 = arith.constant 0 : i32
      %dma_wait3A_1477 = tpu.memref_slice %dma_wait3A_1475[%dma_wait3A_1469, %dma_wait3A_1476, %multiple_of3A_245] : memref<4x8x1000000xf32, #tpu.memory_space<hbm>> -> memref<1x8x128xf32, #tpu.memory_space<hbm>>
      %dma_wait3A_1478 = tpu.memref_squeeze %dma_wait3A_1477 : memref<1x8x128xf32, #tpu.memory_space<hbm>> -> memref<8x128xf32, #tpu.memory_space<hbm>>
      %dma_wait3A_1479 = arith.constant 16 : i32
      %dma_wait3A_1480 = arith.constant 0 : i32
      %dma_wait3A_1481 = tpu.memref_slice %arg8[%dma_wait3A_1470, %dma_wait3A_1479, %dma_wait3A_1480] : memref<16x32x128xf32, #tpu.memory_space<vmem>> -> memref<1x8x128xf32, #tpu.memory_space<vmem>>
      %dma_wait3A_1482 = tpu.memref_squeeze %dma_wait3A_1481 : memref<1x8x128xf32, #tpu.memory_space<vmem>> -> memref<8x128xf32, #tpu.memory_space<vmem>>
      %dma_wait3A_1483 = tpu.memref_reshape %arg3 : memref<32x1000000xf32, #tpu.memory_space<hbm>> -> memref<4x8x1000000xf32, #tpu.memory_space<hbm>>
      %dma_wait3A_1484 = arith.constant 0 : i32
      %dma_wait3A_1485 = tpu.memref_slice %dma_wait3A_1483[%dma_wait3A_1469, %dma_wait3A_1484, %multiple_of3A_245] : memref<4x8x1000000xf32, #tpu.memory_space<hbm>> -> memref<1x8x128xf32, #tpu.memory_space<hbm>>
      %dma_wait3A_1486 = tpu.memref_squeeze %dma_wait3A_1485 : memref<1x8x128xf32, #tpu.memory_space<hbm>> -> memref<8x128xf32, #tpu.memory_space<hbm>>
      tpu.wait_dma2 semaphore(%arg10 : memref<!tpu.dma_semaphore, #tpu.memory_space<semaphore_mem>>) src(%dma_wait3A_1486 : memref<8x128xf32, #tpu.memory_space<hbm>>) dst(%dma_wait3A_1482 : memref<8x128xf32, #tpu.memory_space<vmem>>)
      %dma_wait3A_1487 = arith.constant 3 : i32
      %dma_wait3A_1488 = arith.constant 3 : i32
      %dma_wait3A_1489 = arith.constant 24 : i32
      %dma_wait3A_1490 = arith.constant 0 : i32
      %dma_wait3A_1491 = tpu.memref_slice %arg8[%dma_wait3A_1488, %dma_wait3A_1489, %dma_wait3A_1490] : memref<16x32x128xf32, #tpu.memory_space<vmem>> -> memref<1x8x128xf32, #tpu.memory_space<vmem>>
      %dma_wait3A_1492 = tpu.memref_squeeze %dma_wait3A_1491 : memref<1x8x128xf32, #tpu.memory_space<vmem>> -> memref<8x128xf32, #tpu.memory_space<vmem>>
      %dma_wait3A_1493 = tpu.memref_reshape %arg3 : memref<32x1000000xf32, #tpu.memory_space<hbm>> -> memref<4x8x1000000xf32, #tpu.memory_space<hbm>>
      %dma_wait3A_1494 = arith.constant 0 : i32
      %dma_wait3A_1495 = tpu.memref_slice %dma_wait3A_1493[%dma_wait3A_1487, %dma_wait3A_1494, %multiple_of3A_245] : memref<4x8x1000000xf32, #tpu.memory_space<hbm>> -> memref<1x8x128xf32, #tpu.memory_space<hbm>>
      %dma_wait3A_1496 = tpu.memref_squeeze %dma_wait3A_1495 : memref<1x8x128xf32, #tpu.memory_space<hbm>> -> memref<8x128xf32, #tpu.memory_space<hbm>>
      %dma_wait3A_1497 = arith.constant 24 : i32
      %dma_wait3A_1498 = arith.constant 0 : i32
      %dma_wait3A_1499 = tpu.memref_slice %arg8[%dma_wait3A_1488, %dma_wait3A_1497, %dma_wait3A_1498] : memref<16x32x128xf32, #tpu.memory_space<vmem>> -> memref<1x8x128xf32, #tpu.memory_space<vmem>>
      %dma_wait3A_1500 = tpu.memref_squeeze %dma_wait3A_1499 : memref<1x8x128xf32, #tpu.memory_space<vmem>> -> memref<8x128xf32, #tpu.memory_space<vmem>>
      %dma_wait3A_1501 = tpu.memref_reshape %arg3 : memref<32x1000000xf32, #tpu.memory_space<hbm>> -> memref<4x8x1000000xf32, #tpu.memory_space<hbm>>
      %dma_wait3A_1502 = arith.constant 0 : i32
      %dma_wait3A_1503 = tpu.memref_slice %dma_wait3A_1501[%dma_wait3A_1487, %dma_wait3A_1502, %multiple_of3A_245] : memref<4x8x1000000xf32, #tpu.memory_space<hbm>> -> memref<1x8x128xf32, #tpu.memory_space<hbm>>
      %dma_wait3A_1504 = tpu.memref_squeeze %dma_wait3A_1503 : memref<1x8x128xf32, #tpu.memory_space<hbm>> -> memref<8x128xf32, #tpu.memory_space<hbm>>
      tpu.wait_dma2 semaphore(%arg10 : memref<!tpu.dma_semaphore, #tpu.memory_space<semaphore_mem>>) src(%dma_wait3A_1504 : memref<8x128xf32, #tpu.memory_space<hbm>>) dst(%dma_wait3A_1500 : memref<8x128xf32, #tpu.memory_space<vmem>>)
      %dma_wait3A_1505 = arith.constant 0 : i32
      %dma_wait3A_1506 = arith.constant 4 : i32
      %dma_wait3A_1507 = arith.constant 0 : i32
      %dma_wait3A_1508 = arith.constant 0 : i32
      %dma_wait3A_1509 = tpu.memref_slice %arg8[%dma_wait3A_1506, %dma_wait3A_1507, %dma_wait3A_1508] : memref<16x32x128xf32, #tpu.memory_space<vmem>> -> memref<1x8x128xf32, #tpu.memory_space<vmem>>
      %dma_wait3A_1510 = tpu.memref_squeeze %dma_wait3A_1509 : memref<1x8x128xf32, #tpu.memory_space<vmem>> -> memref<8x128xf32, #tpu.memory_space<vmem>>
      %dma_wait3A_1511 = tpu.memref_reshape %arg3 : memref<32x1000000xf32, #tpu.memory_space<hbm>> -> memref<4x8x1000000xf32, #tpu.memory_space<hbm>>
      %dma_wait3A_1512 = arith.constant 0 : i32
      %dma_wait3A_1513 = tpu.memref_slice %dma_wait3A_1511[%dma_wait3A_1505, %dma_wait3A_1512, %multiple_of3A_320] : memref<4x8x1000000xf32, #tpu.memory_space<hbm>> -> memref<1x8x128xf32, #tpu.memory_space<hbm>>
      %dma_wait3A_1514 = tpu.memref_squeeze %dma_wait3A_1513 : memref<1x8x128xf32, #tpu.memory_space<hbm>> -> memref<8x128xf32, #tpu.memory_space<hbm>>
      %dma_wait3A_1515 = arith.constant 0 : i32
      %dma_wait3A_1516 = arith.constant 0 : i32
      %dma_wait3A_1517 = tpu.memref_slice %arg8[%dma_wait3A_1506, %dma_wait3A_1515, %dma_wait3A_1516] : memref<16x32x128xf32, #tpu.memory_space<vmem>> -> memref<1x8x128xf32, #tpu.memory_space<vmem>>
      %dma_wait3A_1518 = tpu.memref_squeeze %dma_wait3A_1517 : memref<1x8x128xf32, #tpu.memory_space<vmem>> -> memref<8x128xf32, #tpu.memory_space<vmem>>
      %dma_wait3A_1519 = tpu.memref_reshape %arg3 : memref<32x1000000xf32, #tpu.memory_space<hbm>> -> memref<4x8x1000000xf32, #tpu.memory_space<hbm>>
      %dma_wait3A_1520 = arith.constant 0 : i32
      %dma_wait3A_1521 = tpu.memref_slice %dma_wait3A_1519[%dma_wait3A_1505, %dma_wait3A_1520, %multiple_of3A_320] : memref<4x8x1000000xf32, #tpu.memory_space<hbm>> -> memref<1x8x128xf32, #tpu.memory_space<hbm>>
      %dma_wait3A_1522 = tpu.memref_squeeze %dma_wait3A_1521 : memref<1x8x128xf32, #tpu.memory_space<hbm>> -> memref<8x128xf32, #tpu.memory_space<hbm>>
      tpu.wait_dma2 semaphore(%arg10 : memref<!tpu.dma_semaphore, #tpu.memory_space<semaphore_mem>>) src(%dma_wait3A_1522 : memref<8x128xf32, #tpu.memory_space<hbm>>) dst(%dma_wait3A_1518 : memref<8x128xf32, #tpu.memory_space<vmem>>)
      %dma_wait3A_1523 = arith.constant 1 : i32
      %dma_wait3A_1524 = arith.constant 4 : i32
      %dma_wait3A_1525 = arith.constant 8 : i32
      %dma_wait3A_1526 = arith.constant 0 : i32
      %dma_wait3A_1527 = tpu.memref_slice %arg8[%dma_wait3A_1524, %dma_wait3A_1525, %dma_wait3A_1526] : memref<16x32x128xf32, #tpu.memory_space<vmem>> -> memref<1x8x128xf32, #tpu.memory_space<vmem>>
      %dma_wait3A_1528 = tpu.memref_squeeze %dma_wait3A_1527 : memref<1x8x128xf32, #tpu.memory_space<vmem>> -> memref<8x128xf32, #tpu.memory_space<vmem>>
      %dma_wait3A_1529 = tpu.memref_reshape %arg3 : memref<32x1000000xf32, #tpu.memory_space<hbm>> -> memref<4x8x1000000xf32, #tpu.memory_space<hbm>>
      %dma_wait3A_1530 = arith.constant 0 : i32
      %dma_wait3A_1531 = tpu.memref_slice %dma_wait3A_1529[%dma_wait3A_1523, %dma_wait3A_1530, %multiple_of3A_320] : memref<4x8x1000000xf32, #tpu.memory_space<hbm>> -> memref<1x8x128xf32, #tpu.memory_space<hbm>>
      %dma_wait3A_1532 = tpu.memref_squeeze %dma_wait3A_1531 : memref<1x8x128xf32, #tpu.memory_space<hbm>> -> memref<8x128xf32, #tpu.memory_space<hbm>>
      %dma_wait3A_1533 = arith.constant 8 : i32
      %dma_wait3A_1534 = arith.constant 0 : i32
      %dma_wait3A_1535 = tpu.memref_slice %arg8[%dma_wait3A_1524, %dma_wait3A_1533, %dma_wait3A_1534] : memref<16x32x128xf32, #tpu.memory_space<vmem>> -> memref<1x8x128xf32, #tpu.memory_space<vmem>>
      %dma_wait3A_1536 = tpu.memref_squeeze %dma_wait3A_1535 : memref<1x8x128xf32, #tpu.memory_space<vmem>> -> memref<8x128xf32, #tpu.memory_space<vmem>>
      %dma_wait3A_1537 = tpu.memref_reshape %arg3 : memref<32x1000000xf32, #tpu.memory_space<hbm>> -> memref<4x8x1000000xf32, #tpu.memory_space<hbm>>
      %dma_wait3A_1538 = arith.constant 0 : i32
      %dma_wait3A_1539 = tpu.memref_slice %dma_wait3A_1537[%dma_wait3A_1523, %dma_wait3A_1538, %multiple_of3A_320] : memref<4x8x1000000xf32, #tpu.memory_space<hbm>> -> memref<1x8x128xf32, #tpu.memory_space<hbm>>
      %dma_wait3A_1540 = tpu.memref_squeeze %dma_wait3A_1539 : memref<1x8x128xf32, #tpu.memory_space<hbm>> -> memref<8x128xf32, #tpu.memory_space<hbm>>
      tpu.wait_dma2 semaphore(%arg10 : memref<!tpu.dma_semaphore, #tpu.memory_space<semaphore_mem>>) src(%dma_wait3A_1540 : memref<8x128xf32, #tpu.memory_space<hbm>>) dst(%dma_wait3A_1536 : memref<8x128xf32, #tpu.memory_space<vmem>>)
      %dma_wait3A_1541 = arith.constant 2 : i32
      %dma_wait3A_1542 = arith.constant 4 : i32
      %dma_wait3A_1543 = arith.constant 16 : i32
      %dma_wait3A_1544 = arith.constant 0 : i32
      %dma_wait3A_1545 = tpu.memref_slice %arg8[%dma_wait3A_1542, %dma_wait3A_1543, %dma_wait3A_1544] : memref<16x32x128xf32, #tpu.memory_space<vmem>> -> memref<1x8x128xf32, #tpu.memory_space<vmem>>
      %dma_wait3A_1546 = tpu.memref_squeeze %dma_wait3A_1545 : memref<1x8x128xf32, #tpu.memory_space<vmem>> -> memref<8x128xf32, #tpu.memory_space<vmem>>
      %dma_wait3A_1547 = tpu.memref_reshape %arg3 : memref<32x1000000xf32, #tpu.memory_space<hbm>> -> memref<4x8x1000000xf32, #tpu.memory_space<hbm>>
      %dma_wait3A_1548 = arith.constant 0 : i32
      %dma_wait3A_1549 = tpu.memref_slice %dma_wait3A_1547[%dma_wait3A_1541, %dma_wait3A_1548, %multiple_of3A_320] : memref<4x8x1000000xf32, #tpu.memory_space<hbm>> -> memref<1x8x128xf32, #tpu.memory_space<hbm>>
      %dma_wait3A_1550 = tpu.memref_squeeze %dma_wait3A_1549 : memref<1x8x128xf32, #tpu.memory_space<hbm>> -> memref<8x128xf32, #tpu.memory_space<hbm>>
      %dma_wait3A_1551 = arith.constant 16 : i32
      %dma_wait3A_1552 = arith.constant 0 : i32
      %dma_wait3A_1553 = tpu.memref_slice %arg8[%dma_wait3A_1542, %dma_wait3A_1551, %dma_wait3A_1552] : memref<16x32x128xf32, #tpu.memory_space<vmem>> -> memref<1x8x128xf32, #tpu.memory_space<vmem>>
      %dma_wait3A_1554 = tpu.memref_squeeze %dma_wait3A_1553 : memref<1x8x128xf32, #tpu.memory_space<vmem>> -> memref<8x128xf32, #tpu.memory_space<vmem>>
      %dma_wait3A_1555 = tpu.memref_reshape %arg3 : memref<32x1000000xf32, #tpu.memory_space<hbm>> -> memref<4x8x1000000xf32, #tpu.memory_space<hbm>>
      %dma_wait3A_1556 = arith.constant 0 : i32
      %dma_wait3A_1557 = tpu.memref_slice %dma_wait3A_1555[%dma_wait3A_1541, %dma_wait3A_1556, %multiple_of3A_320] : memref<4x8x1000000xf32, #tpu.memory_space<hbm>> -> memref<1x8x128xf32, #tpu.memory_space<hbm>>
      %dma_wait3A_1558 = tpu.memref_squeeze %dma_wait3A_1557 : memref<1x8x128xf32, #tpu.memory_space<hbm>> -> memref<8x128xf32, #tpu.memory_space<hbm>>
      tpu.wait_dma2 semaphore(%arg10 : memref<!tpu.dma_semaphore, #tpu.memory_space<semaphore_mem>>) src(%dma_wait3A_1558 : memref<8x128xf32, #tpu.memory_space<hbm>>) dst(%dma_wait3A_1554 : memref<8x128xf32, #tpu.memory_space<vmem>>)
      %dma_wait3A_1559 = arith.constant 3 : i32
      %dma_wait3A_1560 = arith.constant 4 : i32
      %dma_wait3A_1561 = arith.constant 24 : i32
      %dma_wait3A_1562 = arith.constant 0 : i32
      %dma_wait3A_1563 = tpu.memref_slice %arg8[%dma_wait3A_1560, %dma_wait3A_1561, %dma_wait3A_1562] : memref<16x32x128xf32, #tpu.memory_space<vmem>> -> memref<1x8x128xf32, #tpu.memory_space<vmem>>
      %dma_wait3A_1564 = tpu.memref_squeeze %dma_wait3A_1563 : memref<1x8x128xf32, #tpu.memory_space<vmem>> -> memref<8x128xf32, #tpu.memory_space<vmem>>
      %dma_wait3A_1565 = tpu.memref_reshape %arg3 : memref<32x1000000xf32, #tpu.memory_space<hbm>> -> memref<4x8x1000000xf32, #tpu.memory_space<hbm>>
      %dma_wait3A_1566 = arith.constant 0 : i32
      %dma_wait3A_1567 = tpu.memref_slice %dma_wait3A_1565[%dma_wait3A_1559, %dma_wait3A_1566, %multiple_of3A_320] : memref<4x8x1000000xf32, #tpu.memory_space<hbm>> -> memref<1x8x128xf32, #tpu.memory_space<hbm>>
      %dma_wait3A_1568 = tpu.memref_squeeze %dma_wait3A_1567 : memref<1x8x128xf32, #tpu.memory_space<hbm>> -> memref<8x128xf32, #tpu.memory_space<hbm>>
      %dma_wait3A_1569 = arith.constant 24 : i32
      %dma_wait3A_1570 = arith.constant 0 : i32
      %dma_wait3A_1571 = tpu.memref_slice %arg8[%dma_wait3A_1560, %dma_wait3A_1569, %dma_wait3A_1570] : memref<16x32x128xf32, #tpu.memory_space<vmem>> -> memref<1x8x128xf32, #tpu.memory_space<vmem>>
      %dma_wait3A_1572 = tpu.memref_squeeze %dma_wait3A_1571 : memref<1x8x128xf32, #tpu.memory_space<vmem>> -> memref<8x128xf32, #tpu.memory_space<vmem>>
      %dma_wait3A_1573 = tpu.memref_reshape %arg3 : memref<32x1000000xf32, #tpu.memory_space<hbm>> -> memref<4x8x1000000xf32, #tpu.memory_space<hbm>>
      %dma_wait3A_1574 = arith.constant 0 : i32
      %dma_wait3A_1575 = tpu.memref_slice %dma_wait3A_1573[%dma_wait3A_1559, %dma_wait3A_1574, %multiple_of3A_320] : memref<4x8x1000000xf32, #tpu.memory_space<hbm>> -> memref<1x8x128xf32, #tpu.memory_space<hbm>>
      %dma_wait3A_1576 = tpu.memref_squeeze %dma_wait3A_1575 : memref<1x8x128xf32, #tpu.memory_space<hbm>> -> memref<8x128xf32, #tpu.memory_space<hbm>>
      tpu.wait_dma2 semaphore(%arg10 : memref<!tpu.dma_semaphore, #tpu.memory_space<semaphore_mem>>) src(%dma_wait3A_1576 : memref<8x128xf32, #tpu.memory_space<hbm>>) dst(%dma_wait3A_1572 : memref<8x128xf32, #tpu.memory_space<vmem>>)
      %dma_wait3A_1577 = arith.constant 0 : i32
      %dma_wait3A_1578 = arith.constant 5 : i32
      %dma_wait3A_1579 = arith.constant 0 : i32
      %dma_wait3A_1580 = arith.constant 0 : i32
      %dma_wait3A_1581 = tpu.memref_slice %arg8[%dma_wait3A_1578, %dma_wait3A_1579, %dma_wait3A_1580] : memref<16x32x128xf32, #tpu.memory_space<vmem>> -> memref<1x8x128xf32, #tpu.memory_space<vmem>>
      %dma_wait3A_1582 = tpu.memref_squeeze %dma_wait3A_1581 : memref<1x8x128xf32, #tpu.memory_space<vmem>> -> memref<8x128xf32, #tpu.memory_space<vmem>>
      %dma_wait3A_1583 = tpu.memref_reshape %arg3 : memref<32x1000000xf32, #tpu.memory_space<hbm>> -> memref<4x8x1000000xf32, #tpu.memory_space<hbm>>
      %dma_wait3A_1584 = arith.constant 0 : i32
      %dma_wait3A_1585 = tpu.memref_slice %dma_wait3A_1583[%dma_wait3A_1577, %dma_wait3A_1584, %multiple_of3A_395] : memref<4x8x1000000xf32, #tpu.memory_space<hbm>> -> memref<1x8x128xf32, #tpu.memory_space<hbm>>
      %dma_wait3A_1586 = tpu.memref_squeeze %dma_wait3A_1585 : memref<1x8x128xf32, #tpu.memory_space<hbm>> -> memref<8x128xf32, #tpu.memory_space<hbm>>
      %dma_wait3A_1587 = arith.constant 0 : i32
      %dma_wait3A_1588 = arith.constant 0 : i32
      %dma_wait3A_1589 = tpu.memref_slice %arg8[%dma_wait3A_1578, %dma_wait3A_1587, %dma_wait3A_1588] : memref<16x32x128xf32, #tpu.memory_space<vmem>> -> memref<1x8x128xf32, #tpu.memory_space<vmem>>
      %dma_wait3A_1590 = tpu.memref_squeeze %dma_wait3A_1589 : memref<1x8x128xf32, #tpu.memory_space<vmem>> -> memref<8x128xf32, #tpu.memory_space<vmem>>
      %dma_wait3A_1591 = tpu.memref_reshape %arg3 : memref<32x1000000xf32, #tpu.memory_space<hbm>> -> memref<4x8x1000000xf32, #tpu.memory_space<hbm>>
      %dma_wait3A_1592 = arith.constant 0 : i32
      %dma_wait3A_1593 = tpu.memref_slice %dma_wait3A_1591[%dma_wait3A_1577, %dma_wait3A_1592, %multiple_of3A_395] : memref<4x8x1000000xf32, #tpu.memory_space<hbm>> -> memref<1x8x128xf32, #tpu.memory_space<hbm>>
      %dma_wait3A_1594 = tpu.memref_squeeze %dma_wait3A_1593 : memref<1x8x128xf32, #tpu.memory_space<hbm>> -> memref<8x128xf32, #tpu.memory_space<hbm>>
      tpu.wait_dma2 semaphore(%arg10 : memref<!tpu.dma_semaphore, #tpu.memory_space<semaphore_mem>>) src(%dma_wait3A_1594 : memref<8x128xf32, #tpu.memory_space<hbm>>) dst(%dma_wait3A_1590 : memref<8x128xf32, #tpu.memory_space<vmem>>)
      %dma_wait3A_1595 = arith.constant 1 : i32
      %dma_wait3A_1596 = arith.constant 5 : i32
      %dma_wait3A_1597 = arith.constant 8 : i32
      %dma_wait3A_1598 = arith.constant 0 : i32
      %dma_wait3A_1599 = tpu.memref_slice %arg8[%dma_wait3A_1596, %dma_wait3A_1597, %dma_wait3A_1598] : memref<16x32x128xf32, #tpu.memory_space<vmem>> -> memref<1x8x128xf32, #tpu.memory_space<vmem>>
      %dma_wait3A_1600 = tpu.memref_squeeze %dma_wait3A_1599 : memref<1x8x128xf32, #tpu.memory_space<vmem>> -> memref<8x128xf32, #tpu.memory_space<vmem>>
      %dma_wait3A_1601 = tpu.memref_reshape %arg3 : memref<32x1000000xf32, #tpu.memory_space<hbm>> -> memref<4x8x1000000xf32, #tpu.memory_space<hbm>>
      %dma_wait3A_1602 = arith.constant 0 : i32
      %dma_wait3A_1603 = tpu.memref_slice %dma_wait3A_1601[%dma_wait3A_1595, %dma_wait3A_1602, %multiple_of3A_395] : memref<4x8x1000000xf32, #tpu.memory_space<hbm>> -> memref<1x8x128xf32, #tpu.memory_space<hbm>>
      %dma_wait3A_1604 = tpu.memref_squeeze %dma_wait3A_1603 : memref<1x8x128xf32, #tpu.memory_space<hbm>> -> memref<8x128xf32, #tpu.memory_space<hbm>>
      %dma_wait3A_1605 = arith.constant 8 : i32
      %dma_wait3A_1606 = arith.constant 0 : i32
      %dma_wait3A_1607 = tpu.memref_slice %arg8[%dma_wait3A_1596, %dma_wait3A_1605, %dma_wait3A_1606] : memref<16x32x128xf32, #tpu.memory_space<vmem>> -> memref<1x8x128xf32, #tpu.memory_space<vmem>>
      %dma_wait3A_1608 = tpu.memref_squeeze %dma_wait3A_1607 : memref<1x8x128xf32, #tpu.memory_space<vmem>> -> memref<8x128xf32, #tpu.memory_space<vmem>>
      %dma_wait3A_1609 = tpu.memref_reshape %arg3 : memref<32x1000000xf32, #tpu.memory_space<hbm>> -> memref<4x8x1000000xf32, #tpu.memory_space<hbm>>
      %dma_wait3A_1610 = arith.constant 0 : i32
      %dma_wait3A_1611 = tpu.memref_slice %dma_wait3A_1609[%dma_wait3A_1595, %dma_wait3A_1610, %multiple_of3A_395] : memref<4x8x1000000xf32, #tpu.memory_space<hbm>> -> memref<1x8x128xf32, #tpu.memory_space<hbm>>
      %dma_wait3A_1612 = tpu.memref_squeeze %dma_wait3A_1611 : memref<1x8x128xf32, #tpu.memory_space<hbm>> -> memref<8x128xf32, #tpu.memory_space<hbm>>
      tpu.wait_dma2 semaphore(%arg10 : memref<!tpu.dma_semaphore, #tpu.memory_space<semaphore_mem>>) src(%dma_wait3A_1612 : memref<8x128xf32, #tpu.memory_space<hbm>>) dst(%dma_wait3A_1608 : memref<8x128xf32, #tpu.memory_space<vmem>>)
      %dma_wait3A_1613 = arith.constant 2 : i32
      %dma_wait3A_1614 = arith.constant 5 : i32
      %dma_wait3A_1615 = arith.constant 16 : i32
      %dma_wait3A_1616 = arith.constant 0 : i32
      %dma_wait3A_1617 = tpu.memref_slice %arg8[%dma_wait3A_1614, %dma_wait3A_1615, %dma_wait3A_1616] : memref<16x32x128xf32, #tpu.memory_space<vmem>> -> memref<1x8x128xf32, #tpu.memory_space<vmem>>
      %dma_wait3A_1618 = tpu.memref_squeeze %dma_wait3A_1617 : memref<1x8x128xf32, #tpu.memory_space<vmem>> -> memref<8x128xf32, #tpu.memory_space<vmem>>
      %dma_wait3A_1619 = tpu.memref_reshape %arg3 : memref<32x1000000xf32, #tpu.memory_space<hbm>> -> memref<4x8x1000000xf32, #tpu.memory_space<hbm>>
      %dma_wait3A_1620 = arith.constant 0 : i32
      %dma_wait3A_1621 = tpu.memref_slice %dma_wait3A_1619[%dma_wait3A_1613, %dma_wait3A_1620, %multiple_of3A_395] : memref<4x8x1000000xf32, #tpu.memory_space<hbm>> -> memref<1x8x128xf32, #tpu.memory_space<hbm>>
      %dma_wait3A_1622 = tpu.memref_squeeze %dma_wait3A_1621 : memref<1x8x128xf32, #tpu.memory_space<hbm>> -> memref<8x128xf32, #tpu.memory_space<hbm>>
      %dma_wait3A_1623 = arith.constant 16 : i32
      %dma_wait3A_1624 = arith.constant 0 : i32
      %dma_wait3A_1625 = tpu.memref_slice %arg8[%dma_wait3A_1614, %dma_wait3A_1623, %dma_wait3A_1624] : memref<16x32x128xf32, #tpu.memory_space<vmem>> -> memref<1x8x128xf32, #tpu.memory_space<vmem>>
      %dma_wait3A_1626 = tpu.memref_squeeze %dma_wait3A_1625 : memref<1x8x128xf32, #tpu.memory_space<vmem>> -> memref<8x128xf32, #tpu.memory_space<vmem>>
      %dma_wait3A_1627 = tpu.memref_reshape %arg3 : memref<32x1000000xf32, #tpu.memory_space<hbm>> -> memref<4x8x1000000xf32, #tpu.memory_space<hbm>>
      %dma_wait3A_1628 = arith.constant 0 : i32
      %dma_wait3A_1629 = tpu.memref_slice %dma_wait3A_1627[%dma_wait3A_1613, %dma_wait3A_1628, %multiple_of3A_395] : memref<4x8x1000000xf32, #tpu.memory_space<hbm>> -> memref<1x8x128xf32, #tpu.memory_space<hbm>>
      %dma_wait3A_1630 = tpu.memref_squeeze %dma_wait3A_1629 : memref<1x8x128xf32, #tpu.memory_space<hbm>> -> memref<8x128xf32, #tpu.memory_space<hbm>>
      tpu.wait_dma2 semaphore(%arg10 : memref<!tpu.dma_semaphore, #tpu.memory_space<semaphore_mem>>) src(%dma_wait3A_1630 : memref<8x128xf32, #tpu.memory_space<hbm>>) dst(%dma_wait3A_1626 : memref<8x128xf32, #tpu.memory_space<vmem>>)
      %dma_wait3A_1631 = arith.constant 3 : i32
      %dma_wait3A_1632 = arith.constant 5 : i32
      %dma_wait3A_1633 = arith.constant 24 : i32
      %dma_wait3A_1634 = arith.constant 0 : i32
      %dma_wait3A_1635 = tpu.memref_slice %arg8[%dma_wait3A_1632, %dma_wait3A_1633, %dma_wait3A_1634] : memref<16x32x128xf32, #tpu.memory_space<vmem>> -> memref<1x8x128xf32, #tpu.memory_space<vmem>>
      %dma_wait3A_1636 = tpu.memref_squeeze %dma_wait3A_1635 : memref<1x8x128xf32, #tpu.memory_space<vmem>> -> memref<8x128xf32, #tpu.memory_space<vmem>>
      %dma_wait3A_1637 = tpu.memref_reshape %arg3 : memref<32x1000000xf32, #tpu.memory_space<hbm>> -> memref<4x8x1000000xf32, #tpu.memory_space<hbm>>
      %dma_wait3A_1638 = arith.constant 0 : i32
      %dma_wait3A_1639 = tpu.memref_slice %dma_wait3A_1637[%dma_wait3A_1631, %dma_wait3A_1638, %multiple_of3A_395] : memref<4x8x1000000xf32, #tpu.memory_space<hbm>> -> memref<1x8x128xf32, #tpu.memory_space<hbm>>
      %dma_wait3A_1640 = tpu.memref_squeeze %dma_wait3A_1639 : memref<1x8x128xf32, #tpu.memory_space<hbm>> -> memref<8x128xf32, #tpu.memory_space<hbm>>
      %dma_wait3A_1641 = arith.constant 24 : i32
      %dma_wait3A_1642 = arith.constant 0 : i32
      %dma_wait3A_1643 = tpu.memref_slice %arg8[%dma_wait3A_1632, %dma_wait3A_1641, %dma_wait3A_1642] : memref<16x32x128xf32, #tpu.memory_space<vmem>> -> memref<1x8x128xf32, #tpu.memory_space<vmem>>
      %dma_wait3A_1644 = tpu.memref_squeeze %dma_wait3A_1643 : memref<1x8x128xf32, #tpu.memory_space<vmem>> -> memref<8x128xf32, #tpu.memory_space<vmem>>
      %dma_wait3A_1645 = tpu.memref_reshape %arg3 : memref<32x1000000xf32, #tpu.memory_space<hbm>> -> memref<4x8x1000000xf32, #tpu.memory_space<hbm>>
      %dma_wait3A_1646 = arith.constant 0 : i32
      %dma_wait3A_1647 = tpu.memref_slice %dma_wait3A_1645[%dma_wait3A_1631, %dma_wait3A_1646, %multiple_of3A_395] : memref<4x8x1000000xf32, #tpu.memory_space<hbm>> -> memref<1x8x128xf32, #tpu.memory_space<hbm>>
      %dma_wait3A_1648 = tpu.memref_squeeze %dma_wait3A_1647 : memref<1x8x128xf32, #tpu.memory_space<hbm>> -> memref<8x128xf32, #tpu.memory_space<hbm>>
      tpu.wait_dma2 semaphore(%arg10 : memref<!tpu.dma_semaphore, #tpu.memory_space<semaphore_mem>>) src(%dma_wait3A_1648 : memref<8x128xf32, #tpu.memory_space<hbm>>) dst(%dma_wait3A_1644 : memref<8x128xf32, #tpu.memory_space<vmem>>)
      %dma_wait3A_1649 = arith.constant 0 : i32
      %dma_wait3A_1650 = arith.constant 6 : i32
      %dma_wait3A_1651 = arith.constant 0 : i32
      %dma_wait3A_1652 = arith.constant 0 : i32
      %dma_wait3A_1653 = tpu.memref_slice %arg8[%dma_wait3A_1650, %dma_wait3A_1651, %dma_wait3A_1652] : memref<16x32x128xf32, #tpu.memory_space<vmem>> -> memref<1x8x128xf32, #tpu.memory_space<vmem>>
      %dma_wait3A_1654 = tpu.memref_squeeze %dma_wait3A_1653 : memref<1x8x128xf32, #tpu.memory_space<vmem>> -> memref<8x128xf32, #tpu.memory_space<vmem>>
      %dma_wait3A_1655 = tpu.memref_reshape %arg3 : memref<32x1000000xf32, #tpu.memory_space<hbm>> -> memref<4x8x1000000xf32, #tpu.memory_space<hbm>>
      %dma_wait3A_1656 = arith.constant 0 : i32
      %dma_wait3A_1657 = tpu.memref_slice %dma_wait3A_1655[%dma_wait3A_1649, %dma_wait3A_1656, %multiple_of3A_470] : memref<4x8x1000000xf32, #tpu.memory_space<hbm>> -> memref<1x8x128xf32, #tpu.memory_space<hbm>>
      %dma_wait3A_1658 = tpu.memref_squeeze %dma_wait3A_1657 : memref<1x8x128xf32, #tpu.memory_space<hbm>> -> memref<8x128xf32, #tpu.memory_space<hbm>>
      %dma_wait3A_1659 = arith.constant 0 : i32
      %dma_wait3A_1660 = arith.constant 0 : i32
      %dma_wait3A_1661 = tpu.memref_slice %arg8[%dma_wait3A_1650, %dma_wait3A_1659, %dma_wait3A_1660] : memref<16x32x128xf32, #tpu.memory_space<vmem>> -> memref<1x8x128xf32, #tpu.memory_space<vmem>>
      %dma_wait3A_1662 = tpu.memref_squeeze %dma_wait3A_1661 : memref<1x8x128xf32, #tpu.memory_space<vmem>> -> memref<8x128xf32, #tpu.memory_space<vmem>>
      %dma_wait3A_1663 = tpu.memref_reshape %arg3 : memref<32x1000000xf32, #tpu.memory_space<hbm>> -> memref<4x8x1000000xf32, #tpu.memory_space<hbm>>
      %dma_wait3A_1664 = arith.constant 0 : i32
      %dma_wait3A_1665 = tpu.memref_slice %dma_wait3A_1663[%dma_wait3A_1649, %dma_wait3A_1664, %multiple_of3A_470] : memref<4x8x1000000xf32, #tpu.memory_space<hbm>> -> memref<1x8x128xf32, #tpu.memory_space<hbm>>
      %dma_wait3A_1666 = tpu.memref_squeeze %dma_wait3A_1665 : memref<1x8x128xf32, #tpu.memory_space<hbm>> -> memref<8x128xf32, #tpu.memory_space<hbm>>
      tpu.wait_dma2 semaphore(%arg10 : memref<!tpu.dma_semaphore, #tpu.memory_space<semaphore_mem>>) src(%dma_wait3A_1666 : memref<8x128xf32, #tpu.memory_space<hbm>>) dst(%dma_wait3A_1662 : memref<8x128xf32, #tpu.memory_space<vmem>>)
      %dma_wait3A_1667 = arith.constant 1 : i32
      %dma_wait3A_1668 = arith.constant 6 : i32
      %dma_wait3A_1669 = arith.constant 8 : i32
      %dma_wait3A_1670 = arith.constant 0 : i32
      %dma_wait3A_1671 = tpu.memref_slice %arg8[%dma_wait3A_1668, %dma_wait3A_1669, %dma_wait3A_1670] : memref<16x32x128xf32, #tpu.memory_space<vmem>> -> memref<1x8x128xf32, #tpu.memory_space<vmem>>
      %dma_wait3A_1672 = tpu.memref_squeeze %dma_wait3A_1671 : memref<1x8x128xf32, #tpu.memory_space<vmem>> -> memref<8x128xf32, #tpu.memory_space<vmem>>
      %dma_wait3A_1673 = tpu.memref_reshape %arg3 : memref<32x1000000xf32, #tpu.memory_space<hbm>> -> memref<4x8x1000000xf32, #tpu.memory_space<hbm>>
      %dma_wait3A_1674 = arith.constant 0 : i32
      %dma_wait3A_1675 = tpu.memref_slice %dma_wait3A_1673[%dma_wait3A_1667, %dma_wait3A_1674, %multiple_of3A_470] : memref<4x8x1000000xf32, #tpu.memory_space<hbm>> -> memref<1x8x128xf32, #tpu.memory_space<hbm>>
      %dma_wait3A_1676 = tpu.memref_squeeze %dma_wait3A_1675 : memref<1x8x128xf32, #tpu.memory_space<hbm>> -> memref<8x128xf32, #tpu.memory_space<hbm>>
      %dma_wait3A_1677 = arith.constant 8 : i32
      %dma_wait3A_1678 = arith.constant 0 : i32
      %dma_wait3A_1679 = tpu.memref_slice %arg8[%dma_wait3A_1668, %dma_wait3A_1677, %dma_wait3A_1678] : memref<16x32x128xf32, #tpu.memory_space<vmem>> -> memref<1x8x128xf32, #tpu.memory_space<vmem>>
      %dma_wait3A_1680 = tpu.memref_squeeze %dma_wait3A_1679 : memref<1x8x128xf32, #tpu.memory_space<vmem>> -> memref<8x128xf32, #tpu.memory_space<vmem>>
      %dma_wait3A_1681 = tpu.memref_reshape %arg3 : memref<32x1000000xf32, #tpu.memory_space<hbm>> -> memref<4x8x1000000xf32, #tpu.memory_space<hbm>>
      %dma_wait3A_1682 = arith.constant 0 : i32
      %dma_wait3A_1683 = tpu.memref_slice %dma_wait3A_1681[%dma_wait3A_1667, %dma_wait3A_1682, %multiple_of3A_470] : memref<4x8x1000000xf32, #tpu.memory_space<hbm>> -> memref<1x8x128xf32, #tpu.memory_space<hbm>>
      %dma_wait3A_1684 = tpu.memref_squeeze %dma_wait3A_1683 : memref<1x8x128xf32, #tpu.memory_space<hbm>> -> memref<8x128xf32, #tpu.memory_space<hbm>>
      tpu.wait_dma2 semaphore(%arg10 : memref<!tpu.dma_semaphore, #tpu.memory_space<semaphore_mem>>) src(%dma_wait3A_1684 : memref<8x128xf32, #tpu.memory_space<hbm>>) dst(%dma_wait3A_1680 : memref<8x128xf32, #tpu.memory_space<vmem>>)
      %dma_wait3A_1685 = arith.constant 2 : i32
      %dma_wait3A_1686 = arith.constant 6 : i32
      %dma_wait3A_1687 = arith.constant 16 : i32
      %dma_wait3A_1688 = arith.constant 0 : i32
      %dma_wait3A_1689 = tpu.memref_slice %arg8[%dma_wait3A_1686, %dma_wait3A_1687, %dma_wait3A_1688] : memref<16x32x128xf32, #tpu.memory_space<vmem>> -> memref<1x8x128xf32, #tpu.memory_space<vmem>>
      %dma_wait3A_1690 = tpu.memref_squeeze %dma_wait3A_1689 : memref<1x8x128xf32, #tpu.memory_space<vmem>> -> memref<8x128xf32, #tpu.memory_space<vmem>>
      %dma_wait3A_1691 = tpu.memref_reshape %arg3 : memref<32x1000000xf32, #tpu.memory_space<hbm>> -> memref<4x8x1000000xf32, #tpu.memory_space<hbm>>
      %dma_wait3A_1692 = arith.constant 0 : i32
      %dma_wait3A_1693 = tpu.memref_slice %dma_wait3A_1691[%dma_wait3A_1685, %dma_wait3A_1692, %multiple_of3A_470] : memref<4x8x1000000xf32, #tpu.memory_space<hbm>> -> memref<1x8x128xf32, #tpu.memory_space<hbm>>
      %dma_wait3A_1694 = tpu.memref_squeeze %dma_wait3A_1693 : memref<1x8x128xf32, #tpu.memory_space<hbm>> -> memref<8x128xf32, #tpu.memory_space<hbm>>
      %dma_wait3A_1695 = arith.constant 16 : i32
      %dma_wait3A_1696 = arith.constant 0 : i32
      %dma_wait3A_1697 = tpu.memref_slice %arg8[%dma_wait3A_1686, %dma_wait3A_1695, %dma_wait3A_1696] : memref<16x32x128xf32, #tpu.memory_space<vmem>> -> memref<1x8x128xf32, #tpu.memory_space<vmem>>
      %dma_wait3A_1698 = tpu.memref_squeeze %dma_wait3A_1697 : memref<1x8x128xf32, #tpu.memory_space<vmem>> -> memref<8x128xf32, #tpu.memory_space<vmem>>
      %dma_wait3A_1699 = tpu.memref_reshape %arg3 : memref<32x1000000xf32, #tpu.memory_space<hbm>> -> memref<4x8x1000000xf32, #tpu.memory_space<hbm>>
      %dma_wait3A_1700 = arith.constant 0 : i32
      %dma_wait3A_1701 = tpu.memref_slice %dma_wait3A_1699[%dma_wait3A_1685, %dma_wait3A_1700, %multiple_of3A_470] : memref<4x8x1000000xf32, #tpu.memory_space<hbm>> -> memref<1x8x128xf32, #tpu.memory_space<hbm>>
      %dma_wait3A_1702 = tpu.memref_squeeze %dma_wait3A_1701 : memref<1x8x128xf32, #tpu.memory_space<hbm>> -> memref<8x128xf32, #tpu.memory_space<hbm>>
      tpu.wait_dma2 semaphore(%arg10 : memref<!tpu.dma_semaphore, #tpu.memory_space<semaphore_mem>>) src(%dma_wait3A_1702 : memref<8x128xf32, #tpu.memory_space<hbm>>) dst(%dma_wait3A_1698 : memref<8x128xf32, #tpu.memory_space<vmem>>)
      %dma_wait3A_1703 = arith.constant 3 : i32
      %dma_wait3A_1704 = arith.constant 6 : i32
      %dma_wait3A_1705 = arith.constant 24 : i32
      %dma_wait3A_1706 = arith.constant 0 : i32
      %dma_wait3A_1707 = tpu.memref_slice %arg8[%dma_wait3A_1704, %dma_wait3A_1705, %dma_wait3A_1706] : memref<16x32x128xf32, #tpu.memory_space<vmem>> -> memref<1x8x128xf32, #tpu.memory_space<vmem>>
      %dma_wait3A_1708 = tpu.memref_squeeze %dma_wait3A_1707 : memref<1x8x128xf32, #tpu.memory_space<vmem>> -> memref<8x128xf32, #tpu.memory_space<vmem>>
      %dma_wait3A_1709 = tpu.memref_reshape %arg3 : memref<32x1000000xf32, #tpu.memory_space<hbm>> -> memref<4x8x1000000xf32, #tpu.memory_space<hbm>>
      %dma_wait3A_1710 = arith.constant 0 : i32
      %dma_wait3A_1711 = tpu.memref_slice %dma_wait3A_1709[%dma_wait3A_1703, %dma_wait3A_1710, %multiple_of3A_470] : memref<4x8x1000000xf32, #tpu.memory_space<hbm>> -> memref<1x8x128xf32, #tpu.memory_space<hbm>>
      %dma_wait3A_1712 = tpu.memref_squeeze %dma_wait3A_1711 : memref<1x8x128xf32, #tpu.memory_space<hbm>> -> memref<8x128xf32, #tpu.memory_space<hbm>>
      %dma_wait3A_1713 = arith.constant 24 : i32
      %dma_wait3A_1714 = arith.constant 0 : i32
      %dma_wait3A_1715 = tpu.memref_slice %arg8[%dma_wait3A_1704, %dma_wait3A_1713, %dma_wait3A_1714] : memref<16x32x128xf32, #tpu.memory_space<vmem>> -> memref<1x8x128xf32, #tpu.memory_space<vmem>>
      %dma_wait3A_1716 = tpu.memref_squeeze %dma_wait3A_1715 : memref<1x8x128xf32, #tpu.memory_space<vmem>> -> memref<8x128xf32, #tpu.memory_space<vmem>>
      %dma_wait3A_1717 = tpu.memref_reshape %arg3 : memref<32x1000000xf32, #tpu.memory_space<hbm>> -> memref<4x8x1000000xf32, #tpu.memory_space<hbm>>
      %dma_wait3A_1718 = arith.constant 0 : i32
      %dma_wait3A_1719 = tpu.memref_slice %dma_wait3A_1717[%dma_wait3A_1703, %dma_wait3A_1718, %multiple_of3A_470] : memref<4x8x1000000xf32, #tpu.memory_space<hbm>> -> memref<1x8x128xf32, #tpu.memory_space<hbm>>
      %dma_wait3A_1720 = tpu.memref_squeeze %dma_wait3A_1719 : memref<1x8x128xf32, #tpu.memory_space<hbm>> -> memref<8x128xf32, #tpu.memory_space<hbm>>
      tpu.wait_dma2 semaphore(%arg10 : memref<!tpu.dma_semaphore, #tpu.memory_space<semaphore_mem>>) src(%dma_wait3A_1720 : memref<8x128xf32, #tpu.memory_space<hbm>>) dst(%dma_wait3A_1716 : memref<8x128xf32, #tpu.memory_space<vmem>>)
      %dma_wait3A_1721 = arith.constant 0 : i32
      %dma_wait3A_1722 = arith.constant 7 : i32
      %dma_wait3A_1723 = arith.constant 0 : i32
      %dma_wait3A_1724 = arith.constant 0 : i32
      %dma_wait3A_1725 = tpu.memref_slice %arg8[%dma_wait3A_1722, %dma_wait3A_1723, %dma_wait3A_1724] : memref<16x32x128xf32, #tpu.memory_space<vmem>> -> memref<1x8x128xf32, #tpu.memory_space<vmem>>
      %dma_wait3A_1726 = tpu.memref_squeeze %dma_wait3A_1725 : memref<1x8x128xf32, #tpu.memory_space<vmem>> -> memref<8x128xf32, #tpu.memory_space<vmem>>
      %dma_wait3A_1727 = tpu.memref_reshape %arg3 : memref<32x1000000xf32, #tpu.memory_space<hbm>> -> memref<4x8x1000000xf32, #tpu.memory_space<hbm>>
      %dma_wait3A_1728 = arith.constant 0 : i32
      %dma_wait3A_1729 = tpu.memref_slice %dma_wait3A_1727[%dma_wait3A_1721, %dma_wait3A_1728, %multiple_of3A_545] : memref<4x8x1000000xf32, #tpu.memory_space<hbm>> -> memref<1x8x128xf32, #tpu.memory_space<hbm>>
      %dma_wait3A_1730 = tpu.memref_squeeze %dma_wait3A_1729 : memref<1x8x128xf32, #tpu.memory_space<hbm>> -> memref<8x128xf32, #tpu.memory_space<hbm>>
      %dma_wait3A_1731 = arith.constant 0 : i32
      %dma_wait3A_1732 = arith.constant 0 : i32
      %dma_wait3A_1733 = tpu.memref_slice %arg8[%dma_wait3A_1722, %dma_wait3A_1731, %dma_wait3A_1732] : memref<16x32x128xf32, #tpu.memory_space<vmem>> -> memref<1x8x128xf32, #tpu.memory_space<vmem>>
      %dma_wait3A_1734 = tpu.memref_squeeze %dma_wait3A_1733 : memref<1x8x128xf32, #tpu.memory_space<vmem>> -> memref<8x128xf32, #tpu.memory_space<vmem>>
      %dma_wait3A_1735 = tpu.memref_reshape %arg3 : memref<32x1000000xf32, #tpu.memory_space<hbm>> -> memref<4x8x1000000xf32, #tpu.memory_space<hbm>>
      %dma_wait3A_1736 = arith.constant 0 : i32
      %dma_wait3A_1737 = tpu.memref_slice %dma_wait3A_1735[%dma_wait3A_1721, %dma_wait3A_1736, %multiple_of3A_545] : memref<4x8x1000000xf32, #tpu.memory_space<hbm>> -> memref<1x8x128xf32, #tpu.memory_space<hbm>>
      %dma_wait3A_1738 = tpu.memref_squeeze %dma_wait3A_1737 : memref<1x8x128xf32, #tpu.memory_space<hbm>> -> memref<8x128xf32, #tpu.memory_space<hbm>>
      tpu.wait_dma2 semaphore(%arg10 : memref<!tpu.dma_semaphore, #tpu.memory_space<semaphore_mem>>) src(%dma_wait3A_1738 : memref<8x128xf32, #tpu.memory_space<hbm>>) dst(%dma_wait3A_1734 : memref<8x128xf32, #tpu.memory_space<vmem>>)
      %dma_wait3A_1739 = arith.constant 1 : i32
      %dma_wait3A_1740 = arith.constant 7 : i32
      %dma_wait3A_1741 = arith.constant 8 : i32
      %dma_wait3A_1742 = arith.constant 0 : i32
      %dma_wait3A_1743 = tpu.memref_slice %arg8[%dma_wait3A_1740, %dma_wait3A_1741, %dma_wait3A_1742] : memref<16x32x128xf32, #tpu.memory_space<vmem>> -> memref<1x8x128xf32, #tpu.memory_space<vmem>>
      %dma_wait3A_1744 = tpu.memref_squeeze %dma_wait3A_1743 : memref<1x8x128xf32, #tpu.memory_space<vmem>> -> memref<8x128xf32, #tpu.memory_space<vmem>>
      %dma_wait3A_1745 = tpu.memref_reshape %arg3 : memref<32x1000000xf32, #tpu.memory_space<hbm>> -> memref<4x8x1000000xf32, #tpu.memory_space<hbm>>
      %dma_wait3A_1746 = arith.constant 0 : i32
      %dma_wait3A_1747 = tpu.memref_slice %dma_wait3A_1745[%dma_wait3A_1739, %dma_wait3A_1746, %multiple_of3A_545] : memref<4x8x1000000xf32, #tpu.memory_space<hbm>> -> memref<1x8x128xf32, #tpu.memory_space<hbm>>
      %dma_wait3A_1748 = tpu.memref_squeeze %dma_wait3A_1747 : memref<1x8x128xf32, #tpu.memory_space<hbm>> -> memref<8x128xf32, #tpu.memory_space<hbm>>
      %dma_wait3A_1749 = arith.constant 8 : i32
      %dma_wait3A_1750 = arith.constant 0 : i32
      %dma_wait3A_1751 = tpu.memref_slice %arg8[%dma_wait3A_1740, %dma_wait3A_1749, %dma_wait3A_1750] : memref<16x32x128xf32, #tpu.memory_space<vmem>> -> memref<1x8x128xf32, #tpu.memory_space<vmem>>
      %dma_wait3A_1752 = tpu.memref_squeeze %dma_wait3A_1751 : memref<1x8x128xf32, #tpu.memory_space<vmem>> -> memref<8x128xf32, #tpu.memory_space<vmem>>
      %dma_wait3A_1753 = tpu.memref_reshape %arg3 : memref<32x1000000xf32, #tpu.memory_space<hbm>> -> memref<4x8x1000000xf32, #tpu.memory_space<hbm>>
      %dma_wait3A_1754 = arith.constant 0 : i32
      %dma_wait3A_1755 = tpu.memref_slice %dma_wait3A_1753[%dma_wait3A_1739, %dma_wait3A_1754, %multiple_of3A_545] : memref<4x8x1000000xf32, #tpu.memory_space<hbm>> -> memref<1x8x128xf32, #tpu.memory_space<hbm>>
      %dma_wait3A_1756 = tpu.memref_squeeze %dma_wait3A_1755 : memref<1x8x128xf32, #tpu.memory_space<hbm>> -> memref<8x128xf32, #tpu.memory_space<hbm>>
      tpu.wait_dma2 semaphore(%arg10 : memref<!tpu.dma_semaphore, #tpu.memory_space<semaphore_mem>>) src(%dma_wait3A_1756 : memref<8x128xf32, #tpu.memory_space<hbm>>) dst(%dma_wait3A_1752 : memref<8x128xf32, #tpu.memory_space<vmem>>)
      %dma_wait3A_1757 = arith.constant 2 : i32
      %dma_wait3A_1758 = arith.constant 7 : i32
      %dma_wait3A_1759 = arith.constant 16 : i32
      %dma_wait3A_1760 = arith.constant 0 : i32
      %dma_wait3A_1761 = tpu.memref_slice %arg8[%dma_wait3A_1758, %dma_wait3A_1759, %dma_wait3A_1760] : memref<16x32x128xf32, #tpu.memory_space<vmem>> -> memref<1x8x128xf32, #tpu.memory_space<vmem>>
      %dma_wait3A_1762 = tpu.memref_squeeze %dma_wait3A_1761 : memref<1x8x128xf32, #tpu.memory_space<vmem>> -> memref<8x128xf32, #tpu.memory_space<vmem>>
      %dma_wait3A_1763 = tpu.memref_reshape %arg3 : memref<32x1000000xf32, #tpu.memory_space<hbm>> -> memref<4x8x1000000xf32, #tpu.memory_space<hbm>>
      %dma_wait3A_1764 = arith.constant 0 : i32
      %dma_wait3A_1765 = tpu.memref_slice %dma_wait3A_1763[%dma_wait3A_1757, %dma_wait3A_1764, %multiple_of3A_545] : memref<4x8x1000000xf32, #tpu.memory_space<hbm>> -> memref<1x8x128xf32, #tpu.memory_space<hbm>>
      %dma_wait3A_1766 = tpu.memref_squeeze %dma_wait3A_1765 : memref<1x8x128xf32, #tpu.memory_space<hbm>> -> memref<8x128xf32, #tpu.memory_space<hbm>>
      %dma_wait3A_1767 = arith.constant 16 : i32
      %dma_wait3A_1768 = arith.constant 0 : i32
      %dma_wait3A_1769 = tpu.memref_slice %arg8[%dma_wait3A_1758, %dma_wait3A_1767, %dma_wait3A_1768] : memref<16x32x128xf32, #tpu.memory_space<vmem>> -> memref<1x8x128xf32, #tpu.memory_space<vmem>>
      %dma_wait3A_1770 = tpu.memref_squeeze %dma_wait3A_1769 : memref<1x8x128xf32, #tpu.memory_space<vmem>> -> memref<8x128xf32, #tpu.memory_space<vmem>>
      %dma_wait3A_1771 = tpu.memref_reshape %arg3 : memref<32x1000000xf32, #tpu.memory_space<hbm>> -> memref<4x8x1000000xf32, #tpu.memory_space<hbm>>
      %dma_wait3A_1772 = arith.constant 0 : i32
      %dma_wait3A_1773 = tpu.memref_slice %dma_wait3A_1771[%dma_wait3A_1757, %dma_wait3A_1772, %multiple_of3A_545] : memref<4x8x1000000xf32, #tpu.memory_space<hbm>> -> memref<1x8x128xf32, #tpu.memory_space<hbm>>
      %dma_wait3A_1774 = tpu.memref_squeeze %dma_wait3A_1773 : memref<1x8x128xf32, #tpu.memory_space<hbm>> -> memref<8x128xf32, #tpu.memory_space<hbm>>
      tpu.wait_dma2 semaphore(%arg10 : memref<!tpu.dma_semaphore, #tpu.memory_space<semaphore_mem>>) src(%dma_wait3A_1774 : memref<8x128xf32, #tpu.memory_space<hbm>>) dst(%dma_wait3A_1770 : memref<8x128xf32, #tpu.memory_space<vmem>>)
      %dma_wait3A_1775 = arith.constant 3 : i32
      %dma_wait3A_1776 = arith.constant 7 : i32
      %dma_wait3A_1777 = arith.constant 24 : i32
      %dma_wait3A_1778 = arith.constant 0 : i32
      %dma_wait3A_1779 = tpu.memref_slice %arg8[%dma_wait3A_1776, %dma_wait3A_1777, %dma_wait3A_1778] : memref<16x32x128xf32, #tpu.memory_space<vmem>> -> memref<1x8x128xf32, #tpu.memory_space<vmem>>
      %dma_wait3A_1780 = tpu.memref_squeeze %dma_wait3A_1779 : memref<1x8x128xf32, #tpu.memory_space<vmem>> -> memref<8x128xf32, #tpu.memory_space<vmem>>
      %dma_wait3A_1781 = tpu.memref_reshape %arg3 : memref<32x1000000xf32, #tpu.memory_space<hbm>> -> memref<4x8x1000000xf32, #tpu.memory_space<hbm>>
      %dma_wait3A_1782 = arith.constant 0 : i32
      %dma_wait3A_1783 = tpu.memref_slice %dma_wait3A_1781[%dma_wait3A_1775, %dma_wait3A_1782, %multiple_of3A_545] : memref<4x8x1000000xf32, #tpu.memory_space<hbm>> -> memref<1x8x128xf32, #tpu.memory_space<hbm>>
      %dma_wait3A_1784 = tpu.memref_squeeze %dma_wait3A_1783 : memref<1x8x128xf32, #tpu.memory_space<hbm>> -> memref<8x128xf32, #tpu.memory_space<hbm>>
      %dma_wait3A_1785 = arith.constant 24 : i32
      %dma_wait3A_1786 = arith.constant 0 : i32
      %dma_wait3A_1787 = tpu.memref_slice %arg8[%dma_wait3A_1776, %dma_wait3A_1785, %dma_wait3A_1786] : memref<16x32x128xf32, #tpu.memory_space<vmem>> -> memref<1x8x128xf32, #tpu.memory_space<vmem>>
      %dma_wait3A_1788 = tpu.memref_squeeze %dma_wait3A_1787 : memref<1x8x128xf32, #tpu.memory_space<vmem>> -> memref<8x128xf32, #tpu.memory_space<vmem>>
      %dma_wait3A_1789 = tpu.memref_reshape %arg3 : memref<32x1000000xf32, #tpu.memory_space<hbm>> -> memref<4x8x1000000xf32, #tpu.memory_space<hbm>>
      %dma_wait3A_1790 = arith.constant 0 : i32
      %dma_wait3A_1791 = tpu.memref_slice %dma_wait3A_1789[%dma_wait3A_1775, %dma_wait3A_1790, %multiple_of3A_545] : memref<4x8x1000000xf32, #tpu.memory_space<hbm>> -> memref<1x8x128xf32, #tpu.memory_space<hbm>>
      %dma_wait3A_1792 = tpu.memref_squeeze %dma_wait3A_1791 : memref<1x8x128xf32, #tpu.memory_space<hbm>> -> memref<8x128xf32, #tpu.memory_space<hbm>>
      tpu.wait_dma2 semaphore(%arg10 : memref<!tpu.dma_semaphore, #tpu.memory_space<semaphore_mem>>) src(%dma_wait3A_1792 : memref<8x128xf32, #tpu.memory_space<hbm>>) dst(%dma_wait3A_1788 : memref<8x128xf32, #tpu.memory_space<vmem>>)
      %dma_wait3A_1793 = arith.constant 0 : i32
      %dma_wait3A_1794 = arith.constant 8 : i32
      %dma_wait3A_1795 = arith.constant 0 : i32
      %dma_wait3A_1796 = arith.constant 0 : i32
      %dma_wait3A_1797 = tpu.memref_slice %arg8[%dma_wait3A_1794, %dma_wait3A_1795, %dma_wait3A_1796] : memref<16x32x128xf32, #tpu.memory_space<vmem>> -> memref<1x8x128xf32, #tpu.memory_space<vmem>>
      %dma_wait3A_1798 = tpu.memref_squeeze %dma_wait3A_1797 : memref<1x8x128xf32, #tpu.memory_space<vmem>> -> memref<8x128xf32, #tpu.memory_space<vmem>>
      %dma_wait3A_1799 = tpu.memref_reshape %arg3 : memref<32x1000000xf32, #tpu.memory_space<hbm>> -> memref<4x8x1000000xf32, #tpu.memory_space<hbm>>
      %dma_wait3A_1800 = arith.constant 0 : i32
      %dma_wait3A_1801 = tpu.memref_slice %dma_wait3A_1799[%dma_wait3A_1793, %dma_wait3A_1800, %multiple_of3A_620] : memref<4x8x1000000xf32, #tpu.memory_space<hbm>> -> memref<1x8x128xf32, #tpu.memory_space<hbm>>
      %dma_wait3A_1802 = tpu.memref_squeeze %dma_wait3A_1801 : memref<1x8x128xf32, #tpu.memory_space<hbm>> -> memref<8x128xf32, #tpu.memory_space<hbm>>
      %dma_wait3A_1803 = arith.constant 0 : i32
      %dma_wait3A_1804 = arith.constant 0 : i32
      %dma_wait3A_1805 = tpu.memref_slice %arg8[%dma_wait3A_1794, %dma_wait3A_1803, %dma_wait3A_1804] : memref<16x32x128xf32, #tpu.memory_space<vmem>> -> memref<1x8x128xf32, #tpu.memory_space<vmem>>
      %dma_wait3A_1806 = tpu.memref_squeeze %dma_wait3A_1805 : memref<1x8x128xf32, #tpu.memory_space<vmem>> -> memref<8x128xf32, #tpu.memory_space<vmem>>
      %dma_wait3A_1807 = tpu.memref_reshape %arg3 : memref<32x1000000xf32, #tpu.memory_space<hbm>> -> memref<4x8x1000000xf32, #tpu.memory_space<hbm>>
      %dma_wait3A_1808 = arith.constant 0 : i32
      %dma_wait3A_1809 = tpu.memref_slice %dma_wait3A_1807[%dma_wait3A_1793, %dma_wait3A_1808, %multiple_of3A_620] : memref<4x8x1000000xf32, #tpu.memory_space<hbm>> -> memref<1x8x128xf32, #tpu.memory_space<hbm>>
      %dma_wait3A_1810 = tpu.memref_squeeze %dma_wait3A_1809 : memref<1x8x128xf32, #tpu.memory_space<hbm>> -> memref<8x128xf32, #tpu.memory_space<hbm>>
      tpu.wait_dma2 semaphore(%arg10 : memref<!tpu.dma_semaphore, #tpu.memory_space<semaphore_mem>>) src(%dma_wait3A_1810 : memref<8x128xf32, #tpu.memory_space<hbm>>) dst(%dma_wait3A_1806 : memref<8x128xf32, #tpu.memory_space<vmem>>)
      %dma_wait3A_1811 = arith.constant 1 : i32
      %dma_wait3A_1812 = arith.constant 8 : i32
      %dma_wait3A_1813 = arith.constant 8 : i32
      %dma_wait3A_1814 = arith.constant 0 : i32
      %dma_wait3A_1815 = tpu.memref_slice %arg8[%dma_wait3A_1812, %dma_wait3A_1813, %dma_wait3A_1814] : memref<16x32x128xf32, #tpu.memory_space<vmem>> -> memref<1x8x128xf32, #tpu.memory_space<vmem>>
      %dma_wait3A_1816 = tpu.memref_squeeze %dma_wait3A_1815 : memref<1x8x128xf32, #tpu.memory_space<vmem>> -> memref<8x128xf32, #tpu.memory_space<vmem>>
      %dma_wait3A_1817 = tpu.memref_reshape %arg3 : memref<32x1000000xf32, #tpu.memory_space<hbm>> -> memref<4x8x1000000xf32, #tpu.memory_space<hbm>>
      %dma_wait3A_1818 = arith.constant 0 : i32
      %dma_wait3A_1819 = tpu.memref_slice %dma_wait3A_1817[%dma_wait3A_1811, %dma_wait3A_1818, %multiple_of3A_620] : memref<4x8x1000000xf32, #tpu.memory_space<hbm>> -> memref<1x8x128xf32, #tpu.memory_space<hbm>>
      %dma_wait3A_1820 = tpu.memref_squeeze %dma_wait3A_1819 : memref<1x8x128xf32, #tpu.memory_space<hbm>> -> memref<8x128xf32, #tpu.memory_space<hbm>>
      %dma_wait3A_1821 = arith.constant 8 : i32
      %dma_wait3A_1822 = arith.constant 0 : i32
      %dma_wait3A_1823 = tpu.memref_slice %arg8[%dma_wait3A_1812, %dma_wait3A_1821, %dma_wait3A_1822] : memref<16x32x128xf32, #tpu.memory_space<vmem>> -> memref<1x8x128xf32, #tpu.memory_space<vmem>>
      %dma_wait3A_1824 = tpu.memref_squeeze %dma_wait3A_1823 : memref<1x8x128xf32, #tpu.memory_space<vmem>> -> memref<8x128xf32, #tpu.memory_space<vmem>>
      %dma_wait3A_1825 = tpu.memref_reshape %arg3 : memref<32x1000000xf32, #tpu.memory_space<hbm>> -> memref<4x8x1000000xf32, #tpu.memory_space<hbm>>
      %dma_wait3A_1826 = arith.constant 0 : i32
      %dma_wait3A_1827 = tpu.memref_slice %dma_wait3A_1825[%dma_wait3A_1811, %dma_wait3A_1826, %multiple_of3A_620] : memref<4x8x1000000xf32, #tpu.memory_space<hbm>> -> memref<1x8x128xf32, #tpu.memory_space<hbm>>
      %dma_wait3A_1828 = tpu.memref_squeeze %dma_wait3A_1827 : memref<1x8x128xf32, #tpu.memory_space<hbm>> -> memref<8x128xf32, #tpu.memory_space<hbm>>
      tpu.wait_dma2 semaphore(%arg10 : memref<!tpu.dma_semaphore, #tpu.memory_space<semaphore_mem>>) src(%dma_wait3A_1828 : memref<8x128xf32, #tpu.memory_space<hbm>>) dst(%dma_wait3A_1824 : memref<8x128xf32, #tpu.memory_space<vmem>>)
      %dma_wait3A_1829 = arith.constant 2 : i32
      %dma_wait3A_1830 = arith.constant 8 : i32
      %dma_wait3A_1831 = arith.constant 16 : i32
      %dma_wait3A_1832 = arith.constant 0 : i32
      %dma_wait3A_1833 = tpu.memref_slice %arg8[%dma_wait3A_1830, %dma_wait3A_1831, %dma_wait3A_1832] : memref<16x32x128xf32, #tpu.memory_space<vmem>> -> memref<1x8x128xf32, #tpu.memory_space<vmem>>
      %dma_wait3A_1834 = tpu.memref_squeeze %dma_wait3A_1833 : memref<1x8x128xf32, #tpu.memory_space<vmem>> -> memref<8x128xf32, #tpu.memory_space<vmem>>
      %dma_wait3A_1835 = tpu.memref_reshape %arg3 : memref<32x1000000xf32, #tpu.memory_space<hbm>> -> memref<4x8x1000000xf32, #tpu.memory_space<hbm>>
      %dma_wait3A_1836 = arith.constant 0 : i32
      %dma_wait3A_1837 = tpu.memref_slice %dma_wait3A_1835[%dma_wait3A_1829, %dma_wait3A_1836, %multiple_of3A_620] : memref<4x8x1000000xf32, #tpu.memory_space<hbm>> -> memref<1x8x128xf32, #tpu.memory_space<hbm>>
      %dma_wait3A_1838 = tpu.memref_squeeze %dma_wait3A_1837 : memref<1x8x128xf32, #tpu.memory_space<hbm>> -> memref<8x128xf32, #tpu.memory_space<hbm>>
      %dma_wait3A_1839 = arith.constant 16 : i32
      %dma_wait3A_1840 = arith.constant 0 : i32
      %dma_wait3A_1841 = tpu.memref_slice %arg8[%dma_wait3A_1830, %dma_wait3A_1839, %dma_wait3A_1840] : memref<16x32x128xf32, #tpu.memory_space<vmem>> -> memref<1x8x128xf32, #tpu.memory_space<vmem>>
      %dma_wait3A_1842 = tpu.memref_squeeze %dma_wait3A_1841 : memref<1x8x128xf32, #tpu.memory_space<vmem>> -> memref<8x128xf32, #tpu.memory_space<vmem>>
      %dma_wait3A_1843 = tpu.memref_reshape %arg3 : memref<32x1000000xf32, #tpu.memory_space<hbm>> -> memref<4x8x1000000xf32, #tpu.memory_space<hbm>>
      %dma_wait3A_1844 = arith.constant 0 : i32
      %dma_wait3A_1845 = tpu.memref_slice %dma_wait3A_1843[%dma_wait3A_1829, %dma_wait3A_1844, %multiple_of3A_620] : memref<4x8x1000000xf32, #tpu.memory_space<hbm>> -> memref<1x8x128xf32, #tpu.memory_space<hbm>>
      %dma_wait3A_1846 = tpu.memref_squeeze %dma_wait3A_1845 : memref<1x8x128xf32, #tpu.memory_space<hbm>> -> memref<8x128xf32, #tpu.memory_space<hbm>>
      tpu.wait_dma2 semaphore(%arg10 : memref<!tpu.dma_semaphore, #tpu.memory_space<semaphore_mem>>) src(%dma_wait3A_1846 : memref<8x128xf32, #tpu.memory_space<hbm>>) dst(%dma_wait3A_1842 : memref<8x128xf32, #tpu.memory_space<vmem>>)
      %dma_wait3A_1847 = arith.constant 3 : i32
      %dma_wait3A_1848 = arith.constant 8 : i32
      %dma_wait3A_1849 = arith.constant 24 : i32
      %dma_wait3A_1850 = arith.constant 0 : i32
      %dma_wait3A_1851 = tpu.memref_slice %arg8[%dma_wait3A_1848, %dma_wait3A_1849, %dma_wait3A_1850] : memref<16x32x128xf32, #tpu.memory_space<vmem>> -> memref<1x8x128xf32, #tpu.memory_space<vmem>>
      %dma_wait3A_1852 = tpu.memref_squeeze %dma_wait3A_1851 : memref<1x8x128xf32, #tpu.memory_space<vmem>> -> memref<8x128xf32, #tpu.memory_space<vmem>>
      %dma_wait3A_1853 = tpu.memref_reshape %arg3 : memref<32x1000000xf32, #tpu.memory_space<hbm>> -> memref<4x8x1000000xf32, #tpu.memory_space<hbm>>
      %dma_wait3A_1854 = arith.constant 0 : i32
      %dma_wait3A_1855 = tpu.memref_slice %dma_wait3A_1853[%dma_wait3A_1847, %dma_wait3A_1854, %multiple_of3A_620] : memref<4x8x1000000xf32, #tpu.memory_space<hbm>> -> memref<1x8x128xf32, #tpu.memory_space<hbm>>
      %dma_wait3A_1856 = tpu.memref_squeeze %dma_wait3A_1855 : memref<1x8x128xf32, #tpu.memory_space<hbm>> -> memref<8x128xf32, #tpu.memory_space<hbm>>
      %dma_wait3A_1857 = arith.constant 24 : i32
      %dma_wait3A_1858 = arith.constant 0 : i32
      %dma_wait3A_1859 = tpu.memref_slice %arg8[%dma_wait3A_1848, %dma_wait3A_1857, %dma_wait3A_1858] : memref<16x32x128xf32, #tpu.memory_space<vmem>> -> memref<1x8x128xf32, #tpu.memory_space<vmem>>
      %dma_wait3A_1860 = tpu.memref_squeeze %dma_wait3A_1859 : memref<1x8x128xf32, #tpu.memory_space<vmem>> -> memref<8x128xf32, #tpu.memory_space<vmem>>
      %dma_wait3A_1861 = tpu.memref_reshape %arg3 : memref<32x1000000xf32, #tpu.memory_space<hbm>> -> memref<4x8x1000000xf32, #tpu.memory_space<hbm>>
      %dma_wait3A_1862 = arith.constant 0 : i32
      %dma_wait3A_1863 = tpu.memref_slice %dma_wait3A_1861[%dma_wait3A_1847, %dma_wait3A_1862, %multiple_of3A_620] : memref<4x8x1000000xf32, #tpu.memory_space<hbm>> -> memref<1x8x128xf32, #tpu.memory_space<hbm>>
      %dma_wait3A_1864 = tpu.memref_squeeze %dma_wait3A_1863 : memref<1x8x128xf32, #tpu.memory_space<hbm>> -> memref<8x128xf32, #tpu.memory_space<hbm>>
      tpu.wait_dma2 semaphore(%arg10 : memref<!tpu.dma_semaphore, #tpu.memory_space<semaphore_mem>>) src(%dma_wait3A_1864 : memref<8x128xf32, #tpu.memory_space<hbm>>) dst(%dma_wait3A_1860 : memref<8x128xf32, #tpu.memory_space<vmem>>)
      %dma_wait3A_1865 = arith.constant 0 : i32
      %dma_wait3A_1866 = arith.constant 9 : i32
      %dma_wait3A_1867 = arith.constant 0 : i32
      %dma_wait3A_1868 = arith.constant 0 : i32
      %dma_wait3A_1869 = tpu.memref_slice %arg8[%dma_wait3A_1866, %dma_wait3A_1867, %dma_wait3A_1868] : memref<16x32x128xf32, #tpu.memory_space<vmem>> -> memref<1x8x128xf32, #tpu.memory_space<vmem>>
      %dma_wait3A_1870 = tpu.memref_squeeze %dma_wait3A_1869 : memref<1x8x128xf32, #tpu.memory_space<vmem>> -> memref<8x128xf32, #tpu.memory_space<vmem>>
      %dma_wait3A_1871 = tpu.memref_reshape %arg3 : memref<32x1000000xf32, #tpu.memory_space<hbm>> -> memref<4x8x1000000xf32, #tpu.memory_space<hbm>>
      %dma_wait3A_1872 = arith.constant 0 : i32
      %dma_wait3A_1873 = tpu.memref_slice %dma_wait3A_1871[%dma_wait3A_1865, %dma_wait3A_1872, %multiple_of3A_695] : memref<4x8x1000000xf32, #tpu.memory_space<hbm>> -> memref<1x8x128xf32, #tpu.memory_space<hbm>>
      %dma_wait3A_1874 = tpu.memref_squeeze %dma_wait3A_1873 : memref<1x8x128xf32, #tpu.memory_space<hbm>> -> memref<8x128xf32, #tpu.memory_space<hbm>>
      %dma_wait3A_1875 = arith.constant 0 : i32
      %dma_wait3A_1876 = arith.constant 0 : i32
      %dma_wait3A_1877 = tpu.memref_slice %arg8[%dma_wait3A_1866, %dma_wait3A_1875, %dma_wait3A_1876] : memref<16x32x128xf32, #tpu.memory_space<vmem>> -> memref<1x8x128xf32, #tpu.memory_space<vmem>>
      %dma_wait3A_1878 = tpu.memref_squeeze %dma_wait3A_1877 : memref<1x8x128xf32, #tpu.memory_space<vmem>> -> memref<8x128xf32, #tpu.memory_space<vmem>>
      %dma_wait3A_1879 = tpu.memref_reshape %arg3 : memref<32x1000000xf32, #tpu.memory_space<hbm>> -> memref<4x8x1000000xf32, #tpu.memory_space<hbm>>
      %dma_wait3A_1880 = arith.constant 0 : i32
      %dma_wait3A_1881 = tpu.memref_slice %dma_wait3A_1879[%dma_wait3A_1865, %dma_wait3A_1880, %multiple_of3A_695] : memref<4x8x1000000xf32, #tpu.memory_space<hbm>> -> memref<1x8x128xf32, #tpu.memory_space<hbm>>
      %dma_wait3A_1882 = tpu.memref_squeeze %dma_wait3A_1881 : memref<1x8x128xf32, #tpu.memory_space<hbm>> -> memref<8x128xf32, #tpu.memory_space<hbm>>
      tpu.wait_dma2 semaphore(%arg10 : memref<!tpu.dma_semaphore, #tpu.memory_space<semaphore_mem>>) src(%dma_wait3A_1882 : memref<8x128xf32, #tpu.memory_space<hbm>>) dst(%dma_wait3A_1878 : memref<8x128xf32, #tpu.memory_space<vmem>>)
      %dma_wait3A_1883 = arith.constant 1 : i32
      %dma_wait3A_1884 = arith.constant 9 : i32
      %dma_wait3A_1885 = arith.constant 8 : i32
      %dma_wait3A_1886 = arith.constant 0 : i32
      %dma_wait3A_1887 = tpu.memref_slice %arg8[%dma_wait3A_1884, %dma_wait3A_1885, %dma_wait3A_1886] : memref<16x32x128xf32, #tpu.memory_space<vmem>> -> memref<1x8x128xf32, #tpu.memory_space<vmem>>
      %dma_wait3A_1888 = tpu.memref_squeeze %dma_wait3A_1887 : memref<1x8x128xf32, #tpu.memory_space<vmem>> -> memref<8x128xf32, #tpu.memory_space<vmem>>
      %dma_wait3A_1889 = tpu.memref_reshape %arg3 : memref<32x1000000xf32, #tpu.memory_space<hbm>> -> memref<4x8x1000000xf32, #tpu.memory_space<hbm>>
      %dma_wait3A_1890 = arith.constant 0 : i32
      %dma_wait3A_1891 = tpu.memref_slice %dma_wait3A_1889[%dma_wait3A_1883, %dma_wait3A_1890, %multiple_of3A_695] : memref<4x8x1000000xf32, #tpu.memory_space<hbm>> -> memref<1x8x128xf32, #tpu.memory_space<hbm>>
      %dma_wait3A_1892 = tpu.memref_squeeze %dma_wait3A_1891 : memref<1x8x128xf32, #tpu.memory_space<hbm>> -> memref<8x128xf32, #tpu.memory_space<hbm>>
      %dma_wait3A_1893 = arith.constant 8 : i32
      %dma_wait3A_1894 = arith.constant 0 : i32
      %dma_wait3A_1895 = tpu.memref_slice %arg8[%dma_wait3A_1884, %dma_wait3A_1893, %dma_wait3A_1894] : memref<16x32x128xf32, #tpu.memory_space<vmem>> -> memref<1x8x128xf32, #tpu.memory_space<vmem>>
      %dma_wait3A_1896 = tpu.memref_squeeze %dma_wait3A_1895 : memref<1x8x128xf32, #tpu.memory_space<vmem>> -> memref<8x128xf32, #tpu.memory_space<vmem>>
      %dma_wait3A_1897 = tpu.memref_reshape %arg3 : memref<32x1000000xf32, #tpu.memory_space<hbm>> -> memref<4x8x1000000xf32, #tpu.memory_space<hbm>>
      %dma_wait3A_1898 = arith.constant 0 : i32
      %dma_wait3A_1899 = tpu.memref_slice %dma_wait3A_1897[%dma_wait3A_1883, %dma_wait3A_1898, %multiple_of3A_695] : memref<4x8x1000000xf32, #tpu.memory_space<hbm>> -> memref<1x8x128xf32, #tpu.memory_space<hbm>>
      %dma_wait3A_1900 = tpu.memref_squeeze %dma_wait3A_1899 : memref<1x8x128xf32, #tpu.memory_space<hbm>> -> memref<8x128xf32, #tpu.memory_space<hbm>>
      tpu.wait_dma2 semaphore(%arg10 : memref<!tpu.dma_semaphore, #tpu.memory_space<semaphore_mem>>) src(%dma_wait3A_1900 : memref<8x128xf32, #tpu.memory_space<hbm>>) dst(%dma_wait3A_1896 : memref<8x128xf32, #tpu.memory_space<vmem>>)
      %dma_wait3A_1901 = arith.constant 2 : i32
      %dma_wait3A_1902 = arith.constant 9 : i32
      %dma_wait3A_1903 = arith.constant 16 : i32
      %dma_wait3A_1904 = arith.constant 0 : i32
      %dma_wait3A_1905 = tpu.memref_slice %arg8[%dma_wait3A_1902, %dma_wait3A_1903, %dma_wait3A_1904] : memref<16x32x128xf32, #tpu.memory_space<vmem>> -> memref<1x8x128xf32, #tpu.memory_space<vmem>>
      %dma_wait3A_1906 = tpu.memref_squeeze %dma_wait3A_1905 : memref<1x8x128xf32, #tpu.memory_space<vmem>> -> memref<8x128xf32, #tpu.memory_space<vmem>>
      %dma_wait3A_1907 = tpu.memref_reshape %arg3 : memref<32x1000000xf32, #tpu.memory_space<hbm>> -> memref<4x8x1000000xf32, #tpu.memory_space<hbm>>
      %dma_wait3A_1908 = arith.constant 0 : i32
      %dma_wait3A_1909 = tpu.memref_slice %dma_wait3A_1907[%dma_wait3A_1901, %dma_wait3A_1908, %multiple_of3A_695] : memref<4x8x1000000xf32, #tpu.memory_space<hbm>> -> memref<1x8x128xf32, #tpu.memory_space<hbm>>
      %dma_wait3A_1910 = tpu.memref_squeeze %dma_wait3A_1909 : memref<1x8x128xf32, #tpu.memory_space<hbm>> -> memref<8x128xf32, #tpu.memory_space<hbm>>
      %dma_wait3A_1911 = arith.constant 16 : i32
      %dma_wait3A_1912 = arith.constant 0 : i32
      %dma_wait3A_1913 = tpu.memref_slice %arg8[%dma_wait3A_1902, %dma_wait3A_1911, %dma_wait3A_1912] : memref<16x32x128xf32, #tpu.memory_space<vmem>> -> memref<1x8x128xf32, #tpu.memory_space<vmem>>
      %dma_wait3A_1914 = tpu.memref_squeeze %dma_wait3A_1913 : memref<1x8x128xf32, #tpu.memory_space<vmem>> -> memref<8x128xf32, #tpu.memory_space<vmem>>
      %dma_wait3A_1915 = tpu.memref_reshape %arg3 : memref<32x1000000xf32, #tpu.memory_space<hbm>> -> memref<4x8x1000000xf32, #tpu.memory_space<hbm>>
      %dma_wait3A_1916 = arith.constant 0 : i32
      %dma_wait3A_1917 = tpu.memref_slice %dma_wait3A_1915[%dma_wait3A_1901, %dma_wait3A_1916, %multiple_of3A_695] : memref<4x8x1000000xf32, #tpu.memory_space<hbm>> -> memref<1x8x128xf32, #tpu.memory_space<hbm>>
      %dma_wait3A_1918 = tpu.memref_squeeze %dma_wait3A_1917 : memref<1x8x128xf32, #tpu.memory_space<hbm>> -> memref<8x128xf32, #tpu.memory_space<hbm>>
      tpu.wait_dma2 semaphore(%arg10 : memref<!tpu.dma_semaphore, #tpu.memory_space<semaphore_mem>>) src(%dma_wait3A_1918 : memref<8x128xf32, #tpu.memory_space<hbm>>) dst(%dma_wait3A_1914 : memref<8x128xf32, #tpu.memory_space<vmem>>)
      %dma_wait3A_1919 = arith.constant 3 : i32
      %dma_wait3A_1920 = arith.constant 9 : i32
      %dma_wait3A_1921 = arith.constant 24 : i32
      %dma_wait3A_1922 = arith.constant 0 : i32
      %dma_wait3A_1923 = tpu.memref_slice %arg8[%dma_wait3A_1920, %dma_wait3A_1921, %dma_wait3A_1922] : memref<16x32x128xf32, #tpu.memory_space<vmem>> -> memref<1x8x128xf32, #tpu.memory_space<vmem>>
      %dma_wait3A_1924 = tpu.memref_squeeze %dma_wait3A_1923 : memref<1x8x128xf32, #tpu.memory_space<vmem>> -> memref<8x128xf32, #tpu.memory_space<vmem>>
      %dma_wait3A_1925 = tpu.memref_reshape %arg3 : memref<32x1000000xf32, #tpu.memory_space<hbm>> -> memref<4x8x1000000xf32, #tpu.memory_space<hbm>>
      %dma_wait3A_1926 = arith.constant 0 : i32
      %dma_wait3A_1927 = tpu.memref_slice %dma_wait3A_1925[%dma_wait3A_1919, %dma_wait3A_1926, %multiple_of3A_695] : memref<4x8x1000000xf32, #tpu.memory_space<hbm>> -> memref<1x8x128xf32, #tpu.memory_space<hbm>>
      %dma_wait3A_1928 = tpu.memref_squeeze %dma_wait3A_1927 : memref<1x8x128xf32, #tpu.memory_space<hbm>> -> memref<8x128xf32, #tpu.memory_space<hbm>>
      %dma_wait3A_1929 = arith.constant 24 : i32
      %dma_wait3A_1930 = arith.constant 0 : i32
      %dma_wait3A_1931 = tpu.memref_slice %arg8[%dma_wait3A_1920, %dma_wait3A_1929, %dma_wait3A_1930] : memref<16x32x128xf32, #tpu.memory_space<vmem>> -> memref<1x8x128xf32, #tpu.memory_space<vmem>>
      %dma_wait3A_1932 = tpu.memref_squeeze %dma_wait3A_1931 : memref<1x8x128xf32, #tpu.memory_space<vmem>> -> memref<8x128xf32, #tpu.memory_space<vmem>>
      %dma_wait3A_1933 = tpu.memref_reshape %arg3 : memref<32x1000000xf32, #tpu.memory_space<hbm>> -> memref<4x8x1000000xf32, #tpu.memory_space<hbm>>
      %dma_wait3A_1934 = arith.constant 0 : i32
      %dma_wait3A_1935 = tpu.memref_slice %dma_wait3A_1933[%dma_wait3A_1919, %dma_wait3A_1934, %multiple_of3A_695] : memref<4x8x1000000xf32, #tpu.memory_space<hbm>> -> memref<1x8x128xf32, #tpu.memory_space<hbm>>
      %dma_wait3A_1936 = tpu.memref_squeeze %dma_wait3A_1935 : memref<1x8x128xf32, #tpu.memory_space<hbm>> -> memref<8x128xf32, #tpu.memory_space<hbm>>
      tpu.wait_dma2 semaphore(%arg10 : memref<!tpu.dma_semaphore, #tpu.memory_space<semaphore_mem>>) src(%dma_wait3A_1936 : memref<8x128xf32, #tpu.memory_space<hbm>>) dst(%dma_wait3A_1932 : memref<8x128xf32, #tpu.memory_space<vmem>>)
      %dma_wait3A_1937 = arith.constant 0 : i32
      %dma_wait3A_1938 = arith.constant 10 : i32
      %dma_wait3A_1939 = arith.constant 0 : i32
      %dma_wait3A_1940 = arith.constant 0 : i32
      %dma_wait3A_1941 = tpu.memref_slice %arg8[%dma_wait3A_1938, %dma_wait3A_1939, %dma_wait3A_1940] : memref<16x32x128xf32, #tpu.memory_space<vmem>> -> memref<1x8x128xf32, #tpu.memory_space<vmem>>
      %dma_wait3A_1942 = tpu.memref_squeeze %dma_wait3A_1941 : memref<1x8x128xf32, #tpu.memory_space<vmem>> -> memref<8x128xf32, #tpu.memory_space<vmem>>
      %dma_wait3A_1943 = tpu.memref_reshape %arg3 : memref<32x1000000xf32, #tpu.memory_space<hbm>> -> memref<4x8x1000000xf32, #tpu.memory_space<hbm>>
      %dma_wait3A_1944 = arith.constant 0 : i32
      %dma_wait3A_1945 = tpu.memref_slice %dma_wait3A_1943[%dma_wait3A_1937, %dma_wait3A_1944, %multiple_of3A_770] : memref<4x8x1000000xf32, #tpu.memory_space<hbm>> -> memref<1x8x128xf32, #tpu.memory_space<hbm>>
      %dma_wait3A_1946 = tpu.memref_squeeze %dma_wait3A_1945 : memref<1x8x128xf32, #tpu.memory_space<hbm>> -> memref<8x128xf32, #tpu.memory_space<hbm>>
      %dma_wait3A_1947 = arith.constant 0 : i32
      %dma_wait3A_1948 = arith.constant 0 : i32
      %dma_wait3A_1949 = tpu.memref_slice %arg8[%dma_wait3A_1938, %dma_wait3A_1947, %dma_wait3A_1948] : memref<16x32x128xf32, #tpu.memory_space<vmem>> -> memref<1x8x128xf32, #tpu.memory_space<vmem>>
      %dma_wait3A_1950 = tpu.memref_squeeze %dma_wait3A_1949 : memref<1x8x128xf32, #tpu.memory_space<vmem>> -> memref<8x128xf32, #tpu.memory_space<vmem>>
      %dma_wait3A_1951 = tpu.memref_reshape %arg3 : memref<32x1000000xf32, #tpu.memory_space<hbm>> -> memref<4x8x1000000xf32, #tpu.memory_space<hbm>>
      %dma_wait3A_1952 = arith.constant 0 : i32
      %dma_wait3A_1953 = tpu.memref_slice %dma_wait3A_1951[%dma_wait3A_1937, %dma_wait3A_1952, %multiple_of3A_770] : memref<4x8x1000000xf32, #tpu.memory_space<hbm>> -> memref<1x8x128xf32, #tpu.memory_space<hbm>>
      %dma_wait3A_1954 = tpu.memref_squeeze %dma_wait3A_1953 : memref<1x8x128xf32, #tpu.memory_space<hbm>> -> memref<8x128xf32, #tpu.memory_space<hbm>>
      tpu.wait_dma2 semaphore(%arg10 : memref<!tpu.dma_semaphore, #tpu.memory_space<semaphore_mem>>) src(%dma_wait3A_1954 : memref<8x128xf32, #tpu.memory_space<hbm>>) dst(%dma_wait3A_1950 : memref<8x128xf32, #tpu.memory_space<vmem>>)
      %dma_wait3A_1955 = arith.constant 1 : i32
      %dma_wait3A_1956 = arith.constant 10 : i32
      %dma_wait3A_1957 = arith.constant 8 : i32
      %dma_wait3A_1958 = arith.constant 0 : i32
      %dma_wait3A_1959 = tpu.memref_slice %arg8[%dma_wait3A_1956, %dma_wait3A_1957, %dma_wait3A_1958] : memref<16x32x128xf32, #tpu.memory_space<vmem>> -> memref<1x8x128xf32, #tpu.memory_space<vmem>>
      %dma_wait3A_1960 = tpu.memref_squeeze %dma_wait3A_1959 : memref<1x8x128xf32, #tpu.memory_space<vmem>> -> memref<8x128xf32, #tpu.memory_space<vmem>>
      %dma_wait3A_1961 = tpu.memref_reshape %arg3 : memref<32x1000000xf32, #tpu.memory_space<hbm>> -> memref<4x8x1000000xf32, #tpu.memory_space<hbm>>
      %dma_wait3A_1962 = arith.constant 0 : i32
      %dma_wait3A_1963 = tpu.memref_slice %dma_wait3A_1961[%dma_wait3A_1955, %dma_wait3A_1962, %multiple_of3A_770] : memref<4x8x1000000xf32, #tpu.memory_space<hbm>> -> memref<1x8x128xf32, #tpu.memory_space<hbm>>
      %dma_wait3A_1964 = tpu.memref_squeeze %dma_wait3A_1963 : memref<1x8x128xf32, #tpu.memory_space<hbm>> -> memref<8x128xf32, #tpu.memory_space<hbm>>
      %dma_wait3A_1965 = arith.constant 8 : i32
      %dma_wait3A_1966 = arith.constant 0 : i32
      %dma_wait3A_1967 = tpu.memref_slice %arg8[%dma_wait3A_1956, %dma_wait3A_1965, %dma_wait3A_1966] : memref<16x32x128xf32, #tpu.memory_space<vmem>> -> memref<1x8x128xf32, #tpu.memory_space<vmem>>
      %dma_wait3A_1968 = tpu.memref_squeeze %dma_wait3A_1967 : memref<1x8x128xf32, #tpu.memory_space<vmem>> -> memref<8x128xf32, #tpu.memory_space<vmem>>
      %dma_wait3A_1969 = tpu.memref_reshape %arg3 : memref<32x1000000xf32, #tpu.memory_space<hbm>> -> memref<4x8x1000000xf32, #tpu.memory_space<hbm>>
      %dma_wait3A_1970 = arith.constant 0 : i32
      %dma_wait3A_1971 = tpu.memref_slice %dma_wait3A_1969[%dma_wait3A_1955, %dma_wait3A_1970, %multiple_of3A_770] : memref<4x8x1000000xf32, #tpu.memory_space<hbm>> -> memref<1x8x128xf32, #tpu.memory_space<hbm>>
      %dma_wait3A_1972 = tpu.memref_squeeze %dma_wait3A_1971 : memref<1x8x128xf32, #tpu.memory_space<hbm>> -> memref<8x128xf32, #tpu.memory_space<hbm>>
      tpu.wait_dma2 semaphore(%arg10 : memref<!tpu.dma_semaphore, #tpu.memory_space<semaphore_mem>>) src(%dma_wait3A_1972 : memref<8x128xf32, #tpu.memory_space<hbm>>) dst(%dma_wait3A_1968 : memref<8x128xf32, #tpu.memory_space<vmem>>)
      %dma_wait3A_1973 = arith.constant 2 : i32
      %dma_wait3A_1974 = arith.constant 10 : i32
      %dma_wait3A_1975 = arith.constant 16 : i32
      %dma_wait3A_1976 = arith.constant 0 : i32
      %dma_wait3A_1977 = tpu.memref_slice %arg8[%dma_wait3A_1974, %dma_wait3A_1975, %dma_wait3A_1976] : memref<16x32x128xf32, #tpu.memory_space<vmem>> -> memref<1x8x128xf32, #tpu.memory_space<vmem>>
      %dma_wait3A_1978 = tpu.memref_squeeze %dma_wait3A_1977 : memref<1x8x128xf32, #tpu.memory_space<vmem>> -> memref<8x128xf32, #tpu.memory_space<vmem>>
      %dma_wait3A_1979 = tpu.memref_reshape %arg3 : memref<32x1000000xf32, #tpu.memory_space<hbm>> -> memref<4x8x1000000xf32, #tpu.memory_space<hbm>>
      %dma_wait3A_1980 = arith.constant 0 : i32
      %dma_wait3A_1981 = tpu.memref_slice %dma_wait3A_1979[%dma_wait3A_1973, %dma_wait3A_1980, %multiple_of3A_770] : memref<4x8x1000000xf32, #tpu.memory_space<hbm>> -> memref<1x8x128xf32, #tpu.memory_space<hbm>>
      %dma_wait3A_1982 = tpu.memref_squeeze %dma_wait3A_1981 : memref<1x8x128xf32, #tpu.memory_space<hbm>> -> memref<8x128xf32, #tpu.memory_space<hbm>>
      %dma_wait3A_1983 = arith.constant 16 : i32
      %dma_wait3A_1984 = arith.constant 0 : i32
      %dma_wait3A_1985 = tpu.memref_slice %arg8[%dma_wait3A_1974, %dma_wait3A_1983, %dma_wait3A_1984] : memref<16x32x128xf32, #tpu.memory_space<vmem>> -> memref<1x8x128xf32, #tpu.memory_space<vmem>>
      %dma_wait3A_1986 = tpu.memref_squeeze %dma_wait3A_1985 : memref<1x8x128xf32, #tpu.memory_space<vmem>> -> memref<8x128xf32, #tpu.memory_space<vmem>>
      %dma_wait3A_1987 = tpu.memref_reshape %arg3 : memref<32x1000000xf32, #tpu.memory_space<hbm>> -> memref<4x8x1000000xf32, #tpu.memory_space<hbm>>
      %dma_wait3A_1988 = arith.constant 0 : i32
      %dma_wait3A_1989 = tpu.memref_slice %dma_wait3A_1987[%dma_wait3A_1973, %dma_wait3A_1988, %multiple_of3A_770] : memref<4x8x1000000xf32, #tpu.memory_space<hbm>> -> memref<1x8x128xf32, #tpu.memory_space<hbm>>
      %dma_wait3A_1990 = tpu.memref_squeeze %dma_wait3A_1989 : memref<1x8x128xf32, #tpu.memory_space<hbm>> -> memref<8x128xf32, #tpu.memory_space<hbm>>
      tpu.wait_dma2 semaphore(%arg10 : memref<!tpu.dma_semaphore, #tpu.memory_space<semaphore_mem>>) src(%dma_wait3A_1990 : memref<8x128xf32, #tpu.memory_space<hbm>>) dst(%dma_wait3A_1986 : memref<8x128xf32, #tpu.memory_space<vmem>>)
      %dma_wait3A_1991 = arith.constant 3 : i32
      %dma_wait3A_1992 = arith.constant 10 : i32
      %dma_wait3A_1993 = arith.constant 24 : i32
      %dma_wait3A_1994 = arith.constant 0 : i32
      %dma_wait3A_1995 = tpu.memref_slice %arg8[%dma_wait3A_1992, %dma_wait3A_1993, %dma_wait3A_1994] : memref<16x32x128xf32, #tpu.memory_space<vmem>> -> memref<1x8x128xf32, #tpu.memory_space<vmem>>
      %dma_wait3A_1996 = tpu.memref_squeeze %dma_wait3A_1995 : memref<1x8x128xf32, #tpu.memory_space<vmem>> -> memref<8x128xf32, #tpu.memory_space<vmem>>
      %dma_wait3A_1997 = tpu.memref_reshape %arg3 : memref<32x1000000xf32, #tpu.memory_space<hbm>> -> memref<4x8x1000000xf32, #tpu.memory_space<hbm>>
      %dma_wait3A_1998 = arith.constant 0 : i32
      %dma_wait3A_1999 = tpu.memref_slice %dma_wait3A_1997[%dma_wait3A_1991, %dma_wait3A_1998, %multiple_of3A_770] : memref<4x8x1000000xf32, #tpu.memory_space<hbm>> -> memref<1x8x128xf32, #tpu.memory_space<hbm>>
      %dma_wait3A_2000 = tpu.memref_squeeze %dma_wait3A_1999 : memref<1x8x128xf32, #tpu.memory_space<hbm>> -> memref<8x128xf32, #tpu.memory_space<hbm>>
      %dma_wait3A_2001 = arith.constant 24 : i32
      %dma_wait3A_2002 = arith.constant 0 : i32
      %dma_wait3A_2003 = tpu.memref_slice %arg8[%dma_wait3A_1992, %dma_wait3A_2001, %dma_wait3A_2002] : memref<16x32x128xf32, #tpu.memory_space<vmem>> -> memref<1x8x128xf32, #tpu.memory_space<vmem>>
      %dma_wait3A_2004 = tpu.memref_squeeze %dma_wait3A_2003 : memref<1x8x128xf32, #tpu.memory_space<vmem>> -> memref<8x128xf32, #tpu.memory_space<vmem>>
      %dma_wait3A_2005 = tpu.memref_reshape %arg3 : memref<32x1000000xf32, #tpu.memory_space<hbm>> -> memref<4x8x1000000xf32, #tpu.memory_space<hbm>>
      %dma_wait3A_2006 = arith.constant 0 : i32
      %dma_wait3A_2007 = tpu.memref_slice %dma_wait3A_2005[%dma_wait3A_1991, %dma_wait3A_2006, %multiple_of3A_770] : memref<4x8x1000000xf32, #tpu.memory_space<hbm>> -> memref<1x8x128xf32, #tpu.memory_space<hbm>>
      %dma_wait3A_2008 = tpu.memref_squeeze %dma_wait3A_2007 : memref<1x8x128xf32, #tpu.memory_space<hbm>> -> memref<8x128xf32, #tpu.memory_space<hbm>>
      tpu.wait_dma2 semaphore(%arg10 : memref<!tpu.dma_semaphore, #tpu.memory_space<semaphore_mem>>) src(%dma_wait3A_2008 : memref<8x128xf32, #tpu.memory_space<hbm>>) dst(%dma_wait3A_2004 : memref<8x128xf32, #tpu.memory_space<vmem>>)
      %dma_wait3A_2009 = arith.constant 0 : i32
      %dma_wait3A_2010 = arith.constant 11 : i32
      %dma_wait3A_2011 = arith.constant 0 : i32
      %dma_wait3A_2012 = arith.constant 0 : i32
      %dma_wait3A_2013 = tpu.memref_slice %arg8[%dma_wait3A_2010, %dma_wait3A_2011, %dma_wait3A_2012] : memref<16x32x128xf32, #tpu.memory_space<vmem>> -> memref<1x8x128xf32, #tpu.memory_space<vmem>>
      %dma_wait3A_2014 = tpu.memref_squeeze %dma_wait3A_2013 : memref<1x8x128xf32, #tpu.memory_space<vmem>> -> memref<8x128xf32, #tpu.memory_space<vmem>>
      %dma_wait3A_2015 = tpu.memref_reshape %arg3 : memref<32x1000000xf32, #tpu.memory_space<hbm>> -> memref<4x8x1000000xf32, #tpu.memory_space<hbm>>
      %dma_wait3A_2016 = arith.constant 0 : i32
      %dma_wait3A_2017 = tpu.memref_slice %dma_wait3A_2015[%dma_wait3A_2009, %dma_wait3A_2016, %multiple_of3A_845] : memref<4x8x1000000xf32, #tpu.memory_space<hbm>> -> memref<1x8x128xf32, #tpu.memory_space<hbm>>
      %dma_wait3A_2018 = tpu.memref_squeeze %dma_wait3A_2017 : memref<1x8x128xf32, #tpu.memory_space<hbm>> -> memref<8x128xf32, #tpu.memory_space<hbm>>
      %dma_wait3A_2019 = arith.constant 0 : i32
      %dma_wait3A_2020 = arith.constant 0 : i32
      %dma_wait3A_2021 = tpu.memref_slice %arg8[%dma_wait3A_2010, %dma_wait3A_2019, %dma_wait3A_2020] : memref<16x32x128xf32, #tpu.memory_space<vmem>> -> memref<1x8x128xf32, #tpu.memory_space<vmem>>
      %dma_wait3A_2022 = tpu.memref_squeeze %dma_wait3A_2021 : memref<1x8x128xf32, #tpu.memory_space<vmem>> -> memref<8x128xf32, #tpu.memory_space<vmem>>
      %dma_wait3A_2023 = tpu.memref_reshape %arg3 : memref<32x1000000xf32, #tpu.memory_space<hbm>> -> memref<4x8x1000000xf32, #tpu.memory_space<hbm>>
      %dma_wait3A_2024 = arith.constant 0 : i32
      %dma_wait3A_2025 = tpu.memref_slice %dma_wait3A_2023[%dma_wait3A_2009, %dma_wait3A_2024, %multiple_of3A_845] : memref<4x8x1000000xf32, #tpu.memory_space<hbm>> -> memref<1x8x128xf32, #tpu.memory_space<hbm>>
      %dma_wait3A_2026 = tpu.memref_squeeze %dma_wait3A_2025 : memref<1x8x128xf32, #tpu.memory_space<hbm>> -> memref<8x128xf32, #tpu.memory_space<hbm>>
      tpu.wait_dma2 semaphore(%arg10 : memref<!tpu.dma_semaphore, #tpu.memory_space<semaphore_mem>>) src(%dma_wait3A_2026 : memref<8x128xf32, #tpu.memory_space<hbm>>) dst(%dma_wait3A_2022 : memref<8x128xf32, #tpu.memory_space<vmem>>)
      %dma_wait3A_2027 = arith.constant 1 : i32
      %dma_wait3A_2028 = arith.constant 11 : i32
      %dma_wait3A_2029 = arith.constant 8 : i32
      %dma_wait3A_2030 = arith.constant 0 : i32
      %dma_wait3A_2031 = tpu.memref_slice %arg8[%dma_wait3A_2028, %dma_wait3A_2029, %dma_wait3A_2030] : memref<16x32x128xf32, #tpu.memory_space<vmem>> -> memref<1x8x128xf32, #tpu.memory_space<vmem>>
      %dma_wait3A_2032 = tpu.memref_squeeze %dma_wait3A_2031 : memref<1x8x128xf32, #tpu.memory_space<vmem>> -> memref<8x128xf32, #tpu.memory_space<vmem>>
      %dma_wait3A_2033 = tpu.memref_reshape %arg3 : memref<32x1000000xf32, #tpu.memory_space<hbm>> -> memref<4x8x1000000xf32, #tpu.memory_space<hbm>>
      %dma_wait3A_2034 = arith.constant 0 : i32
      %dma_wait3A_2035 = tpu.memref_slice %dma_wait3A_2033[%dma_wait3A_2027, %dma_wait3A_2034, %multiple_of3A_845] : memref<4x8x1000000xf32, #tpu.memory_space<hbm>> -> memref<1x8x128xf32, #tpu.memory_space<hbm>>
      %dma_wait3A_2036 = tpu.memref_squeeze %dma_wait3A_2035 : memref<1x8x128xf32, #tpu.memory_space<hbm>> -> memref<8x128xf32, #tpu.memory_space<hbm>>
      %dma_wait3A_2037 = arith.constant 8 : i32
      %dma_wait3A_2038 = arith.constant 0 : i32
      %dma_wait3A_2039 = tpu.memref_slice %arg8[%dma_wait3A_2028, %dma_wait3A_2037, %dma_wait3A_2038] : memref<16x32x128xf32, #tpu.memory_space<vmem>> -> memref<1x8x128xf32, #tpu.memory_space<vmem>>
      %dma_wait3A_2040 = tpu.memref_squeeze %dma_wait3A_2039 : memref<1x8x128xf32, #tpu.memory_space<vmem>> -> memref<8x128xf32, #tpu.memory_space<vmem>>
      %dma_wait3A_2041 = tpu.memref_reshape %arg3 : memref<32x1000000xf32, #tpu.memory_space<hbm>> -> memref<4x8x1000000xf32, #tpu.memory_space<hbm>>
      %dma_wait3A_2042 = arith.constant 0 : i32
      %dma_wait3A_2043 = tpu.memref_slice %dma_wait3A_2041[%dma_wait3A_2027, %dma_wait3A_2042, %multiple_of3A_845] : memref<4x8x1000000xf32, #tpu.memory_space<hbm>> -> memref<1x8x128xf32, #tpu.memory_space<hbm>>
      %dma_wait3A_2044 = tpu.memref_squeeze %dma_wait3A_2043 : memref<1x8x128xf32, #tpu.memory_space<hbm>> -> memref<8x128xf32, #tpu.memory_space<hbm>>
      tpu.wait_dma2 semaphore(%arg10 : memref<!tpu.dma_semaphore, #tpu.memory_space<semaphore_mem>>) src(%dma_wait3A_2044 : memref<8x128xf32, #tpu.memory_space<hbm>>) dst(%dma_wait3A_2040 : memref<8x128xf32, #tpu.memory_space<vmem>>)
      %dma_wait3A_2045 = arith.constant 2 : i32
      %dma_wait3A_2046 = arith.constant 11 : i32
      %dma_wait3A_2047 = arith.constant 16 : i32
      %dma_wait3A_2048 = arith.constant 0 : i32
      %dma_wait3A_2049 = tpu.memref_slice %arg8[%dma_wait3A_2046, %dma_wait3A_2047, %dma_wait3A_2048] : memref<16x32x128xf32, #tpu.memory_space<vmem>> -> memref<1x8x128xf32, #tpu.memory_space<vmem>>
      %dma_wait3A_2050 = tpu.memref_squeeze %dma_wait3A_2049 : memref<1x8x128xf32, #tpu.memory_space<vmem>> -> memref<8x128xf32, #tpu.memory_space<vmem>>
      %dma_wait3A_2051 = tpu.memref_reshape %arg3 : memref<32x1000000xf32, #tpu.memory_space<hbm>> -> memref<4x8x1000000xf32, #tpu.memory_space<hbm>>
      %dma_wait3A_2052 = arith.constant 0 : i32
      %dma_wait3A_2053 = tpu.memref_slice %dma_wait3A_2051[%dma_wait3A_2045, %dma_wait3A_2052, %multiple_of3A_845] : memref<4x8x1000000xf32, #tpu.memory_space<hbm>> -> memref<1x8x128xf32, #tpu.memory_space<hbm>>
      %dma_wait3A_2054 = tpu.memref_squeeze %dma_wait3A_2053 : memref<1x8x128xf32, #tpu.memory_space<hbm>> -> memref<8x128xf32, #tpu.memory_space<hbm>>
      %dma_wait3A_2055 = arith.constant 16 : i32
      %dma_wait3A_2056 = arith.constant 0 : i32
      %dma_wait3A_2057 = tpu.memref_slice %arg8[%dma_wait3A_2046, %dma_wait3A_2055, %dma_wait3A_2056] : memref<16x32x128xf32, #tpu.memory_space<vmem>> -> memref<1x8x128xf32, #tpu.memory_space<vmem>>
      %dma_wait3A_2058 = tpu.memref_squeeze %dma_wait3A_2057 : memref<1x8x128xf32, #tpu.memory_space<vmem>> -> memref<8x128xf32, #tpu.memory_space<vmem>>
      %dma_wait3A_2059 = tpu.memref_reshape %arg3 : memref<32x1000000xf32, #tpu.memory_space<hbm>> -> memref<4x8x1000000xf32, #tpu.memory_space<hbm>>
      %dma_wait3A_2060 = arith.constant 0 : i32
      %dma_wait3A_2061 = tpu.memref_slice %dma_wait3A_2059[%dma_wait3A_2045, %dma_wait3A_2060, %multiple_of3A_845] : memref<4x8x1000000xf32, #tpu.memory_space<hbm>> -> memref<1x8x128xf32, #tpu.memory_space<hbm>>
      %dma_wait3A_2062 = tpu.memref_squeeze %dma_wait3A_2061 : memref<1x8x128xf32, #tpu.memory_space<hbm>> -> memref<8x128xf32, #tpu.memory_space<hbm>>
      tpu.wait_dma2 semaphore(%arg10 : memref<!tpu.dma_semaphore, #tpu.memory_space<semaphore_mem>>) src(%dma_wait3A_2062 : memref<8x128xf32, #tpu.memory_space<hbm>>) dst(%dma_wait3A_2058 : memref<8x128xf32, #tpu.memory_space<vmem>>)
      %dma_wait3A_2063 = arith.constant 3 : i32
      %dma_wait3A_2064 = arith.constant 11 : i32
      %dma_wait3A_2065 = arith.constant 24 : i32
      %dma_wait3A_2066 = arith.constant 0 : i32
      %dma_wait3A_2067 = tpu.memref_slice %arg8[%dma_wait3A_2064, %dma_wait3A_2065, %dma_wait3A_2066] : memref<16x32x128xf32, #tpu.memory_space<vmem>> -> memref<1x8x128xf32, #tpu.memory_space<vmem>>
      %dma_wait3A_2068 = tpu.memref_squeeze %dma_wait3A_2067 : memref<1x8x128xf32, #tpu.memory_space<vmem>> -> memref<8x128xf32, #tpu.memory_space<vmem>>
      %dma_wait3A_2069 = tpu.memref_reshape %arg3 : memref<32x1000000xf32, #tpu.memory_space<hbm>> -> memref<4x8x1000000xf32, #tpu.memory_space<hbm>>
      %dma_wait3A_2070 = arith.constant 0 : i32
      %dma_wait3A_2071 = tpu.memref_slice %dma_wait3A_2069[%dma_wait3A_2063, %dma_wait3A_2070, %multiple_of3A_845] : memref<4x8x1000000xf32, #tpu.memory_space<hbm>> -> memref<1x8x128xf32, #tpu.memory_space<hbm>>
      %dma_wait3A_2072 = tpu.memref_squeeze %dma_wait3A_2071 : memref<1x8x128xf32, #tpu.memory_space<hbm>> -> memref<8x128xf32, #tpu.memory_space<hbm>>
      %dma_wait3A_2073 = arith.constant 24 : i32
      %dma_wait3A_2074 = arith.constant 0 : i32
      %dma_wait3A_2075 = tpu.memref_slice %arg8[%dma_wait3A_2064, %dma_wait3A_2073, %dma_wait3A_2074] : memref<16x32x128xf32, #tpu.memory_space<vmem>> -> memref<1x8x128xf32, #tpu.memory_space<vmem>>
      %dma_wait3A_2076 = tpu.memref_squeeze %dma_wait3A_2075 : memref<1x8x128xf32, #tpu.memory_space<vmem>> -> memref<8x128xf32, #tpu.memory_space<vmem>>
      %dma_wait3A_2077 = tpu.memref_reshape %arg3 : memref<32x1000000xf32, #tpu.memory_space<hbm>> -> memref<4x8x1000000xf32, #tpu.memory_space<hbm>>
      %dma_wait3A_2078 = arith.constant 0 : i32
      %dma_wait3A_2079 = tpu.memref_slice %dma_wait3A_2077[%dma_wait3A_2063, %dma_wait3A_2078, %multiple_of3A_845] : memref<4x8x1000000xf32, #tpu.memory_space<hbm>> -> memref<1x8x128xf32, #tpu.memory_space<hbm>>
      %dma_wait3A_2080 = tpu.memref_squeeze %dma_wait3A_2079 : memref<1x8x128xf32, #tpu.memory_space<hbm>> -> memref<8x128xf32, #tpu.memory_space<hbm>>
      tpu.wait_dma2 semaphore(%arg10 : memref<!tpu.dma_semaphore, #tpu.memory_space<semaphore_mem>>) src(%dma_wait3A_2080 : memref<8x128xf32, #tpu.memory_space<hbm>>) dst(%dma_wait3A_2076 : memref<8x128xf32, #tpu.memory_space<vmem>>)
      %dma_wait3A_2081 = arith.constant 0 : i32
      %dma_wait3A_2082 = arith.constant 12 : i32
      %dma_wait3A_2083 = arith.constant 0 : i32
      %dma_wait3A_2084 = arith.constant 0 : i32
      %dma_wait3A_2085 = tpu.memref_slice %arg8[%dma_wait3A_2082, %dma_wait3A_2083, %dma_wait3A_2084] : memref<16x32x128xf32, #tpu.memory_space<vmem>> -> memref<1x8x128xf32, #tpu.memory_space<vmem>>
      %dma_wait3A_2086 = tpu.memref_squeeze %dma_wait3A_2085 : memref<1x8x128xf32, #tpu.memory_space<vmem>> -> memref<8x128xf32, #tpu.memory_space<vmem>>
      %dma_wait3A_2087 = tpu.memref_reshape %arg3 : memref<32x1000000xf32, #tpu.memory_space<hbm>> -> memref<4x8x1000000xf32, #tpu.memory_space<hbm>>
      %dma_wait3A_2088 = arith.constant 0 : i32
      %dma_wait3A_2089 = tpu.memref_slice %dma_wait3A_2087[%dma_wait3A_2081, %dma_wait3A_2088, %multiple_of3A_920] : memref<4x8x1000000xf32, #tpu.memory_space<hbm>> -> memref<1x8x128xf32, #tpu.memory_space<hbm>>
      %dma_wait3A_2090 = tpu.memref_squeeze %dma_wait3A_2089 : memref<1x8x128xf32, #tpu.memory_space<hbm>> -> memref<8x128xf32, #tpu.memory_space<hbm>>
      %dma_wait3A_2091 = arith.constant 0 : i32
      %dma_wait3A_2092 = arith.constant 0 : i32
      %dma_wait3A_2093 = tpu.memref_slice %arg8[%dma_wait3A_2082, %dma_wait3A_2091, %dma_wait3A_2092] : memref<16x32x128xf32, #tpu.memory_space<vmem>> -> memref<1x8x128xf32, #tpu.memory_space<vmem>>
      %dma_wait3A_2094 = tpu.memref_squeeze %dma_wait3A_2093 : memref<1x8x128xf32, #tpu.memory_space<vmem>> -> memref<8x128xf32, #tpu.memory_space<vmem>>
      %dma_wait3A_2095 = tpu.memref_reshape %arg3 : memref<32x1000000xf32, #tpu.memory_space<hbm>> -> memref<4x8x1000000xf32, #tpu.memory_space<hbm>>
      %dma_wait3A_2096 = arith.constant 0 : i32
      %dma_wait3A_2097 = tpu.memref_slice %dma_wait3A_2095[%dma_wait3A_2081, %dma_wait3A_2096, %multiple_of3A_920] : memref<4x8x1000000xf32, #tpu.memory_space<hbm>> -> memref<1x8x128xf32, #tpu.memory_space<hbm>>
      %dma_wait3A_2098 = tpu.memref_squeeze %dma_wait3A_2097 : memref<1x8x128xf32, #tpu.memory_space<hbm>> -> memref<8x128xf32, #tpu.memory_space<hbm>>
      tpu.wait_dma2 semaphore(%arg10 : memref<!tpu.dma_semaphore, #tpu.memory_space<semaphore_mem>>) src(%dma_wait3A_2098 : memref<8x128xf32, #tpu.memory_space<hbm>>) dst(%dma_wait3A_2094 : memref<8x128xf32, #tpu.memory_space<vmem>>)
      %dma_wait3A_2099 = arith.constant 1 : i32
      %dma_wait3A_2100 = arith.constant 12 : i32
      %dma_wait3A_2101 = arith.constant 8 : i32
      %dma_wait3A_2102 = arith.constant 0 : i32
      %dma_wait3A_2103 = tpu.memref_slice %arg8[%dma_wait3A_2100, %dma_wait3A_2101, %dma_wait3A_2102] : memref<16x32x128xf32, #tpu.memory_space<vmem>> -> memref<1x8x128xf32, #tpu.memory_space<vmem>>
      %dma_wait3A_2104 = tpu.memref_squeeze %dma_wait3A_2103 : memref<1x8x128xf32, #tpu.memory_space<vmem>> -> memref<8x128xf32, #tpu.memory_space<vmem>>
      %dma_wait3A_2105 = tpu.memref_reshape %arg3 : memref<32x1000000xf32, #tpu.memory_space<hbm>> -> memref<4x8x1000000xf32, #tpu.memory_space<hbm>>
      %dma_wait3A_2106 = arith.constant 0 : i32
      %dma_wait3A_2107 = tpu.memref_slice %dma_wait3A_2105[%dma_wait3A_2099, %dma_wait3A_2106, %multiple_of3A_920] : memref<4x8x1000000xf32, #tpu.memory_space<hbm>> -> memref<1x8x128xf32, #tpu.memory_space<hbm>>
      %dma_wait3A_2108 = tpu.memref_squeeze %dma_wait3A_2107 : memref<1x8x128xf32, #tpu.memory_space<hbm>> -> memref<8x128xf32, #tpu.memory_space<hbm>>
      %dma_wait3A_2109 = arith.constant 8 : i32
      %dma_wait3A_2110 = arith.constant 0 : i32
      %dma_wait3A_2111 = tpu.memref_slice %arg8[%dma_wait3A_2100, %dma_wait3A_2109, %dma_wait3A_2110] : memref<16x32x128xf32, #tpu.memory_space<vmem>> -> memref<1x8x128xf32, #tpu.memory_space<vmem>>
      %dma_wait3A_2112 = tpu.memref_squeeze %dma_wait3A_2111 : memref<1x8x128xf32, #tpu.memory_space<vmem>> -> memref<8x128xf32, #tpu.memory_space<vmem>>
      %dma_wait3A_2113 = tpu.memref_reshape %arg3 : memref<32x1000000xf32, #tpu.memory_space<hbm>> -> memref<4x8x1000000xf32, #tpu.memory_space<hbm>>
      %dma_wait3A_2114 = arith.constant 0 : i32
      %dma_wait3A_2115 = tpu.memref_slice %dma_wait3A_2113[%dma_wait3A_2099, %dma_wait3A_2114, %multiple_of3A_920] : memref<4x8x1000000xf32, #tpu.memory_space<hbm>> -> memref<1x8x128xf32, #tpu.memory_space<hbm>>
      %dma_wait3A_2116 = tpu.memref_squeeze %dma_wait3A_2115 : memref<1x8x128xf32, #tpu.memory_space<hbm>> -> memref<8x128xf32, #tpu.memory_space<hbm>>
      tpu.wait_dma2 semaphore(%arg10 : memref<!tpu.dma_semaphore, #tpu.memory_space<semaphore_mem>>) src(%dma_wait3A_2116 : memref<8x128xf32, #tpu.memory_space<hbm>>) dst(%dma_wait3A_2112 : memref<8x128xf32, #tpu.memory_space<vmem>>)
      %dma_wait3A_2117 = arith.constant 2 : i32
      %dma_wait3A_2118 = arith.constant 12 : i32
      %dma_wait3A_2119 = arith.constant 16 : i32
      %dma_wait3A_2120 = arith.constant 0 : i32
      %dma_wait3A_2121 = tpu.memref_slice %arg8[%dma_wait3A_2118, %dma_wait3A_2119, %dma_wait3A_2120] : memref<16x32x128xf32, #tpu.memory_space<vmem>> -> memref<1x8x128xf32, #tpu.memory_space<vmem>>
      %dma_wait3A_2122 = tpu.memref_squeeze %dma_wait3A_2121 : memref<1x8x128xf32, #tpu.memory_space<vmem>> -> memref<8x128xf32, #tpu.memory_space<vmem>>
      %dma_wait3A_2123 = tpu.memref_reshape %arg3 : memref<32x1000000xf32, #tpu.memory_space<hbm>> -> memref<4x8x1000000xf32, #tpu.memory_space<hbm>>
      %dma_wait3A_2124 = arith.constant 0 : i32
      %dma_wait3A_2125 = tpu.memref_slice %dma_wait3A_2123[%dma_wait3A_2117, %dma_wait3A_2124, %multiple_of3A_920] : memref<4x8x1000000xf32, #tpu.memory_space<hbm>> -> memref<1x8x128xf32, #tpu.memory_space<hbm>>
      %dma_wait3A_2126 = tpu.memref_squeeze %dma_wait3A_2125 : memref<1x8x128xf32, #tpu.memory_space<hbm>> -> memref<8x128xf32, #tpu.memory_space<hbm>>
      %dma_wait3A_2127 = arith.constant 16 : i32
      %dma_wait3A_2128 = arith.constant 0 : i32
      %dma_wait3A_2129 = tpu.memref_slice %arg8[%dma_wait3A_2118, %dma_wait3A_2127, %dma_wait3A_2128] : memref<16x32x128xf32, #tpu.memory_space<vmem>> -> memref<1x8x128xf32, #tpu.memory_space<vmem>>
      %dma_wait3A_2130 = tpu.memref_squeeze %dma_wait3A_2129 : memref<1x8x128xf32, #tpu.memory_space<vmem>> -> memref<8x128xf32, #tpu.memory_space<vmem>>
      %dma_wait3A_2131 = tpu.memref_reshape %arg3 : memref<32x1000000xf32, #tpu.memory_space<hbm>> -> memref<4x8x1000000xf32, #tpu.memory_space<hbm>>
      %dma_wait3A_2132 = arith.constant 0 : i32
      %dma_wait3A_2133 = tpu.memref_slice %dma_wait3A_2131[%dma_wait3A_2117, %dma_wait3A_2132, %multiple_of3A_920] : memref<4x8x1000000xf32, #tpu.memory_space<hbm>> -> memref<1x8x128xf32, #tpu.memory_space<hbm>>
      %dma_wait3A_2134 = tpu.memref_squeeze %dma_wait3A_2133 : memref<1x8x128xf32, #tpu.memory_space<hbm>> -> memref<8x128xf32, #tpu.memory_space<hbm>>
      tpu.wait_dma2 semaphore(%arg10 : memref<!tpu.dma_semaphore, #tpu.memory_space<semaphore_mem>>) src(%dma_wait3A_2134 : memref<8x128xf32, #tpu.memory_space<hbm>>) dst(%dma_wait3A_2130 : memref<8x128xf32, #tpu.memory_space<vmem>>)
      %dma_wait3A_2135 = arith.constant 3 : i32
      %dma_wait3A_2136 = arith.constant 12 : i32
      %dma_wait3A_2137 = arith.constant 24 : i32
      %dma_wait3A_2138 = arith.constant 0 : i32
      %dma_wait3A_2139 = tpu.memref_slice %arg8[%dma_wait3A_2136, %dma_wait3A_2137, %dma_wait3A_2138] : memref<16x32x128xf32, #tpu.memory_space<vmem>> -> memref<1x8x128xf32, #tpu.memory_space<vmem>>
      %dma_wait3A_2140 = tpu.memref_squeeze %dma_wait3A_2139 : memref<1x8x128xf32, #tpu.memory_space<vmem>> -> memref<8x128xf32, #tpu.memory_space<vmem>>
      %dma_wait3A_2141 = tpu.memref_reshape %arg3 : memref<32x1000000xf32, #tpu.memory_space<hbm>> -> memref<4x8x1000000xf32, #tpu.memory_space<hbm>>
      %dma_wait3A_2142 = arith.constant 0 : i32
      %dma_wait3A_2143 = tpu.memref_slice %dma_wait3A_2141[%dma_wait3A_2135, %dma_wait3A_2142, %multiple_of3A_920] : memref<4x8x1000000xf32, #tpu.memory_space<hbm>> -> memref<1x8x128xf32, #tpu.memory_space<hbm>>
      %dma_wait3A_2144 = tpu.memref_squeeze %dma_wait3A_2143 : memref<1x8x128xf32, #tpu.memory_space<hbm>> -> memref<8x128xf32, #tpu.memory_space<hbm>>
      %dma_wait3A_2145 = arith.constant 24 : i32
      %dma_wait3A_2146 = arith.constant 0 : i32
      %dma_wait3A_2147 = tpu.memref_slice %arg8[%dma_wait3A_2136, %dma_wait3A_2145, %dma_wait3A_2146] : memref<16x32x128xf32, #tpu.memory_space<vmem>> -> memref<1x8x128xf32, #tpu.memory_space<vmem>>
      %dma_wait3A_2148 = tpu.memref_squeeze %dma_wait3A_2147 : memref<1x8x128xf32, #tpu.memory_space<vmem>> -> memref<8x128xf32, #tpu.memory_space<vmem>>
      %dma_wait3A_2149 = tpu.memref_reshape %arg3 : memref<32x1000000xf32, #tpu.memory_space<hbm>> -> memref<4x8x1000000xf32, #tpu.memory_space<hbm>>
      %dma_wait3A_2150 = arith.constant 0 : i32
      %dma_wait3A_2151 = tpu.memref_slice %dma_wait3A_2149[%dma_wait3A_2135, %dma_wait3A_2150, %multiple_of3A_920] : memref<4x8x1000000xf32, #tpu.memory_space<hbm>> -> memref<1x8x128xf32, #tpu.memory_space<hbm>>
      %dma_wait3A_2152 = tpu.memref_squeeze %dma_wait3A_2151 : memref<1x8x128xf32, #tpu.memory_space<hbm>> -> memref<8x128xf32, #tpu.memory_space<hbm>>
      tpu.wait_dma2 semaphore(%arg10 : memref<!tpu.dma_semaphore, #tpu.memory_space<semaphore_mem>>) src(%dma_wait3A_2152 : memref<8x128xf32, #tpu.memory_space<hbm>>) dst(%dma_wait3A_2148 : memref<8x128xf32, #tpu.memory_space<vmem>>)
      %dma_wait3A_2153 = arith.constant 0 : i32
      %dma_wait3A_2154 = arith.constant 13 : i32
      %dma_wait3A_2155 = arith.constant 0 : i32
      %dma_wait3A_2156 = arith.constant 0 : i32
      %dma_wait3A_2157 = tpu.memref_slice %arg8[%dma_wait3A_2154, %dma_wait3A_2155, %dma_wait3A_2156] : memref<16x32x128xf32, #tpu.memory_space<vmem>> -> memref<1x8x128xf32, #tpu.memory_space<vmem>>
      %dma_wait3A_2158 = tpu.memref_squeeze %dma_wait3A_2157 : memref<1x8x128xf32, #tpu.memory_space<vmem>> -> memref<8x128xf32, #tpu.memory_space<vmem>>
      %dma_wait3A_2159 = tpu.memref_reshape %arg3 : memref<32x1000000xf32, #tpu.memory_space<hbm>> -> memref<4x8x1000000xf32, #tpu.memory_space<hbm>>
      %dma_wait3A_2160 = arith.constant 0 : i32
      %dma_wait3A_2161 = tpu.memref_slice %dma_wait3A_2159[%dma_wait3A_2153, %dma_wait3A_2160, %multiple_of3A_995] : memref<4x8x1000000xf32, #tpu.memory_space<hbm>> -> memref<1x8x128xf32, #tpu.memory_space<hbm>>
      %dma_wait3A_2162 = tpu.memref_squeeze %dma_wait3A_2161 : memref<1x8x128xf32, #tpu.memory_space<hbm>> -> memref<8x128xf32, #tpu.memory_space<hbm>>
      %dma_wait3A_2163 = arith.constant 0 : i32
      %dma_wait3A_2164 = arith.constant 0 : i32
      %dma_wait3A_2165 = tpu.memref_slice %arg8[%dma_wait3A_2154, %dma_wait3A_2163, %dma_wait3A_2164] : memref<16x32x128xf32, #tpu.memory_space<vmem>> -> memref<1x8x128xf32, #tpu.memory_space<vmem>>
      %dma_wait3A_2166 = tpu.memref_squeeze %dma_wait3A_2165 : memref<1x8x128xf32, #tpu.memory_space<vmem>> -> memref<8x128xf32, #tpu.memory_space<vmem>>
      %dma_wait3A_2167 = tpu.memref_reshape %arg3 : memref<32x1000000xf32, #tpu.memory_space<hbm>> -> memref<4x8x1000000xf32, #tpu.memory_space<hbm>>
      %dma_wait3A_2168 = arith.constant 0 : i32
      %dma_wait3A_2169 = tpu.memref_slice %dma_wait3A_2167[%dma_wait3A_2153, %dma_wait3A_2168, %multiple_of3A_995] : memref<4x8x1000000xf32, #tpu.memory_space<hbm>> -> memref<1x8x128xf32, #tpu.memory_space<hbm>>
      %dma_wait3A_2170 = tpu.memref_squeeze %dma_wait3A_2169 : memref<1x8x128xf32, #tpu.memory_space<hbm>> -> memref<8x128xf32, #tpu.memory_space<hbm>>
      tpu.wait_dma2 semaphore(%arg10 : memref<!tpu.dma_semaphore, #tpu.memory_space<semaphore_mem>>) src(%dma_wait3A_2170 : memref<8x128xf32, #tpu.memory_space<hbm>>) dst(%dma_wait3A_2166 : memref<8x128xf32, #tpu.memory_space<vmem>>)
      %dma_wait3A_2171 = arith.constant 1 : i32
      %dma_wait3A_2172 = arith.constant 13 : i32
      %dma_wait3A_2173 = arith.constant 8 : i32
      %dma_wait3A_2174 = arith.constant 0 : i32
      %dma_wait3A_2175 = tpu.memref_slice %arg8[%dma_wait3A_2172, %dma_wait3A_2173, %dma_wait3A_2174] : memref<16x32x128xf32, #tpu.memory_space<vmem>> -> memref<1x8x128xf32, #tpu.memory_space<vmem>>
      %dma_wait3A_2176 = tpu.memref_squeeze %dma_wait3A_2175 : memref<1x8x128xf32, #tpu.memory_space<vmem>> -> memref<8x128xf32, #tpu.memory_space<vmem>>
      %dma_wait3A_2177 = tpu.memref_reshape %arg3 : memref<32x1000000xf32, #tpu.memory_space<hbm>> -> memref<4x8x1000000xf32, #tpu.memory_space<hbm>>
      %dma_wait3A_2178 = arith.constant 0 : i32
      %dma_wait3A_2179 = tpu.memref_slice %dma_wait3A_2177[%dma_wait3A_2171, %dma_wait3A_2178, %multiple_of3A_995] : memref<4x8x1000000xf32, #tpu.memory_space<hbm>> -> memref<1x8x128xf32, #tpu.memory_space<hbm>>
      %dma_wait3A_2180 = tpu.memref_squeeze %dma_wait3A_2179 : memref<1x8x128xf32, #tpu.memory_space<hbm>> -> memref<8x128xf32, #tpu.memory_space<hbm>>
      %dma_wait3A_2181 = arith.constant 8 : i32
      %dma_wait3A_2182 = arith.constant 0 : i32
      %dma_wait3A_2183 = tpu.memref_slice %arg8[%dma_wait3A_2172, %dma_wait3A_2181, %dma_wait3A_2182] : memref<16x32x128xf32, #tpu.memory_space<vmem>> -> memref<1x8x128xf32, #tpu.memory_space<vmem>>
      %dma_wait3A_2184 = tpu.memref_squeeze %dma_wait3A_2183 : memref<1x8x128xf32, #tpu.memory_space<vmem>> -> memref<8x128xf32, #tpu.memory_space<vmem>>
      %dma_wait3A_2185 = tpu.memref_reshape %arg3 : memref<32x1000000xf32, #tpu.memory_space<hbm>> -> memref<4x8x1000000xf32, #tpu.memory_space<hbm>>
      %dma_wait3A_2186 = arith.constant 0 : i32
      %dma_wait3A_2187 = tpu.memref_slice %dma_wait3A_2185[%dma_wait3A_2171, %dma_wait3A_2186, %multiple_of3A_995] : memref<4x8x1000000xf32, #tpu.memory_space<hbm>> -> memref<1x8x128xf32, #tpu.memory_space<hbm>>
      %dma_wait3A_2188 = tpu.memref_squeeze %dma_wait3A_2187 : memref<1x8x128xf32, #tpu.memory_space<hbm>> -> memref<8x128xf32, #tpu.memory_space<hbm>>
      tpu.wait_dma2 semaphore(%arg10 : memref<!tpu.dma_semaphore, #tpu.memory_space<semaphore_mem>>) src(%dma_wait3A_2188 : memref<8x128xf32, #tpu.memory_space<hbm>>) dst(%dma_wait3A_2184 : memref<8x128xf32, #tpu.memory_space<vmem>>)
      %dma_wait3A_2189 = arith.constant 2 : i32
      %dma_wait3A_2190 = arith.constant 13 : i32
      %dma_wait3A_2191 = arith.constant 16 : i32
      %dma_wait3A_2192 = arith.constant 0 : i32
      %dma_wait3A_2193 = tpu.memref_slice %arg8[%dma_wait3A_2190, %dma_wait3A_2191, %dma_wait3A_2192] : memref<16x32x128xf32, #tpu.memory_space<vmem>> -> memref<1x8x128xf32, #tpu.memory_space<vmem>>
      %dma_wait3A_2194 = tpu.memref_squeeze %dma_wait3A_2193 : memref<1x8x128xf32, #tpu.memory_space<vmem>> -> memref<8x128xf32, #tpu.memory_space<vmem>>
      %dma_wait3A_2195 = tpu.memref_reshape %arg3 : memref<32x1000000xf32, #tpu.memory_space<hbm>> -> memref<4x8x1000000xf32, #tpu.memory_space<hbm>>
      %dma_wait3A_2196 = arith.constant 0 : i32
      %dma_wait3A_2197 = tpu.memref_slice %dma_wait3A_2195[%dma_wait3A_2189, %dma_wait3A_2196, %multiple_of3A_995] : memref<4x8x1000000xf32, #tpu.memory_space<hbm>> -> memref<1x8x128xf32, #tpu.memory_space<hbm>>
      %dma_wait3A_2198 = tpu.memref_squeeze %dma_wait3A_2197 : memref<1x8x128xf32, #tpu.memory_space<hbm>> -> memref<8x128xf32, #tpu.memory_space<hbm>>
      %dma_wait3A_2199 = arith.constant 16 : i32
      %dma_wait3A_2200 = arith.constant 0 : i32
      %dma_wait3A_2201 = tpu.memref_slice %arg8[%dma_wait3A_2190, %dma_wait3A_2199, %dma_wait3A_2200] : memref<16x32x128xf32, #tpu.memory_space<vmem>> -> memref<1x8x128xf32, #tpu.memory_space<vmem>>
      %dma_wait3A_2202 = tpu.memref_squeeze %dma_wait3A_2201 : memref<1x8x128xf32, #tpu.memory_space<vmem>> -> memref<8x128xf32, #tpu.memory_space<vmem>>
      %dma_wait3A_2203 = tpu.memref_reshape %arg3 : memref<32x1000000xf32, #tpu.memory_space<hbm>> -> memref<4x8x1000000xf32, #tpu.memory_space<hbm>>
      %dma_wait3A_2204 = arith.constant 0 : i32
      %dma_wait3A_2205 = tpu.memref_slice %dma_wait3A_2203[%dma_wait3A_2189, %dma_wait3A_2204, %multiple_of3A_995] : memref<4x8x1000000xf32, #tpu.memory_space<hbm>> -> memref<1x8x128xf32, #tpu.memory_space<hbm>>
      %dma_wait3A_2206 = tpu.memref_squeeze %dma_wait3A_2205 : memref<1x8x128xf32, #tpu.memory_space<hbm>> -> memref<8x128xf32, #tpu.memory_space<hbm>>
      tpu.wait_dma2 semaphore(%arg10 : memref<!tpu.dma_semaphore, #tpu.memory_space<semaphore_mem>>) src(%dma_wait3A_2206 : memref<8x128xf32, #tpu.memory_space<hbm>>) dst(%dma_wait3A_2202 : memref<8x128xf32, #tpu.memory_space<vmem>>)
      %dma_wait3A_2207 = arith.constant 3 : i32
      %dma_wait3A_2208 = arith.constant 13 : i32
      %dma_wait3A_2209 = arith.constant 24 : i32
      %dma_wait3A_2210 = arith.constant 0 : i32
      %dma_wait3A_2211 = tpu.memref_slice %arg8[%dma_wait3A_2208, %dma_wait3A_2209, %dma_wait3A_2210] : memref<16x32x128xf32, #tpu.memory_space<vmem>> -> memref<1x8x128xf32, #tpu.memory_space<vmem>>
      %dma_wait3A_2212 = tpu.memref_squeeze %dma_wait3A_2211 : memref<1x8x128xf32, #tpu.memory_space<vmem>> -> memref<8x128xf32, #tpu.memory_space<vmem>>
      %dma_wait3A_2213 = tpu.memref_reshape %arg3 : memref<32x1000000xf32, #tpu.memory_space<hbm>> -> memref<4x8x1000000xf32, #tpu.memory_space<hbm>>
      %dma_wait3A_2214 = arith.constant 0 : i32
      %dma_wait3A_2215 = tpu.memref_slice %dma_wait3A_2213[%dma_wait3A_2207, %dma_wait3A_2214, %multiple_of3A_995] : memref<4x8x1000000xf32, #tpu.memory_space<hbm>> -> memref<1x8x128xf32, #tpu.memory_space<hbm>>
      %dma_wait3A_2216 = tpu.memref_squeeze %dma_wait3A_2215 : memref<1x8x128xf32, #tpu.memory_space<hbm>> -> memref<8x128xf32, #tpu.memory_space<hbm>>
      %dma_wait3A_2217 = arith.constant 24 : i32
      %dma_wait3A_2218 = arith.constant 0 : i32
      %dma_wait3A_2219 = tpu.memref_slice %arg8[%dma_wait3A_2208, %dma_wait3A_2217, %dma_wait3A_2218] : memref<16x32x128xf32, #tpu.memory_space<vmem>> -> memref<1x8x128xf32, #tpu.memory_space<vmem>>
      %dma_wait3A_2220 = tpu.memref_squeeze %dma_wait3A_2219 : memref<1x8x128xf32, #tpu.memory_space<vmem>> -> memref<8x128xf32, #tpu.memory_space<vmem>>
      %dma_wait3A_2221 = tpu.memref_reshape %arg3 : memref<32x1000000xf32, #tpu.memory_space<hbm>> -> memref<4x8x1000000xf32, #tpu.memory_space<hbm>>
      %dma_wait3A_2222 = arith.constant 0 : i32
      %dma_wait3A_2223 = tpu.memref_slice %dma_wait3A_2221[%dma_wait3A_2207, %dma_wait3A_2222, %multiple_of3A_995] : memref<4x8x1000000xf32, #tpu.memory_space<hbm>> -> memref<1x8x128xf32, #tpu.memory_space<hbm>>
      %dma_wait3A_2224 = tpu.memref_squeeze %dma_wait3A_2223 : memref<1x8x128xf32, #tpu.memory_space<hbm>> -> memref<8x128xf32, #tpu.memory_space<hbm>>
      tpu.wait_dma2 semaphore(%arg10 : memref<!tpu.dma_semaphore, #tpu.memory_space<semaphore_mem>>) src(%dma_wait3A_2224 : memref<8x128xf32, #tpu.memory_space<hbm>>) dst(%dma_wait3A_2220 : memref<8x128xf32, #tpu.memory_space<vmem>>)
      %dma_wait3A_2225 = arith.constant 0 : i32
      %dma_wait3A_2226 = arith.constant 14 : i32
      %dma_wait3A_2227 = arith.constant 0 : i32
      %dma_wait3A_2228 = arith.constant 0 : i32
      %dma_wait3A_2229 = tpu.memref_slice %arg8[%dma_wait3A_2226, %dma_wait3A_2227, %dma_wait3A_2228] : memref<16x32x128xf32, #tpu.memory_space<vmem>> -> memref<1x8x128xf32, #tpu.memory_space<vmem>>
      %dma_wait3A_2230 = tpu.memref_squeeze %dma_wait3A_2229 : memref<1x8x128xf32, #tpu.memory_space<vmem>> -> memref<8x128xf32, #tpu.memory_space<vmem>>
      %dma_wait3A_2231 = tpu.memref_reshape %arg3 : memref<32x1000000xf32, #tpu.memory_space<hbm>> -> memref<4x8x1000000xf32, #tpu.memory_space<hbm>>
      %dma_wait3A_2232 = arith.constant 0 : i32
      %dma_wait3A_2233 = tpu.memref_slice %dma_wait3A_2231[%dma_wait3A_2225, %dma_wait3A_2232, %multiple_of3A_1070] : memref<4x8x1000000xf32, #tpu.memory_space<hbm>> -> memref<1x8x128xf32, #tpu.memory_space<hbm>>
      %dma_wait3A_2234 = tpu.memref_squeeze %dma_wait3A_2233 : memref<1x8x128xf32, #tpu.memory_space<hbm>> -> memref<8x128xf32, #tpu.memory_space<hbm>>
      %dma_wait3A_2235 = arith.constant 0 : i32
      %dma_wait3A_2236 = arith.constant 0 : i32
      %dma_wait3A_2237 = tpu.memref_slice %arg8[%dma_wait3A_2226, %dma_wait3A_2235, %dma_wait3A_2236] : memref<16x32x128xf32, #tpu.memory_space<vmem>> -> memref<1x8x128xf32, #tpu.memory_space<vmem>>
      %dma_wait3A_2238 = tpu.memref_squeeze %dma_wait3A_2237 : memref<1x8x128xf32, #tpu.memory_space<vmem>> -> memref<8x128xf32, #tpu.memory_space<vmem>>
      %dma_wait3A_2239 = tpu.memref_reshape %arg3 : memref<32x1000000xf32, #tpu.memory_space<hbm>> -> memref<4x8x1000000xf32, #tpu.memory_space<hbm>>
      %dma_wait3A_2240 = arith.constant 0 : i32
      %dma_wait3A_2241 = tpu.memref_slice %dma_wait3A_2239[%dma_wait3A_2225, %dma_wait3A_2240, %multiple_of3A_1070] : memref<4x8x1000000xf32, #tpu.memory_space<hbm>> -> memref<1x8x128xf32, #tpu.memory_space<hbm>>
      %dma_wait3A_2242 = tpu.memref_squeeze %dma_wait3A_2241 : memref<1x8x128xf32, #tpu.memory_space<hbm>> -> memref<8x128xf32, #tpu.memory_space<hbm>>
      tpu.wait_dma2 semaphore(%arg10 : memref<!tpu.dma_semaphore, #tpu.memory_space<semaphore_mem>>) src(%dma_wait3A_2242 : memref<8x128xf32, #tpu.memory_space<hbm>>) dst(%dma_wait3A_2238 : memref<8x128xf32, #tpu.memory_space<vmem>>)
      %dma_wait3A_2243 = arith.constant 1 : i32
      %dma_wait3A_2244 = arith.constant 14 : i32
      %dma_wait3A_2245 = arith.constant 8 : i32
      %dma_wait3A_2246 = arith.constant 0 : i32
      %dma_wait3A_2247 = tpu.memref_slice %arg8[%dma_wait3A_2244, %dma_wait3A_2245, %dma_wait3A_2246] : memref<16x32x128xf32, #tpu.memory_space<vmem>> -> memref<1x8x128xf32, #tpu.memory_space<vmem>>
      %dma_wait3A_2248 = tpu.memref_squeeze %dma_wait3A_2247 : memref<1x8x128xf32, #tpu.memory_space<vmem>> -> memref<8x128xf32, #tpu.memory_space<vmem>>
      %dma_wait3A_2249 = tpu.memref_reshape %arg3 : memref<32x1000000xf32, #tpu.memory_space<hbm>> -> memref<4x8x1000000xf32, #tpu.memory_space<hbm>>
      %dma_wait3A_2250 = arith.constant 0 : i32
      %dma_wait3A_2251 = tpu.memref_slice %dma_wait3A_2249[%dma_wait3A_2243, %dma_wait3A_2250, %multiple_of3A_1070] : memref<4x8x1000000xf32, #tpu.memory_space<hbm>> -> memref<1x8x128xf32, #tpu.memory_space<hbm>>
      %dma_wait3A_2252 = tpu.memref_squeeze %dma_wait3A_2251 : memref<1x8x128xf32, #tpu.memory_space<hbm>> -> memref<8x128xf32, #tpu.memory_space<hbm>>
      %dma_wait3A_2253 = arith.constant 8 : i32
      %dma_wait3A_2254 = arith.constant 0 : i32
      %dma_wait3A_2255 = tpu.memref_slice %arg8[%dma_wait3A_2244, %dma_wait3A_2253, %dma_wait3A_2254] : memref<16x32x128xf32, #tpu.memory_space<vmem>> -> memref<1x8x128xf32, #tpu.memory_space<vmem>>
      %dma_wait3A_2256 = tpu.memref_squeeze %dma_wait3A_2255 : memref<1x8x128xf32, #tpu.memory_space<vmem>> -> memref<8x128xf32, #tpu.memory_space<vmem>>
      %dma_wait3A_2257 = tpu.memref_reshape %arg3 : memref<32x1000000xf32, #tpu.memory_space<hbm>> -> memref<4x8x1000000xf32, #tpu.memory_space<hbm>>
      %dma_wait3A_2258 = arith.constant 0 : i32
      %dma_wait3A_2259 = tpu.memref_slice %dma_wait3A_2257[%dma_wait3A_2243, %dma_wait3A_2258, %multiple_of3A_1070] : memref<4x8x1000000xf32, #tpu.memory_space<hbm>> -> memref<1x8x128xf32, #tpu.memory_space<hbm>>
      %dma_wait3A_2260 = tpu.memref_squeeze %dma_wait3A_2259 : memref<1x8x128xf32, #tpu.memory_space<hbm>> -> memref<8x128xf32, #tpu.memory_space<hbm>>
      tpu.wait_dma2 semaphore(%arg10 : memref<!tpu.dma_semaphore, #tpu.memory_space<semaphore_mem>>) src(%dma_wait3A_2260 : memref<8x128xf32, #tpu.memory_space<hbm>>) dst(%dma_wait3A_2256 : memref<8x128xf32, #tpu.memory_space<vmem>>)
      %dma_wait3A_2261 = arith.constant 2 : i32
      %dma_wait3A_2262 = arith.constant 14 : i32
      %dma_wait3A_2263 = arith.constant 16 : i32
      %dma_wait3A_2264 = arith.constant 0 : i32
      %dma_wait3A_2265 = tpu.memref_slice %arg8[%dma_wait3A_2262, %dma_wait3A_2263, %dma_wait3A_2264] : memref<16x32x128xf32, #tpu.memory_space<vmem>> -> memref<1x8x128xf32, #tpu.memory_space<vmem>>
      %dma_wait3A_2266 = tpu.memref_squeeze %dma_wait3A_2265 : memref<1x8x128xf32, #tpu.memory_space<vmem>> -> memref<8x128xf32, #tpu.memory_space<vmem>>
      %dma_wait3A_2267 = tpu.memref_reshape %arg3 : memref<32x1000000xf32, #tpu.memory_space<hbm>> -> memref<4x8x1000000xf32, #tpu.memory_space<hbm>>
      %dma_wait3A_2268 = arith.constant 0 : i32
      %dma_wait3A_2269 = tpu.memref_slice %dma_wait3A_2267[%dma_wait3A_2261, %dma_wait3A_2268, %multiple_of3A_1070] : memref<4x8x1000000xf32, #tpu.memory_space<hbm>> -> memref<1x8x128xf32, #tpu.memory_space<hbm>>
      %dma_wait3A_2270 = tpu.memref_squeeze %dma_wait3A_2269 : memref<1x8x128xf32, #tpu.memory_space<hbm>> -> memref<8x128xf32, #tpu.memory_space<hbm>>
      %dma_wait3A_2271 = arith.constant 16 : i32
      %dma_wait3A_2272 = arith.constant 0 : i32
      %dma_wait3A_2273 = tpu.memref_slice %arg8[%dma_wait3A_2262, %dma_wait3A_2271, %dma_wait3A_2272] : memref<16x32x128xf32, #tpu.memory_space<vmem>> -> memref<1x8x128xf32, #tpu.memory_space<vmem>>
      %dma_wait3A_2274 = tpu.memref_squeeze %dma_wait3A_2273 : memref<1x8x128xf32, #tpu.memory_space<vmem>> -> memref<8x128xf32, #tpu.memory_space<vmem>>
      %dma_wait3A_2275 = tpu.memref_reshape %arg3 : memref<32x1000000xf32, #tpu.memory_space<hbm>> -> memref<4x8x1000000xf32, #tpu.memory_space<hbm>>
      %dma_wait3A_2276 = arith.constant 0 : i32
      %dma_wait3A_2277 = tpu.memref_slice %dma_wait3A_2275[%dma_wait3A_2261, %dma_wait3A_2276, %multiple_of3A_1070] : memref<4x8x1000000xf32, #tpu.memory_space<hbm>> -> memref<1x8x128xf32, #tpu.memory_space<hbm>>
      %dma_wait3A_2278 = tpu.memref_squeeze %dma_wait3A_2277 : memref<1x8x128xf32, #tpu.memory_space<hbm>> -> memref<8x128xf32, #tpu.memory_space<hbm>>
      tpu.wait_dma2 semaphore(%arg10 : memref<!tpu.dma_semaphore, #tpu.memory_space<semaphore_mem>>) src(%dma_wait3A_2278 : memref<8x128xf32, #tpu.memory_space<hbm>>) dst(%dma_wait3A_2274 : memref<8x128xf32, #tpu.memory_space<vmem>>)
      %dma_wait3A_2279 = arith.constant 3 : i32
      %dma_wait3A_2280 = arith.constant 14 : i32
      %dma_wait3A_2281 = arith.constant 24 : i32
      %dma_wait3A_2282 = arith.constant 0 : i32
      %dma_wait3A_2283 = tpu.memref_slice %arg8[%dma_wait3A_2280, %dma_wait3A_2281, %dma_wait3A_2282] : memref<16x32x128xf32, #tpu.memory_space<vmem>> -> memref<1x8x128xf32, #tpu.memory_space<vmem>>
      %dma_wait3A_2284 = tpu.memref_squeeze %dma_wait3A_2283 : memref<1x8x128xf32, #tpu.memory_space<vmem>> -> memref<8x128xf32, #tpu.memory_space<vmem>>
      %dma_wait3A_2285 = tpu.memref_reshape %arg3 : memref<32x1000000xf32, #tpu.memory_space<hbm>> -> memref<4x8x1000000xf32, #tpu.memory_space<hbm>>
      %dma_wait3A_2286 = arith.constant 0 : i32
      %dma_wait3A_2287 = tpu.memref_slice %dma_wait3A_2285[%dma_wait3A_2279, %dma_wait3A_2286, %multiple_of3A_1070] : memref<4x8x1000000xf32, #tpu.memory_space<hbm>> -> memref<1x8x128xf32, #tpu.memory_space<hbm>>
      %dma_wait3A_2288 = tpu.memref_squeeze %dma_wait3A_2287 : memref<1x8x128xf32, #tpu.memory_space<hbm>> -> memref<8x128xf32, #tpu.memory_space<hbm>>
      %dma_wait3A_2289 = arith.constant 24 : i32
      %dma_wait3A_2290 = arith.constant 0 : i32
      %dma_wait3A_2291 = tpu.memref_slice %arg8[%dma_wait3A_2280, %dma_wait3A_2289, %dma_wait3A_2290] : memref<16x32x128xf32, #tpu.memory_space<vmem>> -> memref<1x8x128xf32, #tpu.memory_space<vmem>>
      %dma_wait3A_2292 = tpu.memref_squeeze %dma_wait3A_2291 : memref<1x8x128xf32, #tpu.memory_space<vmem>> -> memref<8x128xf32, #tpu.memory_space<vmem>>
      %dma_wait3A_2293 = tpu.memref_reshape %arg3 : memref<32x1000000xf32, #tpu.memory_space<hbm>> -> memref<4x8x1000000xf32, #tpu.memory_space<hbm>>
      %dma_wait3A_2294 = arith.constant 0 : i32
      %dma_wait3A_2295 = tpu.memref_slice %dma_wait3A_2293[%dma_wait3A_2279, %dma_wait3A_2294, %multiple_of3A_1070] : memref<4x8x1000000xf32, #tpu.memory_space<hbm>> -> memref<1x8x128xf32, #tpu.memory_space<hbm>>
      %dma_wait3A_2296 = tpu.memref_squeeze %dma_wait3A_2295 : memref<1x8x128xf32, #tpu.memory_space<hbm>> -> memref<8x128xf32, #tpu.memory_space<hbm>>
      tpu.wait_dma2 semaphore(%arg10 : memref<!tpu.dma_semaphore, #tpu.memory_space<semaphore_mem>>) src(%dma_wait3A_2296 : memref<8x128xf32, #tpu.memory_space<hbm>>) dst(%dma_wait3A_2292 : memref<8x128xf32, #tpu.memory_space<vmem>>)
      %dma_wait3A_2297 = arith.constant 0 : i32
      %dma_wait3A_2298 = arith.constant 15 : i32
      %dma_wait3A_2299 = arith.constant 0 : i32
      %dma_wait3A_2300 = arith.constant 0 : i32
      %dma_wait3A_2301 = tpu.memref_slice %arg8[%dma_wait3A_2298, %dma_wait3A_2299, %dma_wait3A_2300] : memref<16x32x128xf32, #tpu.memory_space<vmem>> -> memref<1x8x128xf32, #tpu.memory_space<vmem>>
      %dma_wait3A_2302 = tpu.memref_squeeze %dma_wait3A_2301 : memref<1x8x128xf32, #tpu.memory_space<vmem>> -> memref<8x128xf32, #tpu.memory_space<vmem>>
      %dma_wait3A_2303 = tpu.memref_reshape %arg3 : memref<32x1000000xf32, #tpu.memory_space<hbm>> -> memref<4x8x1000000xf32, #tpu.memory_space<hbm>>
      %dma_wait3A_2304 = arith.constant 0 : i32
      %dma_wait3A_2305 = tpu.memref_slice %dma_wait3A_2303[%dma_wait3A_2297, %dma_wait3A_2304, %multiple_of3A_1145] : memref<4x8x1000000xf32, #tpu.memory_space<hbm>> -> memref<1x8x128xf32, #tpu.memory_space<hbm>>
      %dma_wait3A_2306 = tpu.memref_squeeze %dma_wait3A_2305 : memref<1x8x128xf32, #tpu.memory_space<hbm>> -> memref<8x128xf32, #tpu.memory_space<hbm>>
      %dma_wait3A_2307 = arith.constant 0 : i32
      %dma_wait3A_2308 = arith.constant 0 : i32
      %dma_wait3A_2309 = tpu.memref_slice %arg8[%dma_wait3A_2298, %dma_wait3A_2307, %dma_wait3A_2308] : memref<16x32x128xf32, #tpu.memory_space<vmem>> -> memref<1x8x128xf32, #tpu.memory_space<vmem>>
      %dma_wait3A_2310 = tpu.memref_squeeze %dma_wait3A_2309 : memref<1x8x128xf32, #tpu.memory_space<vmem>> -> memref<8x128xf32, #tpu.memory_space<vmem>>
      %dma_wait3A_2311 = tpu.memref_reshape %arg3 : memref<32x1000000xf32, #tpu.memory_space<hbm>> -> memref<4x8x1000000xf32, #tpu.memory_space<hbm>>
      %dma_wait3A_2312 = arith.constant 0 : i32
      %dma_wait3A_2313 = tpu.memref_slice %dma_wait3A_2311[%dma_wait3A_2297, %dma_wait3A_2312, %multiple_of3A_1145] : memref<4x8x1000000xf32, #tpu.memory_space<hbm>> -> memref<1x8x128xf32, #tpu.memory_space<hbm>>
      %dma_wait3A_2314 = tpu.memref_squeeze %dma_wait3A_2313 : memref<1x8x128xf32, #tpu.memory_space<hbm>> -> memref<8x128xf32, #tpu.memory_space<hbm>>
      tpu.wait_dma2 semaphore(%arg10 : memref<!tpu.dma_semaphore, #tpu.memory_space<semaphore_mem>>) src(%dma_wait3A_2314 : memref<8x128xf32, #tpu.memory_space<hbm>>) dst(%dma_wait3A_2310 : memref<8x128xf32, #tpu.memory_space<vmem>>)
      %dma_wait3A_2315 = arith.constant 1 : i32
      %dma_wait3A_2316 = arith.constant 15 : i32
      %dma_wait3A_2317 = arith.constant 8 : i32
      %dma_wait3A_2318 = arith.constant 0 : i32
      %dma_wait3A_2319 = tpu.memref_slice %arg8[%dma_wait3A_2316, %dma_wait3A_2317, %dma_wait3A_2318] : memref<16x32x128xf32, #tpu.memory_space<vmem>> -> memref<1x8x128xf32, #tpu.memory_space<vmem>>
      %dma_wait3A_2320 = tpu.memref_squeeze %dma_wait3A_2319 : memref<1x8x128xf32, #tpu.memory_space<vmem>> -> memref<8x128xf32, #tpu.memory_space<vmem>>
      %dma_wait3A_2321 = tpu.memref_reshape %arg3 : memref<32x1000000xf32, #tpu.memory_space<hbm>> -> memref<4x8x1000000xf32, #tpu.memory_space<hbm>>
      %dma_wait3A_2322 = arith.constant 0 : i32
      %dma_wait3A_2323 = tpu.memref_slice %dma_wait3A_2321[%dma_wait3A_2315, %dma_wait3A_2322, %multiple_of3A_1145] : memref<4x8x1000000xf32, #tpu.memory_space<hbm>> -> memref<1x8x128xf32, #tpu.memory_space<hbm>>
      %dma_wait3A_2324 = tpu.memref_squeeze %dma_wait3A_2323 : memref<1x8x128xf32, #tpu.memory_space<hbm>> -> memref<8x128xf32, #tpu.memory_space<hbm>>
      %dma_wait3A_2325 = arith.constant 8 : i32
      %dma_wait3A_2326 = arith.constant 0 : i32
      %dma_wait3A_2327 = tpu.memref_slice %arg8[%dma_wait3A_2316, %dma_wait3A_2325, %dma_wait3A_2326] : memref<16x32x128xf32, #tpu.memory_space<vmem>> -> memref<1x8x128xf32, #tpu.memory_space<vmem>>
      %dma_wait3A_2328 = tpu.memref_squeeze %dma_wait3A_2327 : memref<1x8x128xf32, #tpu.memory_space<vmem>> -> memref<8x128xf32, #tpu.memory_space<vmem>>
      %dma_wait3A_2329 = tpu.memref_reshape %arg3 : memref<32x1000000xf32, #tpu.memory_space<hbm>> -> memref<4x8x1000000xf32, #tpu.memory_space<hbm>>
      %dma_wait3A_2330 = arith.constant 0 : i32
      %dma_wait3A_2331 = tpu.memref_slice %dma_wait3A_2329[%dma_wait3A_2315, %dma_wait3A_2330, %multiple_of3A_1145] : memref<4x8x1000000xf32, #tpu.memory_space<hbm>> -> memref<1x8x128xf32, #tpu.memory_space<hbm>>
      %dma_wait3A_2332 = tpu.memref_squeeze %dma_wait3A_2331 : memref<1x8x128xf32, #tpu.memory_space<hbm>> -> memref<8x128xf32, #tpu.memory_space<hbm>>
      tpu.wait_dma2 semaphore(%arg10 : memref<!tpu.dma_semaphore, #tpu.memory_space<semaphore_mem>>) src(%dma_wait3A_2332 : memref<8x128xf32, #tpu.memory_space<hbm>>) dst(%dma_wait3A_2328 : memref<8x128xf32, #tpu.memory_space<vmem>>)
      %dma_wait3A_2333 = arith.constant 2 : i32
      %dma_wait3A_2334 = arith.constant 15 : i32
      %dma_wait3A_2335 = arith.constant 16 : i32
      %dma_wait3A_2336 = arith.constant 0 : i32
      %dma_wait3A_2337 = tpu.memref_slice %arg8[%dma_wait3A_2334, %dma_wait3A_2335, %dma_wait3A_2336] : memref<16x32x128xf32, #tpu.memory_space<vmem>> -> memref<1x8x128xf32, #tpu.memory_space<vmem>>
      %dma_wait3A_2338 = tpu.memref_squeeze %dma_wait3A_2337 : memref<1x8x128xf32, #tpu.memory_space<vmem>> -> memref<8x128xf32, #tpu.memory_space<vmem>>
      %dma_wait3A_2339 = tpu.memref_reshape %arg3 : memref<32x1000000xf32, #tpu.memory_space<hbm>> -> memref<4x8x1000000xf32, #tpu.memory_space<hbm>>
      %dma_wait3A_2340 = arith.constant 0 : i32
      %dma_wait3A_2341 = tpu.memref_slice %dma_wait3A_2339[%dma_wait3A_2333, %dma_wait3A_2340, %multiple_of3A_1145] : memref<4x8x1000000xf32, #tpu.memory_space<hbm>> -> memref<1x8x128xf32, #tpu.memory_space<hbm>>
      %dma_wait3A_2342 = tpu.memref_squeeze %dma_wait3A_2341 : memref<1x8x128xf32, #tpu.memory_space<hbm>> -> memref<8x128xf32, #tpu.memory_space<hbm>>
      %dma_wait3A_2343 = arith.constant 16 : i32
      %dma_wait3A_2344 = arith.constant 0 : i32
      %dma_wait3A_2345 = tpu.memref_slice %arg8[%dma_wait3A_2334, %dma_wait3A_2343, %dma_wait3A_2344] : memref<16x32x128xf32, #tpu.memory_space<vmem>> -> memref<1x8x128xf32, #tpu.memory_space<vmem>>
      %dma_wait3A_2346 = tpu.memref_squeeze %dma_wait3A_2345 : memref<1x8x128xf32, #tpu.memory_space<vmem>> -> memref<8x128xf32, #tpu.memory_space<vmem>>
      %dma_wait3A_2347 = tpu.memref_reshape %arg3 : memref<32x1000000xf32, #tpu.memory_space<hbm>> -> memref<4x8x1000000xf32, #tpu.memory_space<hbm>>
      %dma_wait3A_2348 = arith.constant 0 : i32
      %dma_wait3A_2349 = tpu.memref_slice %dma_wait3A_2347[%dma_wait3A_2333, %dma_wait3A_2348, %multiple_of3A_1145] : memref<4x8x1000000xf32, #tpu.memory_space<hbm>> -> memref<1x8x128xf32, #tpu.memory_space<hbm>>
      %dma_wait3A_2350 = tpu.memref_squeeze %dma_wait3A_2349 : memref<1x8x128xf32, #tpu.memory_space<hbm>> -> memref<8x128xf32, #tpu.memory_space<hbm>>
      tpu.wait_dma2 semaphore(%arg10 : memref<!tpu.dma_semaphore, #tpu.memory_space<semaphore_mem>>) src(%dma_wait3A_2350 : memref<8x128xf32, #tpu.memory_space<hbm>>) dst(%dma_wait3A_2346 : memref<8x128xf32, #tpu.memory_space<vmem>>)
      %dma_wait3A_2351 = arith.constant 3 : i32
      %dma_wait3A_2352 = arith.constant 15 : i32
      %dma_wait3A_2353 = arith.constant 24 : i32
      %dma_wait3A_2354 = arith.constant 0 : i32
      %dma_wait3A_2355 = tpu.memref_slice %arg8[%dma_wait3A_2352, %dma_wait3A_2353, %dma_wait3A_2354] : memref<16x32x128xf32, #tpu.memory_space<vmem>> -> memref<1x8x128xf32, #tpu.memory_space<vmem>>
      %dma_wait3A_2356 = tpu.memref_squeeze %dma_wait3A_2355 : memref<1x8x128xf32, #tpu.memory_space<vmem>> -> memref<8x128xf32, #tpu.memory_space<vmem>>
      %dma_wait3A_2357 = tpu.memref_reshape %arg3 : memref<32x1000000xf32, #tpu.memory_space<hbm>> -> memref<4x8x1000000xf32, #tpu.memory_space<hbm>>
      %dma_wait3A_2358 = arith.constant 0 : i32
      %dma_wait3A_2359 = tpu.memref_slice %dma_wait3A_2357[%dma_wait3A_2351, %dma_wait3A_2358, %multiple_of3A_1145] : memref<4x8x1000000xf32, #tpu.memory_space<hbm>> -> memref<1x8x128xf32, #tpu.memory_space<hbm>>
      %dma_wait3A_2360 = tpu.memref_squeeze %dma_wait3A_2359 : memref<1x8x128xf32, #tpu.memory_space<hbm>> -> memref<8x128xf32, #tpu.memory_space<hbm>>
      %dma_wait3A_2361 = arith.constant 24 : i32
      %dma_wait3A_2362 = arith.constant 0 : i32
      %dma_wait3A_2363 = tpu.memref_slice %arg8[%dma_wait3A_2352, %dma_wait3A_2361, %dma_wait3A_2362] : memref<16x32x128xf32, #tpu.memory_space<vmem>> -> memref<1x8x128xf32, #tpu.memory_space<vmem>>
      %dma_wait3A_2364 = tpu.memref_squeeze %dma_wait3A_2363 : memref<1x8x128xf32, #tpu.memory_space<vmem>> -> memref<8x128xf32, #tpu.memory_space<vmem>>
      %dma_wait3A_2365 = tpu.memref_reshape %arg3 : memref<32x1000000xf32, #tpu.memory_space<hbm>> -> memref<4x8x1000000xf32, #tpu.memory_space<hbm>>
      %dma_wait3A_2366 = arith.constant 0 : i32
      %dma_wait3A_2367 = tpu.memref_slice %dma_wait3A_2365[%dma_wait3A_2351, %dma_wait3A_2366, %multiple_of3A_1145] : memref<4x8x1000000xf32, #tpu.memory_space<hbm>> -> memref<1x8x128xf32, #tpu.memory_space<hbm>>
      %dma_wait3A_2368 = tpu.memref_squeeze %dma_wait3A_2367 : memref<1x8x128xf32, #tpu.memory_space<hbm>> -> memref<8x128xf32, #tpu.memory_space<hbm>>
      tpu.wait_dma2 semaphore(%arg10 : memref<!tpu.dma_semaphore, #tpu.memory_space<semaphore_mem>>) src(%dma_wait3A_2368 : memref<8x128xf32, #tpu.memory_space<hbm>>) dst(%dma_wait3A_2364 : memref<8x128xf32, #tpu.memory_space<vmem>>)
      %mul3A_2369 = arith.constant 16 : i32
      %mul3A_2370 = arith.muli %scan3A_18, %mul3A_2369 : i32
      %get3A_2371 = arith.index_cast %mul3A_2370 : i32 to index
      %get3A_2372 = tpu.vector_load %arg6[%get3A_2371] {strides = array<i32>} : memref<512xi32, #tpu.memory_space<vmem>>, vector<16xi32>,
      %and3A = arith.constant 127 : i32
      %and3A_2373 = vector.broadcast %and3A : i32 to vector<16xi32>
      %and3A_2374 = arith.andi %get3A_2372, %and3A_2373 : vector<16xi32>
      %mul3A_2375 = arith.constant 16 : i32
      %mul3A_2376 = arith.muli %scan3A_18, %mul3A_2375 : i32
      %add3A_2377 = vector.broadcast %mul3A_2376 : i32 to vector<16xi32>
      %add3A_2378 = arith.addi %add3A_2377, %iota3A : vector<16xi32>
      %broadcast_in_dim3A = arith.constant 0 : i32
      %broadcast_in_dim3A_2379 = vector.broadcast %broadcast_in_dim3A : i32 to vector<16xi32>
      %gather3A = tpu.vector_load_idx %arg8[%iota3A, %broadcast_in_dim3A_2379, %and3A_2374] : memref<16x32x128xf32, #tpu.memory_space<vmem>>[vector<16xi32>, vector<16xi32>, vector<16xi32>], vector<16xf32>,
      %mul3A_2380 = arith.constant 32 : i32
      %mul3A_2381 = vector.broadcast %mul3A_2380 : i32 to vector<16xi32>
      %mul3A_2382 = arith.muli %add3A_2378, %mul3A_2381 : vector<16xi32>
      %add3A_2383 = arith.constant 0 : i32
      %add3A_2384 = vector.broadcast %add3A_2383 : i32 to vector<16xi32>
      %add3A_2385 = arith.addi %mul3A_2382, %add3A_2384 : vector<16xi32>
      %shift_right_arithmetic3A = arith.constant 7 : i32
      %shift_right_arithmetic3A_2386 = vector.broadcast %shift_right_arithmetic3A : i32 to vector<16xi32>
      %shift_right_arithmetic3A_2387 = arith.shrsi %add3A_2385, %shift_right_arithmetic3A_2386 : vector<16xi32>
      %and3A_2388 = arith.constant 127 : i32
      %and3A_2389 = vector.broadcast %and3A_2388 : i32 to vector<16xi32>
      %and3A_2390 = arith.andi %add3A_2385, %and3A_2389 : vector<16xi32>
      tpu.vector_store_idx %arg9[%shift_right_arithmetic3A_2387, %and3A_2390], %gather3A : memref<128x128xf32, #tpu.memory_space<vmem>>[vector<16xi32>, vector<16xi32>], vector<16xf32>,
      %broadcast_in_dim3A_2391 = arith.constant 1 : i32
      %broadcast_in_dim3A_2392 = vector.broadcast %broadcast_in_dim3A_2391 : i32 to vector<16xi32>
      %gather3A_2393 = tpu.vector_load_idx %arg8[%iota3A, %broadcast_in_dim3A_2392, %and3A_2374] : memref<16x32x128xf32, #tpu.memory_space<vmem>>[vector<16xi32>, vector<16xi32>, vector<16xi32>], vector<16xf32>,
      %mul3A_2394 = arith.constant 32 : i32
      %mul3A_2395 = vector.broadcast %mul3A_2394 : i32 to vector<16xi32>
      %mul3A_2396 = arith.muli %add3A_2378, %mul3A_2395 : vector<16xi32>
      %add3A_2397 = arith.constant 1 : i32
      %add3A_2398 = vector.broadcast %add3A_2397 : i32 to vector<16xi32>
      %add3A_2399 = arith.addi %mul3A_2396, %add3A_2398 : vector<16xi32>
      %shift_right_arithmetic3A_2400 = arith.constant 7 : i32
      %shift_right_arithmetic3A_2401 = vector.broadcast %shift_right_arithmetic3A_2400 : i32 to vector<16xi32>
      %shift_right_arithmetic3A_2402 = arith.shrsi %add3A_2399, %shift_right_arithmetic3A_2401 : vector<16xi32>
      %and3A_2403 = arith.constant 127 : i32
      %and3A_2404 = vector.broadcast %and3A_2403 : i32 to vector<16xi32>
      %and3A_2405 = arith.andi %add3A_2399, %and3A_2404 : vector<16xi32>
      tpu.vector_store_idx %arg9[%shift_right_arithmetic3A_2402, %and3A_2405], %gather3A_2393 : memref<128x128xf32, #tpu.memory_space<vmem>>[vector<16xi32>, vector<16xi32>], vector<16xf32>,
      %broadcast_in_dim3A_2406 = arith.constant 2 : i32
      %broadcast_in_dim3A_2407 = vector.broadcast %broadcast_in_dim3A_2406 : i32 to vector<16xi32>
      %gather3A_2408 = tpu.vector_load_idx %arg8[%iota3A, %broadcast_in_dim3A_2407, %and3A_2374] : memref<16x32x128xf32, #tpu.memory_space<vmem>>[vector<16xi32>, vector<16xi32>, vector<16xi32>], vector<16xf32>,
      %mul3A_2409 = arith.constant 32 : i32
      %mul3A_2410 = vector.broadcast %mul3A_2409 : i32 to vector<16xi32>
      %mul3A_2411 = arith.muli %add3A_2378, %mul3A_2410 : vector<16xi32>
      %add3A_2412 = arith.constant 2 : i32
      %add3A_2413 = vector.broadcast %add3A_2412 : i32 to vector<16xi32>
      %add3A_2414 = arith.addi %mul3A_2411, %add3A_2413 : vector<16xi32>
      %shift_right_arithmetic3A_2415 = arith.constant 7 : i32
      %shift_right_arithmetic3A_2416 = vector.broadcast %shift_right_arithmetic3A_2415 : i32 to vector<16xi32>
      %shift_right_arithmetic3A_2417 = arith.shrsi %add3A_2414, %shift_right_arithmetic3A_2416 : vector<16xi32>
      %and3A_2418 = arith.constant 127 : i32
      %and3A_2419 = vector.broadcast %and3A_2418 : i32 to vector<16xi32>
      %and3A_2420 = arith.andi %add3A_2414, %and3A_2419 : vector<16xi32>
      tpu.vector_store_idx %arg9[%shift_right_arithmetic3A_2417, %and3A_2420], %gather3A_2408 : memref<128x128xf32, #tpu.memory_space<vmem>>[vector<16xi32>, vector<16xi32>], vector<16xf32>,
      %broadcast_in_dim3A_2421 = arith.constant 3 : i32
      %broadcast_in_dim3A_2422 = vector.broadcast %broadcast_in_dim3A_2421 : i32 to vector<16xi32>
      %gather3A_2423 = tpu.vector_load_idx %arg8[%iota3A, %broadcast_in_dim3A_2422, %and3A_2374] : memref<16x32x128xf32, #tpu.memory_space<vmem>>[vector<16xi32>, vector<16xi32>, vector<16xi32>], vector<16xf32>,
      %mul3A_2424 = arith.constant 32 : i32
      %mul3A_2425 = vector.broadcast %mul3A_2424 : i32 to vector<16xi32>
      %mul3A_2426 = arith.muli %add3A_2378, %mul3A_2425 : vector<16xi32>
      %add3A_2427 = arith.constant 3 : i32
      %add3A_2428 = vector.broadcast %add3A_2427 : i32 to vector<16xi32>
      %add3A_2429 = arith.addi %mul3A_2426, %add3A_2428 : vector<16xi32>
      %shift_right_arithmetic3A_2430 = arith.constant 7 : i32
      %shift_right_arithmetic3A_2431 = vector.broadcast %shift_right_arithmetic3A_2430 : i32 to vector<16xi32>
      %shift_right_arithmetic3A_2432 = arith.shrsi %add3A_2429, %shift_right_arithmetic3A_2431 : vector<16xi32>
      %and3A_2433 = arith.constant 127 : i32
      %and3A_2434 = vector.broadcast %and3A_2433 : i32 to vector<16xi32>
      %and3A_2435 = arith.andi %add3A_2429, %and3A_2434 : vector<16xi32>
      tpu.vector_store_idx %arg9[%shift_right_arithmetic3A_2432, %and3A_2435], %gather3A_2423 : memref<128x128xf32, #tpu.memory_space<vmem>>[vector<16xi32>, vector<16xi32>], vector<16xf32>,
      %broadcast_in_dim3A_2436 = arith.constant 4 : i32
      %broadcast_in_dim3A_2437 = vector.broadcast %broadcast_in_dim3A_2436 : i32 to vector<16xi32>
      %gather3A_2438 = tpu.vector_load_idx %arg8[%iota3A, %broadcast_in_dim3A_2437, %and3A_2374] : memref<16x32x128xf32, #tpu.memory_space<vmem>>[vector<16xi32>, vector<16xi32>, vector<16xi32>], vector<16xf32>,
      %mul3A_2439 = arith.constant 32 : i32
      %mul3A_2440 = vector.broadcast %mul3A_2439 : i32 to vector<16xi32>
      %mul3A_2441 = arith.muli %add3A_2378, %mul3A_2440 : vector<16xi32>
      %add3A_2442 = arith.constant 4 : i32
      %add3A_2443 = vector.broadcast %add3A_2442 : i32 to vector<16xi32>
      %add3A_2444 = arith.addi %mul3A_2441, %add3A_2443 : vector<16xi32>
      %shift_right_arithmetic3A_2445 = arith.constant 7 : i32
      %shift_right_arithmetic3A_2446 = vector.broadcast %shift_right_arithmetic3A_2445 : i32 to vector<16xi32>
      %shift_right_arithmetic3A_2447 = arith.shrsi %add3A_2444, %shift_right_arithmetic3A_2446 : vector<16xi32>
      %and3A_2448 = arith.constant 127 : i32
      %and3A_2449 = vector.broadcast %and3A_2448 : i32 to vector<16xi32>
      %and3A_2450 = arith.andi %add3A_2444, %and3A_2449 : vector<16xi32>
      tpu.vector_store_idx %arg9[%shift_right_arithmetic3A_2447, %and3A_2450], %gather3A_2438 : memref<128x128xf32, #tpu.memory_space<vmem>>[vector<16xi32>, vector<16xi32>], vector<16xf32>,
      %broadcast_in_dim3A_2451 = arith.constant 5 : i32
      %broadcast_in_dim3A_2452 = vector.broadcast %broadcast_in_dim3A_2451 : i32 to vector<16xi32>
      %gather3A_2453 = tpu.vector_load_idx %arg8[%iota3A, %broadcast_in_dim3A_2452, %and3A_2374] : memref<16x32x128xf32, #tpu.memory_space<vmem>>[vector<16xi32>, vector<16xi32>, vector<16xi32>], vector<16xf32>,
      %mul3A_2454 = arith.constant 32 : i32
      %mul3A_2455 = vector.broadcast %mul3A_2454 : i32 to vector<16xi32>
      %mul3A_2456 = arith.muli %add3A_2378, %mul3A_2455 : vector<16xi32>
      %add3A_2457 = arith.constant 5 : i32
      %add3A_2458 = vector.broadcast %add3A_2457 : i32 to vector<16xi32>
      %add3A_2459 = arith.addi %mul3A_2456, %add3A_2458 : vector<16xi32>
      %shift_right_arithmetic3A_2460 = arith.constant 7 : i32
      %shift_right_arithmetic3A_2461 = vector.broadcast %shift_right_arithmetic3A_2460 : i32 to vector<16xi32>
      %shift_right_arithmetic3A_2462 = arith.shrsi %add3A_2459, %shift_right_arithmetic3A_2461 : vector<16xi32>
      %and3A_2463 = arith.constant 127 : i32
      %and3A_2464 = vector.broadcast %and3A_2463 : i32 to vector<16xi32>
      %and3A_2465 = arith.andi %add3A_2459, %and3A_2464 : vector<16xi32>
      tpu.vector_store_idx %arg9[%shift_right_arithmetic3A_2462, %and3A_2465], %gather3A_2453 : memref<128x128xf32, #tpu.memory_space<vmem>>[vector<16xi32>, vector<16xi32>], vector<16xf32>,
      %broadcast_in_dim3A_2466 = arith.constant 6 : i32
      %broadcast_in_dim3A_2467 = vector.broadcast %broadcast_in_dim3A_2466 : i32 to vector<16xi32>
      %gather3A_2468 = tpu.vector_load_idx %arg8[%iota3A, %broadcast_in_dim3A_2467, %and3A_2374] : memref<16x32x128xf32, #tpu.memory_space<vmem>>[vector<16xi32>, vector<16xi32>, vector<16xi32>], vector<16xf32>,
      %mul3A_2469 = arith.constant 32 : i32
      %mul3A_2470 = vector.broadcast %mul3A_2469 : i32 to vector<16xi32>
      %mul3A_2471 = arith.muli %add3A_2378, %mul3A_2470 : vector<16xi32>
      %add3A_2472 = arith.constant 6 : i32
      %add3A_2473 = vector.broadcast %add3A_2472 : i32 to vector<16xi32>
      %add3A_2474 = arith.addi %mul3A_2471, %add3A_2473 : vector<16xi32>
      %shift_right_arithmetic3A_2475 = arith.constant 7 : i32
      %shift_right_arithmetic3A_2476 = vector.broadcast %shift_right_arithmetic3A_2475 : i32 to vector<16xi32>
      %shift_right_arithmetic3A_2477 = arith.shrsi %add3A_2474, %shift_right_arithmetic3A_2476 : vector<16xi32>
      %and3A_2478 = arith.constant 127 : i32
      %and3A_2479 = vector.broadcast %and3A_2478 : i32 to vector<16xi32>
      %and3A_2480 = arith.andi %add3A_2474, %and3A_2479 : vector<16xi32>
      tpu.vector_store_idx %arg9[%shift_right_arithmetic3A_2477, %and3A_2480], %gather3A_2468 : memref<128x128xf32, #tpu.memory_space<vmem>>[vector<16xi32>, vector<16xi32>], vector<16xf32>,
      %broadcast_in_dim3A_2481 = arith.constant 7 : i32
      %broadcast_in_dim3A_2482 = vector.broadcast %broadcast_in_dim3A_2481 : i32 to vector<16xi32>
      %gather3A_2483 = tpu.vector_load_idx %arg8[%iota3A, %broadcast_in_dim3A_2482, %and3A_2374] : memref<16x32x128xf32, #tpu.memory_space<vmem>>[vector<16xi32>, vector<16xi32>, vector<16xi32>], vector<16xf32>,
      %mul3A_2484 = arith.constant 32 : i32
      %mul3A_2485 = vector.broadcast %mul3A_2484 : i32 to vector<16xi32>
      %mul3A_2486 = arith.muli %add3A_2378, %mul3A_2485 : vector<16xi32>
      %add3A_2487 = arith.constant 7 : i32
      %add3A_2488 = vector.broadcast %add3A_2487 : i32 to vector<16xi32>
      %add3A_2489 = arith.addi %mul3A_2486, %add3A_2488 : vector<16xi32>
      %shift_right_arithmetic3A_2490 = arith.constant 7 : i32
      %shift_right_arithmetic3A_2491 = vector.broadcast %shift_right_arithmetic3A_2490 : i32 to vector<16xi32>
      %shift_right_arithmetic3A_2492 = arith.shrsi %add3A_2489, %shift_right_arithmetic3A_2491 : vector<16xi32>
      %and3A_2493 = arith.constant 127 : i32
      %and3A_2494 = vector.broadcast %and3A_2493 : i32 to vector<16xi32>
      %and3A_2495 = arith.andi %add3A_2489, %and3A_2494 : vector<16xi32>
      tpu.vector_store_idx %arg9[%shift_right_arithmetic3A_2492, %and3A_2495], %gather3A_2483 : memref<128x128xf32, #tpu.memory_space<vmem>>[vector<16xi32>, vector<16xi32>], vector<16xf32>,
      %broadcast_in_dim3A_2496 = arith.constant 8 : i32
      %broadcast_in_dim3A_2497 = vector.broadcast %broadcast_in_dim3A_2496 : i32 to vector<16xi32>
      %gather3A_2498 = tpu.vector_load_idx %arg8[%iota3A, %broadcast_in_dim3A_2497, %and3A_2374] : memref<16x32x128xf32, #tpu.memory_space<vmem>>[vector<16xi32>, vector<16xi32>, vector<16xi32>], vector<16xf32>,
      %mul3A_2499 = arith.constant 32 : i32
      %mul3A_2500 = vector.broadcast %mul3A_2499 : i32 to vector<16xi32>
      %mul3A_2501 = arith.muli %add3A_2378, %mul3A_2500 : vector<16xi32>
      %add3A_2502 = arith.constant 8 : i32
      %add3A_2503 = vector.broadcast %add3A_2502 : i32 to vector<16xi32>
      %add3A_2504 = arith.addi %mul3A_2501, %add3A_2503 : vector<16xi32>
      %shift_right_arithmetic3A_2505 = arith.constant 7 : i32
      %shift_right_arithmetic3A_2506 = vector.broadcast %shift_right_arithmetic3A_2505 : i32 to vector<16xi32>
      %shift_right_arithmetic3A_2507 = arith.shrsi %add3A_2504, %shift_right_arithmetic3A_2506 : vector<16xi32>
      %and3A_2508 = arith.constant 127 : i32
      %and3A_2509 = vector.broadcast %and3A_2508 : i32 to vector<16xi32>
      %and3A_2510 = arith.andi %add3A_2504, %and3A_2509 : vector<16xi32>
      tpu.vector_store_idx %arg9[%shift_right_arithmetic3A_2507, %and3A_2510], %gather3A_2498 : memref<128x128xf32, #tpu.memory_space<vmem>>[vector<16xi32>, vector<16xi32>], vector<16xf32>,
      %broadcast_in_dim3A_2511 = arith.constant 9 : i32
      %broadcast_in_dim3A_2512 = vector.broadcast %broadcast_in_dim3A_2511 : i32 to vector<16xi32>
      %gather3A_2513 = tpu.vector_load_idx %arg8[%iota3A, %broadcast_in_dim3A_2512, %and3A_2374] : memref<16x32x128xf32, #tpu.memory_space<vmem>>[vector<16xi32>, vector<16xi32>, vector<16xi32>], vector<16xf32>,
      %mul3A_2514 = arith.constant 32 : i32
      %mul3A_2515 = vector.broadcast %mul3A_2514 : i32 to vector<16xi32>
      %mul3A_2516 = arith.muli %add3A_2378, %mul3A_2515 : vector<16xi32>
      %add3A_2517 = arith.constant 9 : i32
      %add3A_2518 = vector.broadcast %add3A_2517 : i32 to vector<16xi32>
      %add3A_2519 = arith.addi %mul3A_2516, %add3A_2518 : vector<16xi32>
      %shift_right_arithmetic3A_2520 = arith.constant 7 : i32
      %shift_right_arithmetic3A_2521 = vector.broadcast %shift_right_arithmetic3A_2520 : i32 to vector<16xi32>
      %shift_right_arithmetic3A_2522 = arith.shrsi %add3A_2519, %shift_right_arithmetic3A_2521 : vector<16xi32>
      %and3A_2523 = arith.constant 127 : i32
      %and3A_2524 = vector.broadcast %and3A_2523 : i32 to vector<16xi32>
      %and3A_2525 = arith.andi %add3A_2519, %and3A_2524 : vector<16xi32>
      tpu.vector_store_idx %arg9[%shift_right_arithmetic3A_2522, %and3A_2525], %gather3A_2513 : memref<128x128xf32, #tpu.memory_space<vmem>>[vector<16xi32>, vector<16xi32>], vector<16xf32>,
      %broadcast_in_dim3A_2526 = arith.constant 10 : i32
      %broadcast_in_dim3A_2527 = vector.broadcast %broadcast_in_dim3A_2526 : i32 to vector<16xi32>
      %gather3A_2528 = tpu.vector_load_idx %arg8[%iota3A, %broadcast_in_dim3A_2527, %and3A_2374] : memref<16x32x128xf32, #tpu.memory_space<vmem>>[vector<16xi32>, vector<16xi32>, vector<16xi32>], vector<16xf32>,
      %mul3A_2529 = arith.constant 32 : i32
      %mul3A_2530 = vector.broadcast %mul3A_2529 : i32 to vector<16xi32>
      %mul3A_2531 = arith.muli %add3A_2378, %mul3A_2530 : vector<16xi32>
      %add3A_2532 = arith.constant 10 : i32
      %add3A_2533 = vector.broadcast %add3A_2532 : i32 to vector<16xi32>
      %add3A_2534 = arith.addi %mul3A_2531, %add3A_2533 : vector<16xi32>
      %shift_right_arithmetic3A_2535 = arith.constant 7 : i32
      %shift_right_arithmetic3A_2536 = vector.broadcast %shift_right_arithmetic3A_2535 : i32 to vector<16xi32>
      %shift_right_arithmetic3A_2537 = arith.shrsi %add3A_2534, %shift_right_arithmetic3A_2536 : vector<16xi32>
      %and3A_2538 = arith.constant 127 : i32
      %and3A_2539 = vector.broadcast %and3A_2538 : i32 to vector<16xi32>
      %and3A_2540 = arith.andi %add3A_2534, %and3A_2539 : vector<16xi32>
      tpu.vector_store_idx %arg9[%shift_right_arithmetic3A_2537, %and3A_2540], %gather3A_2528 : memref<128x128xf32, #tpu.memory_space<vmem>>[vector<16xi32>, vector<16xi32>], vector<16xf32>,
      %broadcast_in_dim3A_2541 = arith.constant 11 : i32
      %broadcast_in_dim3A_2542 = vector.broadcast %broadcast_in_dim3A_2541 : i32 to vector<16xi32>
      %gather3A_2543 = tpu.vector_load_idx %arg8[%iota3A, %broadcast_in_dim3A_2542, %and3A_2374] : memref<16x32x128xf32, #tpu.memory_space<vmem>>[vector<16xi32>, vector<16xi32>, vector<16xi32>], vector<16xf32>,
      %mul3A_2544 = arith.constant 32 : i32
      %mul3A_2545 = vector.broadcast %mul3A_2544 : i32 to vector<16xi32>
      %mul3A_2546 = arith.muli %add3A_2378, %mul3A_2545 : vector<16xi32>
      %add3A_2547 = arith.constant 11 : i32
      %add3A_2548 = vector.broadcast %add3A_2547 : i32 to vector<16xi32>
      %add3A_2549 = arith.addi %mul3A_2546, %add3A_2548 : vector<16xi32>
      %shift_right_arithmetic3A_2550 = arith.constant 7 : i32
      %shift_right_arithmetic3A_2551 = vector.broadcast %shift_right_arithmetic3A_2550 : i32 to vector<16xi32>
      %shift_right_arithmetic3A_2552 = arith.shrsi %add3A_2549, %shift_right_arithmetic3A_2551 : vector<16xi32>
      %and3A_2553 = arith.constant 127 : i32
      %and3A_2554 = vector.broadcast %and3A_2553 : i32 to vector<16xi32>
      %and3A_2555 = arith.andi %add3A_2549, %and3A_2554 : vector<16xi32>
      tpu.vector_store_idx %arg9[%shift_right_arithmetic3A_2552, %and3A_2555], %gather3A_2543 : memref<128x128xf32, #tpu.memory_space<vmem>>[vector<16xi32>, vector<16xi32>], vector<16xf32>,
      %broadcast_in_dim3A_2556 = arith.constant 12 : i32
      %broadcast_in_dim3A_2557 = vector.broadcast %broadcast_in_dim3A_2556 : i32 to vector<16xi32>
      %gather3A_2558 = tpu.vector_load_idx %arg8[%iota3A, %broadcast_in_dim3A_2557, %and3A_2374] : memref<16x32x128xf32, #tpu.memory_space<vmem>>[vector<16xi32>, vector<16xi32>, vector<16xi32>], vector<16xf32>,
      %mul3A_2559 = arith.constant 32 : i32
      %mul3A_2560 = vector.broadcast %mul3A_2559 : i32 to vector<16xi32>
      %mul3A_2561 = arith.muli %add3A_2378, %mul3A_2560 : vector<16xi32>
      %add3A_2562 = arith.constant 12 : i32
      %add3A_2563 = vector.broadcast %add3A_2562 : i32 to vector<16xi32>
      %add3A_2564 = arith.addi %mul3A_2561, %add3A_2563 : vector<16xi32>
      %shift_right_arithmetic3A_2565 = arith.constant 7 : i32
      %shift_right_arithmetic3A_2566 = vector.broadcast %shift_right_arithmetic3A_2565 : i32 to vector<16xi32>
      %shift_right_arithmetic3A_2567 = arith.shrsi %add3A_2564, %shift_right_arithmetic3A_2566 : vector<16xi32>
      %and3A_2568 = arith.constant 127 : i32
      %and3A_2569 = vector.broadcast %and3A_2568 : i32 to vector<16xi32>
      %and3A_2570 = arith.andi %add3A_2564, %and3A_2569 : vector<16xi32>
      tpu.vector_store_idx %arg9[%shift_right_arithmetic3A_2567, %and3A_2570], %gather3A_2558 : memref<128x128xf32, #tpu.memory_space<vmem>>[vector<16xi32>, vector<16xi32>], vector<16xf32>,
      %broadcast_in_dim3A_2571 = arith.constant 13 : i32
      %broadcast_in_dim3A_2572 = vector.broadcast %broadcast_in_dim3A_2571 : i32 to vector<16xi32>
      %gather3A_2573 = tpu.vector_load_idx %arg8[%iota3A, %broadcast_in_dim3A_2572, %and3A_2374] : memref<16x32x128xf32, #tpu.memory_space<vmem>>[vector<16xi32>, vector<16xi32>, vector<16xi32>], vector<16xf32>,
      %mul3A_2574 = arith.constant 32 : i32
      %mul3A_2575 = vector.broadcast %mul3A_2574 : i32 to vector<16xi32>
      %mul3A_2576 = arith.muli %add3A_2378, %mul3A_2575 : vector<16xi32>
      %add3A_2577 = arith.constant 13 : i32
      %add3A_2578 = vector.broadcast %add3A_2577 : i32 to vector<16xi32>
      %add3A_2579 = arith.addi %mul3A_2576, %add3A_2578 : vector<16xi32>
      %shift_right_arithmetic3A_2580 = arith.constant 7 : i32
      %shift_right_arithmetic3A_2581 = vector.broadcast %shift_right_arithmetic3A_2580 : i32 to vector<16xi32>
      %shift_right_arithmetic3A_2582 = arith.shrsi %add3A_2579, %shift_right_arithmetic3A_2581 : vector<16xi32>
      %and3A_2583 = arith.constant 127 : i32
      %and3A_2584 = vector.broadcast %and3A_2583 : i32 to vector<16xi32>
      %and3A_2585 = arith.andi %add3A_2579, %and3A_2584 : vector<16xi32>
      tpu.vector_store_idx %arg9[%shift_right_arithmetic3A_2582, %and3A_2585], %gather3A_2573 : memref<128x128xf32, #tpu.memory_space<vmem>>[vector<16xi32>, vector<16xi32>], vector<16xf32>,
      %broadcast_in_dim3A_2586 = arith.constant 14 : i32
      %broadcast_in_dim3A_2587 = vector.broadcast %broadcast_in_dim3A_2586 : i32 to vector<16xi32>
      %gather3A_2588 = tpu.vector_load_idx %arg8[%iota3A, %broadcast_in_dim3A_2587, %and3A_2374] : memref<16x32x128xf32, #tpu.memory_space<vmem>>[vector<16xi32>, vector<16xi32>, vector<16xi32>], vector<16xf32>,
      %mul3A_2589 = arith.constant 32 : i32
      %mul3A_2590 = vector.broadcast %mul3A_2589 : i32 to vector<16xi32>
      %mul3A_2591 = arith.muli %add3A_2378, %mul3A_2590 : vector<16xi32>
      %add3A_2592 = arith.constant 14 : i32
      %add3A_2593 = vector.broadcast %add3A_2592 : i32 to vector<16xi32>
      %add3A_2594 = arith.addi %mul3A_2591, %add3A_2593 : vector<16xi32>
      %shift_right_arithmetic3A_2595 = arith.constant 7 : i32
      %shift_right_arithmetic3A_2596 = vector.broadcast %shift_right_arithmetic3A_2595 : i32 to vector<16xi32>
      %shift_right_arithmetic3A_2597 = arith.shrsi %add3A_2594, %shift_right_arithmetic3A_2596 : vector<16xi32>
      %and3A_2598 = arith.constant 127 : i32
      %and3A_2599 = vector.broadcast %and3A_2598 : i32 to vector<16xi32>
      %and3A_2600 = arith.andi %add3A_2594, %and3A_2599 : vector<16xi32>
      tpu.vector_store_idx %arg9[%shift_right_arithmetic3A_2597, %and3A_2600], %gather3A_2588 : memref<128x128xf32, #tpu.memory_space<vmem>>[vector<16xi32>, vector<16xi32>], vector<16xf32>,
      %broadcast_in_dim3A_2601 = arith.constant 15 : i32
      %broadcast_in_dim3A_2602 = vector.broadcast %broadcast_in_dim3A_2601 : i32 to vector<16xi32>
      %gather3A_2603 = tpu.vector_load_idx %arg8[%iota3A, %broadcast_in_dim3A_2602, %and3A_2374] : memref<16x32x128xf32, #tpu.memory_space<vmem>>[vector<16xi32>, vector<16xi32>, vector<16xi32>], vector<16xf32>,
      %mul3A_2604 = arith.constant 32 : i32
      %mul3A_2605 = vector.broadcast %mul3A_2604 : i32 to vector<16xi32>
      %mul3A_2606 = arith.muli %add3A_2378, %mul3A_2605 : vector<16xi32>
      %add3A_2607 = arith.constant 15 : i32
      %add3A_2608 = vector.broadcast %add3A_2607 : i32 to vector<16xi32>
      %add3A_2609 = arith.addi %mul3A_2606, %add3A_2608 : vector<16xi32>
      %shift_right_arithmetic3A_2610 = arith.constant 7 : i32
      %shift_right_arithmetic3A_2611 = vector.broadcast %shift_right_arithmetic3A_2610 : i32 to vector<16xi32>
      %shift_right_arithmetic3A_2612 = arith.shrsi %add3A_2609, %shift_right_arithmetic3A_2611 : vector<16xi32>
      %and3A_2613 = arith.constant 127 : i32
      %and3A_2614 = vector.broadcast %and3A_2613 : i32 to vector<16xi32>
      %and3A_2615 = arith.andi %add3A_2609, %and3A_2614 : vector<16xi32>
      tpu.vector_store_idx %arg9[%shift_right_arithmetic3A_2612, %and3A_2615], %gather3A_2603 : memref<128x128xf32, #tpu.memory_space<vmem>>[vector<16xi32>, vector<16xi32>], vector<16xf32>,
      %broadcast_in_dim3A_2616 = arith.constant 16 : i32
      %broadcast_in_dim3A_2617 = vector.broadcast %broadcast_in_dim3A_2616 : i32 to vector<16xi32>
      %gather3A_2618 = tpu.vector_load_idx %arg8[%iota3A, %broadcast_in_dim3A_2617, %and3A_2374] : memref<16x32x128xf32, #tpu.memory_space<vmem>>[vector<16xi32>, vector<16xi32>, vector<16xi32>], vector<16xf32>,
      %mul3A_2619 = arith.constant 32 : i32
      %mul3A_2620 = vector.broadcast %mul3A_2619 : i32 to vector<16xi32>
      %mul3A_2621 = arith.muli %add3A_2378, %mul3A_2620 : vector<16xi32>
      %add3A_2622 = arith.constant 16 : i32
      %add3A_2623 = vector.broadcast %add3A_2622 : i32 to vector<16xi32>
      %add3A_2624 = arith.addi %mul3A_2621, %add3A_2623 : vector<16xi32>
      %shift_right_arithmetic3A_2625 = arith.constant 7 : i32
      %shift_right_arithmetic3A_2626 = vector.broadcast %shift_right_arithmetic3A_2625 : i32 to vector<16xi32>
      %shift_right_arithmetic3A_2627 = arith.shrsi %add3A_2624, %shift_right_arithmetic3A_2626 : vector<16xi32>
      %and3A_2628 = arith.constant 127 : i32
      %and3A_2629 = vector.broadcast %and3A_2628 : i32 to vector<16xi32>
      %and3A_2630 = arith.andi %add3A_2624, %and3A_2629 : vector<16xi32>
      tpu.vector_store_idx %arg9[%shift_right_arithmetic3A_2627, %and3A_2630], %gather3A_2618 : memref<128x128xf32, #tpu.memory_space<vmem>>[vector<16xi32>, vector<16xi32>], vector<16xf32>,
      %broadcast_in_dim3A_2631 = arith.constant 17 : i32
      %broadcast_in_dim3A_2632 = vector.broadcast %broadcast_in_dim3A_2631 : i32 to vector<16xi32>
      %gather3A_2633 = tpu.vector_load_idx %arg8[%iota3A, %broadcast_in_dim3A_2632, %and3A_2374] : memref<16x32x128xf32, #tpu.memory_space<vmem>>[vector<16xi32>, vector<16xi32>, vector<16xi32>], vector<16xf32>,
      %mul3A_2634 = arith.constant 32 : i32
      %mul3A_2635 = vector.broadcast %mul3A_2634 : i32 to vector<16xi32>
      %mul3A_2636 = arith.muli %add3A_2378, %mul3A_2635 : vector<16xi32>
      %add3A_2637 = arith.constant 17 : i32
      %add3A_2638 = vector.broadcast %add3A_2637 : i32 to vector<16xi32>
      %add3A_2639 = arith.addi %mul3A_2636, %add3A_2638 : vector<16xi32>
      %shift_right_arithmetic3A_2640 = arith.constant 7 : i32
      %shift_right_arithmetic3A_2641 = vector.broadcast %shift_right_arithmetic3A_2640 : i32 to vector<16xi32>
      %shift_right_arithmetic3A_2642 = arith.shrsi %add3A_2639, %shift_right_arithmetic3A_2641 : vector<16xi32>
      %and3A_2643 = arith.constant 127 : i32
      %and3A_2644 = vector.broadcast %and3A_2643 : i32 to vector<16xi32>
      %and3A_2645 = arith.andi %add3A_2639, %and3A_2644 : vector<16xi32>
      tpu.vector_store_idx %arg9[%shift_right_arithmetic3A_2642, %and3A_2645], %gather3A_2633 : memref<128x128xf32, #tpu.memory_space<vmem>>[vector<16xi32>, vector<16xi32>], vector<16xf32>,
      %broadcast_in_dim3A_2646 = arith.constant 18 : i32
      %broadcast_in_dim3A_2647 = vector.broadcast %broadcast_in_dim3A_2646 : i32 to vector<16xi32>
      %gather3A_2648 = tpu.vector_load_idx %arg8[%iota3A, %broadcast_in_dim3A_2647, %and3A_2374] : memref<16x32x128xf32, #tpu.memory_space<vmem>>[vector<16xi32>, vector<16xi32>, vector<16xi32>], vector<16xf32>,
      %mul3A_2649 = arith.constant 32 : i32
      %mul3A_2650 = vector.broadcast %mul3A_2649 : i32 to vector<16xi32>
      %mul3A_2651 = arith.muli %add3A_2378, %mul3A_2650 : vector<16xi32>
      %add3A_2652 = arith.constant 18 : i32
      %add3A_2653 = vector.broadcast %add3A_2652 : i32 to vector<16xi32>
      %add3A_2654 = arith.addi %mul3A_2651, %add3A_2653 : vector<16xi32>
      %shift_right_arithmetic3A_2655 = arith.constant 7 : i32
      %shift_right_arithmetic3A_2656 = vector.broadcast %shift_right_arithmetic3A_2655 : i32 to vector<16xi32>
      %shift_right_arithmetic3A_2657 = arith.shrsi %add3A_2654, %shift_right_arithmetic3A_2656 : vector<16xi32>
      %and3A_2658 = arith.constant 127 : i32
      %and3A_2659 = vector.broadcast %and3A_2658 : i32 to vector<16xi32>
      %and3A_2660 = arith.andi %add3A_2654, %and3A_2659 : vector<16xi32>
      tpu.vector_store_idx %arg9[%shift_right_arithmetic3A_2657, %and3A_2660], %gather3A_2648 : memref<128x128xf32, #tpu.memory_space<vmem>>[vector<16xi32>, vector<16xi32>], vector<16xf32>,
      %broadcast_in_dim3A_2661 = arith.constant 19 : i32
      %broadcast_in_dim3A_2662 = vector.broadcast %broadcast_in_dim3A_2661 : i32 to vector<16xi32>
      %gather3A_2663 = tpu.vector_load_idx %arg8[%iota3A, %broadcast_in_dim3A_2662, %and3A_2374] : memref<16x32x128xf32, #tpu.memory_space<vmem>>[vector<16xi32>, vector<16xi32>, vector<16xi32>], vector<16xf32>,
      %mul3A_2664 = arith.constant 32 : i32
      %mul3A_2665 = vector.broadcast %mul3A_2664 : i32 to vector<16xi32>
      %mul3A_2666 = arith.muli %add3A_2378, %mul3A_2665 : vector<16xi32>
      %add3A_2667 = arith.constant 19 : i32
      %add3A_2668 = vector.broadcast %add3A_2667 : i32 to vector<16xi32>
      %add3A_2669 = arith.addi %mul3A_2666, %add3A_2668 : vector<16xi32>
      %shift_right_arithmetic3A_2670 = arith.constant 7 : i32
      %shift_right_arithmetic3A_2671 = vector.broadcast %shift_right_arithmetic3A_2670 : i32 to vector<16xi32>
      %shift_right_arithmetic3A_2672 = arith.shrsi %add3A_2669, %shift_right_arithmetic3A_2671 : vector<16xi32>
      %and3A_2673 = arith.constant 127 : i32
      %and3A_2674 = vector.broadcast %and3A_2673 : i32 to vector<16xi32>
      %and3A_2675 = arith.andi %add3A_2669, %and3A_2674 : vector<16xi32>
      tpu.vector_store_idx %arg9[%shift_right_arithmetic3A_2672, %and3A_2675], %gather3A_2663 : memref<128x128xf32, #tpu.memory_space<vmem>>[vector<16xi32>, vector<16xi32>], vector<16xf32>,
      %broadcast_in_dim3A_2676 = arith.constant 20 : i32
      %broadcast_in_dim3A_2677 = vector.broadcast %broadcast_in_dim3A_2676 : i32 to vector<16xi32>
      %gather3A_2678 = tpu.vector_load_idx %arg8[%iota3A, %broadcast_in_dim3A_2677, %and3A_2374] : memref<16x32x128xf32, #tpu.memory_space<vmem>>[vector<16xi32>, vector<16xi32>, vector<16xi32>], vector<16xf32>,
      %mul3A_2679 = arith.constant 32 : i32
      %mul3A_2680 = vector.broadcast %mul3A_2679 : i32 to vector<16xi32>
      %mul3A_2681 = arith.muli %add3A_2378, %mul3A_2680 : vector<16xi32>
      %add3A_2682 = arith.constant 20 : i32
      %add3A_2683 = vector.broadcast %add3A_2682 : i32 to vector<16xi32>
      %add3A_2684 = arith.addi %mul3A_2681, %add3A_2683 : vector<16xi32>
      %shift_right_arithmetic3A_2685 = arith.constant 7 : i32
      %shift_right_arithmetic3A_2686 = vector.broadcast %shift_right_arithmetic3A_2685 : i32 to vector<16xi32>
      %shift_right_arithmetic3A_2687 = arith.shrsi %add3A_2684, %shift_right_arithmetic3A_2686 : vector<16xi32>
      %and3A_2688 = arith.constant 127 : i32
      %and3A_2689 = vector.broadcast %and3A_2688 : i32 to vector<16xi32>
      %and3A_2690 = arith.andi %add3A_2684, %and3A_2689 : vector<16xi32>
      tpu.vector_store_idx %arg9[%shift_right_arithmetic3A_2687, %and3A_2690], %gather3A_2678 : memref<128x128xf32, #tpu.memory_space<vmem>>[vector<16xi32>, vector<16xi32>], vector<16xf32>,
      %broadcast_in_dim3A_2691 = arith.constant 21 : i32
      %broadcast_in_dim3A_2692 = vector.broadcast %broadcast_in_dim3A_2691 : i32 to vector<16xi32>
      %gather3A_2693 = tpu.vector_load_idx %arg8[%iota3A, %broadcast_in_dim3A_2692, %and3A_2374] : memref<16x32x128xf32, #tpu.memory_space<vmem>>[vector<16xi32>, vector<16xi32>, vector<16xi32>], vector<16xf32>,
      %mul3A_2694 = arith.constant 32 : i32
      %mul3A_2695 = vector.broadcast %mul3A_2694 : i32 to vector<16xi32>
      %mul3A_2696 = arith.muli %add3A_2378, %mul3A_2695 : vector<16xi32>
      %add3A_2697 = arith.constant 21 : i32
      %add3A_2698 = vector.broadcast %add3A_2697 : i32 to vector<16xi32>
      %add3A_2699 = arith.addi %mul3A_2696, %add3A_2698 : vector<16xi32>
      %shift_right_arithmetic3A_2700 = arith.constant 7 : i32
      %shift_right_arithmetic3A_2701 = vector.broadcast %shift_right_arithmetic3A_2700 : i32 to vector<16xi32>
      %shift_right_arithmetic3A_2702 = arith.shrsi %add3A_2699, %shift_right_arithmetic3A_2701 : vector<16xi32>
      %and3A_2703 = arith.constant 127 : i32
      %and3A_2704 = vector.broadcast %and3A_2703 : i32 to vector<16xi32>
      %and3A_2705 = arith.andi %add3A_2699, %and3A_2704 : vector<16xi32>
      tpu.vector_store_idx %arg9[%shift_right_arithmetic3A_2702, %and3A_2705], %gather3A_2693 : memref<128x128xf32, #tpu.memory_space<vmem>>[vector<16xi32>, vector<16xi32>], vector<16xf32>,
      %broadcast_in_dim3A_2706 = arith.constant 22 : i32
      %broadcast_in_dim3A_2707 = vector.broadcast %broadcast_in_dim3A_2706 : i32 to vector<16xi32>
      %gather3A_2708 = tpu.vector_load_idx %arg8[%iota3A, %broadcast_in_dim3A_2707, %and3A_2374] : memref<16x32x128xf32, #tpu.memory_space<vmem>>[vector<16xi32>, vector<16xi32>, vector<16xi32>], vector<16xf32>,
      %mul3A_2709 = arith.constant 32 : i32
      %mul3A_2710 = vector.broadcast %mul3A_2709 : i32 to vector<16xi32>
      %mul3A_2711 = arith.muli %add3A_2378, %mul3A_2710 : vector<16xi32>
      %add3A_2712 = arith.constant 22 : i32
      %add3A_2713 = vector.broadcast %add3A_2712 : i32 to vector<16xi32>
      %add3A_2714 = arith.addi %mul3A_2711, %add3A_2713 : vector<16xi32>
      %shift_right_arithmetic3A_2715 = arith.constant 7 : i32
      %shift_right_arithmetic3A_2716 = vector.broadcast %shift_right_arithmetic3A_2715 : i32 to vector<16xi32>
      %shift_right_arithmetic3A_2717 = arith.shrsi %add3A_2714, %shift_right_arithmetic3A_2716 : vector<16xi32>
      %and3A_2718 = arith.constant 127 : i32
      %and3A_2719 = vector.broadcast %and3A_2718 : i32 to vector<16xi32>
      %and3A_2720 = arith.andi %add3A_2714, %and3A_2719 : vector<16xi32>
      tpu.vector_store_idx %arg9[%shift_right_arithmetic3A_2717, %and3A_2720], %gather3A_2708 : memref<128x128xf32, #tpu.memory_space<vmem>>[vector<16xi32>, vector<16xi32>], vector<16xf32>,
      %broadcast_in_dim3A_2721 = arith.constant 23 : i32
      %broadcast_in_dim3A_2722 = vector.broadcast %broadcast_in_dim3A_2721 : i32 to vector<16xi32>
      %gather3A_2723 = tpu.vector_load_idx %arg8[%iota3A, %broadcast_in_dim3A_2722, %and3A_2374] : memref<16x32x128xf32, #tpu.memory_space<vmem>>[vector<16xi32>, vector<16xi32>, vector<16xi32>], vector<16xf32>,
      %mul3A_2724 = arith.constant 32 : i32
      %mul3A_2725 = vector.broadcast %mul3A_2724 : i32 to vector<16xi32>
      %mul3A_2726 = arith.muli %add3A_2378, %mul3A_2725 : vector<16xi32>
      %add3A_2727 = arith.constant 23 : i32
      %add3A_2728 = vector.broadcast %add3A_2727 : i32 to vector<16xi32>
      %add3A_2729 = arith.addi %mul3A_2726, %add3A_2728 : vector<16xi32>
      %shift_right_arithmetic3A_2730 = arith.constant 7 : i32
      %shift_right_arithmetic3A_2731 = vector.broadcast %shift_right_arithmetic3A_2730 : i32 to vector<16xi32>
      %shift_right_arithmetic3A_2732 = arith.shrsi %add3A_2729, %shift_right_arithmetic3A_2731 : vector<16xi32>
      %and3A_2733 = arith.constant 127 : i32
      %and3A_2734 = vector.broadcast %and3A_2733 : i32 to vector<16xi32>
      %and3A_2735 = arith.andi %add3A_2729, %and3A_2734 : vector<16xi32>
      tpu.vector_store_idx %arg9[%shift_right_arithmetic3A_2732, %and3A_2735], %gather3A_2723 : memref<128x128xf32, #tpu.memory_space<vmem>>[vector<16xi32>, vector<16xi32>], vector<16xf32>,
      %broadcast_in_dim3A_2736 = arith.constant 24 : i32
      %broadcast_in_dim3A_2737 = vector.broadcast %broadcast_in_dim3A_2736 : i32 to vector<16xi32>
      %gather3A_2738 = tpu.vector_load_idx %arg8[%iota3A, %broadcast_in_dim3A_2737, %and3A_2374] : memref<16x32x128xf32, #tpu.memory_space<vmem>>[vector<16xi32>, vector<16xi32>, vector<16xi32>], vector<16xf32>,
      %mul3A_2739 = arith.constant 32 : i32
      %mul3A_2740 = vector.broadcast %mul3A_2739 : i32 to vector<16xi32>
      %mul3A_2741 = arith.muli %add3A_2378, %mul3A_2740 : vector<16xi32>
      %add3A_2742 = arith.constant 24 : i32
      %add3A_2743 = vector.broadcast %add3A_2742 : i32 to vector<16xi32>
      %add3A_2744 = arith.addi %mul3A_2741, %add3A_2743 : vector<16xi32>
      %shift_right_arithmetic3A_2745 = arith.constant 7 : i32
      %shift_right_arithmetic3A_2746 = vector.broadcast %shift_right_arithmetic3A_2745 : i32 to vector<16xi32>
      %shift_right_arithmetic3A_2747 = arith.shrsi %add3A_2744, %shift_right_arithmetic3A_2746 : vector<16xi32>
      %and3A_2748 = arith.constant 127 : i32
      %and3A_2749 = vector.broadcast %and3A_2748 : i32 to vector<16xi32>
      %and3A_2750 = arith.andi %add3A_2744, %and3A_2749 : vector<16xi32>
      tpu.vector_store_idx %arg9[%shift_right_arithmetic3A_2747, %and3A_2750], %gather3A_2738 : memref<128x128xf32, #tpu.memory_space<vmem>>[vector<16xi32>, vector<16xi32>], vector<16xf32>,
      %broadcast_in_dim3A_2751 = arith.constant 25 : i32
      %broadcast_in_dim3A_2752 = vector.broadcast %broadcast_in_dim3A_2751 : i32 to vector<16xi32>
      %gather3A_2753 = tpu.vector_load_idx %arg8[%iota3A, %broadcast_in_dim3A_2752, %and3A_2374] : memref<16x32x128xf32, #tpu.memory_space<vmem>>[vector<16xi32>, vector<16xi32>, vector<16xi32>], vector<16xf32>,
      %mul3A_2754 = arith.constant 32 : i32
      %mul3A_2755 = vector.broadcast %mul3A_2754 : i32 to vector<16xi32>
      %mul3A_2756 = arith.muli %add3A_2378, %mul3A_2755 : vector<16xi32>
      %add3A_2757 = arith.constant 25 : i32
      %add3A_2758 = vector.broadcast %add3A_2757 : i32 to vector<16xi32>
      %add3A_2759 = arith.addi %mul3A_2756, %add3A_2758 : vector<16xi32>
      %shift_right_arithmetic3A_2760 = arith.constant 7 : i32
      %shift_right_arithmetic3A_2761 = vector.broadcast %shift_right_arithmetic3A_2760 : i32 to vector<16xi32>
      %shift_right_arithmetic3A_2762 = arith.shrsi %add3A_2759, %shift_right_arithmetic3A_2761 : vector<16xi32>
      %and3A_2763 = arith.constant 127 : i32
      %and3A_2764 = vector.broadcast %and3A_2763 : i32 to vector<16xi32>
      %and3A_2765 = arith.andi %add3A_2759, %and3A_2764 : vector<16xi32>
      tpu.vector_store_idx %arg9[%shift_right_arithmetic3A_2762, %and3A_2765], %gather3A_2753 : memref<128x128xf32, #tpu.memory_space<vmem>>[vector<16xi32>, vector<16xi32>], vector<16xf32>,
      %broadcast_in_dim3A_2766 = arith.constant 26 : i32
      %broadcast_in_dim3A_2767 = vector.broadcast %broadcast_in_dim3A_2766 : i32 to vector<16xi32>
      %gather3A_2768 = tpu.vector_load_idx %arg8[%iota3A, %broadcast_in_dim3A_2767, %and3A_2374] : memref<16x32x128xf32, #tpu.memory_space<vmem>>[vector<16xi32>, vector<16xi32>, vector<16xi32>], vector<16xf32>,
      %mul3A_2769 = arith.constant 32 : i32
      %mul3A_2770 = vector.broadcast %mul3A_2769 : i32 to vector<16xi32>
      %mul3A_2771 = arith.muli %add3A_2378, %mul3A_2770 : vector<16xi32>
      %add3A_2772 = arith.constant 26 : i32
      %add3A_2773 = vector.broadcast %add3A_2772 : i32 to vector<16xi32>
      %add3A_2774 = arith.addi %mul3A_2771, %add3A_2773 : vector<16xi32>
      %shift_right_arithmetic3A_2775 = arith.constant 7 : i32
      %shift_right_arithmetic3A_2776 = vector.broadcast %shift_right_arithmetic3A_2775 : i32 to vector<16xi32>
      %shift_right_arithmetic3A_2777 = arith.shrsi %add3A_2774, %shift_right_arithmetic3A_2776 : vector<16xi32>
      %and3A_2778 = arith.constant 127 : i32
      %and3A_2779 = vector.broadcast %and3A_2778 : i32 to vector<16xi32>
      %and3A_2780 = arith.andi %add3A_2774, %and3A_2779 : vector<16xi32>
      tpu.vector_store_idx %arg9[%shift_right_arithmetic3A_2777, %and3A_2780], %gather3A_2768 : memref<128x128xf32, #tpu.memory_space<vmem>>[vector<16xi32>, vector<16xi32>], vector<16xf32>,
      %broadcast_in_dim3A_2781 = arith.constant 27 : i32
      %broadcast_in_dim3A_2782 = vector.broadcast %broadcast_in_dim3A_2781 : i32 to vector<16xi32>
      %gather3A_2783 = tpu.vector_load_idx %arg8[%iota3A, %broadcast_in_dim3A_2782, %and3A_2374] : memref<16x32x128xf32, #tpu.memory_space<vmem>>[vector<16xi32>, vector<16xi32>, vector<16xi32>], vector<16xf32>,
      %mul3A_2784 = arith.constant 32 : i32
      %mul3A_2785 = vector.broadcast %mul3A_2784 : i32 to vector<16xi32>
      %mul3A_2786 = arith.muli %add3A_2378, %mul3A_2785 : vector<16xi32>
      %add3A_2787 = arith.constant 27 : i32
      %add3A_2788 = vector.broadcast %add3A_2787 : i32 to vector<16xi32>
      %add3A_2789 = arith.addi %mul3A_2786, %add3A_2788 : vector<16xi32>
      %shift_right_arithmetic3A_2790 = arith.constant 7 : i32
      %shift_right_arithmetic3A_2791 = vector.broadcast %shift_right_arithmetic3A_2790 : i32 to vector<16xi32>
      %shift_right_arithmetic3A_2792 = arith.shrsi %add3A_2789, %shift_right_arithmetic3A_2791 : vector<16xi32>
      %and3A_2793 = arith.constant 127 : i32
      %and3A_2794 = vector.broadcast %and3A_2793 : i32 to vector<16xi32>
      %and3A_2795 = arith.andi %add3A_2789, %and3A_2794 : vector<16xi32>
      tpu.vector_store_idx %arg9[%shift_right_arithmetic3A_2792, %and3A_2795], %gather3A_2783 : memref<128x128xf32, #tpu.memory_space<vmem>>[vector<16xi32>, vector<16xi32>], vector<16xf32>,
      %broadcast_in_dim3A_2796 = arith.constant 28 : i32
      %broadcast_in_dim3A_2797 = vector.broadcast %broadcast_in_dim3A_2796 : i32 to vector<16xi32>
      %gather3A_2798 = tpu.vector_load_idx %arg8[%iota3A, %broadcast_in_dim3A_2797, %and3A_2374] : memref<16x32x128xf32, #tpu.memory_space<vmem>>[vector<16xi32>, vector<16xi32>, vector<16xi32>], vector<16xf32>,
      %mul3A_2799 = arith.constant 32 : i32
      %mul3A_2800 = vector.broadcast %mul3A_2799 : i32 to vector<16xi32>
      %mul3A_2801 = arith.muli %add3A_2378, %mul3A_2800 : vector<16xi32>
      %add3A_2802 = arith.constant 28 : i32
      %add3A_2803 = vector.broadcast %add3A_2802 : i32 to vector<16xi32>
      %add3A_2804 = arith.addi %mul3A_2801, %add3A_2803 : vector<16xi32>
      %shift_right_arithmetic3A_2805 = arith.constant 7 : i32
      %shift_right_arithmetic3A_2806 = vector.broadcast %shift_right_arithmetic3A_2805 : i32 to vector<16xi32>
      %shift_right_arithmetic3A_2807 = arith.shrsi %add3A_2804, %shift_right_arithmetic3A_2806 : vector<16xi32>
      %and3A_2808 = arith.constant 127 : i32
      %and3A_2809 = vector.broadcast %and3A_2808 : i32 to vector<16xi32>
      %and3A_2810 = arith.andi %add3A_2804, %and3A_2809 : vector<16xi32>
      tpu.vector_store_idx %arg9[%shift_right_arithmetic3A_2807, %and3A_2810], %gather3A_2798 : memref<128x128xf32, #tpu.memory_space<vmem>>[vector<16xi32>, vector<16xi32>], vector<16xf32>,
      %broadcast_in_dim3A_2811 = arith.constant 29 : i32
      %broadcast_in_dim3A_2812 = vector.broadcast %broadcast_in_dim3A_2811 : i32 to vector<16xi32>
      %gather3A_2813 = tpu.vector_load_idx %arg8[%iota3A, %broadcast_in_dim3A_2812, %and3A_2374] : memref<16x32x128xf32, #tpu.memory_space<vmem>>[vector<16xi32>, vector<16xi32>, vector<16xi32>], vector<16xf32>,
      %mul3A_2814 = arith.constant 32 : i32
      %mul3A_2815 = vector.broadcast %mul3A_2814 : i32 to vector<16xi32>
      %mul3A_2816 = arith.muli %add3A_2378, %mul3A_2815 : vector<16xi32>
      %add3A_2817 = arith.constant 29 : i32
      %add3A_2818 = vector.broadcast %add3A_2817 : i32 to vector<16xi32>
      %add3A_2819 = arith.addi %mul3A_2816, %add3A_2818 : vector<16xi32>
      %shift_right_arithmetic3A_2820 = arith.constant 7 : i32
      %shift_right_arithmetic3A_2821 = vector.broadcast %shift_right_arithmetic3A_2820 : i32 to vector<16xi32>
      %shift_right_arithmetic3A_2822 = arith.shrsi %add3A_2819, %shift_right_arithmetic3A_2821 : vector<16xi32>
      %and3A_2823 = arith.constant 127 : i32
      %and3A_2824 = vector.broadcast %and3A_2823 : i32 to vector<16xi32>
      %and3A_2825 = arith.andi %add3A_2819, %and3A_2824 : vector<16xi32>
      tpu.vector_store_idx %arg9[%shift_right_arithmetic3A_2822, %and3A_2825], %gather3A_2813 : memref<128x128xf32, #tpu.memory_space<vmem>>[vector<16xi32>, vector<16xi32>], vector<16xf32>,
      %broadcast_in_dim3A_2826 = arith.constant 30 : i32
      %broadcast_in_dim3A_2827 = vector.broadcast %broadcast_in_dim3A_2826 : i32 to vector<16xi32>
      %gather3A_2828 = tpu.vector_load_idx %arg8[%iota3A, %broadcast_in_dim3A_2827, %and3A_2374] : memref<16x32x128xf32, #tpu.memory_space<vmem>>[vector<16xi32>, vector<16xi32>, vector<16xi32>], vector<16xf32>,
      %mul3A_2829 = arith.constant 32 : i32
      %mul3A_2830 = vector.broadcast %mul3A_2829 : i32 to vector<16xi32>
      %mul3A_2831 = arith.muli %add3A_2378, %mul3A_2830 : vector<16xi32>
      %add3A_2832 = arith.constant 30 : i32
      %add3A_2833 = vector.broadcast %add3A_2832 : i32 to vector<16xi32>
      %add3A_2834 = arith.addi %mul3A_2831, %add3A_2833 : vector<16xi32>
      %shift_right_arithmetic3A_2835 = arith.constant 7 : i32
      %shift_right_arithmetic3A_2836 = vector.broadcast %shift_right_arithmetic3A_2835 : i32 to vector<16xi32>
      %shift_right_arithmetic3A_2837 = arith.shrsi %add3A_2834, %shift_right_arithmetic3A_2836 : vector<16xi32>
      %and3A_2838 = arith.constant 127 : i32
      %and3A_2839 = vector.broadcast %and3A_2838 : i32 to vector<16xi32>
      %and3A_2840 = arith.andi %add3A_2834, %and3A_2839 : vector<16xi32>
      tpu.vector_store_idx %arg9[%shift_right_arithmetic3A_2837, %and3A_2840], %gather3A_2828 : memref<128x128xf32, #tpu.memory_space<vmem>>[vector<16xi32>, vector<16xi32>], vector<16xf32>,
      %broadcast_in_dim3A_2841 = arith.constant 31 : i32
      %broadcast_in_dim3A_2842 = vector.broadcast %broadcast_in_dim3A_2841 : i32 to vector<16xi32>
      %gather3A_2843 = tpu.vector_load_idx %arg8[%iota3A, %broadcast_in_dim3A_2842, %and3A_2374] : memref<16x32x128xf32, #tpu.memory_space<vmem>>[vector<16xi32>, vector<16xi32>, vector<16xi32>], vector<16xf32>,
      %mul3A_2844 = arith.constant 32 : i32
      %mul3A_2845 = vector.broadcast %mul3A_2844 : i32 to vector<16xi32>
      %mul3A_2846 = arith.muli %add3A_2378, %mul3A_2845 : vector<16xi32>
      %add3A_2847 = arith.constant 31 : i32
      %add3A_2848 = vector.broadcast %add3A_2847 : i32 to vector<16xi32>
      %add3A_2849 = arith.addi %mul3A_2846, %add3A_2848 : vector<16xi32>
      %shift_right_arithmetic3A_2850 = arith.constant 7 : i32
      %shift_right_arithmetic3A_2851 = vector.broadcast %shift_right_arithmetic3A_2850 : i32 to vector<16xi32>
      %shift_right_arithmetic3A_2852 = arith.shrsi %add3A_2849, %shift_right_arithmetic3A_2851 : vector<16xi32>
      %and3A_2853 = arith.constant 127 : i32
      %and3A_2854 = vector.broadcast %and3A_2853 : i32 to vector<16xi32>
      %and3A_2855 = arith.andi %add3A_2849, %and3A_2854 : vector<16xi32>
      tpu.vector_store_idx %arg9[%shift_right_arithmetic3A_2852, %and3A_2855], %gather3A_2843 : memref<128x128xf32, #tpu.memory_space<vmem>>[vector<16xi32>, vector<16xi32>], vector<16xf32>,
    }
    %scan3A_13 = arith.constant 32 : i32
    %mul3A_14 = arith.constant 128 : i32
    %mul3A_15 = arith.muli %add3A, %mul3A_14 : i32
    "tpu.region"() ({
      %run_scoped3A = tpu.sem_alloc : memref<!tpu.dma_semaphore, #tpu.memory_space<semaphore_mem>>
      %dma_start3A = arith.constant 0 : i32
      %dma_start3A_18 = tpu.memref_slice %arg4[%mul3A_15, %dma_start3A] : memref<4096x128xf32, #tpu.memory_space<hbm>> -> memref<128x128xf32, #tpu.memory_space<hbm>>
      %dma_start3A_19 = arith.constant 0 : i32
      %dma_start3A_20 = tpu.memref_slice %arg4[%mul3A_15, %dma_start3A_19] : memref<4096x128xf32, #tpu.memory_space<hbm>> -> memref<128x128xf32, #tpu.memory_space<hbm>>
      tpu.enqueue_dma source(%arg9 : memref<128x128xf32, #tpu.memory_space<vmem>>) target(%dma_start3A_20 : memref<128x128xf32, #tpu.memory_space<hbm>>) target_semaphore(%run_scoped3A : memref<!tpu.dma_semaphore, #tpu.memory_space<semaphore_mem>>)
      %dma_wait3A = arith.constant 0 : i32
      %dma_wait3A_21 = tpu.memref_slice %arg4[%mul3A_15, %dma_wait3A] : memref<4096x128xf32, #tpu.memory_space<hbm>> -> memref<128x128xf32, #tpu.memory_space<hbm>>
      %dma_wait3A_22 = arith.constant 0 : i32
      %dma_wait3A_23 = tpu.memref_slice %arg4[%mul3A_15, %dma_wait3A_22] : memref<4096x128xf32, #tpu.memory_space<hbm>> -> memref<128x128xf32, #tpu.memory_space<hbm>>
      tpu.wait_dma2 semaphore(%run_scoped3A : memref<!tpu.dma_semaphore, #tpu.memory_space<semaphore_mem>>) src(%arg9 : memref<128x128xf32, #tpu.memory_space<vmem>>) dst(%dma_wait3A_23 : memref<128x128xf32, #tpu.memory_space<hbm>>)
      tpu.yield
    }) : () -> ()
    %mul3A_16 = arith.constant 128 : i32
    %mul3A_17 = arith.muli %add3A, %mul3A_16 : i32
    "tpu.region"() ({
      %run_scoped3A = tpu.sem_alloc : memref<!tpu.dma_semaphore, #tpu.memory_space<semaphore_mem>>
      %dma_start3A = arith.constant 0 : i32
      %dma_start3A_18 = tpu.memref_slice %arg5[%mul3A_17, %dma_start3A] : memref<4096x128xf32, #tpu.memory_space<hbm>> -> memref<128x128xf32, #tpu.memory_space<hbm>>
      %dma_start3A_19 = arith.constant 0 : i32
      %dma_start3A_20 = tpu.memref_slice %arg5[%mul3A_17, %dma_start3A_19] : memref<4096x128xf32, #tpu.memory_space<hbm>> -> memref<128x128xf32, #tpu.memory_space<hbm>>
      tpu.enqueue_dma source(%arg9 : memref<128x128xf32, #tpu.memory_space<vmem>>) target(%dma_start3A_20 : memref<128x128xf32, #tpu.memory_space<hbm>>) target_semaphore(%run_scoped3A : memref<!tpu.dma_semaphore, #tpu.memory_space<semaphore_mem>>)
      %dma_wait3A = arith.constant 0 : i32
      %dma_wait3A_21 = tpu.memref_slice %arg5[%mul3A_17, %dma_wait3A] : memref<4096x128xf32, #tpu.memory_space<hbm>> -> memref<128x128xf32, #tpu.memory_space<hbm>>
      %dma_wait3A_22 = arith.constant 0 : i32
      %dma_wait3A_23 = tpu.memref_slice %arg5[%mul3A_17, %dma_wait3A_22] : memref<4096x128xf32, #tpu.memory_space<hbm>> -> memref<128x128xf32, #tpu.memory_space<hbm>>
      tpu.wait_dma2 semaphore(%run_scoped3A : memref<!tpu.dma_semaphore, #tpu.memory_space<semaphore_mem>>) src(%arg9 : memref<128x128xf32, #tpu.memory_space<vmem>>) dst(%dma_wait3A_23 : memref<128x128xf32, #tpu.memory_space<hbm>>)
      tpu.yield
    }) : () -> ()
    return
  }
}

</mosaic_0001>

<sc_bundles>
// kernel: kernel.3.cloned.1.call-start
scs
__scs_entry_jumppad:
0x0: {  	(pc) =	sbr.rel $0x88, $3  }
0x1: {  	(tag) =	ssettag $0x0;
	lr =	simm.s32 $0x1  }
0x2: {  	[smem:$0x3F9F] =	sst lr;
	_ =	strace $0xD0000000  }
0x3: {  	_ = 	snop  }
0x4: {  	_ = 	snop  }
0x5: {  	_ = 	snop  }
0x6: {  	_ = 	snop  }
0x7: {  	_ = 	snop  }
__scs_overlays_trampoline_lowered:
0x8: {  	[smem:$0x3FAE] =	sst s0  }
0x9: {  	[smem:$0x3FAF] =	sst s1  }
0xa: {  	[smem:$0x3FB0] =	sst s2  }
0xb: {  	[smem:$0x3FB1] =	sst s3  }
0xc: {  	[smem:$0x3FB2] =	sst s4  }
0xd: {  	[smem:$0x3FB3] =	sst s5  }
0xe: {  	[smem:$0x3FB4] =	sst s6  }
0xf: {  	[smem:$0x3FB5] =	sst s7  }
0x10: {  	[smem:$0x3FB6] =	sst s8  }
0x11: {  	[smem:$0x3FB7] =	sst s9;
	s0 =	simm.s32 @!p0 $0x0  }
0x12: {  	s1 =	sld [smem:$0x3F9D];
	s0 =	simm.s32 @p0 $0x1  }
0x13: {  	[smem:$0x3FB8] =	sst s0;
	s0 =	simm.s32 @!p1 $0x0  }
0x14: {  	s2 =	sld [smem:$0x3F9C];
	s0 =	simm.s32 @p1 $0x1  }
0x15: {  	[smem:$0x3FB9] =	sst s0;
	s0 =	simm.s32 @!p2 $0x0  }
0x16: {  	s3 =	sld [smem:$0x3FDB];
	s0 =	simm.s32 @p2 $0x1  }
0x17: {  	s4 =	simm.s32 $0x1BF5;
	[smem:$0x3FBB] =	sst s0  }
0x18: {  	s0 =	sld [smem:$0x3F9E];
	_ =	swait.ge [sflag:s4], $0x0  }
0x19: {  	s7 =	sld [smem:$0x3F9F]  }
0x1a: {  	s8 =	sadd.s32 $0xFFFFE003, lr  }
0x1b: {  	s9 =	sadd.s32 $0xFFFFFEF7, lr;
	s5 =	simm.s32 $0xFFFFFFFF;
	p2 =	slt.u32 s8, $0xFFFFF086  }
0x1c: {  	p1 =	slt.u32 s9, $0xF7A;
	s5 =	simm.s32 @!p2 $0x0  }
0x1d: {  	s5 =	simm.s32 @p1 $0x1;
	p0 =	seq.s32 s7, s2  }
0x1e: {  	s7 =	smul.u32 @!p0 $0xF7A, s2;
	p2 =	seq.s32 @!p0 s5, $0x0  }
0x1f: {  	s9 =	smul.u32 $0xF7A, s1;
	s8 =	simm.s32 @!p0 $0x1BF5;
	p2 =	por !p2, p0  }
0x20: {  	[sflag:s8] =	ssyncset.s32 @!p0 $0xFFFFF086;
	s6 =	sadd.s32 @!p0 s3, s7;
	s7 =	simm.s32 @!p0 $0x108  }
0x21: {  	s3 =	sadd.s32 s3, s9;
	s6 =	sadd.s32 @!p0 $0x88, s6;
	s7 =	simm.s32 @p2 $0x1082  }
0x22: {  	[simem:s7], [sflag:s8] =	dma.local @!p0 [hbm:s6], $0xF7A  }
0x23: {  	s9 =	sor.u32 $0xD0000000, s2;
	s6 =	simm.s32 $0x108;
	_ =	swait.ge @!p0 [sflag:s8], $0x0  }
0x24: {  	s3 =	sadd.s32 $0x88, s3;
	s6 =	simm.s32 @!p1 $0x1082;
	[sflag:s4] =	ssyncset.s32 $0xFFFFF086  }
0x25: {  	[simem:s6], [sflag:s4] =	dma.local [hbm:s3], $0xF7A  }
0x26: {  	[smem:$0x3F9F] =	sst s1;
	(tag) =	ssettag s2;
	_ =	strace s9  }
0x27: {  	s1 =	sld [smem:$0x3FAF]  }
0x28: {  	s2 =	sld [smem:$0x3FB0]  }
0x29: {  	s4 =	sld [smem:$0x3FB2]  }
0x2a: {  	p0 =	seq.s32 s5, $0x0;
	s5 =	sld [smem:$0x3FB3]  }
0x2b: {  	s6 =	sld [smem:$0x3FB4]  }
0x2c: {  	s7 =	sld [smem:$0x3FB5]  }
0x2d: {  	s3 =	simm.s32 $0x108;
	s8 =	sld [smem:$0x3FB6]  }
0x2e: {  	s3 =	simm.s32 @!p0 $0x1082;
	s9 =	sld [smem:$0x3FB7]  }
0x2f: {  	lr =	sadd.s32 s0, s3;
	s0 =	sld [smem:$0x3FAE]  }
0x30: {  	s3 =	sld [smem:$0x3FB1]  }
0x31: {  	[smem:$0x3FBA] =	sst s10  }
0x32: {  	s10 =	sld [smem:$0x3FB8];
	_ =	sdelay $0x3  }
0x33: {  	p0 =	seq.s32 s10, $0x1;
	s10 =	sld [smem:$0x3FBA];
	_ =	sdelay $0x3  }
0x34: {  	[smem:$0x3FBA] =	sst s10  }
0x35: {  	s10 =	sld [smem:$0x3FB9];
	_ =	sdelay $0x3  }
0x36: {  	p1 =	seq.s32 s10, $0x1;
	s10 =	sld [smem:$0x3FBA];
	_ =	sdelay $0x3  }
0x37: {  	[smem:$0x3FBA] =	sst s10  }
0x38: {  	s10 =	sld [smem:$0x3FBB]  }
0x39: {  	_ = 	snop;
	(pc) =	sbr.ind lr, $3  }
0x3a: {  	_ = 	snop  }
0x3b: {  	_ = 	snop  }
0x3c: {  	p2 =	seq.s32 s10, $0x1;
	s10 =	sld [smem:$0x3FBA]  }
0x3d: {  	_ =	shalt  }
0x3e: {  	_ =	shalt  }
0x3f: {  	_ =	shalt  }
0x40: {  	_ =	shalt  }
0x41: {  	_ =	shalt  }
0x42: {  	_ =	shalt  }
0x43: {  	_ =	shalt  }
0x44: {  	_ =	shalt  }
0x45: {  	_ =	shalt  }
0x46: {  	_ =	shalt  }
0x47: {  	_ =	shalt  }
0x48: {  	_ =	shalt  }
0x49: {  	_ =	shalt  }
0x4a: {  	_ =	shalt  }
0x4b: {  	_ =	shalt  }
0x4c: {  	_ =	shalt  }
0x4d: {  	_ =	shalt  }
0x4e: {  	_ =	shalt  }
0x4f: {  	_ =	shalt  }
0x50: {  	_ =	shalt  }
0x51: {  	_ =	shalt  }
0x52: {  	_ =	shalt  }
0x53: {  	_ =	shalt  }
0x54: {  	_ =	shalt  }
0x55: {  	_ =	shalt  }
0x56: {  	_ =	shalt  }
0x57: {  	_ =	shalt  }
0x58: {  	_ =	shalt  }
0x59: {  	_ =	shalt  }
0x5a: {  	_ =	shalt  }
0x5b: {  	_ =	shalt  }
0x5c: {  	_ =	shalt  }
0x5d: {  	_ =	shalt  }
0x5e: {  	_ =	shalt  }
0x5f: {  	_ =	shalt  }
0x60: {  	_ =	shalt  }
0x61: {  	_ =	shalt  }
0x62: {  	_ =	shalt  }
0x63: {  	_ =	shalt  }
0x64: {  	_ =	shalt  }
0x65: {  	_ =	shalt  }
0x66: {  	_ =	shalt  }
0x67: {  	_ =	shalt  }
0x68: {  	_ =	shalt  }
0x69: {  	_ =	shalt  }
0x6a: {  	_ =	shalt  }
0x6b: {  	_ =	shalt  }
0x6c: {  	_ =	shalt  }
0x6d: {  	_ =	shalt  }
0x6e: {  	_ =	shalt  }
0x6f: {  	_ =	shalt  }
0x70: {  	_ =	shalt  }
0x71: {  	_ =	shalt  }
0x72: {  	_ =	shalt  }
0x73: {  	_ =	shalt  }
0x74: {  	_ =	shalt  }
0x75: {  	_ =	shalt  }
0x76: {  	_ =	shalt  }
0x77: {  	_ =	shalt  }
0x78: {  	_ =	shalt  }
0x79: {  	_ =	shalt  }
0x7a: {  	_ =	shalt  }
0x7b: {  	_ =	shalt  }
0x7c: {  	_ =	shalt  }
0x7d: {  	_ =	shalt  }
0x7e: {  	_ =	shalt  }
0x7f: {  	_ =	shalt  }
0x80: {  	_ =	shalt  }
0x81: {  	_ =	shalt  }
0x82: {  	_ =	shalt  }
0x83: {  	_ =	shalt  }
0x84: {  	_ =	shalt  }
0x85: {  	_ =	shalt  }
0x86: {  	_ =	shalt  }
0x87: {  	_ =	shalt  }
.Lfunc_end0:
.L_simem_size_0:
called_computation_lowered:
.L_overlay_start_0:
0x88: {  	s2 =	sld [smem:$0x3FD9]  }
0x89: {  	s3 =	sld [smem:$0x3FFE];
	_ =	sdelay $0x1  }
0x8a: {  	s1 =	srdreg.scid  }
0x8b: {  	s0 =	sand.u32 $0x1, s1  }
0x8c: {  	s14 =	sshll.u32 s0, $0xA;
	s2 =	sadd.s32 s3, s2  }
0x8d: {  	s2 =	sadd.s32 s2, s14  }
0x8e: {  	[smem:$0x3FC6] =	sst s2  }
0x8f: {  	_ = 	snop  }
0x90: {  	s2 =	sld [smem:$0x3FD0];
	_ =	sdelay $0x1  }
0x91: {  	s15 =	sld [smem:$0x3FC9]  }
0x92: {  	s5 =	simm.s32 $0xA;
	s6 =	simm.s32 $0x10;
	s4 =	sld [smem:$0x3FC8]  }
0x93: {  	[smem:s6], [sflag:s5] =	dma.local [hbm:s2], $0x1  }
0x94: {  	_ =	swait.eq [sflag:s5], $0x1  }
0x95: {  	[sflag:s5] =	ssyncset.done $0x0  }
0x96: {  	[sflag:s5] =	ssyncadd.s32 $0xFFFFFFFF  }
0x97: {  	s16 =	sld [smem:$0x11];
	(tm) =	ssettm $0x1  }
0x98: {  	s17 =	sld [smem:$0x3FFB];
	_ =	sdelay $0x3  }
0x99: {  	_ =	strace s17  }
0x9a: {  	s5 =	sld [smem:$0x3FFC];
	_ =	sdelay $0x3  }
0x9b: {  	_ =	strace s5  }
0x9c: {  	s5 =	sld [smem:$0x3FFD];
	_ =	sdelay $0x3  }
0x9d: {  	_ =	strace s5  }
0x9e: {  	_ =	strace $0x8FFFFFFF  }
0x9f: {  	s18 =	sld [smem:$0x3FDB];
	_ =	sdelay $0x1  }
0xa0: {  	s19 =	simm.s32 $_scs_section_size  }
0xa1: {  	s7 =	simm.s32 $_size__tile_overlayer_lowered;
	s8 =	simm.s32 $_tile_overlayer_lowered  }
0xa2: {  	s22 =	simm.s32 $0x1BFF;
	s21 =	sshll.u32 s8, $0x1;
	s5 =	sadd.s32 s19, s18  }
0xa3: {  	s9 =	simm.s32 $0x0;
	s20 =	sshll.u32 s7, $0x1;
	s7 =	sadd.s32 s21, s5  }
0xa4: {  	[timem:s9], [sflag:s22] =	dma.local [hbm:s7], s20  }
0xa5: {  	_ =	swait.ge [sflag:s22], s20  }
0xa6: {  	s6 =	ssub.s32 $0x0, s20;
	[sflag:s22] =	ssyncset.done $0x0  }
0xa7: {  	[sflag:s22] =	ssyncadd.s32 s6;
	_ =	sdelay $0x1  }
0xa8: {  	s23 =	simm.s32 $0x1B8B  }
0xa9: {  	_ =	swait.ge [sflag:s23], $0x1  }
0xaa: {  	[sflag:s23] =	ssyncset.done $0x0  }
0xab: {  	s25 =	simm.s32 $0x1B8E;
	s24 =	sld [smem:$0x3FFE];
	[sflag:s23] =	ssyncadd.s32 $0xFFFFFFFF  }
0xac: {  	s26 =	simm.s32 $execute0_lowered;
	[smem:$0x3FD2] =	sst s25  }
0xad: {  	s7 =	sshll.u32 s26, $0x1;
	_ =	strace $0x80000046;
	[dreg:$0x1] =	wrdreg $0xFFFFFFFF  }
0xae: {  	s28 =	simm.s32 $_size_execute0_lowered;
	s5 =	sadd.s32 s5, s7;
	[dreg:$0x0] =	wrdreg $0x0  }
0xaf: {  	s7 =	sshll.u32 s28, $0x1;
	[dreg:$0x2] =	wrdreg s5  }
0xb0: {  	[dreg:$0x3] =	wrdreg s7  }
0xb1: {  	[dreg:$0x4] =	wrdreg $0xC0  }
0xb2: {  	_ =	task [dreg:s9], $0x5FFFF  }
0xb3: {  	[dreg:$0x1] =	wrdreg $0xFFFFFFFF  }
0xb4: {  	[dreg:$0x0] =	wrdreg $0x60  }
0xb5: {  	[dreg:$0x2] =	wrdreg s15  }
0xb6: {  	[dreg:$0x3] =	wrdreg s4  }
0xb7: {  	[dreg:$0x4] =	wrdreg s16  }
0xb8: {  	[dreg:$0x5] =	wrdreg s24  }
0xb9: {  	[dreg:$0x6] =	wrdreg $0x9  }
0xba: {  	_ =	task.clear_ibuf [dreg:s9], $0x7FFFF;
	_ =	strace $0x90000046  }
0xbb: {  	s29 =	simm.s32 $0x9;
	_ =	strace $0x80000048  }
0xbc: {  	_ =	swait.ge [sflag:s29], $0x1  }
0xbd: {  	[sflag:s29] =	ssyncadd.s32 $0xFFFFFFFF  }
0xbe: {  	_ =	strace $0x90000048  }
0xbf: {  	_ =	sfence  }
0xc0: {  	s30 =	sld [smem:$0x0];
	_ =	sdelay $0x2  }
0xc1: {  	s31 =	sshll.u32 s1, $0xD;
	s1 =	sshrl.u32 s1, $0x2  }
0xc2: {  	s3 =	sand.u32 $0x4000, s31;
	s1 =	sadd.s32 s1, s30  }
0xc3: {  	s0 =	sor.u32 s3, s0;
	s1 =	sshll.u32 s1, $0x11  }
0xc4: {  	s0 =	sor.u32 s1, s0  }
0xc5: {  	s0 =	sadd.s32 $0x8F2B, s0  }
0xc6: {  	[sflag:s0] =	ssyncadd.remote.s32 $0x1  }
0xc7: {  	_ =	sfence.sel $0xFFFF  }
0xc8: {  	[dreg:$0x0] =	wrdreg $0xFFFFFFFF;
	(pc) =	sbr.abs _section_cstart, $3  }
0xc9: {  	[dreg:$0x1] =	wrdreg $0xFFFFFFFF  }
0xca: {  	_ =	task.clear_ibuf [dreg:s9], $0x2FFFF;
	_ =	strace $0x9FFFFFFF  }
0xcb: {  	(tm) =	ssettm $0x7FFFFFFF  }
tec
execute0_lowered:
.L_overlay_start_1:
0x0: {  	(tag) =	ssettag $0x1  }
0x1: {  	s4 =	rddreg [dreg:$0x0]  }
0x2: {  	s1 =	rddreg [dreg:$0x1]  }
0x3: {  	s5 =	rddreg [dreg:$0x2]  }
0x4: {  	s6 =	rddreg [dreg:$0x3]  }
0x5: {  	s0 =	rddreg [dreg:$0x4];
	s2 =	simm.s32 $0x0  }
0x6: {  	s3 =	simm.s32 $0x800;
	[smem:$0x7FF] =	sst s2  }
0x7: {  	s18 =	simm.s32 $0xC00;
	_ =	strace $0x80000047;
	[dreg:$0x5] =	wrdreg s3  }
0x8: {  	s19 =	simm.s32 $0x1000;
	[dreg:$0x6] =	wrdreg s18  }
0x9: {  	s20 =	simm.s32 $0x1400;
	[dreg:$0x7] =	wrdreg s19  }
0xa: {  	s21 =	simm.s32 $0x1800;
	[dreg:$0x8] =	wrdreg s20  }
0xb: {  	s22 =	simm.s32 $0x1C00;
	[dreg:$0x9] =	wrdreg s21  }
0xc: {  	s23 =	simm.s32 $0x2000;
	[dreg:$0xa] =	wrdreg s22  }
0xd: {  	s24 =	simm.s32 $0x2400;
	[dreg:$0xb] =	wrdreg s23  }
0xe: {  	s25 =	simm.s32 $0x2800;
	[dreg:$0xc] =	wrdreg s24  }
0xf: {  	s26 =	simm.s32 $0x2C00;
	[dreg:$0xd] =	wrdreg s25  }
0x10: {  	s28 =	simm.s32 $0x3000;
	[dreg:$0xe] =	wrdreg s26  }
0x11: {  	s29 =	simm.s32 $0x3400;
	[dreg:$0xf] =	wrdreg s28  }
0x12: {  	s30 =	simm.s32 $0x3800;
	[dreg:$0x10] =	wrdreg s29  }
0x13: {  	s31 =	simm.s32 $0x3C00;
	[dreg:$0x11] =	wrdreg s30  }
0x14: {  	s7 =	simm.s32 $0x4000;
	[dreg:$0x12] =	wrdreg s31  }
0x15: {  	s8 =	simm.s32 $0x4400;
	[dreg:$0x13] =	wrdreg s7  }
0x16: {  	s9 =	simm.s32 $0x4800;
	[dreg:$0x14] =	wrdreg s8  }
0x17: {  	s10 =	simm.s32 $0x4C00;
	[dreg:$0x15] =	wrdreg s9  }
0x18: {  	s11 =	simm.s32 $0x5000;
	[dreg:$0x16] =	wrdreg s10  }
0x19: {  	s12 =	simm.s32 $0x5400;
	[dreg:$0x17] =	wrdreg s11  }
0x1a: {  	s13 =	simm.s32 $0x5800;
	[dreg:$0x18] =	wrdreg s12  }
0x1b: {  	s14 =	simm.s32 $0x5C00;
	[dreg:$0x19] =	wrdreg s13  }
0x1c: {  	s15 =	simm.s32 $0x6000;
	[dreg:$0x1a] =	wrdreg s14  }
0x1d: {  	s16 =	simm.s32 $0x6400;
	[dreg:$0x1b] =	wrdreg s15  }
0x1e: {  	s17 =	simm.s32 $0x6800;
	[dreg:$0x1c] =	wrdreg s16  }
0x1f: {  	[dreg:$0x1d] =	wrdreg s17;
	s18 =	simm.s32 $0x6C00  }
0x20: {  	s19 =	simm.s32 $0x7000;
	[dreg:$0x1e] =	wrdreg s18  }
0x21: {  	s20 =	simm.s32 $0x7400;
	[dreg:$0x1f] =	wrdreg s19  }
0x22: {  	s21 =	simm.s32 $0x7800;
	[smem:$0x7DA] =	sst s20  }
0x23: {  	s22 =	simm.s32 $0x7C00;
	[smem:$0x7DB] =	sst s21  }
0x24: {  	s23 =	simm.s32 $0x8000;
	[smem:$0x7DC] =	sst s22  }
0x25: {  	s24 =	simm.s32 $0x8400;
	[smem:$0x7DD] =	sst s23  }
0x26: {  	s25 =	simm.s32 $0x8800;
	[smem:$0x7DE] =	sst s24  }
0x27: {  	s26 =	simm.s32 $0x8C00;
	[smem:$0x7DF] =	sst s25  }
0x28: {  	s28 =	simm.s32 $0x9000;
	[smem:$0x7E0] =	sst s26  }
0x29: {  	s29 =	simm.s32 $0x9400;
	[smem:$0x7E1] =	sst s28  }
0x2a: {  	s30 =	simm.s32 $0x9800;
	[smem:$0x7E2] =	sst s29  }
0x2b: {  	s31 =	simm.s32 $0x9C00;
	[smem:$0x7E3] =	sst s30  }
0x2c: {  	s7 =	simm.s32 $0xA000;
	[smem:$0x7E4] =	sst s31  }
0x2d: {  	s8 =	simm.s32 $0xA400;
	[smem:$0x7E5] =	sst s7  }
0x2e: {  	s9 =	simm.s32 $0xA800;
	[smem:$0x7E6] =	sst s8  }
0x2f: {  	s10 =	simm.s32 $0xAC00;
	[smem:$0x7E7] =	sst s9  }
0x30: {  	s11 =	simm.s32 $0xB000;
	[smem:$0x7E8] =	sst s10  }
0x31: {  	s12 =	simm.s32 $0xB400;
	[smem:$0x7E9] =	sst s11  }
0x32: {  	s13 =	simm.s32 $0xB800;
	[smem:$0x7EA] =	sst s12  }
0x33: {  	s14 =	simm.s32 $0xBC00;
	[smem:$0x7EB] =	sst s13  }
0x34: {  	s15 =	simm.s32 $0xC000;
	[smem:$0x7EC] =	sst s14  }
0x35: {  	s16 =	simm.s32 $0xC400;
	[smem:$0x7ED] =	sst s15  }
0x36: {  	s17 =	simm.s32 $0xCC00;
	[smem:$0x7EE] =	sst s16  }
0x37: {  	s8 =	simm.s32 $0xC800;
	[smem:$0x7F0] =	sst s17  }
0x38: {  	s18 =	simm.s32 $0xD000;
	[smem:$0x7EF] =	sst s8  }
0x39: {  	s19 =	simm.s32 $0xD400;
	[smem:$0x7F1] =	sst s18  }
0x3a: {  	s20 =	simm.s32 $0xD800;
	[smem:$0x7F2] =	sst s19  }
0x3b: {  	s21 =	simm.s32 $0xDC00;
	[smem:$0x7F3] =	sst s20  }
0x3c: {  	v1 =	vlaneseq.u32;
	s22 =	simm.s32 $0xE000;
	[smem:$0x7F4] =	sst s21  }
0x3d: {  	v0 =	vmul.u32 $0x1000, v1;
	s23 =	simm.s32 $0xE400;
	[smem:$0x7F5] =	sst s22  }
0x3e: {  	s24 =	simm.s32 $0xE800;
	[smem:$0x7F6] =	sst s23  }
0x3f: {  	v1 =	vmul.u32 $0x20, v1;
	s3 =	stileid.u32;
	v2 =	vor.u32 $0x80, v0;
	s25 =	simm.s32 $0xEC00;
	[smem:$0x7F7] =	sst s24  }
0x40: {  	s7 =	srdreg.scid;
	v3 =	vor.u32 $0x100, v0;
	v4 =	vor.u32 $0x180, v0;
	v5 =	vor.u32 $0x200, v0;
	s26 =	simm.s32 $0xF000;
	[smem:$0x7F8] =	sst s25  }
0x41: {  	s9 =	sshll.u32 s3, $0x1;
	v6 =	vor.u32 $0x280, v0;
	v7 =	vor.u32 $0x300, v0;
	v8 =	vor.u32 $0x380, v0;
	s28 =	simm.s32 $0xF400;
	[smem:$0x7F9] =	sst s26  }
0x42: {  	v9 =	vor.u32 $0x400, v0;
	v10 =	vor.u32 $0x480, v0;
	v11 =	vor.u32 $0x500, v0;
	s29 =	simm.s32 $0xF800;
	s30 =	simm.s32 $0xFC00;
	[smem:$0x7FA] =	sst s28  }
0x43: {  	v12 =	vor.u32 $0x580, v0;
	v13 =	vor.u32 $0x600, v0;
	v14 =	vor.u32 $0x680, v0;
	s31 =	simm.s32 $0x10000;
	s12 =	simm.s32 $0x0;
	[smem:$0x7FB] =	sst s29  }
0x44: {  	v15 =	vor.u32 $0x700, v0;
	v16 =	vor.u32 $0x780, v0;
	v17 =	vor.u32 $0x800, v0;
	s7 =	sand.u32 $0x1, s7;
	[smem:$0x7FC] =	sst s30;
	s8 =	simm.s32 $0x2  }
0x45: {  	v18 =	vor.u32 $0x880, v0;
	v19 =	vor.u32 $0x900, v0;
	v20 =	vor.u32 $0x980, v0;
	[smem:$0x7FD] =	sst s31;
	s9 =	sor.u32 s7, s9;
	s7 =	ssub.s32 $0x2, s7  }
0x46: {  	v21 =	vor.u32 $0xA00, v0;
	v22 =	vor.u32 $0xA80, v0;
	v23 =	vor.u32 $0xB00, v0;
	s10 =	sshll.u32 s9, $0xB;
	s11 =	sshrl.u32 s7, $0x1;
	s9 =	sshll.u32 s9, $0x6  }
0x47: {  	v24 =	vor.u32 $0xB80, v0;
	v25 =	vor.u32 $0xC00, v0;
	v26 =	vor.u32 $0xC80, v0;
	s6 =	sadd.s32 s10, s6;
	s7 =	ssub.s32 s7, s11;
	s4 =	sadd.s32 s4, s9  }
0x48: {  	v27 =	vor.u32 $0xD00, v0;
	v28 =	vor.u32 $0xD80, v0;
	v29 =	vor.u32 $0xE00, v0;
	s5 =	sadd.s32 s5, s10;
	s9 =	simm.s32 $0x400;
	s10 =	simm.s32 $0x1  }
0x49: {  	v30 =	vor.u32 $0xE80, v0;
	v31 =	vor.u32 $0xF00, v0;
	v32 =	vor.u32 $0xF80, v0;
	s11 =	simm.s32 $0x10400;
	s6 =	sadd.s32 $0xA00, s6;
	s7 =	smax.u32 s7, $0x1  }
.LBB2_1:
0x4a: {  	[tilespmem:s2], [sflag:$0x2] =	stream.linear.gather [hbm4b:s4+s2], $0x200, $0x38;
	[tilespmem:$0x14400] =	vst v63  }
0x4b: {  	_ =	swait.ge [sflag:s8], $0x200  }
0x4c: {  	[sflag:s8] =	ssyncset.done $0x0  }
0x4d: {  	s13 =	simm.s32 $0x0;
	[sflag:s8] =	ssyncadd.s32 $0xFFFFFE00  }
0x4e: {  	s14 =	simm.s32 $0x40;
	v33 =	vld [tilespmem:s13+$0x0]  }
.LBB2_2:
0x4f: {  	p0 =	sne.s32 s14, $0x7C0  }
.Ltmp0:
0x50: {  	_ = 	snop;
	(pc) =	sbr.rel @p0 .LBB2_2-.Ltmp0, $3  }
0x51: {  	_ =	sdelay $0x1  }
0x52: {  	s15 =	sshra.s32 s14, $0x2;
	s14 =	sadd.s32 $0x40, s14;
	v34 =	vand.u32 $0xFFFFFF80, v33  }
0x53: {  	v33 =	vld [tilespmem:s15+$0x0];
	[tilespmem:s13+$0x200] =	vst v34;
	s13 =	smov.u32 s15  }
0x54: {  	_ =	sdelay $0x3  }
0x55: {  	v33 =	vand.u32 $0xFFFFFF80, v33  }
0x56: {  	s14 =	simm.s32 $0x200;
	s15 =	simm.s32 $0x0;
	[tilespmem:s13+$0x200] =	vst v33;
	s13 =	simm.s32 $0x0  }
.LBB2_4:
0x57: {  	v33 =	vld [tilespmem:s14+$0x0];
	_ =	sdelay $0x4  }
0x58: {  	(v2sf) =	vpush v33, $0x0;
	_ =	sdelay $0x7  }
0x59: {  	(v2sf) =	vpush v33, $0x1;
	_ =	sdelay $0x6  }
0x5a: {  	s16 =	spop (v2sf)  }
0x5b: {  	s16 =	sand.u32 $0xFFFFF80, s16  }
0x5c: {  	(v2sf) =	vpush v33, $0x2;
	s16 =	sadd.s32 s1, s16  }
0x5d: {  	[tilespmem:s9], [sflag:$0x1] =	stream.linear.gather [hbm4b:s16+s2], $0x400, $0x38;
	[tilespmem:$0x14400] =	vst v63  }
0x5e: {  	s17 =	rddreg [dreg:$0x5];
	s18 =	sadd.s32 $0xF4280, s16  }
0x5f: {  	[tilespmem:s17], [sflag:$0x1] =	stream.linear.gather [hbm4b:s18+s2], $0x400, $0x38;
	[tilespmem:$0x14400] =	vst v63  }
0x60: {  	s19 =	rddreg [dreg:$0x6];
	s22 =	sadd.s32 $0x1E8500, s16  }
0x61: {  	[tilespmem:s19], [sflag:$0x1] =	stream.linear.gather [hbm4b:s22+s2], $0x400, $0x38;
	[tilespmem:$0x14400] =	vst v63  }
0x62: {  	s23 =	rddreg [dreg:$0x7];
	s24 =	spop (v2sf);
	s16 =	sadd.s32 $0x2DC780, s16  }
0x63: {  	[tilespmem:s23], [sflag:$0x1] =	stream.linear.gather [hbm4b:s16+s2], $0x400, $0x38;
	[tilespmem:$0x14400] =	vst v63  }
0x64: {  	s16 =	sand.u32 $0xFFFFF80, s24  }
0x65: {  	s25 =	rddreg [dreg:$0x8];
	(v2sf) =	vpush v33, $0x3;
	s16 =	sadd.s32 s1, s16  }
0x66: {  	[tilespmem:s25], [sflag:$0x1] =	stream.linear.gather [hbm4b:s16+s2], $0x400, $0x38;
	[tilespmem:$0x14400] =	vst v63  }
0x67: {  	s26 =	rddreg [dreg:$0x9];
	s28 =	sadd.s32 $0xF4280, s16  }
0x68: {  	[tilespmem:s26], [sflag:$0x1] =	stream.linear.gather [hbm4b:s28+s2], $0x400, $0x38;
	[tilespmem:$0x14400] =	vst v63  }
0x69: {  	s29 =	rddreg [dreg:$0xa];
	s30 =	sadd.s32 $0x1E8500, s16  }
0x6a: {  	[tilespmem:s29], [sflag:$0x1] =	stream.linear.gather [hbm4b:s30+s2], $0x400, $0x38;
	[tilespmem:$0x14400] =	vst v63  }
0x6b: {  	s31 =	rddreg [dreg:$0xb];
	s16 =	sadd.s32 $0x2DC780, s16;
	s17 =	spop (v2sf)  }
0x6c: {  	[tilespmem:s31], [sflag:$0x1] =	stream.linear.gather [hbm4b:s16+s2], $0x400, $0x38;
	[tilespmem:$0x14400] =	vst v63  }
0x6d: {  	s16 =	sand.u32 $0xFFFFF80, s17  }
0x6e: {  	s18 =	rddreg [dreg:$0xc];
	(v2sf) =	vpush v33, $0x4;
	s16 =	sadd.s32 s1, s16  }
0x6f: {  	[tilespmem:s18], [sflag:$0x1] =	stream.linear.gather [hbm4b:s16+s2], $0x400, $0x38;
	[tilespmem:$0x14400] =	vst v63  }
0x70: {  	s19 =	rddreg [dreg:$0xd];
	s20 =	sadd.s32 $0xF4280, s16  }
0x71: {  	[tilespmem:s19], [sflag:$0x1] =	stream.linear.gather [hbm4b:s20+s2], $0x400, $0x38;
	[tilespmem:$0x14400] =	vst v63  }
0x72: {  	s21 =	rddreg [dreg:$0xe];
	s22 =	sadd.s32 $0x1E8500, s16  }
0x73: {  	[tilespmem:s21], [sflag:$0x1] =	stream.linear.gather [hbm4b:s22+s2], $0x400, $0x38;
	[tilespmem:$0x14400] =	vst v63  }
0x74: {  	s23 =	rddreg [dreg:$0xf];
	s24 =	spop (v2sf);
	s16 =	sadd.s32 $0x2DC780, s16  }
0x75: {  	[tilespmem:s23], [sflag:$0x1] =	stream.linear.gather [hbm4b:s16+s2], $0x400, $0x38;
	[tilespmem:$0x14400] =	vst v63  }
0x76: {  	s16 =	sand.u32 $0xFFFFF80, s24  }
0x77: {  	s25 =	rddreg [dreg:$0x10];
	(v2sf) =	vpush v33, $0x5;
	s16 =	sadd.s32 s1, s16  }
0x78: {  	[tilespmem:s25], [sflag:$0x1] =	stream.linear.gather [hbm4b:s16+s2], $0x400, $0x38;
	[tilespmem:$0x14400] =	vst v63  }
0x79: {  	s26 =	rddreg [dreg:$0x11];
	s28 =	sadd.s32 $0xF4280, s16  }
0x7a: {  	[tilespmem:s26], [sflag:$0x1] =	stream.linear.gather [hbm4b:s28+s2], $0x400, $0x38;
	[tilespmem:$0x14400] =	vst v63  }
0x7b: {  	s29 =	rddreg [dreg:$0x12];
	s30 =	sadd.s32 $0x1E8500, s16  }
0x7c: {  	[tilespmem:s29], [sflag:$0x1] =	stream.linear.gather [hbm4b:s30+s2], $0x400, $0x38;
	[tilespmem:$0x14400] =	vst v63  }
0x7d: {  	s31 =	rddreg [dreg:$0x13];
	s16 =	sadd.s32 $0x2DC780, s16;
	s17 =	spop (v2sf)  }
0x7e: {  	[tilespmem:s31], [sflag:$0x1] =	stream.linear.gather [hbm4b:s16+s2], $0x400, $0x38;
	[tilespmem:$0x14400] =	vst v63  }
0x7f: {  	s16 =	sand.u32 $0xFFFFF80, s17  }
0x80: {  	s18 =	rddreg [dreg:$0x14];
	(v2sf) =	vpush v33, $0x6;
	s16 =	sadd.s32 s1, s16  }
0x81: {  	[tilespmem:s18], [sflag:$0x1] =	stream.linear.gather [hbm4b:s16+s2], $0x400, $0x38;
	[tilespmem:$0x14400] =	vst v63  }
0x82: {  	s19 =	rddreg [dreg:$0x15];
	s20 =	sadd.s32 $0xF4280, s16  }
0x83: {  	[tilespmem:s19], [sflag:$0x1] =	stream.linear.gather [hbm4b:s20+s2], $0x400, $0x38;
	[tilespmem:$0x14400] =	vst v63  }
0x84: {  	s21 =	rddreg [dreg:$0x16];
	s22 =	sadd.s32 $0x1E8500, s16  }
0x85: {  	[tilespmem:s21], [sflag:$0x1] =	stream.linear.gather [hbm4b:s22+s2], $0x400, $0x38;
	[tilespmem:$0x14400] =	vst v63  }
0x86: {  	s23 =	rddreg [dreg:$0x17];
	s24 =	spop (v2sf);
	s16 =	sadd.s32 $0x2DC780, s16  }
0x87: {  	[tilespmem:s23], [sflag:$0x1] =	stream.linear.gather [hbm4b:s16+s2], $0x400, $0x38;
	[tilespmem:$0x14400] =	vst v63  }
0x88: {  	s16 =	sand.u32 $0xFFFFF80, s24  }
0x89: {  	s25 =	rddreg [dreg:$0x18];
	(v2sf) =	vpush v33, $0x7;
	s16 =	sadd.s32 s1, s16  }
0x8a: {  	[tilespmem:s25], [sflag:$0x1] =	stream.linear.gather [hbm4b:s16+s2], $0x400, $0x38;
	[tilespmem:$0x14400] =	vst v63  }
0x8b: {  	s26 =	rddreg [dreg:$0x19];
	s28 =	sadd.s32 $0xF4280, s16  }
0x8c: {  	[tilespmem:s26], [sflag:$0x1] =	stream.linear.gather [hbm4b:s28+s2], $0x400, $0x38;
	[tilespmem:$0x14400] =	vst v63  }
0x8d: {  	s29 =	rddreg [dreg:$0x1a];
	s30 =	sadd.s32 $0x1E8500, s16  }
0x8e: {  	[tilespmem:s29], [sflag:$0x1] =	stream.linear.gather [hbm4b:s30+s2], $0x400, $0x38;
	[tilespmem:$0x14400] =	vst v63  }
0x8f: {  	s31 =	rddreg [dreg:$0x1b];
	s16 =	sadd.s32 $0x2DC780, s16;
	s17 =	spop (v2sf)  }
0x90: {  	[tilespmem:s31], [sflag:$0x1] =	stream.linear.gather [hbm4b:s16+s2], $0x400, $0x38;
	[tilespmem:$0x14400] =	vst v63  }
0x91: {  	s18 =	rddreg [dreg:$0x1c];
	s16 =	sand.u32 $0xFFFFF80, s17  }
0x92: {  	s19 =	rddreg [dreg:$0x1d];
	(v2sf) =	vpush v33, $0x8;
	s16 =	sadd.s32 s1, s16  }
0x93: {  	[tilespmem:s18], [sflag:$0x1] =	stream.linear.gather [hbm4b:s16+s2], $0x400, $0x38;
	[tilespmem:$0x14400] =	vst v63  }
0x94: {  	s21 =	rddreg [dreg:$0x1e];
	s20 =	sadd.s32 $0xF4280, s16  }
0x95: {  	[tilespmem:s19], [sflag:$0x1] =	stream.linear.gather [hbm4b:s20+s2], $0x400, $0x38;
	[tilespmem:$0x14400] =	vst v63  }
0x96: {  	s23 =	rddreg [dreg:$0x1f];
	s22 =	sadd.s32 $0x1E8500, s16  }
0x97: {  	[tilespmem:s21], [sflag:$0x1] =	stream.linear.gather [hbm4b:s22+s2], $0x400, $0x38;
	[tilespmem:$0x14400] =	vst v63  }
0x98: {  	s25 =	sld [smem:$0x7DA];
	s24 =	spop (v2sf);
	s16 =	sadd.s32 $0x2DC780, s16  }
0x99: {  	[tilespmem:s23], [sflag:$0x1] =	stream.linear.gather [hbm4b:s16+s2], $0x400, $0x38;
	[tilespmem:$0x14400] =	vst v63  }
0x9a: {  	s16 =	sand.u32 $0xFFFFF80, s24  }
0x9b: {  	s26 =	sld [smem:$0x7DB];
	(v2sf) =	vpush v33, $0x9;
	s16 =	sadd.s32 s1, s16  }
0x9c: {  	[tilespmem:s25], [sflag:$0x1] =	stream.linear.gather [hbm4b:s16+s2], $0x400, $0x38;
	[tilespmem:$0x14400] =	vst v63  }
0x9d: {  	s29 =	sld [smem:$0x7DC];
	s28 =	sadd.s32 $0xF4280, s16  }
0x9e: {  	[tilespmem:s26], [sflag:$0x1] =	stream.linear.gather [hbm4b:s28+s2], $0x400, $0x38;
	[tilespmem:$0x14400] =	vst v63  }
0x9f: {  	s31 =	sld [smem:$0x7DD];
	s30 =	sadd.s32 $0x1E8500, s16  }
0xa0: {  	[tilespmem:s29], [sflag:$0x1] =	stream.linear.gather [hbm4b:s30+s2], $0x400, $0x38;
	[tilespmem:$0x14400] =	vst v63  }
0xa1: {  	s18 =	sld [smem:$0x7DE];
	s16 =	sadd.s32 $0x2DC780, s16;
	s17 =	spop (v2sf)  }
0xa2: {  	[tilespmem:s31], [sflag:$0x1] =	stream.linear.gather [hbm4b:s16+s2], $0x400, $0x38;
	[tilespmem:$0x14400] =	vst v63  }
0xa3: {  	s16 =	sand.u32 $0xFFFFF80, s17  }
0xa4: {  	s19 =	sld [smem:$0x7DF];
	(v2sf) =	vpush v33, $0xA;
	s16 =	sadd.s32 s1, s16  }
0xa5: {  	[tilespmem:s18], [sflag:$0x1] =	stream.linear.gather [hbm4b:s16+s2], $0x400, $0x38;
	[tilespmem:$0x14400] =	vst v63  }
0xa6: {  	s21 =	sld [smem:$0x7E0];
	s20 =	sadd.s32 $0xF4280, s16  }
0xa7: {  	[tilespmem:s19], [sflag:$0x1] =	stream.linear.gather [hbm4b:s20+s2], $0x400, $0x38;
	[tilespmem:$0x14400] =	vst v63  }
0xa8: {  	s23 =	sld [smem:$0x7E1];
	s22 =	sadd.s32 $0x1E8500, s16  }
0xa9: {  	[tilespmem:s21], [sflag:$0x1] =	stream.linear.gather [hbm4b:s22+s2], $0x400, $0x38;
	[tilespmem:$0x14400] =	vst v63  }
0xaa: {  	s25 =	sld [smem:$0x7E2];
	s24 =	spop (v2sf);
	s16 =	sadd.s32 $0x2DC780, s16  }
0xab: {  	[tilespmem:s23], [sflag:$0x1] =	stream.linear.gather [hbm4b:s16+s2], $0x400, $0x38;
	[tilespmem:$0x14400] =	vst v63  }
0xac: {  	s16 =	sand.u32 $0xFFFFF80, s24  }
0xad: {  	s26 =	sld [smem:$0x7E3];
	(v2sf) =	vpush v33, $0xB;
	s16 =	sadd.s32 s1, s16  }
0xae: {  	[tilespmem:s25], [sflag:$0x1] =	stream.linear.gather [hbm4b:s16+s2], $0x400, $0x38;
	[tilespmem:$0x14400] =	vst v63  }
0xaf: {  	s29 =	sld [smem:$0x7E4];
	s28 =	sadd.s32 $0xF4280, s16  }
0xb0: {  	[tilespmem:s26], [sflag:$0x1] =	stream.linear.gather [hbm4b:s28+s2], $0x400, $0x38;
	[tilespmem:$0x14400] =	vst v63  }
0xb1: {  	s31 =	sld [smem:$0x7E5];
	s30 =	sadd.s32 $0x1E8500, s16  }
0xb2: {  	[tilespmem:s29], [sflag:$0x1] =	stream.linear.gather [hbm4b:s30+s2], $0x400, $0x38;
	[tilespmem:$0x14400] =	vst v63  }
0xb3: {  	s18 =	sld [smem:$0x7E6];
	s16 =	sadd.s32 $0x2DC780, s16;
	s17 =	spop (v2sf)  }
0xb4: {  	[tilespmem:s31], [sflag:$0x1] =	stream.linear.gather [hbm4b:s16+s2], $0x400, $0x38;
	[tilespmem:$0x14400] =	vst v63  }
0xb5: {  	s16 =	sand.u32 $0xFFFFF80, s17  }
0xb6: {  	s19 =	sld [smem:$0x7E7];
	(v2sf) =	vpush v33, $0xC;
	s16 =	sadd.s32 s1, s16  }
0xb7: {  	[tilespmem:s18], [sflag:$0x1] =	stream.linear.gather [hbm4b:s16+s2], $0x400, $0x38;
	[tilespmem:$0x14400] =	vst v63  }
0xb8: {  	s21 =	sld [smem:$0x7E8];
	s20 =	sadd.s32 $0xF4280, s16  }
0xb9: {  	[tilespmem:s19], [sflag:$0x1] =	stream.linear.gather [hbm4b:s20+s2], $0x400, $0x38;
	[tilespmem:$0x14400] =	vst v63  }
0xba: {  	s23 =	sld [smem:$0x7E9];
	s22 =	sadd.s32 $0x1E8500, s16  }
0xbb: {  	[tilespmem:s21], [sflag:$0x1] =	stream.linear.gather [hbm4b:s22+s2], $0x400, $0x38;
	[tilespmem:$0x14400] =	vst v63  }
0xbc: {  	s25 =	sld [smem:$0x7EA];
	s24 =	spop (v2sf);
	s16 =	sadd.s32 $0x2DC780, s16  }
0xbd: {  	[tilespmem:s23], [sflag:$0x1] =	stream.linear.gather [hbm4b:s16+s2], $0x400, $0x38;
	[tilespmem:$0x14400] =	vst v63  }
0xbe: {  	s16 =	sand.u32 $0xFFFFF80, s24  }
0xbf: {  	(v2sf) =	vpush v33, $0xD;
	s26 =	sld [smem:$0x7EB];
	s16 =	sadd.s32 s1, s16  }
0xc0: {  	[tilespmem:s25], [sflag:$0x1] =	stream.linear.gather [hbm4b:s16+s2], $0x400, $0x38;
	[tilespmem:$0x14400] =	vst v63  }
0xc1: {  	s29 =	sld [smem:$0x7EC];
	s28 =	sadd.s32 $0xF4280, s16  }
0xc2: {  	[tilespmem:s26], [sflag:$0x1] =	stream.linear.gather [hbm4b:s28+s2], $0x400, $0x38;
	[tilespmem:$0x14400] =	vst v63  }
0xc3: {  	s31 =	sld [smem:$0x7ED];
	s30 =	sadd.s32 $0x1E8500, s16  }
0xc4: {  	[tilespmem:s29], [sflag:$0x1] =	stream.linear.gather [hbm4b:s30+s2], $0x400, $0x38;
	[tilespmem:$0x14400] =	vst v63  }
0xc5: {  	s18 =	sld [smem:$0x7EE];
	s17 =	spop (v2sf);
	s16 =	sadd.s32 $0x2DC780, s16  }
0xc6: {  	[tilespmem:s31], [sflag:$0x1] =	stream.linear.gather [hbm4b:s16+s2], $0x400, $0x38;
	[tilespmem:$0x14400] =	vst v63  }
0xc7: {  	s16 =	sand.u32 $0xFFFFF80, s17  }
0xc8: {  	s19 =	sld [smem:$0x7EF];
	(v2sf) =	vpush v33, $0xE;
	s16 =	sadd.s32 s1, s16  }
0xc9: {  	[tilespmem:s18], [sflag:$0x1] =	stream.linear.gather [hbm4b:s16+s2], $0x400, $0x38;
	[tilespmem:$0x14400] =	vst v63  }
0xca: {  	s21 =	sld [smem:$0x7F0];
	s20 =	sadd.s32 $0xF4280, s16  }
0xcb: {  	[tilespmem:s19], [sflag:$0x1] =	stream.linear.gather [hbm4b:s20+s2], $0x400, $0x38;
	[tilespmem:$0x14400] =	vst v63  }
0xcc: {  	s23 =	sld [smem:$0x7F1];
	s22 =	sadd.s32 $0x1E8500, s16  }
0xcd: {  	[tilespmem:s21], [sflag:$0x1] =	stream.linear.gather [hbm4b:s22+s2], $0x400, $0x38;
	[tilespmem:$0x14400] =	vst v63  }
0xce: {  	s24 =	spop (v2sf);
	s25 =	sld [smem:$0x7F2];
	s16 =	sadd.s32 $0x2DC780, s16  }
0xcf: {  	[tilespmem:s23], [sflag:$0x1] =	stream.linear.gather [hbm4b:s16+s2], $0x400, $0x38;
	[tilespmem:$0x14400] =	vst v63  }
0xd0: {  	s16 =	sand.u32 $0xFFFFF80, s24  }
0xd1: {  	(v2sf) =	vpush v33, $0xF;
	s26 =	sld [smem:$0x7F3];
	s16 =	sadd.s32 s1, s16  }
0xd2: {  	[tilespmem:s25], [sflag:$0x1] =	stream.linear.gather [hbm4b:s16+s2], $0x400, $0x38;
	[tilespmem:$0x14400] =	vst v63  }
0xd3: {  	s29 =	sld [smem:$0x7F4];
	s28 =	sadd.s32 $0xF4280, s16  }
0xd4: {  	[tilespmem:s26], [sflag:$0x1] =	stream.linear.gather [hbm4b:s28+s2], $0x400, $0x38;
	[tilespmem:$0x14400] =	vst v63  }
0xd5: {  	s31 =	sld [smem:$0x7F5];
	s30 =	sadd.s32 $0x1E8500, s16  }
0xd6: {  	[tilespmem:s29], [sflag:$0x1] =	stream.linear.gather [hbm4b:s30+s2], $0x400, $0x38;
	[tilespmem:$0x14400] =	vst v63  }
0xd7: {  	s18 =	sld [smem:$0x7F6];
	s17 =	spop (v2sf);
	s16 =	sadd.s32 $0x2DC780, s16  }
0xd8: {  	[tilespmem:s31], [sflag:$0x1] =	stream.linear.gather [hbm4b:s16+s2], $0x400, $0x38;
	[tilespmem:$0x14400] =	vst v63  }
0xd9: {  	s16 =	sand.u32 $0xFFFFF80, s17  }
0xda: {  	s19 =	sld [smem:$0x7F7];
	s16 =	sadd.s32 s1, s16  }
0xdb: {  	[tilespmem:s18], [sflag:$0x1] =	stream.linear.gather [hbm4b:s16+s2], $0x400, $0x38;
	[tilespmem:$0x14400] =	vst v63  }
0xdc: {  	s21 =	sld [smem:$0x7F8];
	s20 =	sadd.s32 $0xF4280, s16  }
0xdd: {  	[tilespmem:s19], [sflag:$0x1] =	stream.linear.gather [hbm4b:s20+s2], $0x400, $0x38;
	[tilespmem:$0x14400] =	vst v63  }
0xde: {  	s23 =	sld [smem:$0x7F9];
	s22 =	sadd.s32 $0x1E8500, s16  }
0xdf: {  	[tilespmem:s21], [sflag:$0x1] =	stream.linear.gather [hbm4b:s22+s2], $0x400, $0x38;
	[tilespmem:$0x14400] =	vst v63  }
0xe0: {  	s24 =	spop (v2sf);
	s25 =	sld [smem:$0x7FA];
	s16 =	sadd.s32 $0x2DC780, s16  }
0xe1: {  	[tilespmem:s23], [sflag:$0x1] =	stream.linear.gather [hbm4b:s16+s2], $0x400, $0x38;
	[tilespmem:$0x14400] =	vst v63  }
0xe2: {  	s16 =	sand.u32 $0xFFFFF80, s24  }
0xe3: {  	s26 =	sld [smem:$0x7FB];
	s16 =	sadd.s32 s1, s16  }
0xe4: {  	[tilespmem:s25], [sflag:$0x1] =	stream.linear.gather [hbm4b:s16+s2], $0x400, $0x38;
	[tilespmem:$0x14400] =	vst v63  }
0xe5: {  	s29 =	sld [smem:$0x7FC];
	s28 =	sadd.s32 $0xF4280, s16  }
0xe6: {  	[tilespmem:s26], [sflag:$0x1] =	stream.linear.gather [hbm4b:s28+s2], $0x400, $0x38;
	[tilespmem:$0x14400] =	vst v63  }
0xe7: {  	s31 =	sld [smem:$0x7FD];
	s30 =	sadd.s32 $0x1E8500, s16  }
0xe8: {  	[tilespmem:s29], [sflag:$0x1] =	stream.linear.gather [hbm4b:s30+s2], $0x400, $0x38;
	[tilespmem:$0x14400] =	vst v63  }
0xe9: {  	s16 =	sadd.s32 $0x2DC780, s16  }
0xea: {  	[tilespmem:s31], [sflag:$0x1] =	stream.linear.gather [hbm4b:s16+s2], $0x400, $0x38;
	[tilespmem:$0x14400] =	vst v63  }
0xeb: {  	_ =	swait.ge [sflag:s10], $0x400  }
0xec: {  	[sflag:s10] =	ssyncset.done $0x0  }
0xed: {  	[sflag:s10] =	ssyncadd.s32 $0xFFFFFC00  }
0xee: {  	_ =	swait.ge [sflag:s10], $0x400  }
0xef: {  	[sflag:s10] =	ssyncset.done $0x0  }
0xf0: {  	[sflag:s10] =	ssyncadd.s32 $0xFFFFFC00  }
0xf1: {  	_ =	swait.ge [sflag:s10], $0x400  }
0xf2: {  	[sflag:s10] =	ssyncset.done $0x0  }
0xf3: {  	[sflag:s10] =	ssyncadd.s32 $0xFFFFFC00  }
0xf4: {  	_ =	swait.ge [sflag:s10], $0x400  }
0xf5: {  	[sflag:s10] =	ssyncset.done $0x0  }
0xf6: {  	[sflag:s10] =	ssyncadd.s32 $0xFFFFFC00  }
0xf7: {  	_ =	swait.ge [sflag:s10], $0x400  }
0xf8: {  	[sflag:s10] =	ssyncset.done $0x0  }
0xf9: {  	[sflag:s10] =	ssyncadd.s32 $0xFFFFFC00  }
0xfa: {  	_ =	swait.ge [sflag:s10], $0x400  }
0xfb: {  	[sflag:s10] =	ssyncset.done $0x0  }
0xfc: {  	[sflag:s10] =	ssyncadd.s32 $0xFFFFFC00  }
0xfd: {  	_ =	swait.ge [sflag:s10], $0x400  }
0xfe: {  	[sflag:s10] =	ssyncset.done $0x0  }
0xff: {  	[sflag:s10] =	ssyncadd.s32 $0xFFFFFC00  }
0x100: {  	_ =	swait.ge [sflag:s10], $0x400  }
0x101: {  	[sflag:s10] =	ssyncset.done $0x0  }
0x102: {  	[sflag:s10] =	ssyncadd.s32 $0xFFFFFC00  }
0x103: {  	_ =	swait.ge [sflag:s10], $0x400  }
0x104: {  	[sflag:s10] =	ssyncset.done $0x0  }
0x105: {  	[sflag:s10] =	ssyncadd.s32 $0xFFFFFC00  }
0x106: {  	_ =	swait.ge [sflag:s10], $0x400  }
0x107: {  	[sflag:s10] =	ssyncset.done $0x0  }
0x108: {  	[sflag:s10] =	ssyncadd.s32 $0xFFFFFC00  }
0x109: {  	_ =	swait.ge [sflag:s10], $0x400  }
0x10a: {  	[sflag:s10] =	ssyncset.done $0x0  }
0x10b: {  	[sflag:s10] =	ssyncadd.s32 $0xFFFFFC00  }
0x10c: {  	_ =	swait.ge [sflag:s10], $0x400  }
0x10d: {  	[sflag:s10] =	ssyncset.done $0x0  }
0x10e: {  	[sflag:s10] =	ssyncadd.s32 $0xFFFFFC00  }
0x10f: {  	_ =	swait.ge [sflag:s10], $0x400  }
0x110: {  	[sflag:s10] =	ssyncset.done $0x0  }
0x111: {  	[sflag:s10] =	ssyncadd.s32 $0xFFFFFC00  }
0x112: {  	_ =	swait.ge [sflag:s10], $0x400  }
0x113: {  	[sflag:s10] =	ssyncset.done $0x0  }
0x114: {  	[sflag:s10] =	ssyncadd.s32 $0xFFFFFC00  }
0x115: {  	_ =	swait.ge [sflag:s10], $0x400  }
0x116: {  	[sflag:s10] =	ssyncset.done $0x0  }
0x117: {  	[sflag:s10] =	ssyncadd.s32 $0xFFFFFC00  }
0x118: {  	_ =	swait.ge [sflag:s10], $0x400  }
0x119: {  	[sflag:s10] =	ssyncset.done $0x0  }
0x11a: {  	[sflag:s10] =	ssyncadd.s32 $0xFFFFFC00  }
0x11b: {  	_ =	swait.ge [sflag:s10], $0x400  }
0x11c: {  	[sflag:s10] =	ssyncset.done $0x0  }
0x11d: {  	[sflag:s10] =	ssyncadd.s32 $0xFFFFFC00  }
0x11e: {  	_ =	swait.ge [sflag:s10], $0x400  }
0x11f: {  	[sflag:s10] =	ssyncset.done $0x0  }
0x120: {  	[sflag:s10] =	ssyncadd.s32 $0xFFFFFC00  }
0x121: {  	_ =	swait.ge [sflag:s10], $0x400  }
0x122: {  	[sflag:s10] =	ssyncset.done $0x0  }
0x123: {  	[sflag:s10] =	ssyncadd.s32 $0xFFFFFC00  }
0x124: {  	_ =	swait.ge [sflag:s10], $0x400  }
0x125: {  	[sflag:s10] =	ssyncset.done $0x0  }
0x126: {  	[sflag:s10] =	ssyncadd.s32 $0xFFFFFC00  }
0x127: {  	_ =	swait.ge [sflag:s10], $0x400  }
0x128: {  	[sflag:s10] =	ssyncset.done $0x0  }
0x129: {  	[sflag:s10] =	ssyncadd.s32 $0xFFFFFC00  }
0x12a: {  	_ =	swait.ge [sflag:s10], $0x400  }
0x12b: {  	[sflag:s10] =	ssyncset.done $0x0  }
0x12c: {  	[sflag:s10] =	ssyncadd.s32 $0xFFFFFC00  }
0x12d: {  	_ =	swait.ge [sflag:s10], $0x400  }
0x12e: {  	[sflag:s10] =	ssyncset.done $0x0  }
0x12f: {  	[sflag:s10] =	ssyncadd.s32 $0xFFFFFC00  }
0x130: {  	_ =	swait.ge [sflag:s10], $0x400  }
0x131: {  	[sflag:s10] =	ssyncset.done $0x0  }
0x132: {  	[sflag:s10] =	ssyncadd.s32 $0xFFFFFC00  }
0x133: {  	_ =	swait.ge [sflag:s10], $0x400  }
0x134: {  	[sflag:s10] =	ssyncset.done $0x0  }
0x135: {  	[sflag:s10] =	ssyncadd.s32 $0xFFFFFC00  }
0x136: {  	_ =	swait.ge [sflag:s10], $0x400  }
0x137: {  	[sflag:s10] =	ssyncset.done $0x0  }
0x138: {  	[sflag:s10] =	ssyncadd.s32 $0xFFFFFC00  }
0x139: {  	_ =	swait.ge [sflag:s10], $0x400  }
0x13a: {  	[sflag:s10] =	ssyncset.done $0x0  }
0x13b: {  	[sflag:s10] =	ssyncadd.s32 $0xFFFFFC00  }
0x13c: {  	_ =	swait.ge [sflag:s10], $0x400  }
0x13d: {  	[sflag:s10] =	ssyncset.done $0x0  }
0x13e: {  	[sflag:s10] =	ssyncadd.s32 $0xFFFFFC00  }
0x13f: {  	_ =	swait.ge [sflag:s10], $0x400  }
0x140: {  	[sflag:s10] =	ssyncset.done $0x0  }
0x141: {  	[sflag:s10] =	ssyncadd.s32 $0xFFFFFC00  }
0x142: {  	_ =	swait.ge [sflag:s10], $0x400  }
0x143: {  	[sflag:s10] =	ssyncset.done $0x0  }
0x144: {  	[sflag:s10] =	ssyncadd.s32 $0xFFFFFC00  }
0x145: {  	_ =	swait.ge [sflag:s10], $0x400  }
0x146: {  	[sflag:s10] =	ssyncset.done $0x0  }
0x147: {  	[sflag:s10] =	ssyncadd.s32 $0xFFFFFC00  }
0x148: {  	_ =	swait.ge [sflag:s10], $0x400  }
0x149: {  	[sflag:s10] =	ssyncset.done $0x0  }
0x14a: {  	[sflag:s10] =	ssyncadd.s32 $0xFFFFFC00  }
0x14b: {  	_ =	swait.ge [sflag:s10], $0x400  }
0x14c: {  	[sflag:s10] =	ssyncset.done $0x0  }
0x14d: {  	[sflag:s10] =	ssyncadd.s32 $0xFFFFFC00  }
0x14e: {  	_ =	swait.ge [sflag:s10], $0x400  }
0x14f: {  	[sflag:s10] =	ssyncset.done $0x0  }
0x150: {  	[sflag:s10] =	ssyncadd.s32 $0xFFFFFC00  }
0x151: {  	_ =	swait.ge [sflag:s10], $0x400  }
0x152: {  	[sflag:s10] =	ssyncset.done $0x0  }
0x153: {  	[sflag:s10] =	ssyncadd.s32 $0xFFFFFC00  }
0x154: {  	_ =	swait.ge [sflag:s10], $0x400  }
0x155: {  	[sflag:s10] =	ssyncset.done $0x0  }
0x156: {  	[sflag:s10] =	ssyncadd.s32 $0xFFFFFC00  }
0x157: {  	_ =	swait.ge [sflag:s10], $0x400  }
0x158: {  	[sflag:s10] =	ssyncset.done $0x0  }
0x159: {  	[sflag:s10] =	ssyncadd.s32 $0xFFFFFC00  }
0x15a: {  	_ =	swait.ge [sflag:s10], $0x400  }
0x15b: {  	[sflag:s10] =	ssyncset.done $0x0  }
0x15c: {  	[sflag:s10] =	ssyncadd.s32 $0xFFFFFC00  }
0x15d: {  	_ =	swait.ge [sflag:s10], $0x400  }
0x15e: {  	[sflag:s10] =	ssyncset.done $0x0  }
0x15f: {  	[sflag:s10] =	ssyncadd.s32 $0xFFFFFC00  }
0x160: {  	_ =	swait.ge [sflag:s10], $0x400  }
0x161: {  	[sflag:s10] =	ssyncset.done $0x0  }
0x162: {  	[sflag:s10] =	ssyncadd.s32 $0xFFFFFC00  }
0x163: {  	_ =	swait.ge [sflag:s10], $0x400  }
0x164: {  	[sflag:s10] =	ssyncset.done $0x0  }
0x165: {  	[sflag:s10] =	ssyncadd.s32 $0xFFFFFC00  }
0x166: {  	_ =	swait.ge [sflag:s10], $0x400  }
0x167: {  	[sflag:s10] =	ssyncset.done $0x0  }
0x168: {  	[sflag:s10] =	ssyncadd.s32 $0xFFFFFC00  }
0x169: {  	_ =	swait.ge [sflag:s10], $0x400  }
0x16a: {  	[sflag:s10] =	ssyncset.done $0x0  }
0x16b: {  	[sflag:s10] =	ssyncadd.s32 $0xFFFFFC00  }
0x16c: {  	_ =	swait.ge [sflag:s10], $0x400  }
0x16d: {  	[sflag:s10] =	ssyncset.done $0x0  }
0x16e: {  	[sflag:s10] =	ssyncadd.s32 $0xFFFFFC00  }
0x16f: {  	_ =	swait.ge [sflag:s10], $0x400  }
0x170: {  	[sflag:s10] =	ssyncset.done $0x0  }
0x171: {  	[sflag:s10] =	ssyncadd.s32 $0xFFFFFC00  }
0x172: {  	_ =	swait.ge [sflag:s10], $0x400  }
0x173: {  	[sflag:s10] =	ssyncset.done $0x0  }
0x174: {  	[sflag:s10] =	ssyncadd.s32 $0xFFFFFC00  }
0x175: {  	_ =	swait.ge [sflag:s10], $0x400  }
0x176: {  	[sflag:s10] =	ssyncset.done $0x0  }
0x177: {  	[sflag:s10] =	ssyncadd.s32 $0xFFFFFC00  }
0x178: {  	_ =	swait.ge [sflag:s10], $0x400  }
0x179: {  	[sflag:s10] =	ssyncset.done $0x0  }
0x17a: {  	[sflag:s10] =	ssyncadd.s32 $0xFFFFFC00  }
0x17b: {  	_ =	swait.ge [sflag:s10], $0x400  }
0x17c: {  	[sflag:s10] =	ssyncset.done $0x0  }
0x17d: {  	[sflag:s10] =	ssyncadd.s32 $0xFFFFFC00  }
0x17e: {  	_ =	swait.ge [sflag:s10], $0x400  }
0x17f: {  	[sflag:s10] =	ssyncset.done $0x0  }
0x180: {  	[sflag:s10] =	ssyncadd.s32 $0xFFFFFC00  }
0x181: {  	_ =	swait.ge [sflag:s10], $0x400  }
0x182: {  	[sflag:s10] =	ssyncset.done $0x0  }
0x183: {  	[sflag:s10] =	ssyncadd.s32 $0xFFFFFC00  }
0x184: {  	_ =	swait.ge [sflag:s10], $0x400  }
0x185: {  	[sflag:s10] =	ssyncset.done $0x0  }
0x186: {  	[sflag:s10] =	ssyncadd.s32 $0xFFFFFC00  }
0x187: {  	_ =	swait.ge [sflag:s10], $0x400  }
0x188: {  	[sflag:s10] =	ssyncset.done $0x0  }
0x189: {  	[sflag:s10] =	ssyncadd.s32 $0xFFFFFC00  }
0x18a: {  	_ =	swait.ge [sflag:s10], $0x400  }
0x18b: {  	[sflag:s10] =	ssyncset.done $0x0  }
0x18c: {  	[sflag:s10] =	ssyncadd.s32 $0xFFFFFC00  }
0x18d: {  	_ =	swait.ge [sflag:s10], $0x400  }
0x18e: {  	[sflag:s10] =	ssyncset.done $0x0  }
0x18f: {  	[sflag:s10] =	ssyncadd.s32 $0xFFFFFC00  }
0x190: {  	_ =	swait.ge [sflag:s10], $0x400  }
0x191: {  	[sflag:s10] =	ssyncset.done $0x0  }
0x192: {  	[sflag:s10] =	ssyncadd.s32 $0xFFFFFC00  }
0x193: {  	_ =	swait.ge [sflag:s10], $0x400  }
0x194: {  	[sflag:s10] =	ssyncset.done $0x0  }
0x195: {  	[sflag:s10] =	ssyncadd.s32 $0xFFFFFC00  }
0x196: {  	_ =	swait.ge [sflag:s10], $0x400  }
0x197: {  	[sflag:s10] =	ssyncset.done $0x0  }
0x198: {  	[sflag:s10] =	ssyncadd.s32 $0xFFFFFC00  }
0x199: {  	_ =	swait.ge [sflag:s10], $0x400  }
0x19a: {  	[sflag:s10] =	ssyncset.done $0x0  }
0x19b: {  	[sflag:s10] =	ssyncadd.s32 $0xFFFFFC00  }
0x19c: {  	_ =	swait.ge [sflag:s10], $0x400  }
0x19d: {  	[sflag:s10] =	ssyncset.done $0x0  }
0x19e: {  	[sflag:s10] =	ssyncadd.s32 $0xFFFFFC00  }
0x19f: {  	_ =	swait.ge [sflag:s10], $0x400  }
0x1a0: {  	[sflag:s10] =	ssyncset.done $0x0  }
0x1a1: {  	[sflag:s10] =	ssyncadd.s32 $0xFFFFFC00  }
0x1a2: {  	_ =	swait.ge [sflag:s10], $0x400  }
0x1a3: {  	[sflag:s10] =	ssyncset.done $0x0  }
0x1a4: {  	[sflag:s10] =	ssyncadd.s32 $0xFFFFFC00  }
0x1a5: {  	_ =	swait.ge [sflag:s10], $0x400  }
0x1a6: {  	[sflag:s10] =	ssyncset.done $0x0  }
0x1a7: {  	[sflag:s10] =	ssyncadd.s32 $0xFFFFFC00  }
0x1a8: {  	_ =	swait.ge [sflag:s10], $0x400  }
0x1a9: {  	[sflag:s10] =	ssyncset.done $0x0  }
0x1aa: {  	[sflag:s10] =	ssyncadd.s32 $0xFFFFFC00  }
0x1ab: {  	v52 =	vld [tilespmem:s13+$0x0];
	_ =	sdelay $0x4  }
0x1ac: {  	v33 =	vand.u32 $0x7F, v52  }
0x1ad: {  	v34 =	vor.u32 v0, v33;
	_ =	sdelay $0x2  }
0x1ae: {  	v35 =	vmov s15  }
0x1af: {  	v35 =	vshll.u32 v35, $0x5  }
0x1b0: {  	v35 =	vor.u32 v1, v35;
	v34 =	vld.idx.msk [tilespmem:v34+s9+$0x0], $0xffff  }
0x1b1: {  	v36 =	vor.u32 v2, v33;
	_ =	sdelay $0x3  }
0x1b2: {  	[tilespmem:v35+s11+$0x0] =	vst.idx.msk $0xffff, v34  }
0x1b3: {  	v53 =	vor.u32 $0x1, v35;
	v34 =	vld.idx.msk [tilespmem:v36+s9+$0x0], $0xffff  }
0x1b4: {  	v37 =	vor.u32 v3, v33;
	_ =	sdelay $0x3  }
0x1b5: {  	[tilespmem:v53+s11+$0x0] =	vst.idx.msk $0xffff, v34  }
0x1b6: {  	v54 =	vor.u32 $0x2, v35;
	v34 =	vld.idx.msk [tilespmem:v37+s9+$0x0], $0xffff  }
0x1b7: {  	v55 =	vor.u32 v4, v33;
	_ =	sdelay $0x3  }
0x1b8: {  	[tilespmem:v54+s11+$0x0] =	vst.idx.msk $0xffff, v34  }
0x1b9: {  	v56 =	vor.u32 $0x3, v35;
	v34 =	vld.idx.msk [tilespmem:v55+s9+$0x0], $0xffff  }
0x1ba: {  	v57 =	vor.u32 v5, v33;
	_ =	sdelay $0x3  }
0x1bb: {  	[tilespmem:v56+s11+$0x0] =	vst.idx.msk $0xffff, v34  }
0x1bc: {  	v58 =	vor.u32 $0x4, v35;
	v34 =	vld.idx.msk [tilespmem:v57+s9+$0x0], $0xffff  }
0x1bd: {  	v59 =	vor.u32 v6, v33;
	_ =	sdelay $0x3  }
0x1be: {  	[tilespmem:v58+s11+$0x0] =	vst.idx.msk $0xffff, v34  }
0x1bf: {  	v60 =	vor.u32 $0x5, v35;
	v34 =	vld.idx.msk [tilespmem:v59+s9+$0x0], $0xffff  }
0x1c0: {  	v61 =	vor.u32 v7, v33;
	_ =	sdelay $0x3  }
0x1c1: {  	[tilespmem:v60+s11+$0x0] =	vst.idx.msk $0xffff, v34  }
0x1c2: {  	v62 =	vor.u32 $0x6, v35;
	v34 =	vld.idx.msk [tilespmem:v61+s9+$0x0], $0xffff  }
0x1c3: {  	v63 =	vor.u32 v8, v33;
	_ =	sdelay $0x3  }
0x1c4: {  	[tilespmem:v62+s11+$0x0] =	vst.idx.msk $0xffff, v34  }
0x1c5: {  	v40 =	vor.u32 $0x7, v35;
	v34 =	vld.idx.msk [tilespmem:v63+s9+$0x0], $0xffff  }
0x1c6: {  	v41 =	vor.u32 v9, v33;
	_ =	sdelay $0x3  }
0x1c7: {  	[tilespmem:v40+s11+$0x0] =	vst.idx.msk $0xffff, v34  }
0x1c8: {  	v42 =	vor.u32 $0x8, v35;
	v34 =	vld.idx.msk [tilespmem:v41+s9+$0x0], $0xffff  }
0x1c9: {  	v43 =	vor.u32 v10, v33;
	_ =	sdelay $0x3  }
0x1ca: {  	[tilespmem:v42+s11+$0x0] =	vst.idx.msk $0xffff, v34  }
0x1cb: {  	v44 =	vor.u32 $0x9, v35;
	v34 =	vld.idx.msk [tilespmem:v43+s9+$0x0], $0xffff  }
0x1cc: {  	v45 =	vor.u32 v11, v33;
	_ =	sdelay $0x3  }
0x1cd: {  	[tilespmem:v44+s11+$0x0] =	vst.idx.msk $0xffff, v34  }
0x1ce: {  	v46 =	vor.u32 $0xA, v35;
	v34 =	vld.idx.msk [tilespmem:v45+s9+$0x0], $0xffff  }
0x1cf: {  	v47 =	vor.u32 v12, v33;
	_ =	sdelay $0x3  }
0x1d0: {  	[tilespmem:v46+s11+$0x0] =	vst.idx.msk $0xffff, v34  }
0x1d1: {  	v48 =	vor.u32 $0xB, v35;
	v34 =	vld.idx.msk [tilespmem:v47+s9+$0x0], $0xffff  }
0x1d2: {  	v49 =	vor.u32 v13, v33;
	_ =	sdelay $0x3  }
0x1d3: {  	[tilespmem:v48+s11+$0x0] =	vst.idx.msk $0xffff, v34  }
0x1d4: {  	v50 =	vor.u32 $0xC, v35;
	v34 =	vld.idx.msk [tilespmem:v49+s9+$0x0], $0xffff  }
0x1d5: {  	v51 =	vor.u32 v14, v33;
	_ =	sdelay $0x3  }
0x1d6: {  	[tilespmem:v50+s11+$0x0] =	vst.idx.msk $0xffff, v34  }
0x1d7: {  	v52 =	vor.u32 $0xD, v35;
	v34 =	vld.idx.msk [tilespmem:v51+s9+$0x0], $0xffff  }
0x1d8: {  	v53 =	vor.u32 v15, v33;
	_ =	sdelay $0x3  }
0x1d9: {  	[tilespmem:v52+s11+$0x0] =	vst.idx.msk $0xffff, v34  }
0x1da: {  	v54 =	vor.u32 $0xE, v35;
	v34 =	vld.idx.msk [tilespmem:v53+s9+$0x0], $0xffff  }
0x1db: {  	v55 =	vor.u32 v16, v33;
	_ =	sdelay $0x3  }
0x1dc: {  	[tilespmem:v54+s11+$0x0] =	vst.idx.msk $0xffff, v34  }
0x1dd: {  	v56 =	vor.u32 $0xF, v35;
	v34 =	vld.idx.msk [tilespmem:v55+s9+$0x0], $0xffff  }
0x1de: {  	v57 =	vor.u32 v17, v33;
	_ =	sdelay $0x3  }
0x1df: {  	[tilespmem:v56+s11+$0x0] =	vst.idx.msk $0xffff, v34  }
0x1e0: {  	v58 =	vor.u32 $0x10, v35;
	v34 =	vld.idx.msk [tilespmem:v57+s9+$0x0], $0xffff  }
0x1e1: {  	v59 =	vor.u32 v18, v33;
	_ =	sdelay $0x3  }
0x1e2: {  	[tilespmem:v58+s11+$0x0] =	vst.idx.msk $0xffff, v34  }
0x1e3: {  	v60 =	vor.u32 $0x11, v35;
	v34 =	vld.idx.msk [tilespmem:v59+s9+$0x0], $0xffff  }
0x1e4: {  	v61 =	vor.u32 v19, v33;
	_ =	sdelay $0x3  }
0x1e5: {  	[tilespmem:v60+s11+$0x0] =	vst.idx.msk $0xffff, v34  }
0x1e6: {  	v62 =	vor.u32 $0x12, v35;
	v34 =	vld.idx.msk [tilespmem:v61+s9+$0x0], $0xffff  }
0x1e7: {  	v63 =	vor.u32 v20, v33;
	_ =	sdelay $0x3  }
0x1e8: {  	[tilespmem:v62+s11+$0x0] =	vst.idx.msk $0xffff, v34  }
0x1e9: {  	v40 =	vor.u32 $0x13, v35;
	v34 =	vld.idx.msk [tilespmem:v63+s9+$0x0], $0xffff  }
0x1ea: {  	v41 =	vor.u32 v21, v33;
	_ =	sdelay $0x3  }
0x1eb: {  	[tilespmem:v40+s11+$0x0] =	vst.idx.msk $0xffff, v34  }
0x1ec: {  	v42 =	vor.u32 $0x14, v35;
	v34 =	vld.idx.msk [tilespmem:v41+s9+$0x0], $0xffff  }
0x1ed: {  	v43 =	vor.u32 v22, v33;
	_ =	sdelay $0x3  }
0x1ee: {  	[tilespmem:v42+s11+$0x0] =	vst.idx.msk $0xffff, v34  }
0x1ef: {  	v44 =	vor.u32 $0x15, v35;
	v34 =	vld.idx.msk [tilespmem:v43+s9+$0x0], $0xffff  }
0x1f0: {  	v45 =	vor.u32 v23, v33;
	_ =	sdelay $0x3  }
0x1f1: {  	[tilespmem:v44+s11+$0x0] =	vst.idx.msk $0xffff, v34  }
0x1f2: {  	v46 =	vor.u32 $0x16, v35;
	v34 =	vld.idx.msk [tilespmem:v45+s9+$0x0], $0xffff  }
0x1f3: {  	v47 =	vor.u32 v24, v33;
	_ =	sdelay $0x3  }
0x1f4: {  	[tilespmem:v46+s11+$0x0] =	vst.idx.msk $0xffff, v34  }
0x1f5: {  	v48 =	vor.u32 $0x17, v35;
	v34 =	vld.idx.msk [tilespmem:v47+s9+$0x0], $0xffff  }
0x1f6: {  	v49 =	vor.u32 v25, v33;
	_ =	sdelay $0x3  }
0x1f7: {  	[tilespmem:v48+s11+$0x0] =	vst.idx.msk $0xffff, v34  }
0x1f8: {  	v50 =	vor.u32 $0x18, v35;
	v34 =	vld.idx.msk [tilespmem:v49+s9+$0x0], $0xffff  }
0x1f9: {  	v51 =	vor.u32 v26, v33;
	_ =	sdelay $0x3  }
0x1fa: {  	[tilespmem:v50+s11+$0x0] =	vst.idx.msk $0xffff, v34  }
0x1fb: {  	v52 =	vor.u32 $0x19, v35;
	v34 =	vld.idx.msk [tilespmem:v51+s9+$0x0], $0xffff  }
0x1fc: {  	v53 =	vor.u32 v27, v33;
	_ =	sdelay $0x3  }
0x1fd: {  	[tilespmem:v52+s11+$0x0] =	vst.idx.msk $0xffff, v34  }
0x1fe: {  	v54 =	vor.u32 $0x1A, v35;
	v34 =	vld.idx.msk [tilespmem:v53+s9+$0x0], $0xffff  }
0x1ff: {  	v55 =	vor.u32 v28, v33;
	_ =	sdelay $0x3  }
0x200: {  	[tilespmem:v54+s11+$0x0] =	vst.idx.msk $0xffff, v34  }
0x201: {  	v56 =	vor.u32 $0x1B, v35;
	v34 =	vld.idx.msk [tilespmem:v55+s9+$0x0], $0xffff  }
0x202: {  	v57 =	vor.u32 v29, v33;
	_ =	sdelay $0x3  }
0x203: {  	[tilespmem:v56+s11+$0x0] =	vst.idx.msk $0xffff, v34  }
0x204: {  	v58 =	vor.u32 $0x1C, v35;
	v34 =	vld.idx.msk [tilespmem:v57+s9+$0x0], $0xffff  }
0x205: {  	v59 =	vor.u32 v30, v33;
	_ =	sdelay $0x3  }
0x206: {  	[tilespmem:v58+s11+$0x0] =	vst.idx.msk $0xffff, v34  }
0x207: {  	v60 =	vor.u32 $0x1D, v35;
	v34 =	vld.idx.msk [tilespmem:v59+s9+$0x0], $0xffff  }
0x208: {  	v61 =	vor.u32 v31, v33;
	_ =	sdelay $0x3  }
0x209: {  	[tilespmem:v60+s11+$0x0] =	vst.idx.msk $0xffff, v34  }
0x20a: {  	v62 =	vor.u32 $0x1E, v35;
	v34 =	vld.idx.msk [tilespmem:v61+s9+$0x0], $0xffff  }
0x20b: {  	v33 =	vor.u32 v32, v33;
	_ =	sdelay $0x3  }
0x20c: {  	[tilespmem:v62+s11+$0x0] =	vst.idx.msk $0xffff, v34  }
0x20d: {  	p0 =	sne.s32 s15, $0x1F0;
	v63 =	vor.u32 $0x1F, v35;
	v33 =	vld.idx.msk [tilespmem:v33+s9+$0x0], $0xffff  }
.Ltmp1:
0x20e: {  	_ = 	snop;
	(pc) =	sbr.rel @p0 .LBB2_4-.Ltmp1, $2  }
0x20f: {  	_ =	sdelay $0x2  }
0x210: {  	s14 =	sadd.s32 $0x10, s14;
	s15 =	sadd.s32 $0x10, s15;
	s13 =	sadd.s32 $0x10, s13;
	[tilespmem:v63+s11+$0x0] =	vst.idx.msk $0xffff, v33  }
0x211: {  	[hbm4b:s5+s2] =	stream.linear.scatter [tilespmem:s11], [sflag:$0x2], $0x4000, $0x38;
	[tilespmem:$0x14400] =	vst v63  }
0x212: {  	s12 =	sadd.s32 $0x1, s12;
	_ =	swait.ge [sflag:s8], $0x4000  }
0x213: {  	p0 =	sne.s32 s12, s7;
	[sflag:s8] =	ssyncset.done $0x0  }
.Ltmp2:
0x214: {  	[sflag:s8] =	ssyncadd.s32 $0xFFFFC000;
	(pc) =	sbr.rel @p0 .LBB2_1-.Ltmp2, $4  }
0x215: {  	[hbm4b:s6+s2] =	stream.linear.scatter [tilespmem:s11], [sflag:$0x2], $0x4000, $0x38;
	[tilespmem:$0x14400] =	vst v63  }
0x216: {  	_ =	swait.ge [sflag:s8], $0x4000  }
0x217: {  	[sflag:s8] =	ssyncset.done $0x0  }
0x218: {  	[sflag:s8] =	ssyncadd.s32 $0xFFFFC000  }
0x219: {  	_ =	sfence.sel $0x180000  }
0x21a: {  	[bflag:$0x0] =	sbarrier.arrive $0xFFFF  }
0x21b: {  	p0 =	sne.s32 s3, $0x0;
	_ =	strace $0x90000047  }
0x21c: {  	s0 =	sadd.s32 @!p0 $0x100000, s0;
	[bflag:$0x2] =	sbarrier.arrive $0xFFFF  }
0x21d: {  	[sflag:s0] =	ssyncadd.tile.s32 @!p0 $0x1;
	_ =	shalt  }
.Lfunc_end2:
_tile_overlayer_lowered:
.L_overlay_start_2:
0x21e: {  	(tag) =	ssettag $0x2  }
0x21f: {  	s0 =	rddreg [dreg:$0x0];
	s2 =	stileid.u32  }
0x220: {  	s1 =	rddreg [dreg:$0x1];
	p0 =	sne.s32 s2, $0x0  }
0x221: {  	s3 =	rddreg [dreg:$0x2];
	[bflag:$0x3] =	sbarrier.arrive $0xFFFF;
	s2 =	simm.s32 @!p0 $0x1C02  }
0x222: {  	[timem:s3], [sflag:s2] =	dma.local @!p0 [hbm:s0], s1  }
0x223: {  	s0 =	simm.s32 @!p0 $0x2  }
0x224: {  	_ =	swait.ge @!p0 [sflag:s0], s1  }
0x225: {  	s1 =	ssub.s32 @!p0 $0x0, s1;
	[sflag:s0] =	ssyncset.done @!p0 $0x0  }
0x226: {  	[sflag:s0] =	ssyncadd.s32 @!p0 s1  }
0x227: {  	[bflag:$0x3] =	sbarrier.arrive $0xFFFF  }
0x228: {  	_ =	shalt  }

</sc_bundles>
